<compile_context>
chip_gen: v7x
topology: tpu7x:2x2x1
jax: 0.10.2.dev20260603
libtpu: 0.0.44.dev20260713+nightly
codegen_flags: <defaults>
</compile_context>

<pallas_src>
import functools

import jax
import jax.numpy as jnp
from jax import lax
from jax.experimental import pallas as pl
from jax.experimental.pallas import tpu as pltpu
from jax.experimental.pallas import tpu_sc as plsc

N_TOKENS = 16384
EMBED = 2048
N_EXPERTS = 64
TOP_K = 8
BLK = 2048
NBLK = N_TOKENS // BLK

NW = 32
TPW = N_TOKENS // NW
NGRP = TPW // 16


def _logits_kernel(x_ref, w_ref, b_ref, lg_ref):
    lt = jax.lax.dot_general(
        w_ref[...], x_ref[...], (((1,), (1,)), ((), ())),
        preferred_element_type=jnp.float32,
        precision=jax.lax.Precision.DEFAULT,
    ) + b_ref[...]
    lg_ref[...] = lt.T


def _tc_logits(inputs, W, b2):
    return pl.pallas_call(
        _logits_kernel,
        grid=(NBLK,),
        in_specs=[
            pl.BlockSpec((BLK, EMBED), lambda i: (i, 0)),
            pl.BlockSpec((N_EXPERTS, EMBED), lambda i: (0, 0)),
            pl.BlockSpec((N_EXPERTS, 1), lambda i: (0, 0)),
        ],
        out_specs=pl.BlockSpec((BLK, N_EXPERTS), lambda i: (i, 0)),
        out_shape=jax.ShapeDtypeStruct((N_TOKENS, N_EXPERTS), jnp.float32),
    )(inputs, W, b2)


def _sc_topk_kernel(lg_hbm, probs_hbm, idx_hbm, lg_v, probs_v, idx_v):
    wid = lax.axis_index("c") * 16 + lax.axis_index("s")
    base = wid * TPW
    pltpu.sync_copy(lg_hbm.at[pl.ds(base * N_EXPERTS, TPW * N_EXPERTS)], lg_v)

    lanes = lax.iota(jnp.int32, 16)
    zeros = jnp.zeros((16,), jnp.float32)

    def zero_body(k, _):
        probs_v[pl.ds(k * 16, 16)] = zeros
        return 0

    lax.fori_loop(0, TPW * N_EXPERTS // 16, zero_body, 0)

    def group_body(g, _):
        tok = g * 16 + lanes
        neg = jnp.full((16,), -jnp.inf, jnp.float32)
        val = [neg] * TOP_K
        idx = [jnp.zeros((16,), jnp.int32)] * TOP_K
        tok64 = tok * N_EXPERTS
        for e in range(N_EXPERTS):
            v = plsc.load_gather(lg_v, [tok64 + e])
            ei = jnp.full((16,), e, jnp.int32)
            for r in range(TOP_K):
                gt = v > val[r]
                nv = jnp.where(gt, v, val[r])
                ni = jnp.where(gt, ei, idx[r])
                v, ei = jnp.where(gt, val[r], v), jnp.where(gt, idx[r], ei)
                val[r], idx[r] = nv, ni
        es = [jnp.exp(val[r] - val[0]) for r in range(TOP_K)]
        tot = es[0]
        for r in range(1, TOP_K):
            tot = tot + es[r]
        inv = 1.0 / tot
        tok8 = tok * TOP_K
        for r in range(TOP_K):
            plsc.store_scatter(probs_v, [tok64 + idx[r]], es[r] * inv)
            plsc.store_scatter(idx_v, [tok8 + r], idx[r])
        return 0

    lax.fori_loop(0, NGRP, group_body, 0)

    pltpu.sync_copy(probs_v, probs_hbm.at[pl.ds(base * N_EXPERTS, TPW * N_EXPERTS)])
    pltpu.sync_copy(idx_v, idx_hbm.at[pl.ds(base * TOP_K, TPW * TOP_K)])


_sc_topk = functools.partial(
    pl.kernel,
    mesh=plsc.VectorSubcoreMesh(core_axis_name="c", subcore_axis_name="s"),
    out_type=[
        jax.ShapeDtypeStruct((N_TOKENS * N_EXPERTS,), jnp.float32),
        jax.ShapeDtypeStruct((N_TOKENS * TOP_K,), jnp.int32),
    ],
    scratch_types=[
        pltpu.VMEM((TPW * N_EXPERTS,), jnp.float32),
        pltpu.VMEM((TPW * N_EXPERTS,), jnp.float32),
        pltpu.VMEM((TPW * TOP_K,), jnp.int32),
    ],
    compiler_params=pltpu.CompilerParams(
        use_tc_tiling_on_sc=False, needs_layout_passes=False),
)(_sc_topk_kernel)


@jax.jit
def kernel(inputs, W, b):
    b2 = b.reshape(N_EXPERTS, 1)
    logits = _tc_logits(inputs, W, b2)
    probs_flat, idx_flat = _sc_topk(logits.reshape(-1))
    return (probs_flat.reshape(N_TOKENS, N_EXPERTS),
            idx_flat.reshape(N_TOKENS, TOP_K))

# --- scband reference (transcript-rebuilt; emitter-appended) ---
"""Pipeline reference for scband-topk-router-73443940761662 (READ-ONLY COPY).

The authoritative reference and input builder live on the scoring server;
editing this copy changes nothing except your own understanding.
"""

import jax, jax.numpy as jnp
import numpy as np

EMBED_SIZE = 2048
NUM_EXPERTS = 64
ACTIVE_EXPERTS = 8
N_TOKENS = 16384


def setup_inputs(seed: int = 0) -> dict:
    key = jax.random.key(seed)
    k1, k2, k3 = jax.random.split(key, 3)
    inputs = jax.random.normal(k1, (N_TOKENS, EMBED_SIZE), dtype=jnp.float32)
    # nn.Linear(embed_size, num_experts): weight [num_experts, embed_size], bias [num_experts]
    bound = 1.0 / np.sqrt(EMBED_SIZE)
    W = jax.random.uniform(k2, (NUM_EXPERTS, EMBED_SIZE), dtype=jnp.float32, minval=-bound, maxval=bound)
    b = jax.random.uniform(k3, (NUM_EXPERTS,), dtype=jnp.float32, minval=-bound, maxval=bound)
    return {"inputs": inputs, "W": W, "b": b}


def reference(inputs, W, b):
    # router logits: fc(inputs)
    router_output = inputs @ W.T + b  # [N, num_experts]
    # top-k indices along last dim
    _, indices = jax.lax.top_k(router_output, ACTIVE_EXPERTS)  # [N, k]
    # build mask via scatter-overwrite
    n = router_output.shape[0]
    mask = jnp.zeros_like(router_output).at[jnp.arange(n)[:, None], indices].set(1.0)
    # masked_fill(mask == 0, -inf)
    masked = jnp.where(mask == 0, -jnp.inf, router_output)
    probs = jax.nn.softmax(masked, axis=-1)
    return (probs, indices)

if __name__ == "__main__":
    import jax
    _d = setup_inputs()
    print(jax.jit(kernel)(*tuple(_d.values())))

</pallas_src>

<mosaic_0001>
#map = affine_map<(d0, d1) -> (0)>
module attributes {stable_mosaic.version = 14 : i64} {
  func.func @_sc_topk_kernel(%arg0: i32, %arg1: i32, %arg2: memref<1048576xf32, #tpu.memory_space<hbm>>, %arg3: memref<1048576xf32, #tpu.memory_space<hbm>>, %arg4: memref<131072xi32, #tpu.memory_space<hbm>>, %arg5: memref<32768xf32, #tpu.memory_space<vmem>>, %arg6: memref<32768xf32, #tpu.memory_space<vmem>>, %arg7: memref<4096xi32, #tpu.memory_space<vmem>>) attributes {dimension_semantics = [#tpu.dimension_semantics<core_parallel>, #tpu.dimension_semantics<subcore_parallel>], iteration_bounds = array<i64: 2, 16>, scalar_prefetch = 0 : i64, scratch_operands = 3 : i64, tpu.core_type = #tpu.core_type<sc_vector_subcore>, window_params = [{transform_indices = #map}, {transform_indices = #map}, {transform_indices = #map}]} {
    %mul3A = arith.constant 16 : i32
    %mul3A_0 = arith.muli %arg0, %mul3A : i32
    %add3A = arith.addi %mul3A_0, %arg1 : i32
    %mul3A_1 = arith.constant 512 : i32
    %mul3A_2 = arith.muli %add3A, %mul3A_1 : i32
    %mul3A_3 = arith.constant 64 : i32
    %mul3A_4 = arith.muli %mul3A_2, %mul3A_3 : i32
    "tpu.region"() ({
      %run_scoped3A = tpu.sem_alloc : memref<!tpu.dma_semaphore, #tpu.memory_space<semaphore_mem>>
      %dma_start3A = tpu.memref_slice %arg2[%mul3A_4] : memref<1048576xf32, #tpu.memory_space<hbm>> -> memref<32768xf32, #tpu.memory_space<hbm>>
      %dma_start3A_23 = tpu.memref_slice %arg2[%mul3A_4] : memref<1048576xf32, #tpu.memory_space<hbm>> -> memref<32768xf32, #tpu.memory_space<hbm>>
      tpu.enqueue_dma source(%dma_start3A_23 : memref<32768xf32, #tpu.memory_space<hbm>>) target(%arg5 : memref<32768xf32, #tpu.memory_space<vmem>>) target_semaphore(%run_scoped3A : memref<!tpu.dma_semaphore, #tpu.memory_space<semaphore_mem>>)
      %dma_wait3A = tpu.memref_slice %arg2[%mul3A_4] : memref<1048576xf32, #tpu.memory_space<hbm>> -> memref<32768xf32, #tpu.memory_space<hbm>>
      %dma_wait3A_24 = tpu.memref_slice %arg2[%mul3A_4] : memref<1048576xf32, #tpu.memory_space<hbm>> -> memref<32768xf32, #tpu.memory_space<hbm>>
      tpu.wait_dma2 semaphore(%run_scoped3A : memref<!tpu.dma_semaphore, #tpu.memory_space<semaphore_mem>>) src(%dma_wait3A_24 : memref<32768xf32, #tpu.memory_space<hbm>>) dst(%arg5 : memref<32768xf32, #tpu.memory_space<vmem>>)
      tpu.yield
    }) : () -> ()
    %iota3A = tpu.iota {dimensions = array<i32: 0>} : vector<16xi32>
    %broadcast_in_dim3A = arith.constant 0.000000e+00 : f32
    %broadcast_in_dim3A_5 = vector.broadcast %broadcast_in_dim3A : f32 to vector<16xf32>
    %scan3A = arith.constant 0 : i32
    %scan3A_6 = arith.constant 0 : i32
    %scan3A_7 = arith.constant 2048 : i32
    %scan3A_8 = arith.addi %scan3A_6, %scan3A_7 : i32
    %scan3A_9 = arith.constant 1 : i32
    %scan3A_10 = scf.for %scan3A_23 = %scan3A_6 to %scan3A_8 step %scan3A_9 iter_args(%scan3A_24 = %scan3A) -> (i32)  : i32 {
      %mul3A_25 = arith.constant 16 : i32
      %mul3A_26 = arith.muli %scan3A_23, %mul3A_25 : i32
      %swap3A = arith.index_cast %mul3A_26 : i32 to index
      %swap3A_27 = tpu.vector_load %arg6[%swap3A] {strides = array<i32>} : memref<32768xf32, #tpu.memory_space<vmem>>, vector<16xf32>,
      tpu.vector_store %arg6[%swap3A], %broadcast_in_dim3A_5 {strides = array<i32>} : memref<32768xf32, #tpu.memory_space<vmem>>, vector<16xf32>,
      %scan3A_28 = arith.constant 0 : i32
      scf.yield %scan3A_28 : i32
    }
    %scan3A_11 = arith.constant 2048 : i32
    %scan3A_12 = arith.constant 0 : i32
    %scan3A_13 = arith.constant 0 : i32
    %scan3A_14 = arith.constant 32 : i32
    %scan3A_15 = arith.addi %scan3A_13, %scan3A_14 : i32
    %scan3A_16 = arith.constant 1 : i32
    %scan3A_17 = scf.for %scan3A_23 = %scan3A_13 to %scan3A_15 step %scan3A_16 iter_args(%scan3A_24 = %scan3A_12) -> (i32)  : i32 {
      %mul3A_25 = arith.constant 16 : i32
      %mul3A_26 = arith.muli %scan3A_23, %mul3A_25 : i32
      %add3A_27 = vector.broadcast %mul3A_26 : i32 to vector<16xi32>
      %add3A_28 = arith.addi %add3A_27, %iota3A : vector<16xi32>
      %broadcast_in_dim3A_29 = arith.constant 0xFF800000 : f32
      %broadcast_in_dim3A_30 = vector.broadcast %broadcast_in_dim3A_29 : f32 to vector<16xf32>
      %broadcast_in_dim3A_31 = arith.constant 0 : i32
      %broadcast_in_dim3A_32 = vector.broadcast %broadcast_in_dim3A_31 : i32 to vector<16xi32>
      %mul3A_33 = arith.constant 64 : i32
      %mul3A_34 = vector.broadcast %mul3A_33 : i32 to vector<16xi32>
      %mul3A_35 = arith.muli %add3A_28, %mul3A_34 : vector<16xi32>
      %add3A_36 = arith.constant 0 : i32
      %add3A_37 = vector.broadcast %add3A_36 : i32 to vector<16xi32>
      %add3A_38 = arith.addi %mul3A_35, %add3A_37 : vector<16xi32>
      %gather3A = tpu.vector_load_idx %arg5[%add3A_38] : memref<32768xf32, #tpu.memory_space<vmem>>[vector<16xi32>], vector<16xf32>,
      %broadcast_in_dim3A_39 = arith.constant 0 : i32
      %broadcast_in_dim3A_40 = vector.broadcast %broadcast_in_dim3A_39 : i32 to vector<16xi32>
      %gt3A = arith.cmpf ogt, %gather3A, %broadcast_in_dim3A_30 : vector<16xf32>
      %select_n3A = arith.select %gt3A, %gather3A, %broadcast_in_dim3A_30 : vector<16xi1>, vector<16xf32>
      %select_n3A_41 = arith.select %gt3A, %broadcast_in_dim3A_40, %broadcast_in_dim3A_32 : vector<16xi1>, vector<16xi32>
      %select_n3A_42 = arith.select %gt3A, %broadcast_in_dim3A_30, %gather3A : vector<16xi1>, vector<16xf32>
      %select_n3A_43 = arith.select %gt3A, %broadcast_in_dim3A_32, %broadcast_in_dim3A_40 : vector<16xi1>, vector<16xi32>
      %gt3A_44 = arith.cmpf ogt, %select_n3A_42, %broadcast_in_dim3A_30 : vector<16xf32>
      %select_n3A_45 = arith.select %gt3A_44, %select_n3A_42, %broadcast_in_dim3A_30 : vector<16xi1>, vector<16xf32>
      %select_n3A_46 = arith.select %gt3A_44, %select_n3A_43, %broadcast_in_dim3A_32 : vector<16xi1>, vector<16xi32>
      %select_n3A_47 = arith.select %gt3A_44, %broadcast_in_dim3A_30, %select_n3A_42 : vector<16xi1>, vector<16xf32>
      %select_n3A_48 = arith.select %gt3A_44, %broadcast_in_dim3A_32, %select_n3A_43 : vector<16xi1>, vector<16xi32>
      %gt3A_49 = arith.cmpf ogt, %select_n3A_47, %broadcast_in_dim3A_30 : vector<16xf32>
      %select_n3A_50 = arith.select %gt3A_49, %select_n3A_47, %broadcast_in_dim3A_30 : vector<16xi1>, vector<16xf32>
      %select_n3A_51 = arith.select %gt3A_49, %select_n3A_48, %broadcast_in_dim3A_32 : vector<16xi1>, vector<16xi32>
      %select_n3A_52 = arith.select %gt3A_49, %broadcast_in_dim3A_30, %select_n3A_47 : vector<16xi1>, vector<16xf32>
      %select_n3A_53 = arith.select %gt3A_49, %broadcast_in_dim3A_32, %select_n3A_48 : vector<16xi1>, vector<16xi32>
      %gt3A_54 = arith.cmpf ogt, %select_n3A_52, %broadcast_in_dim3A_30 : vector<16xf32>
      %select_n3A_55 = arith.select %gt3A_54, %select_n3A_52, %broadcast_in_dim3A_30 : vector<16xi1>, vector<16xf32>
      %select_n3A_56 = arith.select %gt3A_54, %select_n3A_53, %broadcast_in_dim3A_32 : vector<16xi1>, vector<16xi32>
      %select_n3A_57 = arith.select %gt3A_54, %broadcast_in_dim3A_30, %select_n3A_52 : vector<16xi1>, vector<16xf32>
      %select_n3A_58 = arith.select %gt3A_54, %broadcast_in_dim3A_32, %select_n3A_53 : vector<16xi1>, vector<16xi32>
      %gt3A_59 = arith.cmpf ogt, %select_n3A_57, %broadcast_in_dim3A_30 : vector<16xf32>
      %select_n3A_60 = arith.select %gt3A_59, %select_n3A_57, %broadcast_in_dim3A_30 : vector<16xi1>, vector<16xf32>
      %select_n3A_61 = arith.select %gt3A_59, %select_n3A_58, %broadcast_in_dim3A_32 : vector<16xi1>, vector<16xi32>
      %select_n3A_62 = arith.select %gt3A_59, %broadcast_in_dim3A_30, %select_n3A_57 : vector<16xi1>, vector<16xf32>
      %select_n3A_63 = arith.select %gt3A_59, %broadcast_in_dim3A_32, %select_n3A_58 : vector<16xi1>, vector<16xi32>
      %gt3A_64 = arith.cmpf ogt, %select_n3A_62, %broadcast_in_dim3A_30 : vector<16xf32>
      %select_n3A_65 = arith.select %gt3A_64, %select_n3A_62, %broadcast_in_dim3A_30 : vector<16xi1>, vector<16xf32>
      %select_n3A_66 = arith.select %gt3A_64, %select_n3A_63, %broadcast_in_dim3A_32 : vector<16xi1>, vector<16xi32>
      %select_n3A_67 = arith.select %gt3A_64, %broadcast_in_dim3A_30, %select_n3A_62 : vector<16xi1>, vector<16xf32>
      %select_n3A_68 = arith.select %gt3A_64, %broadcast_in_dim3A_32, %select_n3A_63 : vector<16xi1>, vector<16xi32>
      %gt3A_69 = arith.cmpf ogt, %select_n3A_67, %broadcast_in_dim3A_30 : vector<16xf32>
      %select_n3A_70 = arith.select %gt3A_69, %select_n3A_67, %broadcast_in_dim3A_30 : vector<16xi1>, vector<16xf32>
      %select_n3A_71 = arith.select %gt3A_69, %select_n3A_68, %broadcast_in_dim3A_32 : vector<16xi1>, vector<16xi32>
      %select_n3A_72 = arith.select %gt3A_69, %broadcast_in_dim3A_30, %select_n3A_67 : vector<16xi1>, vector<16xf32>
      %select_n3A_73 = arith.select %gt3A_69, %broadcast_in_dim3A_32, %select_n3A_68 : vector<16xi1>, vector<16xi32>
      %gt3A_74 = arith.cmpf ogt, %select_n3A_72, %broadcast_in_dim3A_30 : vector<16xf32>
      %select_n3A_75 = arith.select %gt3A_74, %select_n3A_72, %broadcast_in_dim3A_30 : vector<16xi1>, vector<16xf32>
      %select_n3A_76 = arith.select %gt3A_74, %select_n3A_73, %broadcast_in_dim3A_32 : vector<16xi1>, vector<16xi32>
      %select_n3A_77 = arith.select %gt3A_74, %broadcast_in_dim3A_30, %select_n3A_72 : vector<16xi1>, vector<16xf32>
      %select_n3A_78 = arith.select %gt3A_74, %broadcast_in_dim3A_32, %select_n3A_73 : vector<16xi1>, vector<16xi32>
      %add3A_79 = arith.constant 1 : i32
      %add3A_80 = vector.broadcast %add3A_79 : i32 to vector<16xi32>
      %add3A_81 = arith.addi %mul3A_35, %add3A_80 : vector<16xi32>
      %gather3A_82 = tpu.vector_load_idx %arg5[%add3A_81] : memref<32768xf32, #tpu.memory_space<vmem>>[vector<16xi32>], vector<16xf32>,
      %broadcast_in_dim3A_83 = arith.constant 1 : i32
      %broadcast_in_dim3A_84 = vector.broadcast %broadcast_in_dim3A_83 : i32 to vector<16xi32>
      %gt3A_85 = arith.cmpf ogt, %gather3A_82, %select_n3A : vector<16xf32>
      %select_n3A_86 = arith.select %gt3A_85, %gather3A_82, %select_n3A : vector<16xi1>, vector<16xf32>
      %select_n3A_87 = arith.select %gt3A_85, %broadcast_in_dim3A_84, %select_n3A_41 : vector<16xi1>, vector<16xi32>
      %select_n3A_88 = arith.select %gt3A_85, %select_n3A, %gather3A_82 : vector<16xi1>, vector<16xf32>
      %select_n3A_89 = arith.select %gt3A_85, %select_n3A_41, %broadcast_in_dim3A_84 : vector<16xi1>, vector<16xi32>
      %gt3A_90 = arith.cmpf ogt, %select_n3A_88, %select_n3A_45 : vector<16xf32>
      %select_n3A_91 = arith.select %gt3A_90, %select_n3A_88, %select_n3A_45 : vector<16xi1>, vector<16xf32>
      %select_n3A_92 = arith.select %gt3A_90, %select_n3A_89, %select_n3A_46 : vector<16xi1>, vector<16xi32>
      %select_n3A_93 = arith.select %gt3A_90, %select_n3A_45, %select_n3A_88 : vector<16xi1>, vector<16xf32>
      %select_n3A_94 = arith.select %gt3A_90, %select_n3A_46, %select_n3A_89 : vector<16xi1>, vector<16xi32>
      %gt3A_95 = arith.cmpf ogt, %select_n3A_93, %select_n3A_50 : vector<16xf32>
      %select_n3A_96 = arith.select %gt3A_95, %select_n3A_93, %select_n3A_50 : vector<16xi1>, vector<16xf32>
      %select_n3A_97 = arith.select %gt3A_95, %select_n3A_94, %select_n3A_51 : vector<16xi1>, vector<16xi32>
      %select_n3A_98 = arith.select %gt3A_95, %select_n3A_50, %select_n3A_93 : vector<16xi1>, vector<16xf32>
      %select_n3A_99 = arith.select %gt3A_95, %select_n3A_51, %select_n3A_94 : vector<16xi1>, vector<16xi32>
      %gt3A_100 = arith.cmpf ogt, %select_n3A_98, %select_n3A_55 : vector<16xf32>
      %select_n3A_101 = arith.select %gt3A_100, %select_n3A_98, %select_n3A_55 : vector<16xi1>, vector<16xf32>
      %select_n3A_102 = arith.select %gt3A_100, %select_n3A_99, %select_n3A_56 : vector<16xi1>, vector<16xi32>
      %select_n3A_103 = arith.select %gt3A_100, %select_n3A_55, %select_n3A_98 : vector<16xi1>, vector<16xf32>
      %select_n3A_104 = arith.select %gt3A_100, %select_n3A_56, %select_n3A_99 : vector<16xi1>, vector<16xi32>
      %gt3A_105 = arith.cmpf ogt, %select_n3A_103, %select_n3A_60 : vector<16xf32>
      %select_n3A_106 = arith.select %gt3A_105, %select_n3A_103, %select_n3A_60 : vector<16xi1>, vector<16xf32>
      %select_n3A_107 = arith.select %gt3A_105, %select_n3A_104, %select_n3A_61 : vector<16xi1>, vector<16xi32>
      %select_n3A_108 = arith.select %gt3A_105, %select_n3A_60, %select_n3A_103 : vector<16xi1>, vector<16xf32>
      %select_n3A_109 = arith.select %gt3A_105, %select_n3A_61, %select_n3A_104 : vector<16xi1>, vector<16xi32>
      %gt3A_110 = arith.cmpf ogt, %select_n3A_108, %select_n3A_65 : vector<16xf32>
      %select_n3A_111 = arith.select %gt3A_110, %select_n3A_108, %select_n3A_65 : vector<16xi1>, vector<16xf32>
      %select_n3A_112 = arith.select %gt3A_110, %select_n3A_109, %select_n3A_66 : vector<16xi1>, vector<16xi32>
      %select_n3A_113 = arith.select %gt3A_110, %select_n3A_65, %select_n3A_108 : vector<16xi1>, vector<16xf32>
      %select_n3A_114 = arith.select %gt3A_110, %select_n3A_66, %select_n3A_109 : vector<16xi1>, vector<16xi32>
      %gt3A_115 = arith.cmpf ogt, %select_n3A_113, %select_n3A_70 : vector<16xf32>
      %select_n3A_116 = arith.select %gt3A_115, %select_n3A_113, %select_n3A_70 : vector<16xi1>, vector<16xf32>
      %select_n3A_117 = arith.select %gt3A_115, %select_n3A_114, %select_n3A_71 : vector<16xi1>, vector<16xi32>
      %select_n3A_118 = arith.select %gt3A_115, %select_n3A_70, %select_n3A_113 : vector<16xi1>, vector<16xf32>
      %select_n3A_119 = arith.select %gt3A_115, %select_n3A_71, %select_n3A_114 : vector<16xi1>, vector<16xi32>
      %gt3A_120 = arith.cmpf ogt, %select_n3A_118, %select_n3A_75 : vector<16xf32>
      %select_n3A_121 = arith.select %gt3A_120, %select_n3A_118, %select_n3A_75 : vector<16xi1>, vector<16xf32>
      %select_n3A_122 = arith.select %gt3A_120, %select_n3A_119, %select_n3A_76 : vector<16xi1>, vector<16xi32>
      %select_n3A_123 = arith.select %gt3A_120, %select_n3A_75, %select_n3A_118 : vector<16xi1>, vector<16xf32>
      %select_n3A_124 = arith.select %gt3A_120, %select_n3A_76, %select_n3A_119 : vector<16xi1>, vector<16xi32>
      %add3A_125 = arith.constant 2 : i32
      %add3A_126 = vector.broadcast %add3A_125 : i32 to vector<16xi32>
      %add3A_127 = arith.addi %mul3A_35, %add3A_126 : vector<16xi32>
      %gather3A_128 = tpu.vector_load_idx %arg5[%add3A_127] : memref<32768xf32, #tpu.memory_space<vmem>>[vector<16xi32>], vector<16xf32>,
      %broadcast_in_dim3A_129 = arith.constant 2 : i32
      %broadcast_in_dim3A_130 = vector.broadcast %broadcast_in_dim3A_129 : i32 to vector<16xi32>
      %gt3A_131 = arith.cmpf ogt, %gather3A_128, %select_n3A_86 : vector<16xf32>
      %select_n3A_132 = arith.select %gt3A_131, %gather3A_128, %select_n3A_86 : vector<16xi1>, vector<16xf32>
      %select_n3A_133 = arith.select %gt3A_131, %broadcast_in_dim3A_130, %select_n3A_87 : vector<16xi1>, vector<16xi32>
      %select_n3A_134 = arith.select %gt3A_131, %select_n3A_86, %gather3A_128 : vector<16xi1>, vector<16xf32>
      %select_n3A_135 = arith.select %gt3A_131, %select_n3A_87, %broadcast_in_dim3A_130 : vector<16xi1>, vector<16xi32>
      %gt3A_136 = arith.cmpf ogt, %select_n3A_134, %select_n3A_91 : vector<16xf32>
      %select_n3A_137 = arith.select %gt3A_136, %select_n3A_134, %select_n3A_91 : vector<16xi1>, vector<16xf32>
      %select_n3A_138 = arith.select %gt3A_136, %select_n3A_135, %select_n3A_92 : vector<16xi1>, vector<16xi32>
      %select_n3A_139 = arith.select %gt3A_136, %select_n3A_91, %select_n3A_134 : vector<16xi1>, vector<16xf32>
      %select_n3A_140 = arith.select %gt3A_136, %select_n3A_92, %select_n3A_135 : vector<16xi1>, vector<16xi32>
      %gt3A_141 = arith.cmpf ogt, %select_n3A_139, %select_n3A_96 : vector<16xf32>
      %select_n3A_142 = arith.select %gt3A_141, %select_n3A_139, %select_n3A_96 : vector<16xi1>, vector<16xf32>
      %select_n3A_143 = arith.select %gt3A_141, %select_n3A_140, %select_n3A_97 : vector<16xi1>, vector<16xi32>
      %select_n3A_144 = arith.select %gt3A_141, %select_n3A_96, %select_n3A_139 : vector<16xi1>, vector<16xf32>
      %select_n3A_145 = arith.select %gt3A_141, %select_n3A_97, %select_n3A_140 : vector<16xi1>, vector<16xi32>
      %gt3A_146 = arith.cmpf ogt, %select_n3A_144, %select_n3A_101 : vector<16xf32>
      %select_n3A_147 = arith.select %gt3A_146, %select_n3A_144, %select_n3A_101 : vector<16xi1>, vector<16xf32>
      %select_n3A_148 = arith.select %gt3A_146, %select_n3A_145, %select_n3A_102 : vector<16xi1>, vector<16xi32>
      %select_n3A_149 = arith.select %gt3A_146, %select_n3A_101, %select_n3A_144 : vector<16xi1>, vector<16xf32>
      %select_n3A_150 = arith.select %gt3A_146, %select_n3A_102, %select_n3A_145 : vector<16xi1>, vector<16xi32>
      %gt3A_151 = arith.cmpf ogt, %select_n3A_149, %select_n3A_106 : vector<16xf32>
      %select_n3A_152 = arith.select %gt3A_151, %select_n3A_149, %select_n3A_106 : vector<16xi1>, vector<16xf32>
      %select_n3A_153 = arith.select %gt3A_151, %select_n3A_150, %select_n3A_107 : vector<16xi1>, vector<16xi32>
      %select_n3A_154 = arith.select %gt3A_151, %select_n3A_106, %select_n3A_149 : vector<16xi1>, vector<16xf32>
      %select_n3A_155 = arith.select %gt3A_151, %select_n3A_107, %select_n3A_150 : vector<16xi1>, vector<16xi32>
      %gt3A_156 = arith.cmpf ogt, %select_n3A_154, %select_n3A_111 : vector<16xf32>
      %select_n3A_157 = arith.select %gt3A_156, %select_n3A_154, %select_n3A_111 : vector<16xi1>, vector<16xf32>
      %select_n3A_158 = arith.select %gt3A_156, %select_n3A_155, %select_n3A_112 : vector<16xi1>, vector<16xi32>
      %select_n3A_159 = arith.select %gt3A_156, %select_n3A_111, %select_n3A_154 : vector<16xi1>, vector<16xf32>
      %select_n3A_160 = arith.select %gt3A_156, %select_n3A_112, %select_n3A_155 : vector<16xi1>, vector<16xi32>
      %gt3A_161 = arith.cmpf ogt, %select_n3A_159, %select_n3A_116 : vector<16xf32>
      %select_n3A_162 = arith.select %gt3A_161, %select_n3A_159, %select_n3A_116 : vector<16xi1>, vector<16xf32>
      %select_n3A_163 = arith.select %gt3A_161, %select_n3A_160, %select_n3A_117 : vector<16xi1>, vector<16xi32>
      %select_n3A_164 = arith.select %gt3A_161, %select_n3A_116, %select_n3A_159 : vector<16xi1>, vector<16xf32>
      %select_n3A_165 = arith.select %gt3A_161, %select_n3A_117, %select_n3A_160 : vector<16xi1>, vector<16xi32>
      %gt3A_166 = arith.cmpf ogt, %select_n3A_164, %select_n3A_121 : vector<16xf32>
      %select_n3A_167 = arith.select %gt3A_166, %select_n3A_164, %select_n3A_121 : vector<16xi1>, vector<16xf32>
      %select_n3A_168 = arith.select %gt3A_166, %select_n3A_165, %select_n3A_122 : vector<16xi1>, vector<16xi32>
      %select_n3A_169 = arith.select %gt3A_166, %select_n3A_121, %select_n3A_164 : vector<16xi1>, vector<16xf32>
      %select_n3A_170 = arith.select %gt3A_166, %select_n3A_122, %select_n3A_165 : vector<16xi1>, vector<16xi32>
      %add3A_171 = arith.constant 3 : i32
      %add3A_172 = vector.broadcast %add3A_171 : i32 to vector<16xi32>
      %add3A_173 = arith.addi %mul3A_35, %add3A_172 : vector<16xi32>
      %gather3A_174 = tpu.vector_load_idx %arg5[%add3A_173] : memref<32768xf32, #tpu.memory_space<vmem>>[vector<16xi32>], vector<16xf32>,
      %broadcast_in_dim3A_175 = arith.constant 3 : i32
      %broadcast_in_dim3A_176 = vector.broadcast %broadcast_in_dim3A_175 : i32 to vector<16xi32>
      %gt3A_177 = arith.cmpf ogt, %gather3A_174, %select_n3A_132 : vector<16xf32>
      %select_n3A_178 = arith.select %gt3A_177, %gather3A_174, %select_n3A_132 : vector<16xi1>, vector<16xf32>
      %select_n3A_179 = arith.select %gt3A_177, %broadcast_in_dim3A_176, %select_n3A_133 : vector<16xi1>, vector<16xi32>
      %select_n3A_180 = arith.select %gt3A_177, %select_n3A_132, %gather3A_174 : vector<16xi1>, vector<16xf32>
      %select_n3A_181 = arith.select %gt3A_177, %select_n3A_133, %broadcast_in_dim3A_176 : vector<16xi1>, vector<16xi32>
      %gt3A_182 = arith.cmpf ogt, %select_n3A_180, %select_n3A_137 : vector<16xf32>
      %select_n3A_183 = arith.select %gt3A_182, %select_n3A_180, %select_n3A_137 : vector<16xi1>, vector<16xf32>
      %select_n3A_184 = arith.select %gt3A_182, %select_n3A_181, %select_n3A_138 : vector<16xi1>, vector<16xi32>
      %select_n3A_185 = arith.select %gt3A_182, %select_n3A_137, %select_n3A_180 : vector<16xi1>, vector<16xf32>
      %select_n3A_186 = arith.select %gt3A_182, %select_n3A_138, %select_n3A_181 : vector<16xi1>, vector<16xi32>
      %gt3A_187 = arith.cmpf ogt, %select_n3A_185, %select_n3A_142 : vector<16xf32>
      %select_n3A_188 = arith.select %gt3A_187, %select_n3A_185, %select_n3A_142 : vector<16xi1>, vector<16xf32>
      %select_n3A_189 = arith.select %gt3A_187, %select_n3A_186, %select_n3A_143 : vector<16xi1>, vector<16xi32>
      %select_n3A_190 = arith.select %gt3A_187, %select_n3A_142, %select_n3A_185 : vector<16xi1>, vector<16xf32>
      %select_n3A_191 = arith.select %gt3A_187, %select_n3A_143, %select_n3A_186 : vector<16xi1>, vector<16xi32>
      %gt3A_192 = arith.cmpf ogt, %select_n3A_190, %select_n3A_147 : vector<16xf32>
      %select_n3A_193 = arith.select %gt3A_192, %select_n3A_190, %select_n3A_147 : vector<16xi1>, vector<16xf32>
      %select_n3A_194 = arith.select %gt3A_192, %select_n3A_191, %select_n3A_148 : vector<16xi1>, vector<16xi32>
      %select_n3A_195 = arith.select %gt3A_192, %select_n3A_147, %select_n3A_190 : vector<16xi1>, vector<16xf32>
      %select_n3A_196 = arith.select %gt3A_192, %select_n3A_148, %select_n3A_191 : vector<16xi1>, vector<16xi32>
      %gt3A_197 = arith.cmpf ogt, %select_n3A_195, %select_n3A_152 : vector<16xf32>
      %select_n3A_198 = arith.select %gt3A_197, %select_n3A_195, %select_n3A_152 : vector<16xi1>, vector<16xf32>
      %select_n3A_199 = arith.select %gt3A_197, %select_n3A_196, %select_n3A_153 : vector<16xi1>, vector<16xi32>
      %select_n3A_200 = arith.select %gt3A_197, %select_n3A_152, %select_n3A_195 : vector<16xi1>, vector<16xf32>
      %select_n3A_201 = arith.select %gt3A_197, %select_n3A_153, %select_n3A_196 : vector<16xi1>, vector<16xi32>
      %gt3A_202 = arith.cmpf ogt, %select_n3A_200, %select_n3A_157 : vector<16xf32>
      %select_n3A_203 = arith.select %gt3A_202, %select_n3A_200, %select_n3A_157 : vector<16xi1>, vector<16xf32>
      %select_n3A_204 = arith.select %gt3A_202, %select_n3A_201, %select_n3A_158 : vector<16xi1>, vector<16xi32>
      %select_n3A_205 = arith.select %gt3A_202, %select_n3A_157, %select_n3A_200 : vector<16xi1>, vector<16xf32>
      %select_n3A_206 = arith.select %gt3A_202, %select_n3A_158, %select_n3A_201 : vector<16xi1>, vector<16xi32>
      %gt3A_207 = arith.cmpf ogt, %select_n3A_205, %select_n3A_162 : vector<16xf32>
      %select_n3A_208 = arith.select %gt3A_207, %select_n3A_205, %select_n3A_162 : vector<16xi1>, vector<16xf32>
      %select_n3A_209 = arith.select %gt3A_207, %select_n3A_206, %select_n3A_163 : vector<16xi1>, vector<16xi32>
      %select_n3A_210 = arith.select %gt3A_207, %select_n3A_162, %select_n3A_205 : vector<16xi1>, vector<16xf32>
      %select_n3A_211 = arith.select %gt3A_207, %select_n3A_163, %select_n3A_206 : vector<16xi1>, vector<16xi32>
      %gt3A_212 = arith.cmpf ogt, %select_n3A_210, %select_n3A_167 : vector<16xf32>
      %select_n3A_213 = arith.select %gt3A_212, %select_n3A_210, %select_n3A_167 : vector<16xi1>, vector<16xf32>
      %select_n3A_214 = arith.select %gt3A_212, %select_n3A_211, %select_n3A_168 : vector<16xi1>, vector<16xi32>
      %select_n3A_215 = arith.select %gt3A_212, %select_n3A_167, %select_n3A_210 : vector<16xi1>, vector<16xf32>
      %select_n3A_216 = arith.select %gt3A_212, %select_n3A_168, %select_n3A_211 : vector<16xi1>, vector<16xi32>
      %add3A_217 = arith.constant 4 : i32
      %add3A_218 = vector.broadcast %add3A_217 : i32 to vector<16xi32>
      %add3A_219 = arith.addi %mul3A_35, %add3A_218 : vector<16xi32>
      %gather3A_220 = tpu.vector_load_idx %arg5[%add3A_219] : memref<32768xf32, #tpu.memory_space<vmem>>[vector<16xi32>], vector<16xf32>,
      %broadcast_in_dim3A_221 = arith.constant 4 : i32
      %broadcast_in_dim3A_222 = vector.broadcast %broadcast_in_dim3A_221 : i32 to vector<16xi32>
      %gt3A_223 = arith.cmpf ogt, %gather3A_220, %select_n3A_178 : vector<16xf32>
      %select_n3A_224 = arith.select %gt3A_223, %gather3A_220, %select_n3A_178 : vector<16xi1>, vector<16xf32>
      %select_n3A_225 = arith.select %gt3A_223, %broadcast_in_dim3A_222, %select_n3A_179 : vector<16xi1>, vector<16xi32>
      %select_n3A_226 = arith.select %gt3A_223, %select_n3A_178, %gather3A_220 : vector<16xi1>, vector<16xf32>
      %select_n3A_227 = arith.select %gt3A_223, %select_n3A_179, %broadcast_in_dim3A_222 : vector<16xi1>, vector<16xi32>
      %gt3A_228 = arith.cmpf ogt, %select_n3A_226, %select_n3A_183 : vector<16xf32>
      %select_n3A_229 = arith.select %gt3A_228, %select_n3A_226, %select_n3A_183 : vector<16xi1>, vector<16xf32>
      %select_n3A_230 = arith.select %gt3A_228, %select_n3A_227, %select_n3A_184 : vector<16xi1>, vector<16xi32>
      %select_n3A_231 = arith.select %gt3A_228, %select_n3A_183, %select_n3A_226 : vector<16xi1>, vector<16xf32>
      %select_n3A_232 = arith.select %gt3A_228, %select_n3A_184, %select_n3A_227 : vector<16xi1>, vector<16xi32>
      %gt3A_233 = arith.cmpf ogt, %select_n3A_231, %select_n3A_188 : vector<16xf32>
      %select_n3A_234 = arith.select %gt3A_233, %select_n3A_231, %select_n3A_188 : vector<16xi1>, vector<16xf32>
      %select_n3A_235 = arith.select %gt3A_233, %select_n3A_232, %select_n3A_189 : vector<16xi1>, vector<16xi32>
      %select_n3A_236 = arith.select %gt3A_233, %select_n3A_188, %select_n3A_231 : vector<16xi1>, vector<16xf32>
      %select_n3A_237 = arith.select %gt3A_233, %select_n3A_189, %select_n3A_232 : vector<16xi1>, vector<16xi32>
      %gt3A_238 = arith.cmpf ogt, %select_n3A_236, %select_n3A_193 : vector<16xf32>
      %select_n3A_239 = arith.select %gt3A_238, %select_n3A_236, %select_n3A_193 : vector<16xi1>, vector<16xf32>
      %select_n3A_240 = arith.select %gt3A_238, %select_n3A_237, %select_n3A_194 : vector<16xi1>, vector<16xi32>
      %select_n3A_241 = arith.select %gt3A_238, %select_n3A_193, %select_n3A_236 : vector<16xi1>, vector<16xf32>
      %select_n3A_242 = arith.select %gt3A_238, %select_n3A_194, %select_n3A_237 : vector<16xi1>, vector<16xi32>
      %gt3A_243 = arith.cmpf ogt, %select_n3A_241, %select_n3A_198 : vector<16xf32>
      %select_n3A_244 = arith.select %gt3A_243, %select_n3A_241, %select_n3A_198 : vector<16xi1>, vector<16xf32>
      %select_n3A_245 = arith.select %gt3A_243, %select_n3A_242, %select_n3A_199 : vector<16xi1>, vector<16xi32>
      %select_n3A_246 = arith.select %gt3A_243, %select_n3A_198, %select_n3A_241 : vector<16xi1>, vector<16xf32>
      %select_n3A_247 = arith.select %gt3A_243, %select_n3A_199, %select_n3A_242 : vector<16xi1>, vector<16xi32>
      %gt3A_248 = arith.cmpf ogt, %select_n3A_246, %select_n3A_203 : vector<16xf32>
      %select_n3A_249 = arith.select %gt3A_248, %select_n3A_246, %select_n3A_203 : vector<16xi1>, vector<16xf32>
      %select_n3A_250 = arith.select %gt3A_248, %select_n3A_247, %select_n3A_204 : vector<16xi1>, vector<16xi32>
      %select_n3A_251 = arith.select %gt3A_248, %select_n3A_203, %select_n3A_246 : vector<16xi1>, vector<16xf32>
      %select_n3A_252 = arith.select %gt3A_248, %select_n3A_204, %select_n3A_247 : vector<16xi1>, vector<16xi32>
      %gt3A_253 = arith.cmpf ogt, %select_n3A_251, %select_n3A_208 : vector<16xf32>
      %select_n3A_254 = arith.select %gt3A_253, %select_n3A_251, %select_n3A_208 : vector<16xi1>, vector<16xf32>
      %select_n3A_255 = arith.select %gt3A_253, %select_n3A_252, %select_n3A_209 : vector<16xi1>, vector<16xi32>
      %select_n3A_256 = arith.select %gt3A_253, %select_n3A_208, %select_n3A_251 : vector<16xi1>, vector<16xf32>
      %select_n3A_257 = arith.select %gt3A_253, %select_n3A_209, %select_n3A_252 : vector<16xi1>, vector<16xi32>
      %gt3A_258 = arith.cmpf ogt, %select_n3A_256, %select_n3A_213 : vector<16xf32>
      %select_n3A_259 = arith.select %gt3A_258, %select_n3A_256, %select_n3A_213 : vector<16xi1>, vector<16xf32>
      %select_n3A_260 = arith.select %gt3A_258, %select_n3A_257, %select_n3A_214 : vector<16xi1>, vector<16xi32>
      %select_n3A_261 = arith.select %gt3A_258, %select_n3A_213, %select_n3A_256 : vector<16xi1>, vector<16xf32>
      %select_n3A_262 = arith.select %gt3A_258, %select_n3A_214, %select_n3A_257 : vector<16xi1>, vector<16xi32>
      %add3A_263 = arith.constant 5 : i32
      %add3A_264 = vector.broadcast %add3A_263 : i32 to vector<16xi32>
      %add3A_265 = arith.addi %mul3A_35, %add3A_264 : vector<16xi32>
      %gather3A_266 = tpu.vector_load_idx %arg5[%add3A_265] : memref<32768xf32, #tpu.memory_space<vmem>>[vector<16xi32>], vector<16xf32>,
      %broadcast_in_dim3A_267 = arith.constant 5 : i32
      %broadcast_in_dim3A_268 = vector.broadcast %broadcast_in_dim3A_267 : i32 to vector<16xi32>
      %gt3A_269 = arith.cmpf ogt, %gather3A_266, %select_n3A_224 : vector<16xf32>
      %select_n3A_270 = arith.select %gt3A_269, %gather3A_266, %select_n3A_224 : vector<16xi1>, vector<16xf32>
      %select_n3A_271 = arith.select %gt3A_269, %broadcast_in_dim3A_268, %select_n3A_225 : vector<16xi1>, vector<16xi32>
      %select_n3A_272 = arith.select %gt3A_269, %select_n3A_224, %gather3A_266 : vector<16xi1>, vector<16xf32>
      %select_n3A_273 = arith.select %gt3A_269, %select_n3A_225, %broadcast_in_dim3A_268 : vector<16xi1>, vector<16xi32>
      %gt3A_274 = arith.cmpf ogt, %select_n3A_272, %select_n3A_229 : vector<16xf32>
      %select_n3A_275 = arith.select %gt3A_274, %select_n3A_272, %select_n3A_229 : vector<16xi1>, vector<16xf32>
      %select_n3A_276 = arith.select %gt3A_274, %select_n3A_273, %select_n3A_230 : vector<16xi1>, vector<16xi32>
      %select_n3A_277 = arith.select %gt3A_274, %select_n3A_229, %select_n3A_272 : vector<16xi1>, vector<16xf32>
      %select_n3A_278 = arith.select %gt3A_274, %select_n3A_230, %select_n3A_273 : vector<16xi1>, vector<16xi32>
      %gt3A_279 = arith.cmpf ogt, %select_n3A_277, %select_n3A_234 : vector<16xf32>
      %select_n3A_280 = arith.select %gt3A_279, %select_n3A_277, %select_n3A_234 : vector<16xi1>, vector<16xf32>
      %select_n3A_281 = arith.select %gt3A_279, %select_n3A_278, %select_n3A_235 : vector<16xi1>, vector<16xi32>
      %select_n3A_282 = arith.select %gt3A_279, %select_n3A_234, %select_n3A_277 : vector<16xi1>, vector<16xf32>
      %select_n3A_283 = arith.select %gt3A_279, %select_n3A_235, %select_n3A_278 : vector<16xi1>, vector<16xi32>
      %gt3A_284 = arith.cmpf ogt, %select_n3A_282, %select_n3A_239 : vector<16xf32>
      %select_n3A_285 = arith.select %gt3A_284, %select_n3A_282, %select_n3A_239 : vector<16xi1>, vector<16xf32>
      %select_n3A_286 = arith.select %gt3A_284, %select_n3A_283, %select_n3A_240 : vector<16xi1>, vector<16xi32>
      %select_n3A_287 = arith.select %gt3A_284, %select_n3A_239, %select_n3A_282 : vector<16xi1>, vector<16xf32>
      %select_n3A_288 = arith.select %gt3A_284, %select_n3A_240, %select_n3A_283 : vector<16xi1>, vector<16xi32>
      %gt3A_289 = arith.cmpf ogt, %select_n3A_287, %select_n3A_244 : vector<16xf32>
      %select_n3A_290 = arith.select %gt3A_289, %select_n3A_287, %select_n3A_244 : vector<16xi1>, vector<16xf32>
      %select_n3A_291 = arith.select %gt3A_289, %select_n3A_288, %select_n3A_245 : vector<16xi1>, vector<16xi32>
      %select_n3A_292 = arith.select %gt3A_289, %select_n3A_244, %select_n3A_287 : vector<16xi1>, vector<16xf32>
      %select_n3A_293 = arith.select %gt3A_289, %select_n3A_245, %select_n3A_288 : vector<16xi1>, vector<16xi32>
      %gt3A_294 = arith.cmpf ogt, %select_n3A_292, %select_n3A_249 : vector<16xf32>
      %select_n3A_295 = arith.select %gt3A_294, %select_n3A_292, %select_n3A_249 : vector<16xi1>, vector<16xf32>
      %select_n3A_296 = arith.select %gt3A_294, %select_n3A_293, %select_n3A_250 : vector<16xi1>, vector<16xi32>
      %select_n3A_297 = arith.select %gt3A_294, %select_n3A_249, %select_n3A_292 : vector<16xi1>, vector<16xf32>
      %select_n3A_298 = arith.select %gt3A_294, %select_n3A_250, %select_n3A_293 : vector<16xi1>, vector<16xi32>
      %gt3A_299 = arith.cmpf ogt, %select_n3A_297, %select_n3A_254 : vector<16xf32>
      %select_n3A_300 = arith.select %gt3A_299, %select_n3A_297, %select_n3A_254 : vector<16xi1>, vector<16xf32>
      %select_n3A_301 = arith.select %gt3A_299, %select_n3A_298, %select_n3A_255 : vector<16xi1>, vector<16xi32>
      %select_n3A_302 = arith.select %gt3A_299, %select_n3A_254, %select_n3A_297 : vector<16xi1>, vector<16xf32>
      %select_n3A_303 = arith.select %gt3A_299, %select_n3A_255, %select_n3A_298 : vector<16xi1>, vector<16xi32>
      %gt3A_304 = arith.cmpf ogt, %select_n3A_302, %select_n3A_259 : vector<16xf32>
      %select_n3A_305 = arith.select %gt3A_304, %select_n3A_302, %select_n3A_259 : vector<16xi1>, vector<16xf32>
      %select_n3A_306 = arith.select %gt3A_304, %select_n3A_303, %select_n3A_260 : vector<16xi1>, vector<16xi32>
      %select_n3A_307 = arith.select %gt3A_304, %select_n3A_259, %select_n3A_302 : vector<16xi1>, vector<16xf32>
      %select_n3A_308 = arith.select %gt3A_304, %select_n3A_260, %select_n3A_303 : vector<16xi1>, vector<16xi32>
      %add3A_309 = arith.constant 6 : i32
      %add3A_310 = vector.broadcast %add3A_309 : i32 to vector<16xi32>
      %add3A_311 = arith.addi %mul3A_35, %add3A_310 : vector<16xi32>
      %gather3A_312 = tpu.vector_load_idx %arg5[%add3A_311] : memref<32768xf32, #tpu.memory_space<vmem>>[vector<16xi32>], vector<16xf32>,
      %broadcast_in_dim3A_313 = arith.constant 6 : i32
      %broadcast_in_dim3A_314 = vector.broadcast %broadcast_in_dim3A_313 : i32 to vector<16xi32>
      %gt3A_315 = arith.cmpf ogt, %gather3A_312, %select_n3A_270 : vector<16xf32>
      %select_n3A_316 = arith.select %gt3A_315, %gather3A_312, %select_n3A_270 : vector<16xi1>, vector<16xf32>
      %select_n3A_317 = arith.select %gt3A_315, %broadcast_in_dim3A_314, %select_n3A_271 : vector<16xi1>, vector<16xi32>
      %select_n3A_318 = arith.select %gt3A_315, %select_n3A_270, %gather3A_312 : vector<16xi1>, vector<16xf32>
      %select_n3A_319 = arith.select %gt3A_315, %select_n3A_271, %broadcast_in_dim3A_314 : vector<16xi1>, vector<16xi32>
      %gt3A_320 = arith.cmpf ogt, %select_n3A_318, %select_n3A_275 : vector<16xf32>
      %select_n3A_321 = arith.select %gt3A_320, %select_n3A_318, %select_n3A_275 : vector<16xi1>, vector<16xf32>
      %select_n3A_322 = arith.select %gt3A_320, %select_n3A_319, %select_n3A_276 : vector<16xi1>, vector<16xi32>
      %select_n3A_323 = arith.select %gt3A_320, %select_n3A_275, %select_n3A_318 : vector<16xi1>, vector<16xf32>
      %select_n3A_324 = arith.select %gt3A_320, %select_n3A_276, %select_n3A_319 : vector<16xi1>, vector<16xi32>
      %gt3A_325 = arith.cmpf ogt, %select_n3A_323, %select_n3A_280 : vector<16xf32>
      %select_n3A_326 = arith.select %gt3A_325, %select_n3A_323, %select_n3A_280 : vector<16xi1>, vector<16xf32>
      %select_n3A_327 = arith.select %gt3A_325, %select_n3A_324, %select_n3A_281 : vector<16xi1>, vector<16xi32>
      %select_n3A_328 = arith.select %gt3A_325, %select_n3A_280, %select_n3A_323 : vector<16xi1>, vector<16xf32>
      %select_n3A_329 = arith.select %gt3A_325, %select_n3A_281, %select_n3A_324 : vector<16xi1>, vector<16xi32>
      %gt3A_330 = arith.cmpf ogt, %select_n3A_328, %select_n3A_285 : vector<16xf32>
      %select_n3A_331 = arith.select %gt3A_330, %select_n3A_328, %select_n3A_285 : vector<16xi1>, vector<16xf32>
      %select_n3A_332 = arith.select %gt3A_330, %select_n3A_329, %select_n3A_286 : vector<16xi1>, vector<16xi32>
      %select_n3A_333 = arith.select %gt3A_330, %select_n3A_285, %select_n3A_328 : vector<16xi1>, vector<16xf32>
      %select_n3A_334 = arith.select %gt3A_330, %select_n3A_286, %select_n3A_329 : vector<16xi1>, vector<16xi32>
      %gt3A_335 = arith.cmpf ogt, %select_n3A_333, %select_n3A_290 : vector<16xf32>
      %select_n3A_336 = arith.select %gt3A_335, %select_n3A_333, %select_n3A_290 : vector<16xi1>, vector<16xf32>
      %select_n3A_337 = arith.select %gt3A_335, %select_n3A_334, %select_n3A_291 : vector<16xi1>, vector<16xi32>
      %select_n3A_338 = arith.select %gt3A_335, %select_n3A_290, %select_n3A_333 : vector<16xi1>, vector<16xf32>
      %select_n3A_339 = arith.select %gt3A_335, %select_n3A_291, %select_n3A_334 : vector<16xi1>, vector<16xi32>
      %gt3A_340 = arith.cmpf ogt, %select_n3A_338, %select_n3A_295 : vector<16xf32>
      %select_n3A_341 = arith.select %gt3A_340, %select_n3A_338, %select_n3A_295 : vector<16xi1>, vector<16xf32>
      %select_n3A_342 = arith.select %gt3A_340, %select_n3A_339, %select_n3A_296 : vector<16xi1>, vector<16xi32>
      %select_n3A_343 = arith.select %gt3A_340, %select_n3A_295, %select_n3A_338 : vector<16xi1>, vector<16xf32>
      %select_n3A_344 = arith.select %gt3A_340, %select_n3A_296, %select_n3A_339 : vector<16xi1>, vector<16xi32>
      %gt3A_345 = arith.cmpf ogt, %select_n3A_343, %select_n3A_300 : vector<16xf32>
      %select_n3A_346 = arith.select %gt3A_345, %select_n3A_343, %select_n3A_300 : vector<16xi1>, vector<16xf32>
      %select_n3A_347 = arith.select %gt3A_345, %select_n3A_344, %select_n3A_301 : vector<16xi1>, vector<16xi32>
      %select_n3A_348 = arith.select %gt3A_345, %select_n3A_300, %select_n3A_343 : vector<16xi1>, vector<16xf32>
      %select_n3A_349 = arith.select %gt3A_345, %select_n3A_301, %select_n3A_344 : vector<16xi1>, vector<16xi32>
      %gt3A_350 = arith.cmpf ogt, %select_n3A_348, %select_n3A_305 : vector<16xf32>
      %select_n3A_351 = arith.select %gt3A_350, %select_n3A_348, %select_n3A_305 : vector<16xi1>, vector<16xf32>
      %select_n3A_352 = arith.select %gt3A_350, %select_n3A_349, %select_n3A_306 : vector<16xi1>, vector<16xi32>
      %select_n3A_353 = arith.select %gt3A_350, %select_n3A_305, %select_n3A_348 : vector<16xi1>, vector<16xf32>
      %select_n3A_354 = arith.select %gt3A_350, %select_n3A_306, %select_n3A_349 : vector<16xi1>, vector<16xi32>
      %add3A_355 = arith.constant 7 : i32
      %add3A_356 = vector.broadcast %add3A_355 : i32 to vector<16xi32>
      %add3A_357 = arith.addi %mul3A_35, %add3A_356 : vector<16xi32>
      %gather3A_358 = tpu.vector_load_idx %arg5[%add3A_357] : memref<32768xf32, #tpu.memory_space<vmem>>[vector<16xi32>], vector<16xf32>,
      %broadcast_in_dim3A_359 = arith.constant 7 : i32
      %broadcast_in_dim3A_360 = vector.broadcast %broadcast_in_dim3A_359 : i32 to vector<16xi32>
      %gt3A_361 = arith.cmpf ogt, %gather3A_358, %select_n3A_316 : vector<16xf32>
      %select_n3A_362 = arith.select %gt3A_361, %gather3A_358, %select_n3A_316 : vector<16xi1>, vector<16xf32>
      %select_n3A_363 = arith.select %gt3A_361, %broadcast_in_dim3A_360, %select_n3A_317 : vector<16xi1>, vector<16xi32>
      %select_n3A_364 = arith.select %gt3A_361, %select_n3A_316, %gather3A_358 : vector<16xi1>, vector<16xf32>
      %select_n3A_365 = arith.select %gt3A_361, %select_n3A_317, %broadcast_in_dim3A_360 : vector<16xi1>, vector<16xi32>
      %gt3A_366 = arith.cmpf ogt, %select_n3A_364, %select_n3A_321 : vector<16xf32>
      %select_n3A_367 = arith.select %gt3A_366, %select_n3A_364, %select_n3A_321 : vector<16xi1>, vector<16xf32>
      %select_n3A_368 = arith.select %gt3A_366, %select_n3A_365, %select_n3A_322 : vector<16xi1>, vector<16xi32>
      %select_n3A_369 = arith.select %gt3A_366, %select_n3A_321, %select_n3A_364 : vector<16xi1>, vector<16xf32>
      %select_n3A_370 = arith.select %gt3A_366, %select_n3A_322, %select_n3A_365 : vector<16xi1>, vector<16xi32>
      %gt3A_371 = arith.cmpf ogt, %select_n3A_369, %select_n3A_326 : vector<16xf32>
      %select_n3A_372 = arith.select %gt3A_371, %select_n3A_369, %select_n3A_326 : vector<16xi1>, vector<16xf32>
      %select_n3A_373 = arith.select %gt3A_371, %select_n3A_370, %select_n3A_327 : vector<16xi1>, vector<16xi32>
      %select_n3A_374 = arith.select %gt3A_371, %select_n3A_326, %select_n3A_369 : vector<16xi1>, vector<16xf32>
      %select_n3A_375 = arith.select %gt3A_371, %select_n3A_327, %select_n3A_370 : vector<16xi1>, vector<16xi32>
      %gt3A_376 = arith.cmpf ogt, %select_n3A_374, %select_n3A_331 : vector<16xf32>
      %select_n3A_377 = arith.select %gt3A_376, %select_n3A_374, %select_n3A_331 : vector<16xi1>, vector<16xf32>
      %select_n3A_378 = arith.select %gt3A_376, %select_n3A_375, %select_n3A_332 : vector<16xi1>, vector<16xi32>
      %select_n3A_379 = arith.select %gt3A_376, %select_n3A_331, %select_n3A_374 : vector<16xi1>, vector<16xf32>
      %select_n3A_380 = arith.select %gt3A_376, %select_n3A_332, %select_n3A_375 : vector<16xi1>, vector<16xi32>
      %gt3A_381 = arith.cmpf ogt, %select_n3A_379, %select_n3A_336 : vector<16xf32>
      %select_n3A_382 = arith.select %gt3A_381, %select_n3A_379, %select_n3A_336 : vector<16xi1>, vector<16xf32>
      %select_n3A_383 = arith.select %gt3A_381, %select_n3A_380, %select_n3A_337 : vector<16xi1>, vector<16xi32>
      %select_n3A_384 = arith.select %gt3A_381, %select_n3A_336, %select_n3A_379 : vector<16xi1>, vector<16xf32>
      %select_n3A_385 = arith.select %gt3A_381, %select_n3A_337, %select_n3A_380 : vector<16xi1>, vector<16xi32>
      %gt3A_386 = arith.cmpf ogt, %select_n3A_384, %select_n3A_341 : vector<16xf32>
      %select_n3A_387 = arith.select %gt3A_386, %select_n3A_384, %select_n3A_341 : vector<16xi1>, vector<16xf32>
      %select_n3A_388 = arith.select %gt3A_386, %select_n3A_385, %select_n3A_342 : vector<16xi1>, vector<16xi32>
      %select_n3A_389 = arith.select %gt3A_386, %select_n3A_341, %select_n3A_384 : vector<16xi1>, vector<16xf32>
      %select_n3A_390 = arith.select %gt3A_386, %select_n3A_342, %select_n3A_385 : vector<16xi1>, vector<16xi32>
      %gt3A_391 = arith.cmpf ogt, %select_n3A_389, %select_n3A_346 : vector<16xf32>
      %select_n3A_392 = arith.select %gt3A_391, %select_n3A_389, %select_n3A_346 : vector<16xi1>, vector<16xf32>
      %select_n3A_393 = arith.select %gt3A_391, %select_n3A_390, %select_n3A_347 : vector<16xi1>, vector<16xi32>
      %select_n3A_394 = arith.select %gt3A_391, %select_n3A_346, %select_n3A_389 : vector<16xi1>, vector<16xf32>
      %select_n3A_395 = arith.select %gt3A_391, %select_n3A_347, %select_n3A_390 : vector<16xi1>, vector<16xi32>
      %gt3A_396 = arith.cmpf ogt, %select_n3A_394, %select_n3A_351 : vector<16xf32>
      %select_n3A_397 = arith.select %gt3A_396, %select_n3A_394, %select_n3A_351 : vector<16xi1>, vector<16xf32>
      %select_n3A_398 = arith.select %gt3A_396, %select_n3A_395, %select_n3A_352 : vector<16xi1>, vector<16xi32>
      %select_n3A_399 = arith.select %gt3A_396, %select_n3A_351, %select_n3A_394 : vector<16xi1>, vector<16xf32>
      %select_n3A_400 = arith.select %gt3A_396, %select_n3A_352, %select_n3A_395 : vector<16xi1>, vector<16xi32>
      %add3A_401 = arith.constant 8 : i32
      %add3A_402 = vector.broadcast %add3A_401 : i32 to vector<16xi32>
      %add3A_403 = arith.addi %mul3A_35, %add3A_402 : vector<16xi32>
      %gather3A_404 = tpu.vector_load_idx %arg5[%add3A_403] : memref<32768xf32, #tpu.memory_space<vmem>>[vector<16xi32>], vector<16xf32>,
      %broadcast_in_dim3A_405 = arith.constant 8 : i32
      %broadcast_in_dim3A_406 = vector.broadcast %broadcast_in_dim3A_405 : i32 to vector<16xi32>
      %gt3A_407 = arith.cmpf ogt, %gather3A_404, %select_n3A_362 : vector<16xf32>
      %select_n3A_408 = arith.select %gt3A_407, %gather3A_404, %select_n3A_362 : vector<16xi1>, vector<16xf32>
      %select_n3A_409 = arith.select %gt3A_407, %broadcast_in_dim3A_406, %select_n3A_363 : vector<16xi1>, vector<16xi32>
      %select_n3A_410 = arith.select %gt3A_407, %select_n3A_362, %gather3A_404 : vector<16xi1>, vector<16xf32>
      %select_n3A_411 = arith.select %gt3A_407, %select_n3A_363, %broadcast_in_dim3A_406 : vector<16xi1>, vector<16xi32>
      %gt3A_412 = arith.cmpf ogt, %select_n3A_410, %select_n3A_367 : vector<16xf32>
      %select_n3A_413 = arith.select %gt3A_412, %select_n3A_410, %select_n3A_367 : vector<16xi1>, vector<16xf32>
      %select_n3A_414 = arith.select %gt3A_412, %select_n3A_411, %select_n3A_368 : vector<16xi1>, vector<16xi32>
      %select_n3A_415 = arith.select %gt3A_412, %select_n3A_367, %select_n3A_410 : vector<16xi1>, vector<16xf32>
      %select_n3A_416 = arith.select %gt3A_412, %select_n3A_368, %select_n3A_411 : vector<16xi1>, vector<16xi32>
      %gt3A_417 = arith.cmpf ogt, %select_n3A_415, %select_n3A_372 : vector<16xf32>
      %select_n3A_418 = arith.select %gt3A_417, %select_n3A_415, %select_n3A_372 : vector<16xi1>, vector<16xf32>
      %select_n3A_419 = arith.select %gt3A_417, %select_n3A_416, %select_n3A_373 : vector<16xi1>, vector<16xi32>
      %select_n3A_420 = arith.select %gt3A_417, %select_n3A_372, %select_n3A_415 : vector<16xi1>, vector<16xf32>
      %select_n3A_421 = arith.select %gt3A_417, %select_n3A_373, %select_n3A_416 : vector<16xi1>, vector<16xi32>
      %gt3A_422 = arith.cmpf ogt, %select_n3A_420, %select_n3A_377 : vector<16xf32>
      %select_n3A_423 = arith.select %gt3A_422, %select_n3A_420, %select_n3A_377 : vector<16xi1>, vector<16xf32>
      %select_n3A_424 = arith.select %gt3A_422, %select_n3A_421, %select_n3A_378 : vector<16xi1>, vector<16xi32>
      %select_n3A_425 = arith.select %gt3A_422, %select_n3A_377, %select_n3A_420 : vector<16xi1>, vector<16xf32>
      %select_n3A_426 = arith.select %gt3A_422, %select_n3A_378, %select_n3A_421 : vector<16xi1>, vector<16xi32>
      %gt3A_427 = arith.cmpf ogt, %select_n3A_425, %select_n3A_382 : vector<16xf32>
      %select_n3A_428 = arith.select %gt3A_427, %select_n3A_425, %select_n3A_382 : vector<16xi1>, vector<16xf32>
      %select_n3A_429 = arith.select %gt3A_427, %select_n3A_426, %select_n3A_383 : vector<16xi1>, vector<16xi32>
      %select_n3A_430 = arith.select %gt3A_427, %select_n3A_382, %select_n3A_425 : vector<16xi1>, vector<16xf32>
      %select_n3A_431 = arith.select %gt3A_427, %select_n3A_383, %select_n3A_426 : vector<16xi1>, vector<16xi32>
      %gt3A_432 = arith.cmpf ogt, %select_n3A_430, %select_n3A_387 : vector<16xf32>
      %select_n3A_433 = arith.select %gt3A_432, %select_n3A_430, %select_n3A_387 : vector<16xi1>, vector<16xf32>
      %select_n3A_434 = arith.select %gt3A_432, %select_n3A_431, %select_n3A_388 : vector<16xi1>, vector<16xi32>
      %select_n3A_435 = arith.select %gt3A_432, %select_n3A_387, %select_n3A_430 : vector<16xi1>, vector<16xf32>
      %select_n3A_436 = arith.select %gt3A_432, %select_n3A_388, %select_n3A_431 : vector<16xi1>, vector<16xi32>
      %gt3A_437 = arith.cmpf ogt, %select_n3A_435, %select_n3A_392 : vector<16xf32>
      %select_n3A_438 = arith.select %gt3A_437, %select_n3A_435, %select_n3A_392 : vector<16xi1>, vector<16xf32>
      %select_n3A_439 = arith.select %gt3A_437, %select_n3A_436, %select_n3A_393 : vector<16xi1>, vector<16xi32>
      %select_n3A_440 = arith.select %gt3A_437, %select_n3A_392, %select_n3A_435 : vector<16xi1>, vector<16xf32>
      %select_n3A_441 = arith.select %gt3A_437, %select_n3A_393, %select_n3A_436 : vector<16xi1>, vector<16xi32>
      %gt3A_442 = arith.cmpf ogt, %select_n3A_440, %select_n3A_397 : vector<16xf32>
      %select_n3A_443 = arith.select %gt3A_442, %select_n3A_440, %select_n3A_397 : vector<16xi1>, vector<16xf32>
      %select_n3A_444 = arith.select %gt3A_442, %select_n3A_441, %select_n3A_398 : vector<16xi1>, vector<16xi32>
      %select_n3A_445 = arith.select %gt3A_442, %select_n3A_397, %select_n3A_440 : vector<16xi1>, vector<16xf32>
      %select_n3A_446 = arith.select %gt3A_442, %select_n3A_398, %select_n3A_441 : vector<16xi1>, vector<16xi32>
      %add3A_447 = arith.constant 9 : i32
      %add3A_448 = vector.broadcast %add3A_447 : i32 to vector<16xi32>
      %add3A_449 = arith.addi %mul3A_35, %add3A_448 : vector<16xi32>
      %gather3A_450 = tpu.vector_load_idx %arg5[%add3A_449] : memref<32768xf32, #tpu.memory_space<vmem>>[vector<16xi32>], vector<16xf32>,
      %broadcast_in_dim3A_451 = arith.constant 9 : i32
      %broadcast_in_dim3A_452 = vector.broadcast %broadcast_in_dim3A_451 : i32 to vector<16xi32>
      %gt3A_453 = arith.cmpf ogt, %gather3A_450, %select_n3A_408 : vector<16xf32>
      %select_n3A_454 = arith.select %gt3A_453, %gather3A_450, %select_n3A_408 : vector<16xi1>, vector<16xf32>
      %select_n3A_455 = arith.select %gt3A_453, %broadcast_in_dim3A_452, %select_n3A_409 : vector<16xi1>, vector<16xi32>
      %select_n3A_456 = arith.select %gt3A_453, %select_n3A_408, %gather3A_450 : vector<16xi1>, vector<16xf32>
      %select_n3A_457 = arith.select %gt3A_453, %select_n3A_409, %broadcast_in_dim3A_452 : vector<16xi1>, vector<16xi32>
      %gt3A_458 = arith.cmpf ogt, %select_n3A_456, %select_n3A_413 : vector<16xf32>
      %select_n3A_459 = arith.select %gt3A_458, %select_n3A_456, %select_n3A_413 : vector<16xi1>, vector<16xf32>
      %select_n3A_460 = arith.select %gt3A_458, %select_n3A_457, %select_n3A_414 : vector<16xi1>, vector<16xi32>
      %select_n3A_461 = arith.select %gt3A_458, %select_n3A_413, %select_n3A_456 : vector<16xi1>, vector<16xf32>
      %select_n3A_462 = arith.select %gt3A_458, %select_n3A_414, %select_n3A_457 : vector<16xi1>, vector<16xi32>
      %gt3A_463 = arith.cmpf ogt, %select_n3A_461, %select_n3A_418 : vector<16xf32>
      %select_n3A_464 = arith.select %gt3A_463, %select_n3A_461, %select_n3A_418 : vector<16xi1>, vector<16xf32>
      %select_n3A_465 = arith.select %gt3A_463, %select_n3A_462, %select_n3A_419 : vector<16xi1>, vector<16xi32>
      %select_n3A_466 = arith.select %gt3A_463, %select_n3A_418, %select_n3A_461 : vector<16xi1>, vector<16xf32>
      %select_n3A_467 = arith.select %gt3A_463, %select_n3A_419, %select_n3A_462 : vector<16xi1>, vector<16xi32>
      %gt3A_468 = arith.cmpf ogt, %select_n3A_466, %select_n3A_423 : vector<16xf32>
      %select_n3A_469 = arith.select %gt3A_468, %select_n3A_466, %select_n3A_423 : vector<16xi1>, vector<16xf32>
      %select_n3A_470 = arith.select %gt3A_468, %select_n3A_467, %select_n3A_424 : vector<16xi1>, vector<16xi32>
      %select_n3A_471 = arith.select %gt3A_468, %select_n3A_423, %select_n3A_466 : vector<16xi1>, vector<16xf32>
      %select_n3A_472 = arith.select %gt3A_468, %select_n3A_424, %select_n3A_467 : vector<16xi1>, vector<16xi32>
      %gt3A_473 = arith.cmpf ogt, %select_n3A_471, %select_n3A_428 : vector<16xf32>
      %select_n3A_474 = arith.select %gt3A_473, %select_n3A_471, %select_n3A_428 : vector<16xi1>, vector<16xf32>
      %select_n3A_475 = arith.select %gt3A_473, %select_n3A_472, %select_n3A_429 : vector<16xi1>, vector<16xi32>
      %select_n3A_476 = arith.select %gt3A_473, %select_n3A_428, %select_n3A_471 : vector<16xi1>, vector<16xf32>
      %select_n3A_477 = arith.select %gt3A_473, %select_n3A_429, %select_n3A_472 : vector<16xi1>, vector<16xi32>
      %gt3A_478 = arith.cmpf ogt, %select_n3A_476, %select_n3A_433 : vector<16xf32>
      %select_n3A_479 = arith.select %gt3A_478, %select_n3A_476, %select_n3A_433 : vector<16xi1>, vector<16xf32>
      %select_n3A_480 = arith.select %gt3A_478, %select_n3A_477, %select_n3A_434 : vector<16xi1>, vector<16xi32>
      %select_n3A_481 = arith.select %gt3A_478, %select_n3A_433, %select_n3A_476 : vector<16xi1>, vector<16xf32>
      %select_n3A_482 = arith.select %gt3A_478, %select_n3A_434, %select_n3A_477 : vector<16xi1>, vector<16xi32>
      %gt3A_483 = arith.cmpf ogt, %select_n3A_481, %select_n3A_438 : vector<16xf32>
      %select_n3A_484 = arith.select %gt3A_483, %select_n3A_481, %select_n3A_438 : vector<16xi1>, vector<16xf32>
      %select_n3A_485 = arith.select %gt3A_483, %select_n3A_482, %select_n3A_439 : vector<16xi1>, vector<16xi32>
      %select_n3A_486 = arith.select %gt3A_483, %select_n3A_438, %select_n3A_481 : vector<16xi1>, vector<16xf32>
      %select_n3A_487 = arith.select %gt3A_483, %select_n3A_439, %select_n3A_482 : vector<16xi1>, vector<16xi32>
      %gt3A_488 = arith.cmpf ogt, %select_n3A_486, %select_n3A_443 : vector<16xf32>
      %select_n3A_489 = arith.select %gt3A_488, %select_n3A_486, %select_n3A_443 : vector<16xi1>, vector<16xf32>
      %select_n3A_490 = arith.select %gt3A_488, %select_n3A_487, %select_n3A_444 : vector<16xi1>, vector<16xi32>
      %select_n3A_491 = arith.select %gt3A_488, %select_n3A_443, %select_n3A_486 : vector<16xi1>, vector<16xf32>
      %select_n3A_492 = arith.select %gt3A_488, %select_n3A_444, %select_n3A_487 : vector<16xi1>, vector<16xi32>
      %add3A_493 = arith.constant 10 : i32
      %add3A_494 = vector.broadcast %add3A_493 : i32 to vector<16xi32>
      %add3A_495 = arith.addi %mul3A_35, %add3A_494 : vector<16xi32>
      %gather3A_496 = tpu.vector_load_idx %arg5[%add3A_495] : memref<32768xf32, #tpu.memory_space<vmem>>[vector<16xi32>], vector<16xf32>,
      %broadcast_in_dim3A_497 = arith.constant 10 : i32
      %broadcast_in_dim3A_498 = vector.broadcast %broadcast_in_dim3A_497 : i32 to vector<16xi32>
      %gt3A_499 = arith.cmpf ogt, %gather3A_496, %select_n3A_454 : vector<16xf32>
      %select_n3A_500 = arith.select %gt3A_499, %gather3A_496, %select_n3A_454 : vector<16xi1>, vector<16xf32>
      %select_n3A_501 = arith.select %gt3A_499, %broadcast_in_dim3A_498, %select_n3A_455 : vector<16xi1>, vector<16xi32>
      %select_n3A_502 = arith.select %gt3A_499, %select_n3A_454, %gather3A_496 : vector<16xi1>, vector<16xf32>
      %select_n3A_503 = arith.select %gt3A_499, %select_n3A_455, %broadcast_in_dim3A_498 : vector<16xi1>, vector<16xi32>
      %gt3A_504 = arith.cmpf ogt, %select_n3A_502, %select_n3A_459 : vector<16xf32>
      %select_n3A_505 = arith.select %gt3A_504, %select_n3A_502, %select_n3A_459 : vector<16xi1>, vector<16xf32>
      %select_n3A_506 = arith.select %gt3A_504, %select_n3A_503, %select_n3A_460 : vector<16xi1>, vector<16xi32>
      %select_n3A_507 = arith.select %gt3A_504, %select_n3A_459, %select_n3A_502 : vector<16xi1>, vector<16xf32>
      %select_n3A_508 = arith.select %gt3A_504, %select_n3A_460, %select_n3A_503 : vector<16xi1>, vector<16xi32>
      %gt3A_509 = arith.cmpf ogt, %select_n3A_507, %select_n3A_464 : vector<16xf32>
      %select_n3A_510 = arith.select %gt3A_509, %select_n3A_507, %select_n3A_464 : vector<16xi1>, vector<16xf32>
      %select_n3A_511 = arith.select %gt3A_509, %select_n3A_508, %select_n3A_465 : vector<16xi1>, vector<16xi32>
      %select_n3A_512 = arith.select %gt3A_509, %select_n3A_464, %select_n3A_507 : vector<16xi1>, vector<16xf32>
      %select_n3A_513 = arith.select %gt3A_509, %select_n3A_465, %select_n3A_508 : vector<16xi1>, vector<16xi32>
      %gt3A_514 = arith.cmpf ogt, %select_n3A_512, %select_n3A_469 : vector<16xf32>
      %select_n3A_515 = arith.select %gt3A_514, %select_n3A_512, %select_n3A_469 : vector<16xi1>, vector<16xf32>
      %select_n3A_516 = arith.select %gt3A_514, %select_n3A_513, %select_n3A_470 : vector<16xi1>, vector<16xi32>
      %select_n3A_517 = arith.select %gt3A_514, %select_n3A_469, %select_n3A_512 : vector<16xi1>, vector<16xf32>
      %select_n3A_518 = arith.select %gt3A_514, %select_n3A_470, %select_n3A_513 : vector<16xi1>, vector<16xi32>
      %gt3A_519 = arith.cmpf ogt, %select_n3A_517, %select_n3A_474 : vector<16xf32>
      %select_n3A_520 = arith.select %gt3A_519, %select_n3A_517, %select_n3A_474 : vector<16xi1>, vector<16xf32>
      %select_n3A_521 = arith.select %gt3A_519, %select_n3A_518, %select_n3A_475 : vector<16xi1>, vector<16xi32>
      %select_n3A_522 = arith.select %gt3A_519, %select_n3A_474, %select_n3A_517 : vector<16xi1>, vector<16xf32>
      %select_n3A_523 = arith.select %gt3A_519, %select_n3A_475, %select_n3A_518 : vector<16xi1>, vector<16xi32>
      %gt3A_524 = arith.cmpf ogt, %select_n3A_522, %select_n3A_479 : vector<16xf32>
      %select_n3A_525 = arith.select %gt3A_524, %select_n3A_522, %select_n3A_479 : vector<16xi1>, vector<16xf32>
      %select_n3A_526 = arith.select %gt3A_524, %select_n3A_523, %select_n3A_480 : vector<16xi1>, vector<16xi32>
      %select_n3A_527 = arith.select %gt3A_524, %select_n3A_479, %select_n3A_522 : vector<16xi1>, vector<16xf32>
      %select_n3A_528 = arith.select %gt3A_524, %select_n3A_480, %select_n3A_523 : vector<16xi1>, vector<16xi32>
      %gt3A_529 = arith.cmpf ogt, %select_n3A_527, %select_n3A_484 : vector<16xf32>
      %select_n3A_530 = arith.select %gt3A_529, %select_n3A_527, %select_n3A_484 : vector<16xi1>, vector<16xf32>
      %select_n3A_531 = arith.select %gt3A_529, %select_n3A_528, %select_n3A_485 : vector<16xi1>, vector<16xi32>
      %select_n3A_532 = arith.select %gt3A_529, %select_n3A_484, %select_n3A_527 : vector<16xi1>, vector<16xf32>
      %select_n3A_533 = arith.select %gt3A_529, %select_n3A_485, %select_n3A_528 : vector<16xi1>, vector<16xi32>
      %gt3A_534 = arith.cmpf ogt, %select_n3A_532, %select_n3A_489 : vector<16xf32>
      %select_n3A_535 = arith.select %gt3A_534, %select_n3A_532, %select_n3A_489 : vector<16xi1>, vector<16xf32>
      %select_n3A_536 = arith.select %gt3A_534, %select_n3A_533, %select_n3A_490 : vector<16xi1>, vector<16xi32>
      %select_n3A_537 = arith.select %gt3A_534, %select_n3A_489, %select_n3A_532 : vector<16xi1>, vector<16xf32>
      %select_n3A_538 = arith.select %gt3A_534, %select_n3A_490, %select_n3A_533 : vector<16xi1>, vector<16xi32>
      %add3A_539 = arith.constant 11 : i32
      %add3A_540 = vector.broadcast %add3A_539 : i32 to vector<16xi32>
      %add3A_541 = arith.addi %mul3A_35, %add3A_540 : vector<16xi32>
      %gather3A_542 = tpu.vector_load_idx %arg5[%add3A_541] : memref<32768xf32, #tpu.memory_space<vmem>>[vector<16xi32>], vector<16xf32>,
      %broadcast_in_dim3A_543 = arith.constant 11 : i32
      %broadcast_in_dim3A_544 = vector.broadcast %broadcast_in_dim3A_543 : i32 to vector<16xi32>
      %gt3A_545 = arith.cmpf ogt, %gather3A_542, %select_n3A_500 : vector<16xf32>
      %select_n3A_546 = arith.select %gt3A_545, %gather3A_542, %select_n3A_500 : vector<16xi1>, vector<16xf32>
      %select_n3A_547 = arith.select %gt3A_545, %broadcast_in_dim3A_544, %select_n3A_501 : vector<16xi1>, vector<16xi32>
      %select_n3A_548 = arith.select %gt3A_545, %select_n3A_500, %gather3A_542 : vector<16xi1>, vector<16xf32>
      %select_n3A_549 = arith.select %gt3A_545, %select_n3A_501, %broadcast_in_dim3A_544 : vector<16xi1>, vector<16xi32>
      %gt3A_550 = arith.cmpf ogt, %select_n3A_548, %select_n3A_505 : vector<16xf32>
      %select_n3A_551 = arith.select %gt3A_550, %select_n3A_548, %select_n3A_505 : vector<16xi1>, vector<16xf32>
      %select_n3A_552 = arith.select %gt3A_550, %select_n3A_549, %select_n3A_506 : vector<16xi1>, vector<16xi32>
      %select_n3A_553 = arith.select %gt3A_550, %select_n3A_505, %select_n3A_548 : vector<16xi1>, vector<16xf32>
      %select_n3A_554 = arith.select %gt3A_550, %select_n3A_506, %select_n3A_549 : vector<16xi1>, vector<16xi32>
      %gt3A_555 = arith.cmpf ogt, %select_n3A_553, %select_n3A_510 : vector<16xf32>
      %select_n3A_556 = arith.select %gt3A_555, %select_n3A_553, %select_n3A_510 : vector<16xi1>, vector<16xf32>
      %select_n3A_557 = arith.select %gt3A_555, %select_n3A_554, %select_n3A_511 : vector<16xi1>, vector<16xi32>
      %select_n3A_558 = arith.select %gt3A_555, %select_n3A_510, %select_n3A_553 : vector<16xi1>, vector<16xf32>
      %select_n3A_559 = arith.select %gt3A_555, %select_n3A_511, %select_n3A_554 : vector<16xi1>, vector<16xi32>
      %gt3A_560 = arith.cmpf ogt, %select_n3A_558, %select_n3A_515 : vector<16xf32>
      %select_n3A_561 = arith.select %gt3A_560, %select_n3A_558, %select_n3A_515 : vector<16xi1>, vector<16xf32>
      %select_n3A_562 = arith.select %gt3A_560, %select_n3A_559, %select_n3A_516 : vector<16xi1>, vector<16xi32>
      %select_n3A_563 = arith.select %gt3A_560, %select_n3A_515, %select_n3A_558 : vector<16xi1>, vector<16xf32>
      %select_n3A_564 = arith.select %gt3A_560, %select_n3A_516, %select_n3A_559 : vector<16xi1>, vector<16xi32>
      %gt3A_565 = arith.cmpf ogt, %select_n3A_563, %select_n3A_520 : vector<16xf32>
      %select_n3A_566 = arith.select %gt3A_565, %select_n3A_563, %select_n3A_520 : vector<16xi1>, vector<16xf32>
      %select_n3A_567 = arith.select %gt3A_565, %select_n3A_564, %select_n3A_521 : vector<16xi1>, vector<16xi32>
      %select_n3A_568 = arith.select %gt3A_565, %select_n3A_520, %select_n3A_563 : vector<16xi1>, vector<16xf32>
      %select_n3A_569 = arith.select %gt3A_565, %select_n3A_521, %select_n3A_564 : vector<16xi1>, vector<16xi32>
      %gt3A_570 = arith.cmpf ogt, %select_n3A_568, %select_n3A_525 : vector<16xf32>
      %select_n3A_571 = arith.select %gt3A_570, %select_n3A_568, %select_n3A_525 : vector<16xi1>, vector<16xf32>
      %select_n3A_572 = arith.select %gt3A_570, %select_n3A_569, %select_n3A_526 : vector<16xi1>, vector<16xi32>
      %select_n3A_573 = arith.select %gt3A_570, %select_n3A_525, %select_n3A_568 : vector<16xi1>, vector<16xf32>
      %select_n3A_574 = arith.select %gt3A_570, %select_n3A_526, %select_n3A_569 : vector<16xi1>, vector<16xi32>
      %gt3A_575 = arith.cmpf ogt, %select_n3A_573, %select_n3A_530 : vector<16xf32>
      %select_n3A_576 = arith.select %gt3A_575, %select_n3A_573, %select_n3A_530 : vector<16xi1>, vector<16xf32>
      %select_n3A_577 = arith.select %gt3A_575, %select_n3A_574, %select_n3A_531 : vector<16xi1>, vector<16xi32>
      %select_n3A_578 = arith.select %gt3A_575, %select_n3A_530, %select_n3A_573 : vector<16xi1>, vector<16xf32>
      %select_n3A_579 = arith.select %gt3A_575, %select_n3A_531, %select_n3A_574 : vector<16xi1>, vector<16xi32>
      %gt3A_580 = arith.cmpf ogt, %select_n3A_578, %select_n3A_535 : vector<16xf32>
      %select_n3A_581 = arith.select %gt3A_580, %select_n3A_578, %select_n3A_535 : vector<16xi1>, vector<16xf32>
      %select_n3A_582 = arith.select %gt3A_580, %select_n3A_579, %select_n3A_536 : vector<16xi1>, vector<16xi32>
      %select_n3A_583 = arith.select %gt3A_580, %select_n3A_535, %select_n3A_578 : vector<16xi1>, vector<16xf32>
      %select_n3A_584 = arith.select %gt3A_580, %select_n3A_536, %select_n3A_579 : vector<16xi1>, vector<16xi32>
      %add3A_585 = arith.constant 12 : i32
      %add3A_586 = vector.broadcast %add3A_585 : i32 to vector<16xi32>
      %add3A_587 = arith.addi %mul3A_35, %add3A_586 : vector<16xi32>
      %gather3A_588 = tpu.vector_load_idx %arg5[%add3A_587] : memref<32768xf32, #tpu.memory_space<vmem>>[vector<16xi32>], vector<16xf32>,
      %broadcast_in_dim3A_589 = arith.constant 12 : i32
      %broadcast_in_dim3A_590 = vector.broadcast %broadcast_in_dim3A_589 : i32 to vector<16xi32>
      %gt3A_591 = arith.cmpf ogt, %gather3A_588, %select_n3A_546 : vector<16xf32>
      %select_n3A_592 = arith.select %gt3A_591, %gather3A_588, %select_n3A_546 : vector<16xi1>, vector<16xf32>
      %select_n3A_593 = arith.select %gt3A_591, %broadcast_in_dim3A_590, %select_n3A_547 : vector<16xi1>, vector<16xi32>
      %select_n3A_594 = arith.select %gt3A_591, %select_n3A_546, %gather3A_588 : vector<16xi1>, vector<16xf32>
      %select_n3A_595 = arith.select %gt3A_591, %select_n3A_547, %broadcast_in_dim3A_590 : vector<16xi1>, vector<16xi32>
      %gt3A_596 = arith.cmpf ogt, %select_n3A_594, %select_n3A_551 : vector<16xf32>
      %select_n3A_597 = arith.select %gt3A_596, %select_n3A_594, %select_n3A_551 : vector<16xi1>, vector<16xf32>
      %select_n3A_598 = arith.select %gt3A_596, %select_n3A_595, %select_n3A_552 : vector<16xi1>, vector<16xi32>
      %select_n3A_599 = arith.select %gt3A_596, %select_n3A_551, %select_n3A_594 : vector<16xi1>, vector<16xf32>
      %select_n3A_600 = arith.select %gt3A_596, %select_n3A_552, %select_n3A_595 : vector<16xi1>, vector<16xi32>
      %gt3A_601 = arith.cmpf ogt, %select_n3A_599, %select_n3A_556 : vector<16xf32>
      %select_n3A_602 = arith.select %gt3A_601, %select_n3A_599, %select_n3A_556 : vector<16xi1>, vector<16xf32>
      %select_n3A_603 = arith.select %gt3A_601, %select_n3A_600, %select_n3A_557 : vector<16xi1>, vector<16xi32>
      %select_n3A_604 = arith.select %gt3A_601, %select_n3A_556, %select_n3A_599 : vector<16xi1>, vector<16xf32>
      %select_n3A_605 = arith.select %gt3A_601, %select_n3A_557, %select_n3A_600 : vector<16xi1>, vector<16xi32>
      %gt3A_606 = arith.cmpf ogt, %select_n3A_604, %select_n3A_561 : vector<16xf32>
      %select_n3A_607 = arith.select %gt3A_606, %select_n3A_604, %select_n3A_561 : vector<16xi1>, vector<16xf32>
      %select_n3A_608 = arith.select %gt3A_606, %select_n3A_605, %select_n3A_562 : vector<16xi1>, vector<16xi32>
      %select_n3A_609 = arith.select %gt3A_606, %select_n3A_561, %select_n3A_604 : vector<16xi1>, vector<16xf32>
      %select_n3A_610 = arith.select %gt3A_606, %select_n3A_562, %select_n3A_605 : vector<16xi1>, vector<16xi32>
      %gt3A_611 = arith.cmpf ogt, %select_n3A_609, %select_n3A_566 : vector<16xf32>
      %select_n3A_612 = arith.select %gt3A_611, %select_n3A_609, %select_n3A_566 : vector<16xi1>, vector<16xf32>
      %select_n3A_613 = arith.select %gt3A_611, %select_n3A_610, %select_n3A_567 : vector<16xi1>, vector<16xi32>
      %select_n3A_614 = arith.select %gt3A_611, %select_n3A_566, %select_n3A_609 : vector<16xi1>, vector<16xf32>
      %select_n3A_615 = arith.select %gt3A_611, %select_n3A_567, %select_n3A_610 : vector<16xi1>, vector<16xi32>
      %gt3A_616 = arith.cmpf ogt, %select_n3A_614, %select_n3A_571 : vector<16xf32>
      %select_n3A_617 = arith.select %gt3A_616, %select_n3A_614, %select_n3A_571 : vector<16xi1>, vector<16xf32>
      %select_n3A_618 = arith.select %gt3A_616, %select_n3A_615, %select_n3A_572 : vector<16xi1>, vector<16xi32>
      %select_n3A_619 = arith.select %gt3A_616, %select_n3A_571, %select_n3A_614 : vector<16xi1>, vector<16xf32>
      %select_n3A_620 = arith.select %gt3A_616, %select_n3A_572, %select_n3A_615 : vector<16xi1>, vector<16xi32>
      %gt3A_621 = arith.cmpf ogt, %select_n3A_619, %select_n3A_576 : vector<16xf32>
      %select_n3A_622 = arith.select %gt3A_621, %select_n3A_619, %select_n3A_576 : vector<16xi1>, vector<16xf32>
      %select_n3A_623 = arith.select %gt3A_621, %select_n3A_620, %select_n3A_577 : vector<16xi1>, vector<16xi32>
      %select_n3A_624 = arith.select %gt3A_621, %select_n3A_576, %select_n3A_619 : vector<16xi1>, vector<16xf32>
      %select_n3A_625 = arith.select %gt3A_621, %select_n3A_577, %select_n3A_620 : vector<16xi1>, vector<16xi32>
      %gt3A_626 = arith.cmpf ogt, %select_n3A_624, %select_n3A_581 : vector<16xf32>
      %select_n3A_627 = arith.select %gt3A_626, %select_n3A_624, %select_n3A_581 : vector<16xi1>, vector<16xf32>
      %select_n3A_628 = arith.select %gt3A_626, %select_n3A_625, %select_n3A_582 : vector<16xi1>, vector<16xi32>
      %select_n3A_629 = arith.select %gt3A_626, %select_n3A_581, %select_n3A_624 : vector<16xi1>, vector<16xf32>
      %select_n3A_630 = arith.select %gt3A_626, %select_n3A_582, %select_n3A_625 : vector<16xi1>, vector<16xi32>
      %add3A_631 = arith.constant 13 : i32
      %add3A_632 = vector.broadcast %add3A_631 : i32 to vector<16xi32>
      %add3A_633 = arith.addi %mul3A_35, %add3A_632 : vector<16xi32>
      %gather3A_634 = tpu.vector_load_idx %arg5[%add3A_633] : memref<32768xf32, #tpu.memory_space<vmem>>[vector<16xi32>], vector<16xf32>,
      %broadcast_in_dim3A_635 = arith.constant 13 : i32
      %broadcast_in_dim3A_636 = vector.broadcast %broadcast_in_dim3A_635 : i32 to vector<16xi32>
      %gt3A_637 = arith.cmpf ogt, %gather3A_634, %select_n3A_592 : vector<16xf32>
      %select_n3A_638 = arith.select %gt3A_637, %gather3A_634, %select_n3A_592 : vector<16xi1>, vector<16xf32>
      %select_n3A_639 = arith.select %gt3A_637, %broadcast_in_dim3A_636, %select_n3A_593 : vector<16xi1>, vector<16xi32>
      %select_n3A_640 = arith.select %gt3A_637, %select_n3A_592, %gather3A_634 : vector<16xi1>, vector<16xf32>
      %select_n3A_641 = arith.select %gt3A_637, %select_n3A_593, %broadcast_in_dim3A_636 : vector<16xi1>, vector<16xi32>
      %gt3A_642 = arith.cmpf ogt, %select_n3A_640, %select_n3A_597 : vector<16xf32>
      %select_n3A_643 = arith.select %gt3A_642, %select_n3A_640, %select_n3A_597 : vector<16xi1>, vector<16xf32>
      %select_n3A_644 = arith.select %gt3A_642, %select_n3A_641, %select_n3A_598 : vector<16xi1>, vector<16xi32>
      %select_n3A_645 = arith.select %gt3A_642, %select_n3A_597, %select_n3A_640 : vector<16xi1>, vector<16xf32>
      %select_n3A_646 = arith.select %gt3A_642, %select_n3A_598, %select_n3A_641 : vector<16xi1>, vector<16xi32>
      %gt3A_647 = arith.cmpf ogt, %select_n3A_645, %select_n3A_602 : vector<16xf32>
      %select_n3A_648 = arith.select %gt3A_647, %select_n3A_645, %select_n3A_602 : vector<16xi1>, vector<16xf32>
      %select_n3A_649 = arith.select %gt3A_647, %select_n3A_646, %select_n3A_603 : vector<16xi1>, vector<16xi32>
      %select_n3A_650 = arith.select %gt3A_647, %select_n3A_602, %select_n3A_645 : vector<16xi1>, vector<16xf32>
      %select_n3A_651 = arith.select %gt3A_647, %select_n3A_603, %select_n3A_646 : vector<16xi1>, vector<16xi32>
      %gt3A_652 = arith.cmpf ogt, %select_n3A_650, %select_n3A_607 : vector<16xf32>
      %select_n3A_653 = arith.select %gt3A_652, %select_n3A_650, %select_n3A_607 : vector<16xi1>, vector<16xf32>
      %select_n3A_654 = arith.select %gt3A_652, %select_n3A_651, %select_n3A_608 : vector<16xi1>, vector<16xi32>
      %select_n3A_655 = arith.select %gt3A_652, %select_n3A_607, %select_n3A_650 : vector<16xi1>, vector<16xf32>
      %select_n3A_656 = arith.select %gt3A_652, %select_n3A_608, %select_n3A_651 : vector<16xi1>, vector<16xi32>
      %gt3A_657 = arith.cmpf ogt, %select_n3A_655, %select_n3A_612 : vector<16xf32>
      %select_n3A_658 = arith.select %gt3A_657, %select_n3A_655, %select_n3A_612 : vector<16xi1>, vector<16xf32>
      %select_n3A_659 = arith.select %gt3A_657, %select_n3A_656, %select_n3A_613 : vector<16xi1>, vector<16xi32>
      %select_n3A_660 = arith.select %gt3A_657, %select_n3A_612, %select_n3A_655 : vector<16xi1>, vector<16xf32>
      %select_n3A_661 = arith.select %gt3A_657, %select_n3A_613, %select_n3A_656 : vector<16xi1>, vector<16xi32>
      %gt3A_662 = arith.cmpf ogt, %select_n3A_660, %select_n3A_617 : vector<16xf32>
      %select_n3A_663 = arith.select %gt3A_662, %select_n3A_660, %select_n3A_617 : vector<16xi1>, vector<16xf32>
      %select_n3A_664 = arith.select %gt3A_662, %select_n3A_661, %select_n3A_618 : vector<16xi1>, vector<16xi32>
      %select_n3A_665 = arith.select %gt3A_662, %select_n3A_617, %select_n3A_660 : vector<16xi1>, vector<16xf32>
      %select_n3A_666 = arith.select %gt3A_662, %select_n3A_618, %select_n3A_661 : vector<16xi1>, vector<16xi32>
      %gt3A_667 = arith.cmpf ogt, %select_n3A_665, %select_n3A_622 : vector<16xf32>
      %select_n3A_668 = arith.select %gt3A_667, %select_n3A_665, %select_n3A_622 : vector<16xi1>, vector<16xf32>
      %select_n3A_669 = arith.select %gt3A_667, %select_n3A_666, %select_n3A_623 : vector<16xi1>, vector<16xi32>
      %select_n3A_670 = arith.select %gt3A_667, %select_n3A_622, %select_n3A_665 : vector<16xi1>, vector<16xf32>
      %select_n3A_671 = arith.select %gt3A_667, %select_n3A_623, %select_n3A_666 : vector<16xi1>, vector<16xi32>
      %gt3A_672 = arith.cmpf ogt, %select_n3A_670, %select_n3A_627 : vector<16xf32>
      %select_n3A_673 = arith.select %gt3A_672, %select_n3A_670, %select_n3A_627 : vector<16xi1>, vector<16xf32>
      %select_n3A_674 = arith.select %gt3A_672, %select_n3A_671, %select_n3A_628 : vector<16xi1>, vector<16xi32>
      %select_n3A_675 = arith.select %gt3A_672, %select_n3A_627, %select_n3A_670 : vector<16xi1>, vector<16xf32>
      %select_n3A_676 = arith.select %gt3A_672, %select_n3A_628, %select_n3A_671 : vector<16xi1>, vector<16xi32>
      %add3A_677 = arith.constant 14 : i32
      %add3A_678 = vector.broadcast %add3A_677 : i32 to vector<16xi32>
      %add3A_679 = arith.addi %mul3A_35, %add3A_678 : vector<16xi32>
      %gather3A_680 = tpu.vector_load_idx %arg5[%add3A_679] : memref<32768xf32, #tpu.memory_space<vmem>>[vector<16xi32>], vector<16xf32>,
      %broadcast_in_dim3A_681 = arith.constant 14 : i32
      %broadcast_in_dim3A_682 = vector.broadcast %broadcast_in_dim3A_681 : i32 to vector<16xi32>
      %gt3A_683 = arith.cmpf ogt, %gather3A_680, %select_n3A_638 : vector<16xf32>
      %select_n3A_684 = arith.select %gt3A_683, %gather3A_680, %select_n3A_638 : vector<16xi1>, vector<16xf32>
      %select_n3A_685 = arith.select %gt3A_683, %broadcast_in_dim3A_682, %select_n3A_639 : vector<16xi1>, vector<16xi32>
      %select_n3A_686 = arith.select %gt3A_683, %select_n3A_638, %gather3A_680 : vector<16xi1>, vector<16xf32>
      %select_n3A_687 = arith.select %gt3A_683, %select_n3A_639, %broadcast_in_dim3A_682 : vector<16xi1>, vector<16xi32>
      %gt3A_688 = arith.cmpf ogt, %select_n3A_686, %select_n3A_643 : vector<16xf32>
      %select_n3A_689 = arith.select %gt3A_688, %select_n3A_686, %select_n3A_643 : vector<16xi1>, vector<16xf32>
      %select_n3A_690 = arith.select %gt3A_688, %select_n3A_687, %select_n3A_644 : vector<16xi1>, vector<16xi32>
      %select_n3A_691 = arith.select %gt3A_688, %select_n3A_643, %select_n3A_686 : vector<16xi1>, vector<16xf32>
      %select_n3A_692 = arith.select %gt3A_688, %select_n3A_644, %select_n3A_687 : vector<16xi1>, vector<16xi32>
      %gt3A_693 = arith.cmpf ogt, %select_n3A_691, %select_n3A_648 : vector<16xf32>
      %select_n3A_694 = arith.select %gt3A_693, %select_n3A_691, %select_n3A_648 : vector<16xi1>, vector<16xf32>
      %select_n3A_695 = arith.select %gt3A_693, %select_n3A_692, %select_n3A_649 : vector<16xi1>, vector<16xi32>
      %select_n3A_696 = arith.select %gt3A_693, %select_n3A_648, %select_n3A_691 : vector<16xi1>, vector<16xf32>
      %select_n3A_697 = arith.select %gt3A_693, %select_n3A_649, %select_n3A_692 : vector<16xi1>, vector<16xi32>
      %gt3A_698 = arith.cmpf ogt, %select_n3A_696, %select_n3A_653 : vector<16xf32>
      %select_n3A_699 = arith.select %gt3A_698, %select_n3A_696, %select_n3A_653 : vector<16xi1>, vector<16xf32>
      %select_n3A_700 = arith.select %gt3A_698, %select_n3A_697, %select_n3A_654 : vector<16xi1>, vector<16xi32>
      %select_n3A_701 = arith.select %gt3A_698, %select_n3A_653, %select_n3A_696 : vector<16xi1>, vector<16xf32>
      %select_n3A_702 = arith.select %gt3A_698, %select_n3A_654, %select_n3A_697 : vector<16xi1>, vector<16xi32>
      %gt3A_703 = arith.cmpf ogt, %select_n3A_701, %select_n3A_658 : vector<16xf32>
      %select_n3A_704 = arith.select %gt3A_703, %select_n3A_701, %select_n3A_658 : vector<16xi1>, vector<16xf32>
      %select_n3A_705 = arith.select %gt3A_703, %select_n3A_702, %select_n3A_659 : vector<16xi1>, vector<16xi32>
      %select_n3A_706 = arith.select %gt3A_703, %select_n3A_658, %select_n3A_701 : vector<16xi1>, vector<16xf32>
      %select_n3A_707 = arith.select %gt3A_703, %select_n3A_659, %select_n3A_702 : vector<16xi1>, vector<16xi32>
      %gt3A_708 = arith.cmpf ogt, %select_n3A_706, %select_n3A_663 : vector<16xf32>
      %select_n3A_709 = arith.select %gt3A_708, %select_n3A_706, %select_n3A_663 : vector<16xi1>, vector<16xf32>
      %select_n3A_710 = arith.select %gt3A_708, %select_n3A_707, %select_n3A_664 : vector<16xi1>, vector<16xi32>
      %select_n3A_711 = arith.select %gt3A_708, %select_n3A_663, %select_n3A_706 : vector<16xi1>, vector<16xf32>
      %select_n3A_712 = arith.select %gt3A_708, %select_n3A_664, %select_n3A_707 : vector<16xi1>, vector<16xi32>
      %gt3A_713 = arith.cmpf ogt, %select_n3A_711, %select_n3A_668 : vector<16xf32>
      %select_n3A_714 = arith.select %gt3A_713, %select_n3A_711, %select_n3A_668 : vector<16xi1>, vector<16xf32>
      %select_n3A_715 = arith.select %gt3A_713, %select_n3A_712, %select_n3A_669 : vector<16xi1>, vector<16xi32>
      %select_n3A_716 = arith.select %gt3A_713, %select_n3A_668, %select_n3A_711 : vector<16xi1>, vector<16xf32>
      %select_n3A_717 = arith.select %gt3A_713, %select_n3A_669, %select_n3A_712 : vector<16xi1>, vector<16xi32>
      %gt3A_718 = arith.cmpf ogt, %select_n3A_716, %select_n3A_673 : vector<16xf32>
      %select_n3A_719 = arith.select %gt3A_718, %select_n3A_716, %select_n3A_673 : vector<16xi1>, vector<16xf32>
      %select_n3A_720 = arith.select %gt3A_718, %select_n3A_717, %select_n3A_674 : vector<16xi1>, vector<16xi32>
      %select_n3A_721 = arith.select %gt3A_718, %select_n3A_673, %select_n3A_716 : vector<16xi1>, vector<16xf32>
      %select_n3A_722 = arith.select %gt3A_718, %select_n3A_674, %select_n3A_717 : vector<16xi1>, vector<16xi32>
      %add3A_723 = arith.constant 15 : i32
      %add3A_724 = vector.broadcast %add3A_723 : i32 to vector<16xi32>
      %add3A_725 = arith.addi %mul3A_35, %add3A_724 : vector<16xi32>
      %gather3A_726 = tpu.vector_load_idx %arg5[%add3A_725] : memref<32768xf32, #tpu.memory_space<vmem>>[vector<16xi32>], vector<16xf32>,
      %broadcast_in_dim3A_727 = arith.constant 15 : i32
      %broadcast_in_dim3A_728 = vector.broadcast %broadcast_in_dim3A_727 : i32 to vector<16xi32>
      %gt3A_729 = arith.cmpf ogt, %gather3A_726, %select_n3A_684 : vector<16xf32>
      %select_n3A_730 = arith.select %gt3A_729, %gather3A_726, %select_n3A_684 : vector<16xi1>, vector<16xf32>
      %select_n3A_731 = arith.select %gt3A_729, %broadcast_in_dim3A_728, %select_n3A_685 : vector<16xi1>, vector<16xi32>
      %select_n3A_732 = arith.select %gt3A_729, %select_n3A_684, %gather3A_726 : vector<16xi1>, vector<16xf32>
      %select_n3A_733 = arith.select %gt3A_729, %select_n3A_685, %broadcast_in_dim3A_728 : vector<16xi1>, vector<16xi32>
      %gt3A_734 = arith.cmpf ogt, %select_n3A_732, %select_n3A_689 : vector<16xf32>
      %select_n3A_735 = arith.select %gt3A_734, %select_n3A_732, %select_n3A_689 : vector<16xi1>, vector<16xf32>
      %select_n3A_736 = arith.select %gt3A_734, %select_n3A_733, %select_n3A_690 : vector<16xi1>, vector<16xi32>
      %select_n3A_737 = arith.select %gt3A_734, %select_n3A_689, %select_n3A_732 : vector<16xi1>, vector<16xf32>
      %select_n3A_738 = arith.select %gt3A_734, %select_n3A_690, %select_n3A_733 : vector<16xi1>, vector<16xi32>
      %gt3A_739 = arith.cmpf ogt, %select_n3A_737, %select_n3A_694 : vector<16xf32>
      %select_n3A_740 = arith.select %gt3A_739, %select_n3A_737, %select_n3A_694 : vector<16xi1>, vector<16xf32>
      %select_n3A_741 = arith.select %gt3A_739, %select_n3A_738, %select_n3A_695 : vector<16xi1>, vector<16xi32>
      %select_n3A_742 = arith.select %gt3A_739, %select_n3A_694, %select_n3A_737 : vector<16xi1>, vector<16xf32>
      %select_n3A_743 = arith.select %gt3A_739, %select_n3A_695, %select_n3A_738 : vector<16xi1>, vector<16xi32>
      %gt3A_744 = arith.cmpf ogt, %select_n3A_742, %select_n3A_699 : vector<16xf32>
      %select_n3A_745 = arith.select %gt3A_744, %select_n3A_742, %select_n3A_699 : vector<16xi1>, vector<16xf32>
      %select_n3A_746 = arith.select %gt3A_744, %select_n3A_743, %select_n3A_700 : vector<16xi1>, vector<16xi32>
      %select_n3A_747 = arith.select %gt3A_744, %select_n3A_699, %select_n3A_742 : vector<16xi1>, vector<16xf32>
      %select_n3A_748 = arith.select %gt3A_744, %select_n3A_700, %select_n3A_743 : vector<16xi1>, vector<16xi32>
      %gt3A_749 = arith.cmpf ogt, %select_n3A_747, %select_n3A_704 : vector<16xf32>
      %select_n3A_750 = arith.select %gt3A_749, %select_n3A_747, %select_n3A_704 : vector<16xi1>, vector<16xf32>
      %select_n3A_751 = arith.select %gt3A_749, %select_n3A_748, %select_n3A_705 : vector<16xi1>, vector<16xi32>
      %select_n3A_752 = arith.select %gt3A_749, %select_n3A_704, %select_n3A_747 : vector<16xi1>, vector<16xf32>
      %select_n3A_753 = arith.select %gt3A_749, %select_n3A_705, %select_n3A_748 : vector<16xi1>, vector<16xi32>
      %gt3A_754 = arith.cmpf ogt, %select_n3A_752, %select_n3A_709 : vector<16xf32>
      %select_n3A_755 = arith.select %gt3A_754, %select_n3A_752, %select_n3A_709 : vector<16xi1>, vector<16xf32>
      %select_n3A_756 = arith.select %gt3A_754, %select_n3A_753, %select_n3A_710 : vector<16xi1>, vector<16xi32>
      %select_n3A_757 = arith.select %gt3A_754, %select_n3A_709, %select_n3A_752 : vector<16xi1>, vector<16xf32>
      %select_n3A_758 = arith.select %gt3A_754, %select_n3A_710, %select_n3A_753 : vector<16xi1>, vector<16xi32>
      %gt3A_759 = arith.cmpf ogt, %select_n3A_757, %select_n3A_714 : vector<16xf32>
      %select_n3A_760 = arith.select %gt3A_759, %select_n3A_757, %select_n3A_714 : vector<16xi1>, vector<16xf32>
      %select_n3A_761 = arith.select %gt3A_759, %select_n3A_758, %select_n3A_715 : vector<16xi1>, vector<16xi32>
      %select_n3A_762 = arith.select %gt3A_759, %select_n3A_714, %select_n3A_757 : vector<16xi1>, vector<16xf32>
      %select_n3A_763 = arith.select %gt3A_759, %select_n3A_715, %select_n3A_758 : vector<16xi1>, vector<16xi32>
      %gt3A_764 = arith.cmpf ogt, %select_n3A_762, %select_n3A_719 : vector<16xf32>
      %select_n3A_765 = arith.select %gt3A_764, %select_n3A_762, %select_n3A_719 : vector<16xi1>, vector<16xf32>
      %select_n3A_766 = arith.select %gt3A_764, %select_n3A_763, %select_n3A_720 : vector<16xi1>, vector<16xi32>
      %select_n3A_767 = arith.select %gt3A_764, %select_n3A_719, %select_n3A_762 : vector<16xi1>, vector<16xf32>
      %select_n3A_768 = arith.select %gt3A_764, %select_n3A_720, %select_n3A_763 : vector<16xi1>, vector<16xi32>
      %add3A_769 = arith.constant 16 : i32
      %add3A_770 = vector.broadcast %add3A_769 : i32 to vector<16xi32>
      %add3A_771 = arith.addi %mul3A_35, %add3A_770 : vector<16xi32>
      %gather3A_772 = tpu.vector_load_idx %arg5[%add3A_771] : memref<32768xf32, #tpu.memory_space<vmem>>[vector<16xi32>], vector<16xf32>,
      %broadcast_in_dim3A_773 = arith.constant 16 : i32
      %broadcast_in_dim3A_774 = vector.broadcast %broadcast_in_dim3A_773 : i32 to vector<16xi32>
      %gt3A_775 = arith.cmpf ogt, %gather3A_772, %select_n3A_730 : vector<16xf32>
      %select_n3A_776 = arith.select %gt3A_775, %gather3A_772, %select_n3A_730 : vector<16xi1>, vector<16xf32>
      %select_n3A_777 = arith.select %gt3A_775, %broadcast_in_dim3A_774, %select_n3A_731 : vector<16xi1>, vector<16xi32>
      %select_n3A_778 = arith.select %gt3A_775, %select_n3A_730, %gather3A_772 : vector<16xi1>, vector<16xf32>
      %select_n3A_779 = arith.select %gt3A_775, %select_n3A_731, %broadcast_in_dim3A_774 : vector<16xi1>, vector<16xi32>
      %gt3A_780 = arith.cmpf ogt, %select_n3A_778, %select_n3A_735 : vector<16xf32>
      %select_n3A_781 = arith.select %gt3A_780, %select_n3A_778, %select_n3A_735 : vector<16xi1>, vector<16xf32>
      %select_n3A_782 = arith.select %gt3A_780, %select_n3A_779, %select_n3A_736 : vector<16xi1>, vector<16xi32>
      %select_n3A_783 = arith.select %gt3A_780, %select_n3A_735, %select_n3A_778 : vector<16xi1>, vector<16xf32>
      %select_n3A_784 = arith.select %gt3A_780, %select_n3A_736, %select_n3A_779 : vector<16xi1>, vector<16xi32>
      %gt3A_785 = arith.cmpf ogt, %select_n3A_783, %select_n3A_740 : vector<16xf32>
      %select_n3A_786 = arith.select %gt3A_785, %select_n3A_783, %select_n3A_740 : vector<16xi1>, vector<16xf32>
      %select_n3A_787 = arith.select %gt3A_785, %select_n3A_784, %select_n3A_741 : vector<16xi1>, vector<16xi32>
      %select_n3A_788 = arith.select %gt3A_785, %select_n3A_740, %select_n3A_783 : vector<16xi1>, vector<16xf32>
      %select_n3A_789 = arith.select %gt3A_785, %select_n3A_741, %select_n3A_784 : vector<16xi1>, vector<16xi32>
      %gt3A_790 = arith.cmpf ogt, %select_n3A_788, %select_n3A_745 : vector<16xf32>
      %select_n3A_791 = arith.select %gt3A_790, %select_n3A_788, %select_n3A_745 : vector<16xi1>, vector<16xf32>
      %select_n3A_792 = arith.select %gt3A_790, %select_n3A_789, %select_n3A_746 : vector<16xi1>, vector<16xi32>
      %select_n3A_793 = arith.select %gt3A_790, %select_n3A_745, %select_n3A_788 : vector<16xi1>, vector<16xf32>
      %select_n3A_794 = arith.select %gt3A_790, %select_n3A_746, %select_n3A_789 : vector<16xi1>, vector<16xi32>
      %gt3A_795 = arith.cmpf ogt, %select_n3A_793, %select_n3A_750 : vector<16xf32>
      %select_n3A_796 = arith.select %gt3A_795, %select_n3A_793, %select_n3A_750 : vector<16xi1>, vector<16xf32>
      %select_n3A_797 = arith.select %gt3A_795, %select_n3A_794, %select_n3A_751 : vector<16xi1>, vector<16xi32>
      %select_n3A_798 = arith.select %gt3A_795, %select_n3A_750, %select_n3A_793 : vector<16xi1>, vector<16xf32>
      %select_n3A_799 = arith.select %gt3A_795, %select_n3A_751, %select_n3A_794 : vector<16xi1>, vector<16xi32>
      %gt3A_800 = arith.cmpf ogt, %select_n3A_798, %select_n3A_755 : vector<16xf32>
      %select_n3A_801 = arith.select %gt3A_800, %select_n3A_798, %select_n3A_755 : vector<16xi1>, vector<16xf32>
      %select_n3A_802 = arith.select %gt3A_800, %select_n3A_799, %select_n3A_756 : vector<16xi1>, vector<16xi32>
      %select_n3A_803 = arith.select %gt3A_800, %select_n3A_755, %select_n3A_798 : vector<16xi1>, vector<16xf32>
      %select_n3A_804 = arith.select %gt3A_800, %select_n3A_756, %select_n3A_799 : vector<16xi1>, vector<16xi32>
      %gt3A_805 = arith.cmpf ogt, %select_n3A_803, %select_n3A_760 : vector<16xf32>
      %select_n3A_806 = arith.select %gt3A_805, %select_n3A_803, %select_n3A_760 : vector<16xi1>, vector<16xf32>
      %select_n3A_807 = arith.select %gt3A_805, %select_n3A_804, %select_n3A_761 : vector<16xi1>, vector<16xi32>
      %select_n3A_808 = arith.select %gt3A_805, %select_n3A_760, %select_n3A_803 : vector<16xi1>, vector<16xf32>
      %select_n3A_809 = arith.select %gt3A_805, %select_n3A_761, %select_n3A_804 : vector<16xi1>, vector<16xi32>
      %gt3A_810 = arith.cmpf ogt, %select_n3A_808, %select_n3A_765 : vector<16xf32>
      %select_n3A_811 = arith.select %gt3A_810, %select_n3A_808, %select_n3A_765 : vector<16xi1>, vector<16xf32>
      %select_n3A_812 = arith.select %gt3A_810, %select_n3A_809, %select_n3A_766 : vector<16xi1>, vector<16xi32>
      %select_n3A_813 = arith.select %gt3A_810, %select_n3A_765, %select_n3A_808 : vector<16xi1>, vector<16xf32>
      %select_n3A_814 = arith.select %gt3A_810, %select_n3A_766, %select_n3A_809 : vector<16xi1>, vector<16xi32>
      %add3A_815 = arith.constant 17 : i32
      %add3A_816 = vector.broadcast %add3A_815 : i32 to vector<16xi32>
      %add3A_817 = arith.addi %mul3A_35, %add3A_816 : vector<16xi32>
      %gather3A_818 = tpu.vector_load_idx %arg5[%add3A_817] : memref<32768xf32, #tpu.memory_space<vmem>>[vector<16xi32>], vector<16xf32>,
      %broadcast_in_dim3A_819 = arith.constant 17 : i32
      %broadcast_in_dim3A_820 = vector.broadcast %broadcast_in_dim3A_819 : i32 to vector<16xi32>
      %gt3A_821 = arith.cmpf ogt, %gather3A_818, %select_n3A_776 : vector<16xf32>
      %select_n3A_822 = arith.select %gt3A_821, %gather3A_818, %select_n3A_776 : vector<16xi1>, vector<16xf32>
      %select_n3A_823 = arith.select %gt3A_821, %broadcast_in_dim3A_820, %select_n3A_777 : vector<16xi1>, vector<16xi32>
      %select_n3A_824 = arith.select %gt3A_821, %select_n3A_776, %gather3A_818 : vector<16xi1>, vector<16xf32>
      %select_n3A_825 = arith.select %gt3A_821, %select_n3A_777, %broadcast_in_dim3A_820 : vector<16xi1>, vector<16xi32>
      %gt3A_826 = arith.cmpf ogt, %select_n3A_824, %select_n3A_781 : vector<16xf32>
      %select_n3A_827 = arith.select %gt3A_826, %select_n3A_824, %select_n3A_781 : vector<16xi1>, vector<16xf32>
      %select_n3A_828 = arith.select %gt3A_826, %select_n3A_825, %select_n3A_782 : vector<16xi1>, vector<16xi32>
      %select_n3A_829 = arith.select %gt3A_826, %select_n3A_781, %select_n3A_824 : vector<16xi1>, vector<16xf32>
      %select_n3A_830 = arith.select %gt3A_826, %select_n3A_782, %select_n3A_825 : vector<16xi1>, vector<16xi32>
      %gt3A_831 = arith.cmpf ogt, %select_n3A_829, %select_n3A_786 : vector<16xf32>
      %select_n3A_832 = arith.select %gt3A_831, %select_n3A_829, %select_n3A_786 : vector<16xi1>, vector<16xf32>
      %select_n3A_833 = arith.select %gt3A_831, %select_n3A_830, %select_n3A_787 : vector<16xi1>, vector<16xi32>
      %select_n3A_834 = arith.select %gt3A_831, %select_n3A_786, %select_n3A_829 : vector<16xi1>, vector<16xf32>
      %select_n3A_835 = arith.select %gt3A_831, %select_n3A_787, %select_n3A_830 : vector<16xi1>, vector<16xi32>
      %gt3A_836 = arith.cmpf ogt, %select_n3A_834, %select_n3A_791 : vector<16xf32>
      %select_n3A_837 = arith.select %gt3A_836, %select_n3A_834, %select_n3A_791 : vector<16xi1>, vector<16xf32>
      %select_n3A_838 = arith.select %gt3A_836, %select_n3A_835, %select_n3A_792 : vector<16xi1>, vector<16xi32>
      %select_n3A_839 = arith.select %gt3A_836, %select_n3A_791, %select_n3A_834 : vector<16xi1>, vector<16xf32>
      %select_n3A_840 = arith.select %gt3A_836, %select_n3A_792, %select_n3A_835 : vector<16xi1>, vector<16xi32>
      %gt3A_841 = arith.cmpf ogt, %select_n3A_839, %select_n3A_796 : vector<16xf32>
      %select_n3A_842 = arith.select %gt3A_841, %select_n3A_839, %select_n3A_796 : vector<16xi1>, vector<16xf32>
      %select_n3A_843 = arith.select %gt3A_841, %select_n3A_840, %select_n3A_797 : vector<16xi1>, vector<16xi32>
      %select_n3A_844 = arith.select %gt3A_841, %select_n3A_796, %select_n3A_839 : vector<16xi1>, vector<16xf32>
      %select_n3A_845 = arith.select %gt3A_841, %select_n3A_797, %select_n3A_840 : vector<16xi1>, vector<16xi32>
      %gt3A_846 = arith.cmpf ogt, %select_n3A_844, %select_n3A_801 : vector<16xf32>
      %select_n3A_847 = arith.select %gt3A_846, %select_n3A_844, %select_n3A_801 : vector<16xi1>, vector<16xf32>
      %select_n3A_848 = arith.select %gt3A_846, %select_n3A_845, %select_n3A_802 : vector<16xi1>, vector<16xi32>
      %select_n3A_849 = arith.select %gt3A_846, %select_n3A_801, %select_n3A_844 : vector<16xi1>, vector<16xf32>
      %select_n3A_850 = arith.select %gt3A_846, %select_n3A_802, %select_n3A_845 : vector<16xi1>, vector<16xi32>
      %gt3A_851 = arith.cmpf ogt, %select_n3A_849, %select_n3A_806 : vector<16xf32>
      %select_n3A_852 = arith.select %gt3A_851, %select_n3A_849, %select_n3A_806 : vector<16xi1>, vector<16xf32>
      %select_n3A_853 = arith.select %gt3A_851, %select_n3A_850, %select_n3A_807 : vector<16xi1>, vector<16xi32>
      %select_n3A_854 = arith.select %gt3A_851, %select_n3A_806, %select_n3A_849 : vector<16xi1>, vector<16xf32>
      %select_n3A_855 = arith.select %gt3A_851, %select_n3A_807, %select_n3A_850 : vector<16xi1>, vector<16xi32>
      %gt3A_856 = arith.cmpf ogt, %select_n3A_854, %select_n3A_811 : vector<16xf32>
      %select_n3A_857 = arith.select %gt3A_856, %select_n3A_854, %select_n3A_811 : vector<16xi1>, vector<16xf32>
      %select_n3A_858 = arith.select %gt3A_856, %select_n3A_855, %select_n3A_812 : vector<16xi1>, vector<16xi32>
      %select_n3A_859 = arith.select %gt3A_856, %select_n3A_811, %select_n3A_854 : vector<16xi1>, vector<16xf32>
      %select_n3A_860 = arith.select %gt3A_856, %select_n3A_812, %select_n3A_855 : vector<16xi1>, vector<16xi32>
      %add3A_861 = arith.constant 18 : i32
      %add3A_862 = vector.broadcast %add3A_861 : i32 to vector<16xi32>
      %add3A_863 = arith.addi %mul3A_35, %add3A_862 : vector<16xi32>
      %gather3A_864 = tpu.vector_load_idx %arg5[%add3A_863] : memref<32768xf32, #tpu.memory_space<vmem>>[vector<16xi32>], vector<16xf32>,
      %broadcast_in_dim3A_865 = arith.constant 18 : i32
      %broadcast_in_dim3A_866 = vector.broadcast %broadcast_in_dim3A_865 : i32 to vector<16xi32>
      %gt3A_867 = arith.cmpf ogt, %gather3A_864, %select_n3A_822 : vector<16xf32>
      %select_n3A_868 = arith.select %gt3A_867, %gather3A_864, %select_n3A_822 : vector<16xi1>, vector<16xf32>
      %select_n3A_869 = arith.select %gt3A_867, %broadcast_in_dim3A_866, %select_n3A_823 : vector<16xi1>, vector<16xi32>
      %select_n3A_870 = arith.select %gt3A_867, %select_n3A_822, %gather3A_864 : vector<16xi1>, vector<16xf32>
      %select_n3A_871 = arith.select %gt3A_867, %select_n3A_823, %broadcast_in_dim3A_866 : vector<16xi1>, vector<16xi32>
      %gt3A_872 = arith.cmpf ogt, %select_n3A_870, %select_n3A_827 : vector<16xf32>
      %select_n3A_873 = arith.select %gt3A_872, %select_n3A_870, %select_n3A_827 : vector<16xi1>, vector<16xf32>
      %select_n3A_874 = arith.select %gt3A_872, %select_n3A_871, %select_n3A_828 : vector<16xi1>, vector<16xi32>
      %select_n3A_875 = arith.select %gt3A_872, %select_n3A_827, %select_n3A_870 : vector<16xi1>, vector<16xf32>
      %select_n3A_876 = arith.select %gt3A_872, %select_n3A_828, %select_n3A_871 : vector<16xi1>, vector<16xi32>
      %gt3A_877 = arith.cmpf ogt, %select_n3A_875, %select_n3A_832 : vector<16xf32>
      %select_n3A_878 = arith.select %gt3A_877, %select_n3A_875, %select_n3A_832 : vector<16xi1>, vector<16xf32>
      %select_n3A_879 = arith.select %gt3A_877, %select_n3A_876, %select_n3A_833 : vector<16xi1>, vector<16xi32>
      %select_n3A_880 = arith.select %gt3A_877, %select_n3A_832, %select_n3A_875 : vector<16xi1>, vector<16xf32>
      %select_n3A_881 = arith.select %gt3A_877, %select_n3A_833, %select_n3A_876 : vector<16xi1>, vector<16xi32>
      %gt3A_882 = arith.cmpf ogt, %select_n3A_880, %select_n3A_837 : vector<16xf32>
      %select_n3A_883 = arith.select %gt3A_882, %select_n3A_880, %select_n3A_837 : vector<16xi1>, vector<16xf32>
      %select_n3A_884 = arith.select %gt3A_882, %select_n3A_881, %select_n3A_838 : vector<16xi1>, vector<16xi32>
      %select_n3A_885 = arith.select %gt3A_882, %select_n3A_837, %select_n3A_880 : vector<16xi1>, vector<16xf32>
      %select_n3A_886 = arith.select %gt3A_882, %select_n3A_838, %select_n3A_881 : vector<16xi1>, vector<16xi32>
      %gt3A_887 = arith.cmpf ogt, %select_n3A_885, %select_n3A_842 : vector<16xf32>
      %select_n3A_888 = arith.select %gt3A_887, %select_n3A_885, %select_n3A_842 : vector<16xi1>, vector<16xf32>
      %select_n3A_889 = arith.select %gt3A_887, %select_n3A_886, %select_n3A_843 : vector<16xi1>, vector<16xi32>
      %select_n3A_890 = arith.select %gt3A_887, %select_n3A_842, %select_n3A_885 : vector<16xi1>, vector<16xf32>
      %select_n3A_891 = arith.select %gt3A_887, %select_n3A_843, %select_n3A_886 : vector<16xi1>, vector<16xi32>
      %gt3A_892 = arith.cmpf ogt, %select_n3A_890, %select_n3A_847 : vector<16xf32>
      %select_n3A_893 = arith.select %gt3A_892, %select_n3A_890, %select_n3A_847 : vector<16xi1>, vector<16xf32>
      %select_n3A_894 = arith.select %gt3A_892, %select_n3A_891, %select_n3A_848 : vector<16xi1>, vector<16xi32>
      %select_n3A_895 = arith.select %gt3A_892, %select_n3A_847, %select_n3A_890 : vector<16xi1>, vector<16xf32>
      %select_n3A_896 = arith.select %gt3A_892, %select_n3A_848, %select_n3A_891 : vector<16xi1>, vector<16xi32>
      %gt3A_897 = arith.cmpf ogt, %select_n3A_895, %select_n3A_852 : vector<16xf32>
      %select_n3A_898 = arith.select %gt3A_897, %select_n3A_895, %select_n3A_852 : vector<16xi1>, vector<16xf32>
      %select_n3A_899 = arith.select %gt3A_897, %select_n3A_896, %select_n3A_853 : vector<16xi1>, vector<16xi32>
      %select_n3A_900 = arith.select %gt3A_897, %select_n3A_852, %select_n3A_895 : vector<16xi1>, vector<16xf32>
      %select_n3A_901 = arith.select %gt3A_897, %select_n3A_853, %select_n3A_896 : vector<16xi1>, vector<16xi32>
      %gt3A_902 = arith.cmpf ogt, %select_n3A_900, %select_n3A_857 : vector<16xf32>
      %select_n3A_903 = arith.select %gt3A_902, %select_n3A_900, %select_n3A_857 : vector<16xi1>, vector<16xf32>
      %select_n3A_904 = arith.select %gt3A_902, %select_n3A_901, %select_n3A_858 : vector<16xi1>, vector<16xi32>
      %select_n3A_905 = arith.select %gt3A_902, %select_n3A_857, %select_n3A_900 : vector<16xi1>, vector<16xf32>
      %select_n3A_906 = arith.select %gt3A_902, %select_n3A_858, %select_n3A_901 : vector<16xi1>, vector<16xi32>
      %add3A_907 = arith.constant 19 : i32
      %add3A_908 = vector.broadcast %add3A_907 : i32 to vector<16xi32>
      %add3A_909 = arith.addi %mul3A_35, %add3A_908 : vector<16xi32>
      %gather3A_910 = tpu.vector_load_idx %arg5[%add3A_909] : memref<32768xf32, #tpu.memory_space<vmem>>[vector<16xi32>], vector<16xf32>,
      %broadcast_in_dim3A_911 = arith.constant 19 : i32
      %broadcast_in_dim3A_912 = vector.broadcast %broadcast_in_dim3A_911 : i32 to vector<16xi32>
      %gt3A_913 = arith.cmpf ogt, %gather3A_910, %select_n3A_868 : vector<16xf32>
      %select_n3A_914 = arith.select %gt3A_913, %gather3A_910, %select_n3A_868 : vector<16xi1>, vector<16xf32>
      %select_n3A_915 = arith.select %gt3A_913, %broadcast_in_dim3A_912, %select_n3A_869 : vector<16xi1>, vector<16xi32>
      %select_n3A_916 = arith.select %gt3A_913, %select_n3A_868, %gather3A_910 : vector<16xi1>, vector<16xf32>
      %select_n3A_917 = arith.select %gt3A_913, %select_n3A_869, %broadcast_in_dim3A_912 : vector<16xi1>, vector<16xi32>
      %gt3A_918 = arith.cmpf ogt, %select_n3A_916, %select_n3A_873 : vector<16xf32>
      %select_n3A_919 = arith.select %gt3A_918, %select_n3A_916, %select_n3A_873 : vector<16xi1>, vector<16xf32>
      %select_n3A_920 = arith.select %gt3A_918, %select_n3A_917, %select_n3A_874 : vector<16xi1>, vector<16xi32>
      %select_n3A_921 = arith.select %gt3A_918, %select_n3A_873, %select_n3A_916 : vector<16xi1>, vector<16xf32>
      %select_n3A_922 = arith.select %gt3A_918, %select_n3A_874, %select_n3A_917 : vector<16xi1>, vector<16xi32>
      %gt3A_923 = arith.cmpf ogt, %select_n3A_921, %select_n3A_878 : vector<16xf32>
      %select_n3A_924 = arith.select %gt3A_923, %select_n3A_921, %select_n3A_878 : vector<16xi1>, vector<16xf32>
      %select_n3A_925 = arith.select %gt3A_923, %select_n3A_922, %select_n3A_879 : vector<16xi1>, vector<16xi32>
      %select_n3A_926 = arith.select %gt3A_923, %select_n3A_878, %select_n3A_921 : vector<16xi1>, vector<16xf32>
      %select_n3A_927 = arith.select %gt3A_923, %select_n3A_879, %select_n3A_922 : vector<16xi1>, vector<16xi32>
      %gt3A_928 = arith.cmpf ogt, %select_n3A_926, %select_n3A_883 : vector<16xf32>
      %select_n3A_929 = arith.select %gt3A_928, %select_n3A_926, %select_n3A_883 : vector<16xi1>, vector<16xf32>
      %select_n3A_930 = arith.select %gt3A_928, %select_n3A_927, %select_n3A_884 : vector<16xi1>, vector<16xi32>
      %select_n3A_931 = arith.select %gt3A_928, %select_n3A_883, %select_n3A_926 : vector<16xi1>, vector<16xf32>
      %select_n3A_932 = arith.select %gt3A_928, %select_n3A_884, %select_n3A_927 : vector<16xi1>, vector<16xi32>
      %gt3A_933 = arith.cmpf ogt, %select_n3A_931, %select_n3A_888 : vector<16xf32>
      %select_n3A_934 = arith.select %gt3A_933, %select_n3A_931, %select_n3A_888 : vector<16xi1>, vector<16xf32>
      %select_n3A_935 = arith.select %gt3A_933, %select_n3A_932, %select_n3A_889 : vector<16xi1>, vector<16xi32>
      %select_n3A_936 = arith.select %gt3A_933, %select_n3A_888, %select_n3A_931 : vector<16xi1>, vector<16xf32>
      %select_n3A_937 = arith.select %gt3A_933, %select_n3A_889, %select_n3A_932 : vector<16xi1>, vector<16xi32>
      %gt3A_938 = arith.cmpf ogt, %select_n3A_936, %select_n3A_893 : vector<16xf32>
      %select_n3A_939 = arith.select %gt3A_938, %select_n3A_936, %select_n3A_893 : vector<16xi1>, vector<16xf32>
      %select_n3A_940 = arith.select %gt3A_938, %select_n3A_937, %select_n3A_894 : vector<16xi1>, vector<16xi32>
      %select_n3A_941 = arith.select %gt3A_938, %select_n3A_893, %select_n3A_936 : vector<16xi1>, vector<16xf32>
      %select_n3A_942 = arith.select %gt3A_938, %select_n3A_894, %select_n3A_937 : vector<16xi1>, vector<16xi32>
      %gt3A_943 = arith.cmpf ogt, %select_n3A_941, %select_n3A_898 : vector<16xf32>
      %select_n3A_944 = arith.select %gt3A_943, %select_n3A_941, %select_n3A_898 : vector<16xi1>, vector<16xf32>
      %select_n3A_945 = arith.select %gt3A_943, %select_n3A_942, %select_n3A_899 : vector<16xi1>, vector<16xi32>
      %select_n3A_946 = arith.select %gt3A_943, %select_n3A_898, %select_n3A_941 : vector<16xi1>, vector<16xf32>
      %select_n3A_947 = arith.select %gt3A_943, %select_n3A_899, %select_n3A_942 : vector<16xi1>, vector<16xi32>
      %gt3A_948 = arith.cmpf ogt, %select_n3A_946, %select_n3A_903 : vector<16xf32>
      %select_n3A_949 = arith.select %gt3A_948, %select_n3A_946, %select_n3A_903 : vector<16xi1>, vector<16xf32>
      %select_n3A_950 = arith.select %gt3A_948, %select_n3A_947, %select_n3A_904 : vector<16xi1>, vector<16xi32>
      %select_n3A_951 = arith.select %gt3A_948, %select_n3A_903, %select_n3A_946 : vector<16xi1>, vector<16xf32>
      %select_n3A_952 = arith.select %gt3A_948, %select_n3A_904, %select_n3A_947 : vector<16xi1>, vector<16xi32>
      %add3A_953 = arith.constant 20 : i32
      %add3A_954 = vector.broadcast %add3A_953 : i32 to vector<16xi32>
      %add3A_955 = arith.addi %mul3A_35, %add3A_954 : vector<16xi32>
      %gather3A_956 = tpu.vector_load_idx %arg5[%add3A_955] : memref<32768xf32, #tpu.memory_space<vmem>>[vector<16xi32>], vector<16xf32>,
      %broadcast_in_dim3A_957 = arith.constant 20 : i32
      %broadcast_in_dim3A_958 = vector.broadcast %broadcast_in_dim3A_957 : i32 to vector<16xi32>
      %gt3A_959 = arith.cmpf ogt, %gather3A_956, %select_n3A_914 : vector<16xf32>
      %select_n3A_960 = arith.select %gt3A_959, %gather3A_956, %select_n3A_914 : vector<16xi1>, vector<16xf32>
      %select_n3A_961 = arith.select %gt3A_959, %broadcast_in_dim3A_958, %select_n3A_915 : vector<16xi1>, vector<16xi32>
      %select_n3A_962 = arith.select %gt3A_959, %select_n3A_914, %gather3A_956 : vector<16xi1>, vector<16xf32>
      %select_n3A_963 = arith.select %gt3A_959, %select_n3A_915, %broadcast_in_dim3A_958 : vector<16xi1>, vector<16xi32>
      %gt3A_964 = arith.cmpf ogt, %select_n3A_962, %select_n3A_919 : vector<16xf32>
      %select_n3A_965 = arith.select %gt3A_964, %select_n3A_962, %select_n3A_919 : vector<16xi1>, vector<16xf32>
      %select_n3A_966 = arith.select %gt3A_964, %select_n3A_963, %select_n3A_920 : vector<16xi1>, vector<16xi32>
      %select_n3A_967 = arith.select %gt3A_964, %select_n3A_919, %select_n3A_962 : vector<16xi1>, vector<16xf32>
      %select_n3A_968 = arith.select %gt3A_964, %select_n3A_920, %select_n3A_963 : vector<16xi1>, vector<16xi32>
      %gt3A_969 = arith.cmpf ogt, %select_n3A_967, %select_n3A_924 : vector<16xf32>
      %select_n3A_970 = arith.select %gt3A_969, %select_n3A_967, %select_n3A_924 : vector<16xi1>, vector<16xf32>
      %select_n3A_971 = arith.select %gt3A_969, %select_n3A_968, %select_n3A_925 : vector<16xi1>, vector<16xi32>
      %select_n3A_972 = arith.select %gt3A_969, %select_n3A_924, %select_n3A_967 : vector<16xi1>, vector<16xf32>
      %select_n3A_973 = arith.select %gt3A_969, %select_n3A_925, %select_n3A_968 : vector<16xi1>, vector<16xi32>
      %gt3A_974 = arith.cmpf ogt, %select_n3A_972, %select_n3A_929 : vector<16xf32>
      %select_n3A_975 = arith.select %gt3A_974, %select_n3A_972, %select_n3A_929 : vector<16xi1>, vector<16xf32>
      %select_n3A_976 = arith.select %gt3A_974, %select_n3A_973, %select_n3A_930 : vector<16xi1>, vector<16xi32>
      %select_n3A_977 = arith.select %gt3A_974, %select_n3A_929, %select_n3A_972 : vector<16xi1>, vector<16xf32>
      %select_n3A_978 = arith.select %gt3A_974, %select_n3A_930, %select_n3A_973 : vector<16xi1>, vector<16xi32>
      %gt3A_979 = arith.cmpf ogt, %select_n3A_977, %select_n3A_934 : vector<16xf32>
      %select_n3A_980 = arith.select %gt3A_979, %select_n3A_977, %select_n3A_934 : vector<16xi1>, vector<16xf32>
      %select_n3A_981 = arith.select %gt3A_979, %select_n3A_978, %select_n3A_935 : vector<16xi1>, vector<16xi32>
      %select_n3A_982 = arith.select %gt3A_979, %select_n3A_934, %select_n3A_977 : vector<16xi1>, vector<16xf32>
      %select_n3A_983 = arith.select %gt3A_979, %select_n3A_935, %select_n3A_978 : vector<16xi1>, vector<16xi32>
      %gt3A_984 = arith.cmpf ogt, %select_n3A_982, %select_n3A_939 : vector<16xf32>
      %select_n3A_985 = arith.select %gt3A_984, %select_n3A_982, %select_n3A_939 : vector<16xi1>, vector<16xf32>
      %select_n3A_986 = arith.select %gt3A_984, %select_n3A_983, %select_n3A_940 : vector<16xi1>, vector<16xi32>
      %select_n3A_987 = arith.select %gt3A_984, %select_n3A_939, %select_n3A_982 : vector<16xi1>, vector<16xf32>
      %select_n3A_988 = arith.select %gt3A_984, %select_n3A_940, %select_n3A_983 : vector<16xi1>, vector<16xi32>
      %gt3A_989 = arith.cmpf ogt, %select_n3A_987, %select_n3A_944 : vector<16xf32>
      %select_n3A_990 = arith.select %gt3A_989, %select_n3A_987, %select_n3A_944 : vector<16xi1>, vector<16xf32>
      %select_n3A_991 = arith.select %gt3A_989, %select_n3A_988, %select_n3A_945 : vector<16xi1>, vector<16xi32>
      %select_n3A_992 = arith.select %gt3A_989, %select_n3A_944, %select_n3A_987 : vector<16xi1>, vector<16xf32>
      %select_n3A_993 = arith.select %gt3A_989, %select_n3A_945, %select_n3A_988 : vector<16xi1>, vector<16xi32>
      %gt3A_994 = arith.cmpf ogt, %select_n3A_992, %select_n3A_949 : vector<16xf32>
      %select_n3A_995 = arith.select %gt3A_994, %select_n3A_992, %select_n3A_949 : vector<16xi1>, vector<16xf32>
      %select_n3A_996 = arith.select %gt3A_994, %select_n3A_993, %select_n3A_950 : vector<16xi1>, vector<16xi32>
      %select_n3A_997 = arith.select %gt3A_994, %select_n3A_949, %select_n3A_992 : vector<16xi1>, vector<16xf32>
      %select_n3A_998 = arith.select %gt3A_994, %select_n3A_950, %select_n3A_993 : vector<16xi1>, vector<16xi32>
      %add3A_999 = arith.constant 21 : i32
      %add3A_1000 = vector.broadcast %add3A_999 : i32 to vector<16xi32>
      %add3A_1001 = arith.addi %mul3A_35, %add3A_1000 : vector<16xi32>
      %gather3A_1002 = tpu.vector_load_idx %arg5[%add3A_1001] : memref<32768xf32, #tpu.memory_space<vmem>>[vector<16xi32>], vector<16xf32>,
      %broadcast_in_dim3A_1003 = arith.constant 21 : i32
      %broadcast_in_dim3A_1004 = vector.broadcast %broadcast_in_dim3A_1003 : i32 to vector<16xi32>
      %gt3A_1005 = arith.cmpf ogt, %gather3A_1002, %select_n3A_960 : vector<16xf32>
      %select_n3A_1006 = arith.select %gt3A_1005, %gather3A_1002, %select_n3A_960 : vector<16xi1>, vector<16xf32>
      %select_n3A_1007 = arith.select %gt3A_1005, %broadcast_in_dim3A_1004, %select_n3A_961 : vector<16xi1>, vector<16xi32>
      %select_n3A_1008 = arith.select %gt3A_1005, %select_n3A_960, %gather3A_1002 : vector<16xi1>, vector<16xf32>
      %select_n3A_1009 = arith.select %gt3A_1005, %select_n3A_961, %broadcast_in_dim3A_1004 : vector<16xi1>, vector<16xi32>
      %gt3A_1010 = arith.cmpf ogt, %select_n3A_1008, %select_n3A_965 : vector<16xf32>
      %select_n3A_1011 = arith.select %gt3A_1010, %select_n3A_1008, %select_n3A_965 : vector<16xi1>, vector<16xf32>
      %select_n3A_1012 = arith.select %gt3A_1010, %select_n3A_1009, %select_n3A_966 : vector<16xi1>, vector<16xi32>
      %select_n3A_1013 = arith.select %gt3A_1010, %select_n3A_965, %select_n3A_1008 : vector<16xi1>, vector<16xf32>
      %select_n3A_1014 = arith.select %gt3A_1010, %select_n3A_966, %select_n3A_1009 : vector<16xi1>, vector<16xi32>
      %gt3A_1015 = arith.cmpf ogt, %select_n3A_1013, %select_n3A_970 : vector<16xf32>
      %select_n3A_1016 = arith.select %gt3A_1015, %select_n3A_1013, %select_n3A_970 : vector<16xi1>, vector<16xf32>
      %select_n3A_1017 = arith.select %gt3A_1015, %select_n3A_1014, %select_n3A_971 : vector<16xi1>, vector<16xi32>
      %select_n3A_1018 = arith.select %gt3A_1015, %select_n3A_970, %select_n3A_1013 : vector<16xi1>, vector<16xf32>
      %select_n3A_1019 = arith.select %gt3A_1015, %select_n3A_971, %select_n3A_1014 : vector<16xi1>, vector<16xi32>
      %gt3A_1020 = arith.cmpf ogt, %select_n3A_1018, %select_n3A_975 : vector<16xf32>
      %select_n3A_1021 = arith.select %gt3A_1020, %select_n3A_1018, %select_n3A_975 : vector<16xi1>, vector<16xf32>
      %select_n3A_1022 = arith.select %gt3A_1020, %select_n3A_1019, %select_n3A_976 : vector<16xi1>, vector<16xi32>
      %select_n3A_1023 = arith.select %gt3A_1020, %select_n3A_975, %select_n3A_1018 : vector<16xi1>, vector<16xf32>
      %select_n3A_1024 = arith.select %gt3A_1020, %select_n3A_976, %select_n3A_1019 : vector<16xi1>, vector<16xi32>
      %gt3A_1025 = arith.cmpf ogt, %select_n3A_1023, %select_n3A_980 : vector<16xf32>
      %select_n3A_1026 = arith.select %gt3A_1025, %select_n3A_1023, %select_n3A_980 : vector<16xi1>, vector<16xf32>
      %select_n3A_1027 = arith.select %gt3A_1025, %select_n3A_1024, %select_n3A_981 : vector<16xi1>, vector<16xi32>
      %select_n3A_1028 = arith.select %gt3A_1025, %select_n3A_980, %select_n3A_1023 : vector<16xi1>, vector<16xf32>
      %select_n3A_1029 = arith.select %gt3A_1025, %select_n3A_981, %select_n3A_1024 : vector<16xi1>, vector<16xi32>
      %gt3A_1030 = arith.cmpf ogt, %select_n3A_1028, %select_n3A_985 : vector<16xf32>
      %select_n3A_1031 = arith.select %gt3A_1030, %select_n3A_1028, %select_n3A_985 : vector<16xi1>, vector<16xf32>
      %select_n3A_1032 = arith.select %gt3A_1030, %select_n3A_1029, %select_n3A_986 : vector<16xi1>, vector<16xi32>
      %select_n3A_1033 = arith.select %gt3A_1030, %select_n3A_985, %select_n3A_1028 : vector<16xi1>, vector<16xf32>
      %select_n3A_1034 = arith.select %gt3A_1030, %select_n3A_986, %select_n3A_1029 : vector<16xi1>, vector<16xi32>
      %gt3A_1035 = arith.cmpf ogt, %select_n3A_1033, %select_n3A_990 : vector<16xf32>
      %select_n3A_1036 = arith.select %gt3A_1035, %select_n3A_1033, %select_n3A_990 : vector<16xi1>, vector<16xf32>
      %select_n3A_1037 = arith.select %gt3A_1035, %select_n3A_1034, %select_n3A_991 : vector<16xi1>, vector<16xi32>
      %select_n3A_1038 = arith.select %gt3A_1035, %select_n3A_990, %select_n3A_1033 : vector<16xi1>, vector<16xf32>
      %select_n3A_1039 = arith.select %gt3A_1035, %select_n3A_991, %select_n3A_1034 : vector<16xi1>, vector<16xi32>
      %gt3A_1040 = arith.cmpf ogt, %select_n3A_1038, %select_n3A_995 : vector<16xf32>
      %select_n3A_1041 = arith.select %gt3A_1040, %select_n3A_1038, %select_n3A_995 : vector<16xi1>, vector<16xf32>
      %select_n3A_1042 = arith.select %gt3A_1040, %select_n3A_1039, %select_n3A_996 : vector<16xi1>, vector<16xi32>
      %select_n3A_1043 = arith.select %gt3A_1040, %select_n3A_995, %select_n3A_1038 : vector<16xi1>, vector<16xf32>
      %select_n3A_1044 = arith.select %gt3A_1040, %select_n3A_996, %select_n3A_1039 : vector<16xi1>, vector<16xi32>
      %add3A_1045 = arith.constant 22 : i32
      %add3A_1046 = vector.broadcast %add3A_1045 : i32 to vector<16xi32>
      %add3A_1047 = arith.addi %mul3A_35, %add3A_1046 : vector<16xi32>
      %gather3A_1048 = tpu.vector_load_idx %arg5[%add3A_1047] : memref<32768xf32, #tpu.memory_space<vmem>>[vector<16xi32>], vector<16xf32>,
      %broadcast_in_dim3A_1049 = arith.constant 22 : i32
      %broadcast_in_dim3A_1050 = vector.broadcast %broadcast_in_dim3A_1049 : i32 to vector<16xi32>
      %gt3A_1051 = arith.cmpf ogt, %gather3A_1048, %select_n3A_1006 : vector<16xf32>
      %select_n3A_1052 = arith.select %gt3A_1051, %gather3A_1048, %select_n3A_1006 : vector<16xi1>, vector<16xf32>
      %select_n3A_1053 = arith.select %gt3A_1051, %broadcast_in_dim3A_1050, %select_n3A_1007 : vector<16xi1>, vector<16xi32>
      %select_n3A_1054 = arith.select %gt3A_1051, %select_n3A_1006, %gather3A_1048 : vector<16xi1>, vector<16xf32>
      %select_n3A_1055 = arith.select %gt3A_1051, %select_n3A_1007, %broadcast_in_dim3A_1050 : vector<16xi1>, vector<16xi32>
      %gt3A_1056 = arith.cmpf ogt, %select_n3A_1054, %select_n3A_1011 : vector<16xf32>
      %select_n3A_1057 = arith.select %gt3A_1056, %select_n3A_1054, %select_n3A_1011 : vector<16xi1>, vector<16xf32>
      %select_n3A_1058 = arith.select %gt3A_1056, %select_n3A_1055, %select_n3A_1012 : vector<16xi1>, vector<16xi32>
      %select_n3A_1059 = arith.select %gt3A_1056, %select_n3A_1011, %select_n3A_1054 : vector<16xi1>, vector<16xf32>
      %select_n3A_1060 = arith.select %gt3A_1056, %select_n3A_1012, %select_n3A_1055 : vector<16xi1>, vector<16xi32>
      %gt3A_1061 = arith.cmpf ogt, %select_n3A_1059, %select_n3A_1016 : vector<16xf32>
      %select_n3A_1062 = arith.select %gt3A_1061, %select_n3A_1059, %select_n3A_1016 : vector<16xi1>, vector<16xf32>
      %select_n3A_1063 = arith.select %gt3A_1061, %select_n3A_1060, %select_n3A_1017 : vector<16xi1>, vector<16xi32>
      %select_n3A_1064 = arith.select %gt3A_1061, %select_n3A_1016, %select_n3A_1059 : vector<16xi1>, vector<16xf32>
      %select_n3A_1065 = arith.select %gt3A_1061, %select_n3A_1017, %select_n3A_1060 : vector<16xi1>, vector<16xi32>
      %gt3A_1066 = arith.cmpf ogt, %select_n3A_1064, %select_n3A_1021 : vector<16xf32>
      %select_n3A_1067 = arith.select %gt3A_1066, %select_n3A_1064, %select_n3A_1021 : vector<16xi1>, vector<16xf32>
      %select_n3A_1068 = arith.select %gt3A_1066, %select_n3A_1065, %select_n3A_1022 : vector<16xi1>, vector<16xi32>
      %select_n3A_1069 = arith.select %gt3A_1066, %select_n3A_1021, %select_n3A_1064 : vector<16xi1>, vector<16xf32>
      %select_n3A_1070 = arith.select %gt3A_1066, %select_n3A_1022, %select_n3A_1065 : vector<16xi1>, vector<16xi32>
      %gt3A_1071 = arith.cmpf ogt, %select_n3A_1069, %select_n3A_1026 : vector<16xf32>
      %select_n3A_1072 = arith.select %gt3A_1071, %select_n3A_1069, %select_n3A_1026 : vector<16xi1>, vector<16xf32>
      %select_n3A_1073 = arith.select %gt3A_1071, %select_n3A_1070, %select_n3A_1027 : vector<16xi1>, vector<16xi32>
      %select_n3A_1074 = arith.select %gt3A_1071, %select_n3A_1026, %select_n3A_1069 : vector<16xi1>, vector<16xf32>
      %select_n3A_1075 = arith.select %gt3A_1071, %select_n3A_1027, %select_n3A_1070 : vector<16xi1>, vector<16xi32>
      %gt3A_1076 = arith.cmpf ogt, %select_n3A_1074, %select_n3A_1031 : vector<16xf32>
      %select_n3A_1077 = arith.select %gt3A_1076, %select_n3A_1074, %select_n3A_1031 : vector<16xi1>, vector<16xf32>
      %select_n3A_1078 = arith.select %gt3A_1076, %select_n3A_1075, %select_n3A_1032 : vector<16xi1>, vector<16xi32>
      %select_n3A_1079 = arith.select %gt3A_1076, %select_n3A_1031, %select_n3A_1074 : vector<16xi1>, vector<16xf32>
      %select_n3A_1080 = arith.select %gt3A_1076, %select_n3A_1032, %select_n3A_1075 : vector<16xi1>, vector<16xi32>
      %gt3A_1081 = arith.cmpf ogt, %select_n3A_1079, %select_n3A_1036 : vector<16xf32>
      %select_n3A_1082 = arith.select %gt3A_1081, %select_n3A_1079, %select_n3A_1036 : vector<16xi1>, vector<16xf32>
      %select_n3A_1083 = arith.select %gt3A_1081, %select_n3A_1080, %select_n3A_1037 : vector<16xi1>, vector<16xi32>
      %select_n3A_1084 = arith.select %gt3A_1081, %select_n3A_1036, %select_n3A_1079 : vector<16xi1>, vector<16xf32>
      %select_n3A_1085 = arith.select %gt3A_1081, %select_n3A_1037, %select_n3A_1080 : vector<16xi1>, vector<16xi32>
      %gt3A_1086 = arith.cmpf ogt, %select_n3A_1084, %select_n3A_1041 : vector<16xf32>
      %select_n3A_1087 = arith.select %gt3A_1086, %select_n3A_1084, %select_n3A_1041 : vector<16xi1>, vector<16xf32>
      %select_n3A_1088 = arith.select %gt3A_1086, %select_n3A_1085, %select_n3A_1042 : vector<16xi1>, vector<16xi32>
      %select_n3A_1089 = arith.select %gt3A_1086, %select_n3A_1041, %select_n3A_1084 : vector<16xi1>, vector<16xf32>
      %select_n3A_1090 = arith.select %gt3A_1086, %select_n3A_1042, %select_n3A_1085 : vector<16xi1>, vector<16xi32>
      %add3A_1091 = arith.constant 23 : i32
      %add3A_1092 = vector.broadcast %add3A_1091 : i32 to vector<16xi32>
      %add3A_1093 = arith.addi %mul3A_35, %add3A_1092 : vector<16xi32>
      %gather3A_1094 = tpu.vector_load_idx %arg5[%add3A_1093] : memref<32768xf32, #tpu.memory_space<vmem>>[vector<16xi32>], vector<16xf32>,
      %broadcast_in_dim3A_1095 = arith.constant 23 : i32
      %broadcast_in_dim3A_1096 = vector.broadcast %broadcast_in_dim3A_1095 : i32 to vector<16xi32>
      %gt3A_1097 = arith.cmpf ogt, %gather3A_1094, %select_n3A_1052 : vector<16xf32>
      %select_n3A_1098 = arith.select %gt3A_1097, %gather3A_1094, %select_n3A_1052 : vector<16xi1>, vector<16xf32>
      %select_n3A_1099 = arith.select %gt3A_1097, %broadcast_in_dim3A_1096, %select_n3A_1053 : vector<16xi1>, vector<16xi32>
      %select_n3A_1100 = arith.select %gt3A_1097, %select_n3A_1052, %gather3A_1094 : vector<16xi1>, vector<16xf32>
      %select_n3A_1101 = arith.select %gt3A_1097, %select_n3A_1053, %broadcast_in_dim3A_1096 : vector<16xi1>, vector<16xi32>
      %gt3A_1102 = arith.cmpf ogt, %select_n3A_1100, %select_n3A_1057 : vector<16xf32>
      %select_n3A_1103 = arith.select %gt3A_1102, %select_n3A_1100, %select_n3A_1057 : vector<16xi1>, vector<16xf32>
      %select_n3A_1104 = arith.select %gt3A_1102, %select_n3A_1101, %select_n3A_1058 : vector<16xi1>, vector<16xi32>
      %select_n3A_1105 = arith.select %gt3A_1102, %select_n3A_1057, %select_n3A_1100 : vector<16xi1>, vector<16xf32>
      %select_n3A_1106 = arith.select %gt3A_1102, %select_n3A_1058, %select_n3A_1101 : vector<16xi1>, vector<16xi32>
      %gt3A_1107 = arith.cmpf ogt, %select_n3A_1105, %select_n3A_1062 : vector<16xf32>
      %select_n3A_1108 = arith.select %gt3A_1107, %select_n3A_1105, %select_n3A_1062 : vector<16xi1>, vector<16xf32>
      %select_n3A_1109 = arith.select %gt3A_1107, %select_n3A_1106, %select_n3A_1063 : vector<16xi1>, vector<16xi32>
      %select_n3A_1110 = arith.select %gt3A_1107, %select_n3A_1062, %select_n3A_1105 : vector<16xi1>, vector<16xf32>
      %select_n3A_1111 = arith.select %gt3A_1107, %select_n3A_1063, %select_n3A_1106 : vector<16xi1>, vector<16xi32>
      %gt3A_1112 = arith.cmpf ogt, %select_n3A_1110, %select_n3A_1067 : vector<16xf32>
      %select_n3A_1113 = arith.select %gt3A_1112, %select_n3A_1110, %select_n3A_1067 : vector<16xi1>, vector<16xf32>
      %select_n3A_1114 = arith.select %gt3A_1112, %select_n3A_1111, %select_n3A_1068 : vector<16xi1>, vector<16xi32>
      %select_n3A_1115 = arith.select %gt3A_1112, %select_n3A_1067, %select_n3A_1110 : vector<16xi1>, vector<16xf32>
      %select_n3A_1116 = arith.select %gt3A_1112, %select_n3A_1068, %select_n3A_1111 : vector<16xi1>, vector<16xi32>
      %gt3A_1117 = arith.cmpf ogt, %select_n3A_1115, %select_n3A_1072 : vector<16xf32>
      %select_n3A_1118 = arith.select %gt3A_1117, %select_n3A_1115, %select_n3A_1072 : vector<16xi1>, vector<16xf32>
      %select_n3A_1119 = arith.select %gt3A_1117, %select_n3A_1116, %select_n3A_1073 : vector<16xi1>, vector<16xi32>
      %select_n3A_1120 = arith.select %gt3A_1117, %select_n3A_1072, %select_n3A_1115 : vector<16xi1>, vector<16xf32>
      %select_n3A_1121 = arith.select %gt3A_1117, %select_n3A_1073, %select_n3A_1116 : vector<16xi1>, vector<16xi32>
      %gt3A_1122 = arith.cmpf ogt, %select_n3A_1120, %select_n3A_1077 : vector<16xf32>
      %select_n3A_1123 = arith.select %gt3A_1122, %select_n3A_1120, %select_n3A_1077 : vector<16xi1>, vector<16xf32>
      %select_n3A_1124 = arith.select %gt3A_1122, %select_n3A_1121, %select_n3A_1078 : vector<16xi1>, vector<16xi32>
      %select_n3A_1125 = arith.select %gt3A_1122, %select_n3A_1077, %select_n3A_1120 : vector<16xi1>, vector<16xf32>
      %select_n3A_1126 = arith.select %gt3A_1122, %select_n3A_1078, %select_n3A_1121 : vector<16xi1>, vector<16xi32>
      %gt3A_1127 = arith.cmpf ogt, %select_n3A_1125, %select_n3A_1082 : vector<16xf32>
      %select_n3A_1128 = arith.select %gt3A_1127, %select_n3A_1125, %select_n3A_1082 : vector<16xi1>, vector<16xf32>
      %select_n3A_1129 = arith.select %gt3A_1127, %select_n3A_1126, %select_n3A_1083 : vector<16xi1>, vector<16xi32>
      %select_n3A_1130 = arith.select %gt3A_1127, %select_n3A_1082, %select_n3A_1125 : vector<16xi1>, vector<16xf32>
      %select_n3A_1131 = arith.select %gt3A_1127, %select_n3A_1083, %select_n3A_1126 : vector<16xi1>, vector<16xi32>
      %gt3A_1132 = arith.cmpf ogt, %select_n3A_1130, %select_n3A_1087 : vector<16xf32>
      %select_n3A_1133 = arith.select %gt3A_1132, %select_n3A_1130, %select_n3A_1087 : vector<16xi1>, vector<16xf32>
      %select_n3A_1134 = arith.select %gt3A_1132, %select_n3A_1131, %select_n3A_1088 : vector<16xi1>, vector<16xi32>
      %select_n3A_1135 = arith.select %gt3A_1132, %select_n3A_1087, %select_n3A_1130 : vector<16xi1>, vector<16xf32>
      %select_n3A_1136 = arith.select %gt3A_1132, %select_n3A_1088, %select_n3A_1131 : vector<16xi1>, vector<16xi32>
      %add3A_1137 = arith.constant 24 : i32
      %add3A_1138 = vector.broadcast %add3A_1137 : i32 to vector<16xi32>
      %add3A_1139 = arith.addi %mul3A_35, %add3A_1138 : vector<16xi32>
      %gather3A_1140 = tpu.vector_load_idx %arg5[%add3A_1139] : memref<32768xf32, #tpu.memory_space<vmem>>[vector<16xi32>], vector<16xf32>,
      %broadcast_in_dim3A_1141 = arith.constant 24 : i32
      %broadcast_in_dim3A_1142 = vector.broadcast %broadcast_in_dim3A_1141 : i32 to vector<16xi32>
      %gt3A_1143 = arith.cmpf ogt, %gather3A_1140, %select_n3A_1098 : vector<16xf32>
      %select_n3A_1144 = arith.select %gt3A_1143, %gather3A_1140, %select_n3A_1098 : vector<16xi1>, vector<16xf32>
      %select_n3A_1145 = arith.select %gt3A_1143, %broadcast_in_dim3A_1142, %select_n3A_1099 : vector<16xi1>, vector<16xi32>
      %select_n3A_1146 = arith.select %gt3A_1143, %select_n3A_1098, %gather3A_1140 : vector<16xi1>, vector<16xf32>
      %select_n3A_1147 = arith.select %gt3A_1143, %select_n3A_1099, %broadcast_in_dim3A_1142 : vector<16xi1>, vector<16xi32>
      %gt3A_1148 = arith.cmpf ogt, %select_n3A_1146, %select_n3A_1103 : vector<16xf32>
      %select_n3A_1149 = arith.select %gt3A_1148, %select_n3A_1146, %select_n3A_1103 : vector<16xi1>, vector<16xf32>
      %select_n3A_1150 = arith.select %gt3A_1148, %select_n3A_1147, %select_n3A_1104 : vector<16xi1>, vector<16xi32>
      %select_n3A_1151 = arith.select %gt3A_1148, %select_n3A_1103, %select_n3A_1146 : vector<16xi1>, vector<16xf32>
      %select_n3A_1152 = arith.select %gt3A_1148, %select_n3A_1104, %select_n3A_1147 : vector<16xi1>, vector<16xi32>
      %gt3A_1153 = arith.cmpf ogt, %select_n3A_1151, %select_n3A_1108 : vector<16xf32>
      %select_n3A_1154 = arith.select %gt3A_1153, %select_n3A_1151, %select_n3A_1108 : vector<16xi1>, vector<16xf32>
      %select_n3A_1155 = arith.select %gt3A_1153, %select_n3A_1152, %select_n3A_1109 : vector<16xi1>, vector<16xi32>
      %select_n3A_1156 = arith.select %gt3A_1153, %select_n3A_1108, %select_n3A_1151 : vector<16xi1>, vector<16xf32>
      %select_n3A_1157 = arith.select %gt3A_1153, %select_n3A_1109, %select_n3A_1152 : vector<16xi1>, vector<16xi32>
      %gt3A_1158 = arith.cmpf ogt, %select_n3A_1156, %select_n3A_1113 : vector<16xf32>
      %select_n3A_1159 = arith.select %gt3A_1158, %select_n3A_1156, %select_n3A_1113 : vector<16xi1>, vector<16xf32>
      %select_n3A_1160 = arith.select %gt3A_1158, %select_n3A_1157, %select_n3A_1114 : vector<16xi1>, vector<16xi32>
      %select_n3A_1161 = arith.select %gt3A_1158, %select_n3A_1113, %select_n3A_1156 : vector<16xi1>, vector<16xf32>
      %select_n3A_1162 = arith.select %gt3A_1158, %select_n3A_1114, %select_n3A_1157 : vector<16xi1>, vector<16xi32>
      %gt3A_1163 = arith.cmpf ogt, %select_n3A_1161, %select_n3A_1118 : vector<16xf32>
      %select_n3A_1164 = arith.select %gt3A_1163, %select_n3A_1161, %select_n3A_1118 : vector<16xi1>, vector<16xf32>
      %select_n3A_1165 = arith.select %gt3A_1163, %select_n3A_1162, %select_n3A_1119 : vector<16xi1>, vector<16xi32>
      %select_n3A_1166 = arith.select %gt3A_1163, %select_n3A_1118, %select_n3A_1161 : vector<16xi1>, vector<16xf32>
      %select_n3A_1167 = arith.select %gt3A_1163, %select_n3A_1119, %select_n3A_1162 : vector<16xi1>, vector<16xi32>
      %gt3A_1168 = arith.cmpf ogt, %select_n3A_1166, %select_n3A_1123 : vector<16xf32>
      %select_n3A_1169 = arith.select %gt3A_1168, %select_n3A_1166, %select_n3A_1123 : vector<16xi1>, vector<16xf32>
      %select_n3A_1170 = arith.select %gt3A_1168, %select_n3A_1167, %select_n3A_1124 : vector<16xi1>, vector<16xi32>
      %select_n3A_1171 = arith.select %gt3A_1168, %select_n3A_1123, %select_n3A_1166 : vector<16xi1>, vector<16xf32>
      %select_n3A_1172 = arith.select %gt3A_1168, %select_n3A_1124, %select_n3A_1167 : vector<16xi1>, vector<16xi32>
      %gt3A_1173 = arith.cmpf ogt, %select_n3A_1171, %select_n3A_1128 : vector<16xf32>
      %select_n3A_1174 = arith.select %gt3A_1173, %select_n3A_1171, %select_n3A_1128 : vector<16xi1>, vector<16xf32>
      %select_n3A_1175 = arith.select %gt3A_1173, %select_n3A_1172, %select_n3A_1129 : vector<16xi1>, vector<16xi32>
      %select_n3A_1176 = arith.select %gt3A_1173, %select_n3A_1128, %select_n3A_1171 : vector<16xi1>, vector<16xf32>
      %select_n3A_1177 = arith.select %gt3A_1173, %select_n3A_1129, %select_n3A_1172 : vector<16xi1>, vector<16xi32>
      %gt3A_1178 = arith.cmpf ogt, %select_n3A_1176, %select_n3A_1133 : vector<16xf32>
      %select_n3A_1179 = arith.select %gt3A_1178, %select_n3A_1176, %select_n3A_1133 : vector<16xi1>, vector<16xf32>
      %select_n3A_1180 = arith.select %gt3A_1178, %select_n3A_1177, %select_n3A_1134 : vector<16xi1>, vector<16xi32>
      %select_n3A_1181 = arith.select %gt3A_1178, %select_n3A_1133, %select_n3A_1176 : vector<16xi1>, vector<16xf32>
      %select_n3A_1182 = arith.select %gt3A_1178, %select_n3A_1134, %select_n3A_1177 : vector<16xi1>, vector<16xi32>
      %add3A_1183 = arith.constant 25 : i32
      %add3A_1184 = vector.broadcast %add3A_1183 : i32 to vector<16xi32>
      %add3A_1185 = arith.addi %mul3A_35, %add3A_1184 : vector<16xi32>
      %gather3A_1186 = tpu.vector_load_idx %arg5[%add3A_1185] : memref<32768xf32, #tpu.memory_space<vmem>>[vector<16xi32>], vector<16xf32>,
      %broadcast_in_dim3A_1187 = arith.constant 25 : i32
      %broadcast_in_dim3A_1188 = vector.broadcast %broadcast_in_dim3A_1187 : i32 to vector<16xi32>
      %gt3A_1189 = arith.cmpf ogt, %gather3A_1186, %select_n3A_1144 : vector<16xf32>
      %select_n3A_1190 = arith.select %gt3A_1189, %gather3A_1186, %select_n3A_1144 : vector<16xi1>, vector<16xf32>
      %select_n3A_1191 = arith.select %gt3A_1189, %broadcast_in_dim3A_1188, %select_n3A_1145 : vector<16xi1>, vector<16xi32>
      %select_n3A_1192 = arith.select %gt3A_1189, %select_n3A_1144, %gather3A_1186 : vector<16xi1>, vector<16xf32>
      %select_n3A_1193 = arith.select %gt3A_1189, %select_n3A_1145, %broadcast_in_dim3A_1188 : vector<16xi1>, vector<16xi32>
      %gt3A_1194 = arith.cmpf ogt, %select_n3A_1192, %select_n3A_1149 : vector<16xf32>
      %select_n3A_1195 = arith.select %gt3A_1194, %select_n3A_1192, %select_n3A_1149 : vector<16xi1>, vector<16xf32>
      %select_n3A_1196 = arith.select %gt3A_1194, %select_n3A_1193, %select_n3A_1150 : vector<16xi1>, vector<16xi32>
      %select_n3A_1197 = arith.select %gt3A_1194, %select_n3A_1149, %select_n3A_1192 : vector<16xi1>, vector<16xf32>
      %select_n3A_1198 = arith.select %gt3A_1194, %select_n3A_1150, %select_n3A_1193 : vector<16xi1>, vector<16xi32>
      %gt3A_1199 = arith.cmpf ogt, %select_n3A_1197, %select_n3A_1154 : vector<16xf32>
      %select_n3A_1200 = arith.select %gt3A_1199, %select_n3A_1197, %select_n3A_1154 : vector<16xi1>, vector<16xf32>
      %select_n3A_1201 = arith.select %gt3A_1199, %select_n3A_1198, %select_n3A_1155 : vector<16xi1>, vector<16xi32>
      %select_n3A_1202 = arith.select %gt3A_1199, %select_n3A_1154, %select_n3A_1197 : vector<16xi1>, vector<16xf32>
      %select_n3A_1203 = arith.select %gt3A_1199, %select_n3A_1155, %select_n3A_1198 : vector<16xi1>, vector<16xi32>
      %gt3A_1204 = arith.cmpf ogt, %select_n3A_1202, %select_n3A_1159 : vector<16xf32>
      %select_n3A_1205 = arith.select %gt3A_1204, %select_n3A_1202, %select_n3A_1159 : vector<16xi1>, vector<16xf32>
      %select_n3A_1206 = arith.select %gt3A_1204, %select_n3A_1203, %select_n3A_1160 : vector<16xi1>, vector<16xi32>
      %select_n3A_1207 = arith.select %gt3A_1204, %select_n3A_1159, %select_n3A_1202 : vector<16xi1>, vector<16xf32>
      %select_n3A_1208 = arith.select %gt3A_1204, %select_n3A_1160, %select_n3A_1203 : vector<16xi1>, vector<16xi32>
      %gt3A_1209 = arith.cmpf ogt, %select_n3A_1207, %select_n3A_1164 : vector<16xf32>
      %select_n3A_1210 = arith.select %gt3A_1209, %select_n3A_1207, %select_n3A_1164 : vector<16xi1>, vector<16xf32>
      %select_n3A_1211 = arith.select %gt3A_1209, %select_n3A_1208, %select_n3A_1165 : vector<16xi1>, vector<16xi32>
      %select_n3A_1212 = arith.select %gt3A_1209, %select_n3A_1164, %select_n3A_1207 : vector<16xi1>, vector<16xf32>
      %select_n3A_1213 = arith.select %gt3A_1209, %select_n3A_1165, %select_n3A_1208 : vector<16xi1>, vector<16xi32>
      %gt3A_1214 = arith.cmpf ogt, %select_n3A_1212, %select_n3A_1169 : vector<16xf32>
      %select_n3A_1215 = arith.select %gt3A_1214, %select_n3A_1212, %select_n3A_1169 : vector<16xi1>, vector<16xf32>
      %select_n3A_1216 = arith.select %gt3A_1214, %select_n3A_1213, %select_n3A_1170 : vector<16xi1>, vector<16xi32>
      %select_n3A_1217 = arith.select %gt3A_1214, %select_n3A_1169, %select_n3A_1212 : vector<16xi1>, vector<16xf32>
      %select_n3A_1218 = arith.select %gt3A_1214, %select_n3A_1170, %select_n3A_1213 : vector<16xi1>, vector<16xi32>
      %gt3A_1219 = arith.cmpf ogt, %select_n3A_1217, %select_n3A_1174 : vector<16xf32>
      %select_n3A_1220 = arith.select %gt3A_1219, %select_n3A_1217, %select_n3A_1174 : vector<16xi1>, vector<16xf32>
      %select_n3A_1221 = arith.select %gt3A_1219, %select_n3A_1218, %select_n3A_1175 : vector<16xi1>, vector<16xi32>
      %select_n3A_1222 = arith.select %gt3A_1219, %select_n3A_1174, %select_n3A_1217 : vector<16xi1>, vector<16xf32>
      %select_n3A_1223 = arith.select %gt3A_1219, %select_n3A_1175, %select_n3A_1218 : vector<16xi1>, vector<16xi32>
      %gt3A_1224 = arith.cmpf ogt, %select_n3A_1222, %select_n3A_1179 : vector<16xf32>
      %select_n3A_1225 = arith.select %gt3A_1224, %select_n3A_1222, %select_n3A_1179 : vector<16xi1>, vector<16xf32>
      %select_n3A_1226 = arith.select %gt3A_1224, %select_n3A_1223, %select_n3A_1180 : vector<16xi1>, vector<16xi32>
      %select_n3A_1227 = arith.select %gt3A_1224, %select_n3A_1179, %select_n3A_1222 : vector<16xi1>, vector<16xf32>
      %select_n3A_1228 = arith.select %gt3A_1224, %select_n3A_1180, %select_n3A_1223 : vector<16xi1>, vector<16xi32>
      %add3A_1229 = arith.constant 26 : i32
      %add3A_1230 = vector.broadcast %add3A_1229 : i32 to vector<16xi32>
      %add3A_1231 = arith.addi %mul3A_35, %add3A_1230 : vector<16xi32>
      %gather3A_1232 = tpu.vector_load_idx %arg5[%add3A_1231] : memref<32768xf32, #tpu.memory_space<vmem>>[vector<16xi32>], vector<16xf32>,
      %broadcast_in_dim3A_1233 = arith.constant 26 : i32
      %broadcast_in_dim3A_1234 = vector.broadcast %broadcast_in_dim3A_1233 : i32 to vector<16xi32>
      %gt3A_1235 = arith.cmpf ogt, %gather3A_1232, %select_n3A_1190 : vector<16xf32>
      %select_n3A_1236 = arith.select %gt3A_1235, %gather3A_1232, %select_n3A_1190 : vector<16xi1>, vector<16xf32>
      %select_n3A_1237 = arith.select %gt3A_1235, %broadcast_in_dim3A_1234, %select_n3A_1191 : vector<16xi1>, vector<16xi32>
      %select_n3A_1238 = arith.select %gt3A_1235, %select_n3A_1190, %gather3A_1232 : vector<16xi1>, vector<16xf32>
      %select_n3A_1239 = arith.select %gt3A_1235, %select_n3A_1191, %broadcast_in_dim3A_1234 : vector<16xi1>, vector<16xi32>
      %gt3A_1240 = arith.cmpf ogt, %select_n3A_1238, %select_n3A_1195 : vector<16xf32>
      %select_n3A_1241 = arith.select %gt3A_1240, %select_n3A_1238, %select_n3A_1195 : vector<16xi1>, vector<16xf32>
      %select_n3A_1242 = arith.select %gt3A_1240, %select_n3A_1239, %select_n3A_1196 : vector<16xi1>, vector<16xi32>
      %select_n3A_1243 = arith.select %gt3A_1240, %select_n3A_1195, %select_n3A_1238 : vector<16xi1>, vector<16xf32>
      %select_n3A_1244 = arith.select %gt3A_1240, %select_n3A_1196, %select_n3A_1239 : vector<16xi1>, vector<16xi32>
      %gt3A_1245 = arith.cmpf ogt, %select_n3A_1243, %select_n3A_1200 : vector<16xf32>
      %select_n3A_1246 = arith.select %gt3A_1245, %select_n3A_1243, %select_n3A_1200 : vector<16xi1>, vector<16xf32>
      %select_n3A_1247 = arith.select %gt3A_1245, %select_n3A_1244, %select_n3A_1201 : vector<16xi1>, vector<16xi32>
      %select_n3A_1248 = arith.select %gt3A_1245, %select_n3A_1200, %select_n3A_1243 : vector<16xi1>, vector<16xf32>
      %select_n3A_1249 = arith.select %gt3A_1245, %select_n3A_1201, %select_n3A_1244 : vector<16xi1>, vector<16xi32>
      %gt3A_1250 = arith.cmpf ogt, %select_n3A_1248, %select_n3A_1205 : vector<16xf32>
      %select_n3A_1251 = arith.select %gt3A_1250, %select_n3A_1248, %select_n3A_1205 : vector<16xi1>, vector<16xf32>
      %select_n3A_1252 = arith.select %gt3A_1250, %select_n3A_1249, %select_n3A_1206 : vector<16xi1>, vector<16xi32>
      %select_n3A_1253 = arith.select %gt3A_1250, %select_n3A_1205, %select_n3A_1248 : vector<16xi1>, vector<16xf32>
      %select_n3A_1254 = arith.select %gt3A_1250, %select_n3A_1206, %select_n3A_1249 : vector<16xi1>, vector<16xi32>
      %gt3A_1255 = arith.cmpf ogt, %select_n3A_1253, %select_n3A_1210 : vector<16xf32>
      %select_n3A_1256 = arith.select %gt3A_1255, %select_n3A_1253, %select_n3A_1210 : vector<16xi1>, vector<16xf32>
      %select_n3A_1257 = arith.select %gt3A_1255, %select_n3A_1254, %select_n3A_1211 : vector<16xi1>, vector<16xi32>
      %select_n3A_1258 = arith.select %gt3A_1255, %select_n3A_1210, %select_n3A_1253 : vector<16xi1>, vector<16xf32>
      %select_n3A_1259 = arith.select %gt3A_1255, %select_n3A_1211, %select_n3A_1254 : vector<16xi1>, vector<16xi32>
      %gt3A_1260 = arith.cmpf ogt, %select_n3A_1258, %select_n3A_1215 : vector<16xf32>
      %select_n3A_1261 = arith.select %gt3A_1260, %select_n3A_1258, %select_n3A_1215 : vector<16xi1>, vector<16xf32>
      %select_n3A_1262 = arith.select %gt3A_1260, %select_n3A_1259, %select_n3A_1216 : vector<16xi1>, vector<16xi32>
      %select_n3A_1263 = arith.select %gt3A_1260, %select_n3A_1215, %select_n3A_1258 : vector<16xi1>, vector<16xf32>
      %select_n3A_1264 = arith.select %gt3A_1260, %select_n3A_1216, %select_n3A_1259 : vector<16xi1>, vector<16xi32>
      %gt3A_1265 = arith.cmpf ogt, %select_n3A_1263, %select_n3A_1220 : vector<16xf32>
      %select_n3A_1266 = arith.select %gt3A_1265, %select_n3A_1263, %select_n3A_1220 : vector<16xi1>, vector<16xf32>
      %select_n3A_1267 = arith.select %gt3A_1265, %select_n3A_1264, %select_n3A_1221 : vector<16xi1>, vector<16xi32>
      %select_n3A_1268 = arith.select %gt3A_1265, %select_n3A_1220, %select_n3A_1263 : vector<16xi1>, vector<16xf32>
      %select_n3A_1269 = arith.select %gt3A_1265, %select_n3A_1221, %select_n3A_1264 : vector<16xi1>, vector<16xi32>
      %gt3A_1270 = arith.cmpf ogt, %select_n3A_1268, %select_n3A_1225 : vector<16xf32>
      %select_n3A_1271 = arith.select %gt3A_1270, %select_n3A_1268, %select_n3A_1225 : vector<16xi1>, vector<16xf32>
      %select_n3A_1272 = arith.select %gt3A_1270, %select_n3A_1269, %select_n3A_1226 : vector<16xi1>, vector<16xi32>
      %select_n3A_1273 = arith.select %gt3A_1270, %select_n3A_1225, %select_n3A_1268 : vector<16xi1>, vector<16xf32>
      %select_n3A_1274 = arith.select %gt3A_1270, %select_n3A_1226, %select_n3A_1269 : vector<16xi1>, vector<16xi32>
      %add3A_1275 = arith.constant 27 : i32
      %add3A_1276 = vector.broadcast %add3A_1275 : i32 to vector<16xi32>
      %add3A_1277 = arith.addi %mul3A_35, %add3A_1276 : vector<16xi32>
      %gather3A_1278 = tpu.vector_load_idx %arg5[%add3A_1277] : memref<32768xf32, #tpu.memory_space<vmem>>[vector<16xi32>], vector<16xf32>,
      %broadcast_in_dim3A_1279 = arith.constant 27 : i32
      %broadcast_in_dim3A_1280 = vector.broadcast %broadcast_in_dim3A_1279 : i32 to vector<16xi32>
      %gt3A_1281 = arith.cmpf ogt, %gather3A_1278, %select_n3A_1236 : vector<16xf32>
      %select_n3A_1282 = arith.select %gt3A_1281, %gather3A_1278, %select_n3A_1236 : vector<16xi1>, vector<16xf32>
      %select_n3A_1283 = arith.select %gt3A_1281, %broadcast_in_dim3A_1280, %select_n3A_1237 : vector<16xi1>, vector<16xi32>
      %select_n3A_1284 = arith.select %gt3A_1281, %select_n3A_1236, %gather3A_1278 : vector<16xi1>, vector<16xf32>
      %select_n3A_1285 = arith.select %gt3A_1281, %select_n3A_1237, %broadcast_in_dim3A_1280 : vector<16xi1>, vector<16xi32>
      %gt3A_1286 = arith.cmpf ogt, %select_n3A_1284, %select_n3A_1241 : vector<16xf32>
      %select_n3A_1287 = arith.select %gt3A_1286, %select_n3A_1284, %select_n3A_1241 : vector<16xi1>, vector<16xf32>
      %select_n3A_1288 = arith.select %gt3A_1286, %select_n3A_1285, %select_n3A_1242 : vector<16xi1>, vector<16xi32>
      %select_n3A_1289 = arith.select %gt3A_1286, %select_n3A_1241, %select_n3A_1284 : vector<16xi1>, vector<16xf32>
      %select_n3A_1290 = arith.select %gt3A_1286, %select_n3A_1242, %select_n3A_1285 : vector<16xi1>, vector<16xi32>
      %gt3A_1291 = arith.cmpf ogt, %select_n3A_1289, %select_n3A_1246 : vector<16xf32>
      %select_n3A_1292 = arith.select %gt3A_1291, %select_n3A_1289, %select_n3A_1246 : vector<16xi1>, vector<16xf32>
      %select_n3A_1293 = arith.select %gt3A_1291, %select_n3A_1290, %select_n3A_1247 : vector<16xi1>, vector<16xi32>
      %select_n3A_1294 = arith.select %gt3A_1291, %select_n3A_1246, %select_n3A_1289 : vector<16xi1>, vector<16xf32>
      %select_n3A_1295 = arith.select %gt3A_1291, %select_n3A_1247, %select_n3A_1290 : vector<16xi1>, vector<16xi32>
      %gt3A_1296 = arith.cmpf ogt, %select_n3A_1294, %select_n3A_1251 : vector<16xf32>
      %select_n3A_1297 = arith.select %gt3A_1296, %select_n3A_1294, %select_n3A_1251 : vector<16xi1>, vector<16xf32>
      %select_n3A_1298 = arith.select %gt3A_1296, %select_n3A_1295, %select_n3A_1252 : vector<16xi1>, vector<16xi32>
      %select_n3A_1299 = arith.select %gt3A_1296, %select_n3A_1251, %select_n3A_1294 : vector<16xi1>, vector<16xf32>
      %select_n3A_1300 = arith.select %gt3A_1296, %select_n3A_1252, %select_n3A_1295 : vector<16xi1>, vector<16xi32>
      %gt3A_1301 = arith.cmpf ogt, %select_n3A_1299, %select_n3A_1256 : vector<16xf32>
      %select_n3A_1302 = arith.select %gt3A_1301, %select_n3A_1299, %select_n3A_1256 : vector<16xi1>, vector<16xf32>
      %select_n3A_1303 = arith.select %gt3A_1301, %select_n3A_1300, %select_n3A_1257 : vector<16xi1>, vector<16xi32>
      %select_n3A_1304 = arith.select %gt3A_1301, %select_n3A_1256, %select_n3A_1299 : vector<16xi1>, vector<16xf32>
      %select_n3A_1305 = arith.select %gt3A_1301, %select_n3A_1257, %select_n3A_1300 : vector<16xi1>, vector<16xi32>
      %gt3A_1306 = arith.cmpf ogt, %select_n3A_1304, %select_n3A_1261 : vector<16xf32>
      %select_n3A_1307 = arith.select %gt3A_1306, %select_n3A_1304, %select_n3A_1261 : vector<16xi1>, vector<16xf32>
      %select_n3A_1308 = arith.select %gt3A_1306, %select_n3A_1305, %select_n3A_1262 : vector<16xi1>, vector<16xi32>
      %select_n3A_1309 = arith.select %gt3A_1306, %select_n3A_1261, %select_n3A_1304 : vector<16xi1>, vector<16xf32>
      %select_n3A_1310 = arith.select %gt3A_1306, %select_n3A_1262, %select_n3A_1305 : vector<16xi1>, vector<16xi32>
      %gt3A_1311 = arith.cmpf ogt, %select_n3A_1309, %select_n3A_1266 : vector<16xf32>
      %select_n3A_1312 = arith.select %gt3A_1311, %select_n3A_1309, %select_n3A_1266 : vector<16xi1>, vector<16xf32>
      %select_n3A_1313 = arith.select %gt3A_1311, %select_n3A_1310, %select_n3A_1267 : vector<16xi1>, vector<16xi32>
      %select_n3A_1314 = arith.select %gt3A_1311, %select_n3A_1266, %select_n3A_1309 : vector<16xi1>, vector<16xf32>
      %select_n3A_1315 = arith.select %gt3A_1311, %select_n3A_1267, %select_n3A_1310 : vector<16xi1>, vector<16xi32>
      %gt3A_1316 = arith.cmpf ogt, %select_n3A_1314, %select_n3A_1271 : vector<16xf32>
      %select_n3A_1317 = arith.select %gt3A_1316, %select_n3A_1314, %select_n3A_1271 : vector<16xi1>, vector<16xf32>
      %select_n3A_1318 = arith.select %gt3A_1316, %select_n3A_1315, %select_n3A_1272 : vector<16xi1>, vector<16xi32>
      %select_n3A_1319 = arith.select %gt3A_1316, %select_n3A_1271, %select_n3A_1314 : vector<16xi1>, vector<16xf32>
      %select_n3A_1320 = arith.select %gt3A_1316, %select_n3A_1272, %select_n3A_1315 : vector<16xi1>, vector<16xi32>
      %add3A_1321 = arith.constant 28 : i32
      %add3A_1322 = vector.broadcast %add3A_1321 : i32 to vector<16xi32>
      %add3A_1323 = arith.addi %mul3A_35, %add3A_1322 : vector<16xi32>
      %gather3A_1324 = tpu.vector_load_idx %arg5[%add3A_1323] : memref<32768xf32, #tpu.memory_space<vmem>>[vector<16xi32>], vector<16xf32>,
      %broadcast_in_dim3A_1325 = arith.constant 28 : i32
      %broadcast_in_dim3A_1326 = vector.broadcast %broadcast_in_dim3A_1325 : i32 to vector<16xi32>
      %gt3A_1327 = arith.cmpf ogt, %gather3A_1324, %select_n3A_1282 : vector<16xf32>
      %select_n3A_1328 = arith.select %gt3A_1327, %gather3A_1324, %select_n3A_1282 : vector<16xi1>, vector<16xf32>
      %select_n3A_1329 = arith.select %gt3A_1327, %broadcast_in_dim3A_1326, %select_n3A_1283 : vector<16xi1>, vector<16xi32>
      %select_n3A_1330 = arith.select %gt3A_1327, %select_n3A_1282, %gather3A_1324 : vector<16xi1>, vector<16xf32>
      %select_n3A_1331 = arith.select %gt3A_1327, %select_n3A_1283, %broadcast_in_dim3A_1326 : vector<16xi1>, vector<16xi32>
      %gt3A_1332 = arith.cmpf ogt, %select_n3A_1330, %select_n3A_1287 : vector<16xf32>
      %select_n3A_1333 = arith.select %gt3A_1332, %select_n3A_1330, %select_n3A_1287 : vector<16xi1>, vector<16xf32>
      %select_n3A_1334 = arith.select %gt3A_1332, %select_n3A_1331, %select_n3A_1288 : vector<16xi1>, vector<16xi32>
      %select_n3A_1335 = arith.select %gt3A_1332, %select_n3A_1287, %select_n3A_1330 : vector<16xi1>, vector<16xf32>
      %select_n3A_1336 = arith.select %gt3A_1332, %select_n3A_1288, %select_n3A_1331 : vector<16xi1>, vector<16xi32>
      %gt3A_1337 = arith.cmpf ogt, %select_n3A_1335, %select_n3A_1292 : vector<16xf32>
      %select_n3A_1338 = arith.select %gt3A_1337, %select_n3A_1335, %select_n3A_1292 : vector<16xi1>, vector<16xf32>
      %select_n3A_1339 = arith.select %gt3A_1337, %select_n3A_1336, %select_n3A_1293 : vector<16xi1>, vector<16xi32>
      %select_n3A_1340 = arith.select %gt3A_1337, %select_n3A_1292, %select_n3A_1335 : vector<16xi1>, vector<16xf32>
      %select_n3A_1341 = arith.select %gt3A_1337, %select_n3A_1293, %select_n3A_1336 : vector<16xi1>, vector<16xi32>
      %gt3A_1342 = arith.cmpf ogt, %select_n3A_1340, %select_n3A_1297 : vector<16xf32>
      %select_n3A_1343 = arith.select %gt3A_1342, %select_n3A_1340, %select_n3A_1297 : vector<16xi1>, vector<16xf32>
      %select_n3A_1344 = arith.select %gt3A_1342, %select_n3A_1341, %select_n3A_1298 : vector<16xi1>, vector<16xi32>
      %select_n3A_1345 = arith.select %gt3A_1342, %select_n3A_1297, %select_n3A_1340 : vector<16xi1>, vector<16xf32>
      %select_n3A_1346 = arith.select %gt3A_1342, %select_n3A_1298, %select_n3A_1341 : vector<16xi1>, vector<16xi32>
      %gt3A_1347 = arith.cmpf ogt, %select_n3A_1345, %select_n3A_1302 : vector<16xf32>
      %select_n3A_1348 = arith.select %gt3A_1347, %select_n3A_1345, %select_n3A_1302 : vector<16xi1>, vector<16xf32>
      %select_n3A_1349 = arith.select %gt3A_1347, %select_n3A_1346, %select_n3A_1303 : vector<16xi1>, vector<16xi32>
      %select_n3A_1350 = arith.select %gt3A_1347, %select_n3A_1302, %select_n3A_1345 : vector<16xi1>, vector<16xf32>
      %select_n3A_1351 = arith.select %gt3A_1347, %select_n3A_1303, %select_n3A_1346 : vector<16xi1>, vector<16xi32>
      %gt3A_1352 = arith.cmpf ogt, %select_n3A_1350, %select_n3A_1307 : vector<16xf32>
      %select_n3A_1353 = arith.select %gt3A_1352, %select_n3A_1350, %select_n3A_1307 : vector<16xi1>, vector<16xf32>
      %select_n3A_1354 = arith.select %gt3A_1352, %select_n3A_1351, %select_n3A_1308 : vector<16xi1>, vector<16xi32>
      %select_n3A_1355 = arith.select %gt3A_1352, %select_n3A_1307, %select_n3A_1350 : vector<16xi1>, vector<16xf32>
      %select_n3A_1356 = arith.select %gt3A_1352, %select_n3A_1308, %select_n3A_1351 : vector<16xi1>, vector<16xi32>
      %gt3A_1357 = arith.cmpf ogt, %select_n3A_1355, %select_n3A_1312 : vector<16xf32>
      %select_n3A_1358 = arith.select %gt3A_1357, %select_n3A_1355, %select_n3A_1312 : vector<16xi1>, vector<16xf32>
      %select_n3A_1359 = arith.select %gt3A_1357, %select_n3A_1356, %select_n3A_1313 : vector<16xi1>, vector<16xi32>
      %select_n3A_1360 = arith.select %gt3A_1357, %select_n3A_1312, %select_n3A_1355 : vector<16xi1>, vector<16xf32>
      %select_n3A_1361 = arith.select %gt3A_1357, %select_n3A_1313, %select_n3A_1356 : vector<16xi1>, vector<16xi32>
      %gt3A_1362 = arith.cmpf ogt, %select_n3A_1360, %select_n3A_1317 : vector<16xf32>
      %select_n3A_1363 = arith.select %gt3A_1362, %select_n3A_1360, %select_n3A_1317 : vector<16xi1>, vector<16xf32>
      %select_n3A_1364 = arith.select %gt3A_1362, %select_n3A_1361, %select_n3A_1318 : vector<16xi1>, vector<16xi32>
      %select_n3A_1365 = arith.select %gt3A_1362, %select_n3A_1317, %select_n3A_1360 : vector<16xi1>, vector<16xf32>
      %select_n3A_1366 = arith.select %gt3A_1362, %select_n3A_1318, %select_n3A_1361 : vector<16xi1>, vector<16xi32>
      %add3A_1367 = arith.constant 29 : i32
      %add3A_1368 = vector.broadcast %add3A_1367 : i32 to vector<16xi32>
      %add3A_1369 = arith.addi %mul3A_35, %add3A_1368 : vector<16xi32>
      %gather3A_1370 = tpu.vector_load_idx %arg5[%add3A_1369] : memref<32768xf32, #tpu.memory_space<vmem>>[vector<16xi32>], vector<16xf32>,
      %broadcast_in_dim3A_1371 = arith.constant 29 : i32
      %broadcast_in_dim3A_1372 = vector.broadcast %broadcast_in_dim3A_1371 : i32 to vector<16xi32>
      %gt3A_1373 = arith.cmpf ogt, %gather3A_1370, %select_n3A_1328 : vector<16xf32>
      %select_n3A_1374 = arith.select %gt3A_1373, %gather3A_1370, %select_n3A_1328 : vector<16xi1>, vector<16xf32>
      %select_n3A_1375 = arith.select %gt3A_1373, %broadcast_in_dim3A_1372, %select_n3A_1329 : vector<16xi1>, vector<16xi32>
      %select_n3A_1376 = arith.select %gt3A_1373, %select_n3A_1328, %gather3A_1370 : vector<16xi1>, vector<16xf32>
      %select_n3A_1377 = arith.select %gt3A_1373, %select_n3A_1329, %broadcast_in_dim3A_1372 : vector<16xi1>, vector<16xi32>
      %gt3A_1378 = arith.cmpf ogt, %select_n3A_1376, %select_n3A_1333 : vector<16xf32>
      %select_n3A_1379 = arith.select %gt3A_1378, %select_n3A_1376, %select_n3A_1333 : vector<16xi1>, vector<16xf32>
      %select_n3A_1380 = arith.select %gt3A_1378, %select_n3A_1377, %select_n3A_1334 : vector<16xi1>, vector<16xi32>
      %select_n3A_1381 = arith.select %gt3A_1378, %select_n3A_1333, %select_n3A_1376 : vector<16xi1>, vector<16xf32>
      %select_n3A_1382 = arith.select %gt3A_1378, %select_n3A_1334, %select_n3A_1377 : vector<16xi1>, vector<16xi32>
      %gt3A_1383 = arith.cmpf ogt, %select_n3A_1381, %select_n3A_1338 : vector<16xf32>
      %select_n3A_1384 = arith.select %gt3A_1383, %select_n3A_1381, %select_n3A_1338 : vector<16xi1>, vector<16xf32>
      %select_n3A_1385 = arith.select %gt3A_1383, %select_n3A_1382, %select_n3A_1339 : vector<16xi1>, vector<16xi32>
      %select_n3A_1386 = arith.select %gt3A_1383, %select_n3A_1338, %select_n3A_1381 : vector<16xi1>, vector<16xf32>
      %select_n3A_1387 = arith.select %gt3A_1383, %select_n3A_1339, %select_n3A_1382 : vector<16xi1>, vector<16xi32>
      %gt3A_1388 = arith.cmpf ogt, %select_n3A_1386, %select_n3A_1343 : vector<16xf32>
      %select_n3A_1389 = arith.select %gt3A_1388, %select_n3A_1386, %select_n3A_1343 : vector<16xi1>, vector<16xf32>
      %select_n3A_1390 = arith.select %gt3A_1388, %select_n3A_1387, %select_n3A_1344 : vector<16xi1>, vector<16xi32>
      %select_n3A_1391 = arith.select %gt3A_1388, %select_n3A_1343, %select_n3A_1386 : vector<16xi1>, vector<16xf32>
      %select_n3A_1392 = arith.select %gt3A_1388, %select_n3A_1344, %select_n3A_1387 : vector<16xi1>, vector<16xi32>
      %gt3A_1393 = arith.cmpf ogt, %select_n3A_1391, %select_n3A_1348 : vector<16xf32>
      %select_n3A_1394 = arith.select %gt3A_1393, %select_n3A_1391, %select_n3A_1348 : vector<16xi1>, vector<16xf32>
      %select_n3A_1395 = arith.select %gt3A_1393, %select_n3A_1392, %select_n3A_1349 : vector<16xi1>, vector<16xi32>
      %select_n3A_1396 = arith.select %gt3A_1393, %select_n3A_1348, %select_n3A_1391 : vector<16xi1>, vector<16xf32>
      %select_n3A_1397 = arith.select %gt3A_1393, %select_n3A_1349, %select_n3A_1392 : vector<16xi1>, vector<16xi32>
      %gt3A_1398 = arith.cmpf ogt, %select_n3A_1396, %select_n3A_1353 : vector<16xf32>
      %select_n3A_1399 = arith.select %gt3A_1398, %select_n3A_1396, %select_n3A_1353 : vector<16xi1>, vector<16xf32>
      %select_n3A_1400 = arith.select %gt3A_1398, %select_n3A_1397, %select_n3A_1354 : vector<16xi1>, vector<16xi32>
      %select_n3A_1401 = arith.select %gt3A_1398, %select_n3A_1353, %select_n3A_1396 : vector<16xi1>, vector<16xf32>
      %select_n3A_1402 = arith.select %gt3A_1398, %select_n3A_1354, %select_n3A_1397 : vector<16xi1>, vector<16xi32>
      %gt3A_1403 = arith.cmpf ogt, %select_n3A_1401, %select_n3A_1358 : vector<16xf32>
      %select_n3A_1404 = arith.select %gt3A_1403, %select_n3A_1401, %select_n3A_1358 : vector<16xi1>, vector<16xf32>
      %select_n3A_1405 = arith.select %gt3A_1403, %select_n3A_1402, %select_n3A_1359 : vector<16xi1>, vector<16xi32>
      %select_n3A_1406 = arith.select %gt3A_1403, %select_n3A_1358, %select_n3A_1401 : vector<16xi1>, vector<16xf32>
      %select_n3A_1407 = arith.select %gt3A_1403, %select_n3A_1359, %select_n3A_1402 : vector<16xi1>, vector<16xi32>
      %gt3A_1408 = arith.cmpf ogt, %select_n3A_1406, %select_n3A_1363 : vector<16xf32>
      %select_n3A_1409 = arith.select %gt3A_1408, %select_n3A_1406, %select_n3A_1363 : vector<16xi1>, vector<16xf32>
      %select_n3A_1410 = arith.select %gt3A_1408, %select_n3A_1407, %select_n3A_1364 : vector<16xi1>, vector<16xi32>
      %select_n3A_1411 = arith.select %gt3A_1408, %select_n3A_1363, %select_n3A_1406 : vector<16xi1>, vector<16xf32>
      %select_n3A_1412 = arith.select %gt3A_1408, %select_n3A_1364, %select_n3A_1407 : vector<16xi1>, vector<16xi32>
      %add3A_1413 = arith.constant 30 : i32
      %add3A_1414 = vector.broadcast %add3A_1413 : i32 to vector<16xi32>
      %add3A_1415 = arith.addi %mul3A_35, %add3A_1414 : vector<16xi32>
      %gather3A_1416 = tpu.vector_load_idx %arg5[%add3A_1415] : memref<32768xf32, #tpu.memory_space<vmem>>[vector<16xi32>], vector<16xf32>,
      %broadcast_in_dim3A_1417 = arith.constant 30 : i32
      %broadcast_in_dim3A_1418 = vector.broadcast %broadcast_in_dim3A_1417 : i32 to vector<16xi32>
      %gt3A_1419 = arith.cmpf ogt, %gather3A_1416, %select_n3A_1374 : vector<16xf32>
      %select_n3A_1420 = arith.select %gt3A_1419, %gather3A_1416, %select_n3A_1374 : vector<16xi1>, vector<16xf32>
      %select_n3A_1421 = arith.select %gt3A_1419, %broadcast_in_dim3A_1418, %select_n3A_1375 : vector<16xi1>, vector<16xi32>
      %select_n3A_1422 = arith.select %gt3A_1419, %select_n3A_1374, %gather3A_1416 : vector<16xi1>, vector<16xf32>
      %select_n3A_1423 = arith.select %gt3A_1419, %select_n3A_1375, %broadcast_in_dim3A_1418 : vector<16xi1>, vector<16xi32>
      %gt3A_1424 = arith.cmpf ogt, %select_n3A_1422, %select_n3A_1379 : vector<16xf32>
      %select_n3A_1425 = arith.select %gt3A_1424, %select_n3A_1422, %select_n3A_1379 : vector<16xi1>, vector<16xf32>
      %select_n3A_1426 = arith.select %gt3A_1424, %select_n3A_1423, %select_n3A_1380 : vector<16xi1>, vector<16xi32>
      %select_n3A_1427 = arith.select %gt3A_1424, %select_n3A_1379, %select_n3A_1422 : vector<16xi1>, vector<16xf32>
      %select_n3A_1428 = arith.select %gt3A_1424, %select_n3A_1380, %select_n3A_1423 : vector<16xi1>, vector<16xi32>
      %gt3A_1429 = arith.cmpf ogt, %select_n3A_1427, %select_n3A_1384 : vector<16xf32>
      %select_n3A_1430 = arith.select %gt3A_1429, %select_n3A_1427, %select_n3A_1384 : vector<16xi1>, vector<16xf32>
      %select_n3A_1431 = arith.select %gt3A_1429, %select_n3A_1428, %select_n3A_1385 : vector<16xi1>, vector<16xi32>
      %select_n3A_1432 = arith.select %gt3A_1429, %select_n3A_1384, %select_n3A_1427 : vector<16xi1>, vector<16xf32>
      %select_n3A_1433 = arith.select %gt3A_1429, %select_n3A_1385, %select_n3A_1428 : vector<16xi1>, vector<16xi32>
      %gt3A_1434 = arith.cmpf ogt, %select_n3A_1432, %select_n3A_1389 : vector<16xf32>
      %select_n3A_1435 = arith.select %gt3A_1434, %select_n3A_1432, %select_n3A_1389 : vector<16xi1>, vector<16xf32>
      %select_n3A_1436 = arith.select %gt3A_1434, %select_n3A_1433, %select_n3A_1390 : vector<16xi1>, vector<16xi32>
      %select_n3A_1437 = arith.select %gt3A_1434, %select_n3A_1389, %select_n3A_1432 : vector<16xi1>, vector<16xf32>
      %select_n3A_1438 = arith.select %gt3A_1434, %select_n3A_1390, %select_n3A_1433 : vector<16xi1>, vector<16xi32>
      %gt3A_1439 = arith.cmpf ogt, %select_n3A_1437, %select_n3A_1394 : vector<16xf32>
      %select_n3A_1440 = arith.select %gt3A_1439, %select_n3A_1437, %select_n3A_1394 : vector<16xi1>, vector<16xf32>
      %select_n3A_1441 = arith.select %gt3A_1439, %select_n3A_1438, %select_n3A_1395 : vector<16xi1>, vector<16xi32>
      %select_n3A_1442 = arith.select %gt3A_1439, %select_n3A_1394, %select_n3A_1437 : vector<16xi1>, vector<16xf32>
      %select_n3A_1443 = arith.select %gt3A_1439, %select_n3A_1395, %select_n3A_1438 : vector<16xi1>, vector<16xi32>
      %gt3A_1444 = arith.cmpf ogt, %select_n3A_1442, %select_n3A_1399 : vector<16xf32>
      %select_n3A_1445 = arith.select %gt3A_1444, %select_n3A_1442, %select_n3A_1399 : vector<16xi1>, vector<16xf32>
      %select_n3A_1446 = arith.select %gt3A_1444, %select_n3A_1443, %select_n3A_1400 : vector<16xi1>, vector<16xi32>
      %select_n3A_1447 = arith.select %gt3A_1444, %select_n3A_1399, %select_n3A_1442 : vector<16xi1>, vector<16xf32>
      %select_n3A_1448 = arith.select %gt3A_1444, %select_n3A_1400, %select_n3A_1443 : vector<16xi1>, vector<16xi32>
      %gt3A_1449 = arith.cmpf ogt, %select_n3A_1447, %select_n3A_1404 : vector<16xf32>
      %select_n3A_1450 = arith.select %gt3A_1449, %select_n3A_1447, %select_n3A_1404 : vector<16xi1>, vector<16xf32>
      %select_n3A_1451 = arith.select %gt3A_1449, %select_n3A_1448, %select_n3A_1405 : vector<16xi1>, vector<16xi32>
      %select_n3A_1452 = arith.select %gt3A_1449, %select_n3A_1404, %select_n3A_1447 : vector<16xi1>, vector<16xf32>
      %select_n3A_1453 = arith.select %gt3A_1449, %select_n3A_1405, %select_n3A_1448 : vector<16xi1>, vector<16xi32>
      %gt3A_1454 = arith.cmpf ogt, %select_n3A_1452, %select_n3A_1409 : vector<16xf32>
      %select_n3A_1455 = arith.select %gt3A_1454, %select_n3A_1452, %select_n3A_1409 : vector<16xi1>, vector<16xf32>
      %select_n3A_1456 = arith.select %gt3A_1454, %select_n3A_1453, %select_n3A_1410 : vector<16xi1>, vector<16xi32>
      %select_n3A_1457 = arith.select %gt3A_1454, %select_n3A_1409, %select_n3A_1452 : vector<16xi1>, vector<16xf32>
      %select_n3A_1458 = arith.select %gt3A_1454, %select_n3A_1410, %select_n3A_1453 : vector<16xi1>, vector<16xi32>
      %add3A_1459 = arith.constant 31 : i32
      %add3A_1460 = vector.broadcast %add3A_1459 : i32 to vector<16xi32>
      %add3A_1461 = arith.addi %mul3A_35, %add3A_1460 : vector<16xi32>
      %gather3A_1462 = tpu.vector_load_idx %arg5[%add3A_1461] : memref<32768xf32, #tpu.memory_space<vmem>>[vector<16xi32>], vector<16xf32>,
      %broadcast_in_dim3A_1463 = arith.constant 31 : i32
      %broadcast_in_dim3A_1464 = vector.broadcast %broadcast_in_dim3A_1463 : i32 to vector<16xi32>
      %gt3A_1465 = arith.cmpf ogt, %gather3A_1462, %select_n3A_1420 : vector<16xf32>
      %select_n3A_1466 = arith.select %gt3A_1465, %gather3A_1462, %select_n3A_1420 : vector<16xi1>, vector<16xf32>
      %select_n3A_1467 = arith.select %gt3A_1465, %broadcast_in_dim3A_1464, %select_n3A_1421 : vector<16xi1>, vector<16xi32>
      %select_n3A_1468 = arith.select %gt3A_1465, %select_n3A_1420, %gather3A_1462 : vector<16xi1>, vector<16xf32>
      %select_n3A_1469 = arith.select %gt3A_1465, %select_n3A_1421, %broadcast_in_dim3A_1464 : vector<16xi1>, vector<16xi32>
      %gt3A_1470 = arith.cmpf ogt, %select_n3A_1468, %select_n3A_1425 : vector<16xf32>
      %select_n3A_1471 = arith.select %gt3A_1470, %select_n3A_1468, %select_n3A_1425 : vector<16xi1>, vector<16xf32>
      %select_n3A_1472 = arith.select %gt3A_1470, %select_n3A_1469, %select_n3A_1426 : vector<16xi1>, vector<16xi32>
      %select_n3A_1473 = arith.select %gt3A_1470, %select_n3A_1425, %select_n3A_1468 : vector<16xi1>, vector<16xf32>
      %select_n3A_1474 = arith.select %gt3A_1470, %select_n3A_1426, %select_n3A_1469 : vector<16xi1>, vector<16xi32>
      %gt3A_1475 = arith.cmpf ogt, %select_n3A_1473, %select_n3A_1430 : vector<16xf32>
      %select_n3A_1476 = arith.select %gt3A_1475, %select_n3A_1473, %select_n3A_1430 : vector<16xi1>, vector<16xf32>
      %select_n3A_1477 = arith.select %gt3A_1475, %select_n3A_1474, %select_n3A_1431 : vector<16xi1>, vector<16xi32>
      %select_n3A_1478 = arith.select %gt3A_1475, %select_n3A_1430, %select_n3A_1473 : vector<16xi1>, vector<16xf32>
      %select_n3A_1479 = arith.select %gt3A_1475, %select_n3A_1431, %select_n3A_1474 : vector<16xi1>, vector<16xi32>
      %gt3A_1480 = arith.cmpf ogt, %select_n3A_1478, %select_n3A_1435 : vector<16xf32>
      %select_n3A_1481 = arith.select %gt3A_1480, %select_n3A_1478, %select_n3A_1435 : vector<16xi1>, vector<16xf32>
      %select_n3A_1482 = arith.select %gt3A_1480, %select_n3A_1479, %select_n3A_1436 : vector<16xi1>, vector<16xi32>
      %select_n3A_1483 = arith.select %gt3A_1480, %select_n3A_1435, %select_n3A_1478 : vector<16xi1>, vector<16xf32>
      %select_n3A_1484 = arith.select %gt3A_1480, %select_n3A_1436, %select_n3A_1479 : vector<16xi1>, vector<16xi32>
      %gt3A_1485 = arith.cmpf ogt, %select_n3A_1483, %select_n3A_1440 : vector<16xf32>
      %select_n3A_1486 = arith.select %gt3A_1485, %select_n3A_1483, %select_n3A_1440 : vector<16xi1>, vector<16xf32>
      %select_n3A_1487 = arith.select %gt3A_1485, %select_n3A_1484, %select_n3A_1441 : vector<16xi1>, vector<16xi32>
      %select_n3A_1488 = arith.select %gt3A_1485, %select_n3A_1440, %select_n3A_1483 : vector<16xi1>, vector<16xf32>
      %select_n3A_1489 = arith.select %gt3A_1485, %select_n3A_1441, %select_n3A_1484 : vector<16xi1>, vector<16xi32>
      %gt3A_1490 = arith.cmpf ogt, %select_n3A_1488, %select_n3A_1445 : vector<16xf32>
      %select_n3A_1491 = arith.select %gt3A_1490, %select_n3A_1488, %select_n3A_1445 : vector<16xi1>, vector<16xf32>
      %select_n3A_1492 = arith.select %gt3A_1490, %select_n3A_1489, %select_n3A_1446 : vector<16xi1>, vector<16xi32>
      %select_n3A_1493 = arith.select %gt3A_1490, %select_n3A_1445, %select_n3A_1488 : vector<16xi1>, vector<16xf32>
      %select_n3A_1494 = arith.select %gt3A_1490, %select_n3A_1446, %select_n3A_1489 : vector<16xi1>, vector<16xi32>
      %gt3A_1495 = arith.cmpf ogt, %select_n3A_1493, %select_n3A_1450 : vector<16xf32>
      %select_n3A_1496 = arith.select %gt3A_1495, %select_n3A_1493, %select_n3A_1450 : vector<16xi1>, vector<16xf32>
      %select_n3A_1497 = arith.select %gt3A_1495, %select_n3A_1494, %select_n3A_1451 : vector<16xi1>, vector<16xi32>
      %select_n3A_1498 = arith.select %gt3A_1495, %select_n3A_1450, %select_n3A_1493 : vector<16xi1>, vector<16xf32>
      %select_n3A_1499 = arith.select %gt3A_1495, %select_n3A_1451, %select_n3A_1494 : vector<16xi1>, vector<16xi32>
      %gt3A_1500 = arith.cmpf ogt, %select_n3A_1498, %select_n3A_1455 : vector<16xf32>
      %select_n3A_1501 = arith.select %gt3A_1500, %select_n3A_1498, %select_n3A_1455 : vector<16xi1>, vector<16xf32>
      %select_n3A_1502 = arith.select %gt3A_1500, %select_n3A_1499, %select_n3A_1456 : vector<16xi1>, vector<16xi32>
      %select_n3A_1503 = arith.select %gt3A_1500, %select_n3A_1455, %select_n3A_1498 : vector<16xi1>, vector<16xf32>
      %select_n3A_1504 = arith.select %gt3A_1500, %select_n3A_1456, %select_n3A_1499 : vector<16xi1>, vector<16xi32>
      %add3A_1505 = arith.constant 32 : i32
      %add3A_1506 = vector.broadcast %add3A_1505 : i32 to vector<16xi32>
      %add3A_1507 = arith.addi %mul3A_35, %add3A_1506 : vector<16xi32>
      %gather3A_1508 = tpu.vector_load_idx %arg5[%add3A_1507] : memref<32768xf32, #tpu.memory_space<vmem>>[vector<16xi32>], vector<16xf32>,
      %broadcast_in_dim3A_1509 = arith.constant 32 : i32
      %broadcast_in_dim3A_1510 = vector.broadcast %broadcast_in_dim3A_1509 : i32 to vector<16xi32>
      %gt3A_1511 = arith.cmpf ogt, %gather3A_1508, %select_n3A_1466 : vector<16xf32>
      %select_n3A_1512 = arith.select %gt3A_1511, %gather3A_1508, %select_n3A_1466 : vector<16xi1>, vector<16xf32>
      %select_n3A_1513 = arith.select %gt3A_1511, %broadcast_in_dim3A_1510, %select_n3A_1467 : vector<16xi1>, vector<16xi32>
      %select_n3A_1514 = arith.select %gt3A_1511, %select_n3A_1466, %gather3A_1508 : vector<16xi1>, vector<16xf32>
      %select_n3A_1515 = arith.select %gt3A_1511, %select_n3A_1467, %broadcast_in_dim3A_1510 : vector<16xi1>, vector<16xi32>
      %gt3A_1516 = arith.cmpf ogt, %select_n3A_1514, %select_n3A_1471 : vector<16xf32>
      %select_n3A_1517 = arith.select %gt3A_1516, %select_n3A_1514, %select_n3A_1471 : vector<16xi1>, vector<16xf32>
      %select_n3A_1518 = arith.select %gt3A_1516, %select_n3A_1515, %select_n3A_1472 : vector<16xi1>, vector<16xi32>
      %select_n3A_1519 = arith.select %gt3A_1516, %select_n3A_1471, %select_n3A_1514 : vector<16xi1>, vector<16xf32>
      %select_n3A_1520 = arith.select %gt3A_1516, %select_n3A_1472, %select_n3A_1515 : vector<16xi1>, vector<16xi32>
      %gt3A_1521 = arith.cmpf ogt, %select_n3A_1519, %select_n3A_1476 : vector<16xf32>
      %select_n3A_1522 = arith.select %gt3A_1521, %select_n3A_1519, %select_n3A_1476 : vector<16xi1>, vector<16xf32>
      %select_n3A_1523 = arith.select %gt3A_1521, %select_n3A_1520, %select_n3A_1477 : vector<16xi1>, vector<16xi32>
      %select_n3A_1524 = arith.select %gt3A_1521, %select_n3A_1476, %select_n3A_1519 : vector<16xi1>, vector<16xf32>
      %select_n3A_1525 = arith.select %gt3A_1521, %select_n3A_1477, %select_n3A_1520 : vector<16xi1>, vector<16xi32>
      %gt3A_1526 = arith.cmpf ogt, %select_n3A_1524, %select_n3A_1481 : vector<16xf32>
      %select_n3A_1527 = arith.select %gt3A_1526, %select_n3A_1524, %select_n3A_1481 : vector<16xi1>, vector<16xf32>
      %select_n3A_1528 = arith.select %gt3A_1526, %select_n3A_1525, %select_n3A_1482 : vector<16xi1>, vector<16xi32>
      %select_n3A_1529 = arith.select %gt3A_1526, %select_n3A_1481, %select_n3A_1524 : vector<16xi1>, vector<16xf32>
      %select_n3A_1530 = arith.select %gt3A_1526, %select_n3A_1482, %select_n3A_1525 : vector<16xi1>, vector<16xi32>
      %gt3A_1531 = arith.cmpf ogt, %select_n3A_1529, %select_n3A_1486 : vector<16xf32>
      %select_n3A_1532 = arith.select %gt3A_1531, %select_n3A_1529, %select_n3A_1486 : vector<16xi1>, vector<16xf32>
      %select_n3A_1533 = arith.select %gt3A_1531, %select_n3A_1530, %select_n3A_1487 : vector<16xi1>, vector<16xi32>
      %select_n3A_1534 = arith.select %gt3A_1531, %select_n3A_1486, %select_n3A_1529 : vector<16xi1>, vector<16xf32>
      %select_n3A_1535 = arith.select %gt3A_1531, %select_n3A_1487, %select_n3A_1530 : vector<16xi1>, vector<16xi32>
      %gt3A_1536 = arith.cmpf ogt, %select_n3A_1534, %select_n3A_1491 : vector<16xf32>
      %select_n3A_1537 = arith.select %gt3A_1536, %select_n3A_1534, %select_n3A_1491 : vector<16xi1>, vector<16xf32>
      %select_n3A_1538 = arith.select %gt3A_1536, %select_n3A_1535, %select_n3A_1492 : vector<16xi1>, vector<16xi32>
      %select_n3A_1539 = arith.select %gt3A_1536, %select_n3A_1491, %select_n3A_1534 : vector<16xi1>, vector<16xf32>
      %select_n3A_1540 = arith.select %gt3A_1536, %select_n3A_1492, %select_n3A_1535 : vector<16xi1>, vector<16xi32>
      %gt3A_1541 = arith.cmpf ogt, %select_n3A_1539, %select_n3A_1496 : vector<16xf32>
      %select_n3A_1542 = arith.select %gt3A_1541, %select_n3A_1539, %select_n3A_1496 : vector<16xi1>, vector<16xf32>
      %select_n3A_1543 = arith.select %gt3A_1541, %select_n3A_1540, %select_n3A_1497 : vector<16xi1>, vector<16xi32>
      %select_n3A_1544 = arith.select %gt3A_1541, %select_n3A_1496, %select_n3A_1539 : vector<16xi1>, vector<16xf32>
      %select_n3A_1545 = arith.select %gt3A_1541, %select_n3A_1497, %select_n3A_1540 : vector<16xi1>, vector<16xi32>
      %gt3A_1546 = arith.cmpf ogt, %select_n3A_1544, %select_n3A_1501 : vector<16xf32>
      %select_n3A_1547 = arith.select %gt3A_1546, %select_n3A_1544, %select_n3A_1501 : vector<16xi1>, vector<16xf32>
      %select_n3A_1548 = arith.select %gt3A_1546, %select_n3A_1545, %select_n3A_1502 : vector<16xi1>, vector<16xi32>
      %select_n3A_1549 = arith.select %gt3A_1546, %select_n3A_1501, %select_n3A_1544 : vector<16xi1>, vector<16xf32>
      %select_n3A_1550 = arith.select %gt3A_1546, %select_n3A_1502, %select_n3A_1545 : vector<16xi1>, vector<16xi32>
      %add3A_1551 = arith.constant 33 : i32
      %add3A_1552 = vector.broadcast %add3A_1551 : i32 to vector<16xi32>
      %add3A_1553 = arith.addi %mul3A_35, %add3A_1552 : vector<16xi32>
      %gather3A_1554 = tpu.vector_load_idx %arg5[%add3A_1553] : memref<32768xf32, #tpu.memory_space<vmem>>[vector<16xi32>], vector<16xf32>,
      %broadcast_in_dim3A_1555 = arith.constant 33 : i32
      %broadcast_in_dim3A_1556 = vector.broadcast %broadcast_in_dim3A_1555 : i32 to vector<16xi32>
      %gt3A_1557 = arith.cmpf ogt, %gather3A_1554, %select_n3A_1512 : vector<16xf32>
      %select_n3A_1558 = arith.select %gt3A_1557, %gather3A_1554, %select_n3A_1512 : vector<16xi1>, vector<16xf32>
      %select_n3A_1559 = arith.select %gt3A_1557, %broadcast_in_dim3A_1556, %select_n3A_1513 : vector<16xi1>, vector<16xi32>
      %select_n3A_1560 = arith.select %gt3A_1557, %select_n3A_1512, %gather3A_1554 : vector<16xi1>, vector<16xf32>
      %select_n3A_1561 = arith.select %gt3A_1557, %select_n3A_1513, %broadcast_in_dim3A_1556 : vector<16xi1>, vector<16xi32>
      %gt3A_1562 = arith.cmpf ogt, %select_n3A_1560, %select_n3A_1517 : vector<16xf32>
      %select_n3A_1563 = arith.select %gt3A_1562, %select_n3A_1560, %select_n3A_1517 : vector<16xi1>, vector<16xf32>
      %select_n3A_1564 = arith.select %gt3A_1562, %select_n3A_1561, %select_n3A_1518 : vector<16xi1>, vector<16xi32>
      %select_n3A_1565 = arith.select %gt3A_1562, %select_n3A_1517, %select_n3A_1560 : vector<16xi1>, vector<16xf32>
      %select_n3A_1566 = arith.select %gt3A_1562, %select_n3A_1518, %select_n3A_1561 : vector<16xi1>, vector<16xi32>
      %gt3A_1567 = arith.cmpf ogt, %select_n3A_1565, %select_n3A_1522 : vector<16xf32>
      %select_n3A_1568 = arith.select %gt3A_1567, %select_n3A_1565, %select_n3A_1522 : vector<16xi1>, vector<16xf32>
      %select_n3A_1569 = arith.select %gt3A_1567, %select_n3A_1566, %select_n3A_1523 : vector<16xi1>, vector<16xi32>
      %select_n3A_1570 = arith.select %gt3A_1567, %select_n3A_1522, %select_n3A_1565 : vector<16xi1>, vector<16xf32>
      %select_n3A_1571 = arith.select %gt3A_1567, %select_n3A_1523, %select_n3A_1566 : vector<16xi1>, vector<16xi32>
      %gt3A_1572 = arith.cmpf ogt, %select_n3A_1570, %select_n3A_1527 : vector<16xf32>
      %select_n3A_1573 = arith.select %gt3A_1572, %select_n3A_1570, %select_n3A_1527 : vector<16xi1>, vector<16xf32>
      %select_n3A_1574 = arith.select %gt3A_1572, %select_n3A_1571, %select_n3A_1528 : vector<16xi1>, vector<16xi32>
      %select_n3A_1575 = arith.select %gt3A_1572, %select_n3A_1527, %select_n3A_1570 : vector<16xi1>, vector<16xf32>
      %select_n3A_1576 = arith.select %gt3A_1572, %select_n3A_1528, %select_n3A_1571 : vector<16xi1>, vector<16xi32>
      %gt3A_1577 = arith.cmpf ogt, %select_n3A_1575, %select_n3A_1532 : vector<16xf32>
      %select_n3A_1578 = arith.select %gt3A_1577, %select_n3A_1575, %select_n3A_1532 : vector<16xi1>, vector<16xf32>
      %select_n3A_1579 = arith.select %gt3A_1577, %select_n3A_1576, %select_n3A_1533 : vector<16xi1>, vector<16xi32>
      %select_n3A_1580 = arith.select %gt3A_1577, %select_n3A_1532, %select_n3A_1575 : vector<16xi1>, vector<16xf32>
      %select_n3A_1581 = arith.select %gt3A_1577, %select_n3A_1533, %select_n3A_1576 : vector<16xi1>, vector<16xi32>
      %gt3A_1582 = arith.cmpf ogt, %select_n3A_1580, %select_n3A_1537 : vector<16xf32>
      %select_n3A_1583 = arith.select %gt3A_1582, %select_n3A_1580, %select_n3A_1537 : vector<16xi1>, vector<16xf32>
      %select_n3A_1584 = arith.select %gt3A_1582, %select_n3A_1581, %select_n3A_1538 : vector<16xi1>, vector<16xi32>
      %select_n3A_1585 = arith.select %gt3A_1582, %select_n3A_1537, %select_n3A_1580 : vector<16xi1>, vector<16xf32>
      %select_n3A_1586 = arith.select %gt3A_1582, %select_n3A_1538, %select_n3A_1581 : vector<16xi1>, vector<16xi32>
      %gt3A_1587 = arith.cmpf ogt, %select_n3A_1585, %select_n3A_1542 : vector<16xf32>
      %select_n3A_1588 = arith.select %gt3A_1587, %select_n3A_1585, %select_n3A_1542 : vector<16xi1>, vector<16xf32>
      %select_n3A_1589 = arith.select %gt3A_1587, %select_n3A_1586, %select_n3A_1543 : vector<16xi1>, vector<16xi32>
      %select_n3A_1590 = arith.select %gt3A_1587, %select_n3A_1542, %select_n3A_1585 : vector<16xi1>, vector<16xf32>
      %select_n3A_1591 = arith.select %gt3A_1587, %select_n3A_1543, %select_n3A_1586 : vector<16xi1>, vector<16xi32>
      %gt3A_1592 = arith.cmpf ogt, %select_n3A_1590, %select_n3A_1547 : vector<16xf32>
      %select_n3A_1593 = arith.select %gt3A_1592, %select_n3A_1590, %select_n3A_1547 : vector<16xi1>, vector<16xf32>
      %select_n3A_1594 = arith.select %gt3A_1592, %select_n3A_1591, %select_n3A_1548 : vector<16xi1>, vector<16xi32>
      %select_n3A_1595 = arith.select %gt3A_1592, %select_n3A_1547, %select_n3A_1590 : vector<16xi1>, vector<16xf32>
      %select_n3A_1596 = arith.select %gt3A_1592, %select_n3A_1548, %select_n3A_1591 : vector<16xi1>, vector<16xi32>
      %add3A_1597 = arith.constant 34 : i32
      %add3A_1598 = vector.broadcast %add3A_1597 : i32 to vector<16xi32>
      %add3A_1599 = arith.addi %mul3A_35, %add3A_1598 : vector<16xi32>
      %gather3A_1600 = tpu.vector_load_idx %arg5[%add3A_1599] : memref<32768xf32, #tpu.memory_space<vmem>>[vector<16xi32>], vector<16xf32>,
      %broadcast_in_dim3A_1601 = arith.constant 34 : i32
      %broadcast_in_dim3A_1602 = vector.broadcast %broadcast_in_dim3A_1601 : i32 to vector<16xi32>
      %gt3A_1603 = arith.cmpf ogt, %gather3A_1600, %select_n3A_1558 : vector<16xf32>
      %select_n3A_1604 = arith.select %gt3A_1603, %gather3A_1600, %select_n3A_1558 : vector<16xi1>, vector<16xf32>
      %select_n3A_1605 = arith.select %gt3A_1603, %broadcast_in_dim3A_1602, %select_n3A_1559 : vector<16xi1>, vector<16xi32>
      %select_n3A_1606 = arith.select %gt3A_1603, %select_n3A_1558, %gather3A_1600 : vector<16xi1>, vector<16xf32>
      %select_n3A_1607 = arith.select %gt3A_1603, %select_n3A_1559, %broadcast_in_dim3A_1602 : vector<16xi1>, vector<16xi32>
      %gt3A_1608 = arith.cmpf ogt, %select_n3A_1606, %select_n3A_1563 : vector<16xf32>
      %select_n3A_1609 = arith.select %gt3A_1608, %select_n3A_1606, %select_n3A_1563 : vector<16xi1>, vector<16xf32>
      %select_n3A_1610 = arith.select %gt3A_1608, %select_n3A_1607, %select_n3A_1564 : vector<16xi1>, vector<16xi32>
      %select_n3A_1611 = arith.select %gt3A_1608, %select_n3A_1563, %select_n3A_1606 : vector<16xi1>, vector<16xf32>
      %select_n3A_1612 = arith.select %gt3A_1608, %select_n3A_1564, %select_n3A_1607 : vector<16xi1>, vector<16xi32>
      %gt3A_1613 = arith.cmpf ogt, %select_n3A_1611, %select_n3A_1568 : vector<16xf32>
      %select_n3A_1614 = arith.select %gt3A_1613, %select_n3A_1611, %select_n3A_1568 : vector<16xi1>, vector<16xf32>
      %select_n3A_1615 = arith.select %gt3A_1613, %select_n3A_1612, %select_n3A_1569 : vector<16xi1>, vector<16xi32>
      %select_n3A_1616 = arith.select %gt3A_1613, %select_n3A_1568, %select_n3A_1611 : vector<16xi1>, vector<16xf32>
      %select_n3A_1617 = arith.select %gt3A_1613, %select_n3A_1569, %select_n3A_1612 : vector<16xi1>, vector<16xi32>
      %gt3A_1618 = arith.cmpf ogt, %select_n3A_1616, %select_n3A_1573 : vector<16xf32>
      %select_n3A_1619 = arith.select %gt3A_1618, %select_n3A_1616, %select_n3A_1573 : vector<16xi1>, vector<16xf32>
      %select_n3A_1620 = arith.select %gt3A_1618, %select_n3A_1617, %select_n3A_1574 : vector<16xi1>, vector<16xi32>
      %select_n3A_1621 = arith.select %gt3A_1618, %select_n3A_1573, %select_n3A_1616 : vector<16xi1>, vector<16xf32>
      %select_n3A_1622 = arith.select %gt3A_1618, %select_n3A_1574, %select_n3A_1617 : vector<16xi1>, vector<16xi32>
      %gt3A_1623 = arith.cmpf ogt, %select_n3A_1621, %select_n3A_1578 : vector<16xf32>
      %select_n3A_1624 = arith.select %gt3A_1623, %select_n3A_1621, %select_n3A_1578 : vector<16xi1>, vector<16xf32>
      %select_n3A_1625 = arith.select %gt3A_1623, %select_n3A_1622, %select_n3A_1579 : vector<16xi1>, vector<16xi32>
      %select_n3A_1626 = arith.select %gt3A_1623, %select_n3A_1578, %select_n3A_1621 : vector<16xi1>, vector<16xf32>
      %select_n3A_1627 = arith.select %gt3A_1623, %select_n3A_1579, %select_n3A_1622 : vector<16xi1>, vector<16xi32>
      %gt3A_1628 = arith.cmpf ogt, %select_n3A_1626, %select_n3A_1583 : vector<16xf32>
      %select_n3A_1629 = arith.select %gt3A_1628, %select_n3A_1626, %select_n3A_1583 : vector<16xi1>, vector<16xf32>
      %select_n3A_1630 = arith.select %gt3A_1628, %select_n3A_1627, %select_n3A_1584 : vector<16xi1>, vector<16xi32>
      %select_n3A_1631 = arith.select %gt3A_1628, %select_n3A_1583, %select_n3A_1626 : vector<16xi1>, vector<16xf32>
      %select_n3A_1632 = arith.select %gt3A_1628, %select_n3A_1584, %select_n3A_1627 : vector<16xi1>, vector<16xi32>
      %gt3A_1633 = arith.cmpf ogt, %select_n3A_1631, %select_n3A_1588 : vector<16xf32>
      %select_n3A_1634 = arith.select %gt3A_1633, %select_n3A_1631, %select_n3A_1588 : vector<16xi1>, vector<16xf32>
      %select_n3A_1635 = arith.select %gt3A_1633, %select_n3A_1632, %select_n3A_1589 : vector<16xi1>, vector<16xi32>
      %select_n3A_1636 = arith.select %gt3A_1633, %select_n3A_1588, %select_n3A_1631 : vector<16xi1>, vector<16xf32>
      %select_n3A_1637 = arith.select %gt3A_1633, %select_n3A_1589, %select_n3A_1632 : vector<16xi1>, vector<16xi32>
      %gt3A_1638 = arith.cmpf ogt, %select_n3A_1636, %select_n3A_1593 : vector<16xf32>
      %select_n3A_1639 = arith.select %gt3A_1638, %select_n3A_1636, %select_n3A_1593 : vector<16xi1>, vector<16xf32>
      %select_n3A_1640 = arith.select %gt3A_1638, %select_n3A_1637, %select_n3A_1594 : vector<16xi1>, vector<16xi32>
      %select_n3A_1641 = arith.select %gt3A_1638, %select_n3A_1593, %select_n3A_1636 : vector<16xi1>, vector<16xf32>
      %select_n3A_1642 = arith.select %gt3A_1638, %select_n3A_1594, %select_n3A_1637 : vector<16xi1>, vector<16xi32>
      %add3A_1643 = arith.constant 35 : i32
      %add3A_1644 = vector.broadcast %add3A_1643 : i32 to vector<16xi32>
      %add3A_1645 = arith.addi %mul3A_35, %add3A_1644 : vector<16xi32>
      %gather3A_1646 = tpu.vector_load_idx %arg5[%add3A_1645] : memref<32768xf32, #tpu.memory_space<vmem>>[vector<16xi32>], vector<16xf32>,
      %broadcast_in_dim3A_1647 = arith.constant 35 : i32
      %broadcast_in_dim3A_1648 = vector.broadcast %broadcast_in_dim3A_1647 : i32 to vector<16xi32>
      %gt3A_1649 = arith.cmpf ogt, %gather3A_1646, %select_n3A_1604 : vector<16xf32>
      %select_n3A_1650 = arith.select %gt3A_1649, %gather3A_1646, %select_n3A_1604 : vector<16xi1>, vector<16xf32>
      %select_n3A_1651 = arith.select %gt3A_1649, %broadcast_in_dim3A_1648, %select_n3A_1605 : vector<16xi1>, vector<16xi32>
      %select_n3A_1652 = arith.select %gt3A_1649, %select_n3A_1604, %gather3A_1646 : vector<16xi1>, vector<16xf32>
      %select_n3A_1653 = arith.select %gt3A_1649, %select_n3A_1605, %broadcast_in_dim3A_1648 : vector<16xi1>, vector<16xi32>
      %gt3A_1654 = arith.cmpf ogt, %select_n3A_1652, %select_n3A_1609 : vector<16xf32>
      %select_n3A_1655 = arith.select %gt3A_1654, %select_n3A_1652, %select_n3A_1609 : vector<16xi1>, vector<16xf32>
      %select_n3A_1656 = arith.select %gt3A_1654, %select_n3A_1653, %select_n3A_1610 : vector<16xi1>, vector<16xi32>
      %select_n3A_1657 = arith.select %gt3A_1654, %select_n3A_1609, %select_n3A_1652 : vector<16xi1>, vector<16xf32>
      %select_n3A_1658 = arith.select %gt3A_1654, %select_n3A_1610, %select_n3A_1653 : vector<16xi1>, vector<16xi32>
      %gt3A_1659 = arith.cmpf ogt, %select_n3A_1657, %select_n3A_1614 : vector<16xf32>
      %select_n3A_1660 = arith.select %gt3A_1659, %select_n3A_1657, %select_n3A_1614 : vector<16xi1>, vector<16xf32>
      %select_n3A_1661 = arith.select %gt3A_1659, %select_n3A_1658, %select_n3A_1615 : vector<16xi1>, vector<16xi32>
      %select_n3A_1662 = arith.select %gt3A_1659, %select_n3A_1614, %select_n3A_1657 : vector<16xi1>, vector<16xf32>
      %select_n3A_1663 = arith.select %gt3A_1659, %select_n3A_1615, %select_n3A_1658 : vector<16xi1>, vector<16xi32>
      %gt3A_1664 = arith.cmpf ogt, %select_n3A_1662, %select_n3A_1619 : vector<16xf32>
      %select_n3A_1665 = arith.select %gt3A_1664, %select_n3A_1662, %select_n3A_1619 : vector<16xi1>, vector<16xf32>
      %select_n3A_1666 = arith.select %gt3A_1664, %select_n3A_1663, %select_n3A_1620 : vector<16xi1>, vector<16xi32>
      %select_n3A_1667 = arith.select %gt3A_1664, %select_n3A_1619, %select_n3A_1662 : vector<16xi1>, vector<16xf32>
      %select_n3A_1668 = arith.select %gt3A_1664, %select_n3A_1620, %select_n3A_1663 : vector<16xi1>, vector<16xi32>
      %gt3A_1669 = arith.cmpf ogt, %select_n3A_1667, %select_n3A_1624 : vector<16xf32>
      %select_n3A_1670 = arith.select %gt3A_1669, %select_n3A_1667, %select_n3A_1624 : vector<16xi1>, vector<16xf32>
      %select_n3A_1671 = arith.select %gt3A_1669, %select_n3A_1668, %select_n3A_1625 : vector<16xi1>, vector<16xi32>
      %select_n3A_1672 = arith.select %gt3A_1669, %select_n3A_1624, %select_n3A_1667 : vector<16xi1>, vector<16xf32>
      %select_n3A_1673 = arith.select %gt3A_1669, %select_n3A_1625, %select_n3A_1668 : vector<16xi1>, vector<16xi32>
      %gt3A_1674 = arith.cmpf ogt, %select_n3A_1672, %select_n3A_1629 : vector<16xf32>
      %select_n3A_1675 = arith.select %gt3A_1674, %select_n3A_1672, %select_n3A_1629 : vector<16xi1>, vector<16xf32>
      %select_n3A_1676 = arith.select %gt3A_1674, %select_n3A_1673, %select_n3A_1630 : vector<16xi1>, vector<16xi32>
      %select_n3A_1677 = arith.select %gt3A_1674, %select_n3A_1629, %select_n3A_1672 : vector<16xi1>, vector<16xf32>
      %select_n3A_1678 = arith.select %gt3A_1674, %select_n3A_1630, %select_n3A_1673 : vector<16xi1>, vector<16xi32>
      %gt3A_1679 = arith.cmpf ogt, %select_n3A_1677, %select_n3A_1634 : vector<16xf32>
      %select_n3A_1680 = arith.select %gt3A_1679, %select_n3A_1677, %select_n3A_1634 : vector<16xi1>, vector<16xf32>
      %select_n3A_1681 = arith.select %gt3A_1679, %select_n3A_1678, %select_n3A_1635 : vector<16xi1>, vector<16xi32>
      %select_n3A_1682 = arith.select %gt3A_1679, %select_n3A_1634, %select_n3A_1677 : vector<16xi1>, vector<16xf32>
      %select_n3A_1683 = arith.select %gt3A_1679, %select_n3A_1635, %select_n3A_1678 : vector<16xi1>, vector<16xi32>
      %gt3A_1684 = arith.cmpf ogt, %select_n3A_1682, %select_n3A_1639 : vector<16xf32>
      %select_n3A_1685 = arith.select %gt3A_1684, %select_n3A_1682, %select_n3A_1639 : vector<16xi1>, vector<16xf32>
      %select_n3A_1686 = arith.select %gt3A_1684, %select_n3A_1683, %select_n3A_1640 : vector<16xi1>, vector<16xi32>
      %select_n3A_1687 = arith.select %gt3A_1684, %select_n3A_1639, %select_n3A_1682 : vector<16xi1>, vector<16xf32>
      %select_n3A_1688 = arith.select %gt3A_1684, %select_n3A_1640, %select_n3A_1683 : vector<16xi1>, vector<16xi32>
      %add3A_1689 = arith.constant 36 : i32
      %add3A_1690 = vector.broadcast %add3A_1689 : i32 to vector<16xi32>
      %add3A_1691 = arith.addi %mul3A_35, %add3A_1690 : vector<16xi32>
      %gather3A_1692 = tpu.vector_load_idx %arg5[%add3A_1691] : memref<32768xf32, #tpu.memory_space<vmem>>[vector<16xi32>], vector<16xf32>,
      %broadcast_in_dim3A_1693 = arith.constant 36 : i32
      %broadcast_in_dim3A_1694 = vector.broadcast %broadcast_in_dim3A_1693 : i32 to vector<16xi32>
      %gt3A_1695 = arith.cmpf ogt, %gather3A_1692, %select_n3A_1650 : vector<16xf32>
      %select_n3A_1696 = arith.select %gt3A_1695, %gather3A_1692, %select_n3A_1650 : vector<16xi1>, vector<16xf32>
      %select_n3A_1697 = arith.select %gt3A_1695, %broadcast_in_dim3A_1694, %select_n3A_1651 : vector<16xi1>, vector<16xi32>
      %select_n3A_1698 = arith.select %gt3A_1695, %select_n3A_1650, %gather3A_1692 : vector<16xi1>, vector<16xf32>
      %select_n3A_1699 = arith.select %gt3A_1695, %select_n3A_1651, %broadcast_in_dim3A_1694 : vector<16xi1>, vector<16xi32>
      %gt3A_1700 = arith.cmpf ogt, %select_n3A_1698, %select_n3A_1655 : vector<16xf32>
      %select_n3A_1701 = arith.select %gt3A_1700, %select_n3A_1698, %select_n3A_1655 : vector<16xi1>, vector<16xf32>
      %select_n3A_1702 = arith.select %gt3A_1700, %select_n3A_1699, %select_n3A_1656 : vector<16xi1>, vector<16xi32>
      %select_n3A_1703 = arith.select %gt3A_1700, %select_n3A_1655, %select_n3A_1698 : vector<16xi1>, vector<16xf32>
      %select_n3A_1704 = arith.select %gt3A_1700, %select_n3A_1656, %select_n3A_1699 : vector<16xi1>, vector<16xi32>
      %gt3A_1705 = arith.cmpf ogt, %select_n3A_1703, %select_n3A_1660 : vector<16xf32>
      %select_n3A_1706 = arith.select %gt3A_1705, %select_n3A_1703, %select_n3A_1660 : vector<16xi1>, vector<16xf32>
      %select_n3A_1707 = arith.select %gt3A_1705, %select_n3A_1704, %select_n3A_1661 : vector<16xi1>, vector<16xi32>
      %select_n3A_1708 = arith.select %gt3A_1705, %select_n3A_1660, %select_n3A_1703 : vector<16xi1>, vector<16xf32>
      %select_n3A_1709 = arith.select %gt3A_1705, %select_n3A_1661, %select_n3A_1704 : vector<16xi1>, vector<16xi32>
      %gt3A_1710 = arith.cmpf ogt, %select_n3A_1708, %select_n3A_1665 : vector<16xf32>
      %select_n3A_1711 = arith.select %gt3A_1710, %select_n3A_1708, %select_n3A_1665 : vector<16xi1>, vector<16xf32>
      %select_n3A_1712 = arith.select %gt3A_1710, %select_n3A_1709, %select_n3A_1666 : vector<16xi1>, vector<16xi32>
      %select_n3A_1713 = arith.select %gt3A_1710, %select_n3A_1665, %select_n3A_1708 : vector<16xi1>, vector<16xf32>
      %select_n3A_1714 = arith.select %gt3A_1710, %select_n3A_1666, %select_n3A_1709 : vector<16xi1>, vector<16xi32>
      %gt3A_1715 = arith.cmpf ogt, %select_n3A_1713, %select_n3A_1670 : vector<16xf32>
      %select_n3A_1716 = arith.select %gt3A_1715, %select_n3A_1713, %select_n3A_1670 : vector<16xi1>, vector<16xf32>
      %select_n3A_1717 = arith.select %gt3A_1715, %select_n3A_1714, %select_n3A_1671 : vector<16xi1>, vector<16xi32>
      %select_n3A_1718 = arith.select %gt3A_1715, %select_n3A_1670, %select_n3A_1713 : vector<16xi1>, vector<16xf32>
      %select_n3A_1719 = arith.select %gt3A_1715, %select_n3A_1671, %select_n3A_1714 : vector<16xi1>, vector<16xi32>
      %gt3A_1720 = arith.cmpf ogt, %select_n3A_1718, %select_n3A_1675 : vector<16xf32>
      %select_n3A_1721 = arith.select %gt3A_1720, %select_n3A_1718, %select_n3A_1675 : vector<16xi1>, vector<16xf32>
      %select_n3A_1722 = arith.select %gt3A_1720, %select_n3A_1719, %select_n3A_1676 : vector<16xi1>, vector<16xi32>
      %select_n3A_1723 = arith.select %gt3A_1720, %select_n3A_1675, %select_n3A_1718 : vector<16xi1>, vector<16xf32>
      %select_n3A_1724 = arith.select %gt3A_1720, %select_n3A_1676, %select_n3A_1719 : vector<16xi1>, vector<16xi32>
      %gt3A_1725 = arith.cmpf ogt, %select_n3A_1723, %select_n3A_1680 : vector<16xf32>
      %select_n3A_1726 = arith.select %gt3A_1725, %select_n3A_1723, %select_n3A_1680 : vector<16xi1>, vector<16xf32>
      %select_n3A_1727 = arith.select %gt3A_1725, %select_n3A_1724, %select_n3A_1681 : vector<16xi1>, vector<16xi32>
      %select_n3A_1728 = arith.select %gt3A_1725, %select_n3A_1680, %select_n3A_1723 : vector<16xi1>, vector<16xf32>
      %select_n3A_1729 = arith.select %gt3A_1725, %select_n3A_1681, %select_n3A_1724 : vector<16xi1>, vector<16xi32>
      %gt3A_1730 = arith.cmpf ogt, %select_n3A_1728, %select_n3A_1685 : vector<16xf32>
      %select_n3A_1731 = arith.select %gt3A_1730, %select_n3A_1728, %select_n3A_1685 : vector<16xi1>, vector<16xf32>
      %select_n3A_1732 = arith.select %gt3A_1730, %select_n3A_1729, %select_n3A_1686 : vector<16xi1>, vector<16xi32>
      %select_n3A_1733 = arith.select %gt3A_1730, %select_n3A_1685, %select_n3A_1728 : vector<16xi1>, vector<16xf32>
      %select_n3A_1734 = arith.select %gt3A_1730, %select_n3A_1686, %select_n3A_1729 : vector<16xi1>, vector<16xi32>
      %add3A_1735 = arith.constant 37 : i32
      %add3A_1736 = vector.broadcast %add3A_1735 : i32 to vector<16xi32>
      %add3A_1737 = arith.addi %mul3A_35, %add3A_1736 : vector<16xi32>
      %gather3A_1738 = tpu.vector_load_idx %arg5[%add3A_1737] : memref<32768xf32, #tpu.memory_space<vmem>>[vector<16xi32>], vector<16xf32>,
      %broadcast_in_dim3A_1739 = arith.constant 37 : i32
      %broadcast_in_dim3A_1740 = vector.broadcast %broadcast_in_dim3A_1739 : i32 to vector<16xi32>
      %gt3A_1741 = arith.cmpf ogt, %gather3A_1738, %select_n3A_1696 : vector<16xf32>
      %select_n3A_1742 = arith.select %gt3A_1741, %gather3A_1738, %select_n3A_1696 : vector<16xi1>, vector<16xf32>
      %select_n3A_1743 = arith.select %gt3A_1741, %broadcast_in_dim3A_1740, %select_n3A_1697 : vector<16xi1>, vector<16xi32>
      %select_n3A_1744 = arith.select %gt3A_1741, %select_n3A_1696, %gather3A_1738 : vector<16xi1>, vector<16xf32>
      %select_n3A_1745 = arith.select %gt3A_1741, %select_n3A_1697, %broadcast_in_dim3A_1740 : vector<16xi1>, vector<16xi32>
      %gt3A_1746 = arith.cmpf ogt, %select_n3A_1744, %select_n3A_1701 : vector<16xf32>
      %select_n3A_1747 = arith.select %gt3A_1746, %select_n3A_1744, %select_n3A_1701 : vector<16xi1>, vector<16xf32>
      %select_n3A_1748 = arith.select %gt3A_1746, %select_n3A_1745, %select_n3A_1702 : vector<16xi1>, vector<16xi32>
      %select_n3A_1749 = arith.select %gt3A_1746, %select_n3A_1701, %select_n3A_1744 : vector<16xi1>, vector<16xf32>
      %select_n3A_1750 = arith.select %gt3A_1746, %select_n3A_1702, %select_n3A_1745 : vector<16xi1>, vector<16xi32>
      %gt3A_1751 = arith.cmpf ogt, %select_n3A_1749, %select_n3A_1706 : vector<16xf32>
      %select_n3A_1752 = arith.select %gt3A_1751, %select_n3A_1749, %select_n3A_1706 : vector<16xi1>, vector<16xf32>
      %select_n3A_1753 = arith.select %gt3A_1751, %select_n3A_1750, %select_n3A_1707 : vector<16xi1>, vector<16xi32>
      %select_n3A_1754 = arith.select %gt3A_1751, %select_n3A_1706, %select_n3A_1749 : vector<16xi1>, vector<16xf32>
      %select_n3A_1755 = arith.select %gt3A_1751, %select_n3A_1707, %select_n3A_1750 : vector<16xi1>, vector<16xi32>
      %gt3A_1756 = arith.cmpf ogt, %select_n3A_1754, %select_n3A_1711 : vector<16xf32>
      %select_n3A_1757 = arith.select %gt3A_1756, %select_n3A_1754, %select_n3A_1711 : vector<16xi1>, vector<16xf32>
      %select_n3A_1758 = arith.select %gt3A_1756, %select_n3A_1755, %select_n3A_1712 : vector<16xi1>, vector<16xi32>
      %select_n3A_1759 = arith.select %gt3A_1756, %select_n3A_1711, %select_n3A_1754 : vector<16xi1>, vector<16xf32>
      %select_n3A_1760 = arith.select %gt3A_1756, %select_n3A_1712, %select_n3A_1755 : vector<16xi1>, vector<16xi32>
      %gt3A_1761 = arith.cmpf ogt, %select_n3A_1759, %select_n3A_1716 : vector<16xf32>
      %select_n3A_1762 = arith.select %gt3A_1761, %select_n3A_1759, %select_n3A_1716 : vector<16xi1>, vector<16xf32>
      %select_n3A_1763 = arith.select %gt3A_1761, %select_n3A_1760, %select_n3A_1717 : vector<16xi1>, vector<16xi32>
      %select_n3A_1764 = arith.select %gt3A_1761, %select_n3A_1716, %select_n3A_1759 : vector<16xi1>, vector<16xf32>
      %select_n3A_1765 = arith.select %gt3A_1761, %select_n3A_1717, %select_n3A_1760 : vector<16xi1>, vector<16xi32>
      %gt3A_1766 = arith.cmpf ogt, %select_n3A_1764, %select_n3A_1721 : vector<16xf32>
      %select_n3A_1767 = arith.select %gt3A_1766, %select_n3A_1764, %select_n3A_1721 : vector<16xi1>, vector<16xf32>
      %select_n3A_1768 = arith.select %gt3A_1766, %select_n3A_1765, %select_n3A_1722 : vector<16xi1>, vector<16xi32>
      %select_n3A_1769 = arith.select %gt3A_1766, %select_n3A_1721, %select_n3A_1764 : vector<16xi1>, vector<16xf32>
      %select_n3A_1770 = arith.select %gt3A_1766, %select_n3A_1722, %select_n3A_1765 : vector<16xi1>, vector<16xi32>
      %gt3A_1771 = arith.cmpf ogt, %select_n3A_1769, %select_n3A_1726 : vector<16xf32>
      %select_n3A_1772 = arith.select %gt3A_1771, %select_n3A_1769, %select_n3A_1726 : vector<16xi1>, vector<16xf32>
      %select_n3A_1773 = arith.select %gt3A_1771, %select_n3A_1770, %select_n3A_1727 : vector<16xi1>, vector<16xi32>
      %select_n3A_1774 = arith.select %gt3A_1771, %select_n3A_1726, %select_n3A_1769 : vector<16xi1>, vector<16xf32>
      %select_n3A_1775 = arith.select %gt3A_1771, %select_n3A_1727, %select_n3A_1770 : vector<16xi1>, vector<16xi32>
      %gt3A_1776 = arith.cmpf ogt, %select_n3A_1774, %select_n3A_1731 : vector<16xf32>
      %select_n3A_1777 = arith.select %gt3A_1776, %select_n3A_1774, %select_n3A_1731 : vector<16xi1>, vector<16xf32>
      %select_n3A_1778 = arith.select %gt3A_1776, %select_n3A_1775, %select_n3A_1732 : vector<16xi1>, vector<16xi32>
      %select_n3A_1779 = arith.select %gt3A_1776, %select_n3A_1731, %select_n3A_1774 : vector<16xi1>, vector<16xf32>
      %select_n3A_1780 = arith.select %gt3A_1776, %select_n3A_1732, %select_n3A_1775 : vector<16xi1>, vector<16xi32>
      %add3A_1781 = arith.constant 38 : i32
      %add3A_1782 = vector.broadcast %add3A_1781 : i32 to vector<16xi32>
      %add3A_1783 = arith.addi %mul3A_35, %add3A_1782 : vector<16xi32>
      %gather3A_1784 = tpu.vector_load_idx %arg5[%add3A_1783] : memref<32768xf32, #tpu.memory_space<vmem>>[vector<16xi32>], vector<16xf32>,
      %broadcast_in_dim3A_1785 = arith.constant 38 : i32
      %broadcast_in_dim3A_1786 = vector.broadcast %broadcast_in_dim3A_1785 : i32 to vector<16xi32>
      %gt3A_1787 = arith.cmpf ogt, %gather3A_1784, %select_n3A_1742 : vector<16xf32>
      %select_n3A_1788 = arith.select %gt3A_1787, %gather3A_1784, %select_n3A_1742 : vector<16xi1>, vector<16xf32>
      %select_n3A_1789 = arith.select %gt3A_1787, %broadcast_in_dim3A_1786, %select_n3A_1743 : vector<16xi1>, vector<16xi32>
      %select_n3A_1790 = arith.select %gt3A_1787, %select_n3A_1742, %gather3A_1784 : vector<16xi1>, vector<16xf32>
      %select_n3A_1791 = arith.select %gt3A_1787, %select_n3A_1743, %broadcast_in_dim3A_1786 : vector<16xi1>, vector<16xi32>
      %gt3A_1792 = arith.cmpf ogt, %select_n3A_1790, %select_n3A_1747 : vector<16xf32>
      %select_n3A_1793 = arith.select %gt3A_1792, %select_n3A_1790, %select_n3A_1747 : vector<16xi1>, vector<16xf32>
      %select_n3A_1794 = arith.select %gt3A_1792, %select_n3A_1791, %select_n3A_1748 : vector<16xi1>, vector<16xi32>
      %select_n3A_1795 = arith.select %gt3A_1792, %select_n3A_1747, %select_n3A_1790 : vector<16xi1>, vector<16xf32>
      %select_n3A_1796 = arith.select %gt3A_1792, %select_n3A_1748, %select_n3A_1791 : vector<16xi1>, vector<16xi32>
      %gt3A_1797 = arith.cmpf ogt, %select_n3A_1795, %select_n3A_1752 : vector<16xf32>
      %select_n3A_1798 = arith.select %gt3A_1797, %select_n3A_1795, %select_n3A_1752 : vector<16xi1>, vector<16xf32>
      %select_n3A_1799 = arith.select %gt3A_1797, %select_n3A_1796, %select_n3A_1753 : vector<16xi1>, vector<16xi32>
      %select_n3A_1800 = arith.select %gt3A_1797, %select_n3A_1752, %select_n3A_1795 : vector<16xi1>, vector<16xf32>
      %select_n3A_1801 = arith.select %gt3A_1797, %select_n3A_1753, %select_n3A_1796 : vector<16xi1>, vector<16xi32>
      %gt3A_1802 = arith.cmpf ogt, %select_n3A_1800, %select_n3A_1757 : vector<16xf32>
      %select_n3A_1803 = arith.select %gt3A_1802, %select_n3A_1800, %select_n3A_1757 : vector<16xi1>, vector<16xf32>
      %select_n3A_1804 = arith.select %gt3A_1802, %select_n3A_1801, %select_n3A_1758 : vector<16xi1>, vector<16xi32>
      %select_n3A_1805 = arith.select %gt3A_1802, %select_n3A_1757, %select_n3A_1800 : vector<16xi1>, vector<16xf32>
      %select_n3A_1806 = arith.select %gt3A_1802, %select_n3A_1758, %select_n3A_1801 : vector<16xi1>, vector<16xi32>
      %gt3A_1807 = arith.cmpf ogt, %select_n3A_1805, %select_n3A_1762 : vector<16xf32>
      %select_n3A_1808 = arith.select %gt3A_1807, %select_n3A_1805, %select_n3A_1762 : vector<16xi1>, vector<16xf32>
      %select_n3A_1809 = arith.select %gt3A_1807, %select_n3A_1806, %select_n3A_1763 : vector<16xi1>, vector<16xi32>
      %select_n3A_1810 = arith.select %gt3A_1807, %select_n3A_1762, %select_n3A_1805 : vector<16xi1>, vector<16xf32>
      %select_n3A_1811 = arith.select %gt3A_1807, %select_n3A_1763, %select_n3A_1806 : vector<16xi1>, vector<16xi32>
      %gt3A_1812 = arith.cmpf ogt, %select_n3A_1810, %select_n3A_1767 : vector<16xf32>
      %select_n3A_1813 = arith.select %gt3A_1812, %select_n3A_1810, %select_n3A_1767 : vector<16xi1>, vector<16xf32>
      %select_n3A_1814 = arith.select %gt3A_1812, %select_n3A_1811, %select_n3A_1768 : vector<16xi1>, vector<16xi32>
      %select_n3A_1815 = arith.select %gt3A_1812, %select_n3A_1767, %select_n3A_1810 : vector<16xi1>, vector<16xf32>
      %select_n3A_1816 = arith.select %gt3A_1812, %select_n3A_1768, %select_n3A_1811 : vector<16xi1>, vector<16xi32>
      %gt3A_1817 = arith.cmpf ogt, %select_n3A_1815, %select_n3A_1772 : vector<16xf32>
      %select_n3A_1818 = arith.select %gt3A_1817, %select_n3A_1815, %select_n3A_1772 : vector<16xi1>, vector<16xf32>
      %select_n3A_1819 = arith.select %gt3A_1817, %select_n3A_1816, %select_n3A_1773 : vector<16xi1>, vector<16xi32>
      %select_n3A_1820 = arith.select %gt3A_1817, %select_n3A_1772, %select_n3A_1815 : vector<16xi1>, vector<16xf32>
      %select_n3A_1821 = arith.select %gt3A_1817, %select_n3A_1773, %select_n3A_1816 : vector<16xi1>, vector<16xi32>
      %gt3A_1822 = arith.cmpf ogt, %select_n3A_1820, %select_n3A_1777 : vector<16xf32>
      %select_n3A_1823 = arith.select %gt3A_1822, %select_n3A_1820, %select_n3A_1777 : vector<16xi1>, vector<16xf32>
      %select_n3A_1824 = arith.select %gt3A_1822, %select_n3A_1821, %select_n3A_1778 : vector<16xi1>, vector<16xi32>
      %select_n3A_1825 = arith.select %gt3A_1822, %select_n3A_1777, %select_n3A_1820 : vector<16xi1>, vector<16xf32>
      %select_n3A_1826 = arith.select %gt3A_1822, %select_n3A_1778, %select_n3A_1821 : vector<16xi1>, vector<16xi32>
      %add3A_1827 = arith.constant 39 : i32
      %add3A_1828 = vector.broadcast %add3A_1827 : i32 to vector<16xi32>
      %add3A_1829 = arith.addi %mul3A_35, %add3A_1828 : vector<16xi32>
      %gather3A_1830 = tpu.vector_load_idx %arg5[%add3A_1829] : memref<32768xf32, #tpu.memory_space<vmem>>[vector<16xi32>], vector<16xf32>,
      %broadcast_in_dim3A_1831 = arith.constant 39 : i32
      %broadcast_in_dim3A_1832 = vector.broadcast %broadcast_in_dim3A_1831 : i32 to vector<16xi32>
      %gt3A_1833 = arith.cmpf ogt, %gather3A_1830, %select_n3A_1788 : vector<16xf32>
      %select_n3A_1834 = arith.select %gt3A_1833, %gather3A_1830, %select_n3A_1788 : vector<16xi1>, vector<16xf32>
      %select_n3A_1835 = arith.select %gt3A_1833, %broadcast_in_dim3A_1832, %select_n3A_1789 : vector<16xi1>, vector<16xi32>
      %select_n3A_1836 = arith.select %gt3A_1833, %select_n3A_1788, %gather3A_1830 : vector<16xi1>, vector<16xf32>
      %select_n3A_1837 = arith.select %gt3A_1833, %select_n3A_1789, %broadcast_in_dim3A_1832 : vector<16xi1>, vector<16xi32>
      %gt3A_1838 = arith.cmpf ogt, %select_n3A_1836, %select_n3A_1793 : vector<16xf32>
      %select_n3A_1839 = arith.select %gt3A_1838, %select_n3A_1836, %select_n3A_1793 : vector<16xi1>, vector<16xf32>
      %select_n3A_1840 = arith.select %gt3A_1838, %select_n3A_1837, %select_n3A_1794 : vector<16xi1>, vector<16xi32>
      %select_n3A_1841 = arith.select %gt3A_1838, %select_n3A_1793, %select_n3A_1836 : vector<16xi1>, vector<16xf32>
      %select_n3A_1842 = arith.select %gt3A_1838, %select_n3A_1794, %select_n3A_1837 : vector<16xi1>, vector<16xi32>
      %gt3A_1843 = arith.cmpf ogt, %select_n3A_1841, %select_n3A_1798 : vector<16xf32>
      %select_n3A_1844 = arith.select %gt3A_1843, %select_n3A_1841, %select_n3A_1798 : vector<16xi1>, vector<16xf32>
      %select_n3A_1845 = arith.select %gt3A_1843, %select_n3A_1842, %select_n3A_1799 : vector<16xi1>, vector<16xi32>
      %select_n3A_1846 = arith.select %gt3A_1843, %select_n3A_1798, %select_n3A_1841 : vector<16xi1>, vector<16xf32>
      %select_n3A_1847 = arith.select %gt3A_1843, %select_n3A_1799, %select_n3A_1842 : vector<16xi1>, vector<16xi32>
      %gt3A_1848 = arith.cmpf ogt, %select_n3A_1846, %select_n3A_1803 : vector<16xf32>
      %select_n3A_1849 = arith.select %gt3A_1848, %select_n3A_1846, %select_n3A_1803 : vector<16xi1>, vector<16xf32>
      %select_n3A_1850 = arith.select %gt3A_1848, %select_n3A_1847, %select_n3A_1804 : vector<16xi1>, vector<16xi32>
      %select_n3A_1851 = arith.select %gt3A_1848, %select_n3A_1803, %select_n3A_1846 : vector<16xi1>, vector<16xf32>
      %select_n3A_1852 = arith.select %gt3A_1848, %select_n3A_1804, %select_n3A_1847 : vector<16xi1>, vector<16xi32>
      %gt3A_1853 = arith.cmpf ogt, %select_n3A_1851, %select_n3A_1808 : vector<16xf32>
      %select_n3A_1854 = arith.select %gt3A_1853, %select_n3A_1851, %select_n3A_1808 : vector<16xi1>, vector<16xf32>
      %select_n3A_1855 = arith.select %gt3A_1853, %select_n3A_1852, %select_n3A_1809 : vector<16xi1>, vector<16xi32>
      %select_n3A_1856 = arith.select %gt3A_1853, %select_n3A_1808, %select_n3A_1851 : vector<16xi1>, vector<16xf32>
      %select_n3A_1857 = arith.select %gt3A_1853, %select_n3A_1809, %select_n3A_1852 : vector<16xi1>, vector<16xi32>
      %gt3A_1858 = arith.cmpf ogt, %select_n3A_1856, %select_n3A_1813 : vector<16xf32>
      %select_n3A_1859 = arith.select %gt3A_1858, %select_n3A_1856, %select_n3A_1813 : vector<16xi1>, vector<16xf32>
      %select_n3A_1860 = arith.select %gt3A_1858, %select_n3A_1857, %select_n3A_1814 : vector<16xi1>, vector<16xi32>
      %select_n3A_1861 = arith.select %gt3A_1858, %select_n3A_1813, %select_n3A_1856 : vector<16xi1>, vector<16xf32>
      %select_n3A_1862 = arith.select %gt3A_1858, %select_n3A_1814, %select_n3A_1857 : vector<16xi1>, vector<16xi32>
      %gt3A_1863 = arith.cmpf ogt, %select_n3A_1861, %select_n3A_1818 : vector<16xf32>
      %select_n3A_1864 = arith.select %gt3A_1863, %select_n3A_1861, %select_n3A_1818 : vector<16xi1>, vector<16xf32>
      %select_n3A_1865 = arith.select %gt3A_1863, %select_n3A_1862, %select_n3A_1819 : vector<16xi1>, vector<16xi32>
      %select_n3A_1866 = arith.select %gt3A_1863, %select_n3A_1818, %select_n3A_1861 : vector<16xi1>, vector<16xf32>
      %select_n3A_1867 = arith.select %gt3A_1863, %select_n3A_1819, %select_n3A_1862 : vector<16xi1>, vector<16xi32>
      %gt3A_1868 = arith.cmpf ogt, %select_n3A_1866, %select_n3A_1823 : vector<16xf32>
      %select_n3A_1869 = arith.select %gt3A_1868, %select_n3A_1866, %select_n3A_1823 : vector<16xi1>, vector<16xf32>
      %select_n3A_1870 = arith.select %gt3A_1868, %select_n3A_1867, %select_n3A_1824 : vector<16xi1>, vector<16xi32>
      %select_n3A_1871 = arith.select %gt3A_1868, %select_n3A_1823, %select_n3A_1866 : vector<16xi1>, vector<16xf32>
      %select_n3A_1872 = arith.select %gt3A_1868, %select_n3A_1824, %select_n3A_1867 : vector<16xi1>, vector<16xi32>
      %add3A_1873 = arith.constant 40 : i32
      %add3A_1874 = vector.broadcast %add3A_1873 : i32 to vector<16xi32>
      %add3A_1875 = arith.addi %mul3A_35, %add3A_1874 : vector<16xi32>
      %gather3A_1876 = tpu.vector_load_idx %arg5[%add3A_1875] : memref<32768xf32, #tpu.memory_space<vmem>>[vector<16xi32>], vector<16xf32>,
      %broadcast_in_dim3A_1877 = arith.constant 40 : i32
      %broadcast_in_dim3A_1878 = vector.broadcast %broadcast_in_dim3A_1877 : i32 to vector<16xi32>
      %gt3A_1879 = arith.cmpf ogt, %gather3A_1876, %select_n3A_1834 : vector<16xf32>
      %select_n3A_1880 = arith.select %gt3A_1879, %gather3A_1876, %select_n3A_1834 : vector<16xi1>, vector<16xf32>
      %select_n3A_1881 = arith.select %gt3A_1879, %broadcast_in_dim3A_1878, %select_n3A_1835 : vector<16xi1>, vector<16xi32>
      %select_n3A_1882 = arith.select %gt3A_1879, %select_n3A_1834, %gather3A_1876 : vector<16xi1>, vector<16xf32>
      %select_n3A_1883 = arith.select %gt3A_1879, %select_n3A_1835, %broadcast_in_dim3A_1878 : vector<16xi1>, vector<16xi32>
      %gt3A_1884 = arith.cmpf ogt, %select_n3A_1882, %select_n3A_1839 : vector<16xf32>
      %select_n3A_1885 = arith.select %gt3A_1884, %select_n3A_1882, %select_n3A_1839 : vector<16xi1>, vector<16xf32>
      %select_n3A_1886 = arith.select %gt3A_1884, %select_n3A_1883, %select_n3A_1840 : vector<16xi1>, vector<16xi32>
      %select_n3A_1887 = arith.select %gt3A_1884, %select_n3A_1839, %select_n3A_1882 : vector<16xi1>, vector<16xf32>
      %select_n3A_1888 = arith.select %gt3A_1884, %select_n3A_1840, %select_n3A_1883 : vector<16xi1>, vector<16xi32>
      %gt3A_1889 = arith.cmpf ogt, %select_n3A_1887, %select_n3A_1844 : vector<16xf32>
      %select_n3A_1890 = arith.select %gt3A_1889, %select_n3A_1887, %select_n3A_1844 : vector<16xi1>, vector<16xf32>
      %select_n3A_1891 = arith.select %gt3A_1889, %select_n3A_1888, %select_n3A_1845 : vector<16xi1>, vector<16xi32>
      %select_n3A_1892 = arith.select %gt3A_1889, %select_n3A_1844, %select_n3A_1887 : vector<16xi1>, vector<16xf32>
      %select_n3A_1893 = arith.select %gt3A_1889, %select_n3A_1845, %select_n3A_1888 : vector<16xi1>, vector<16xi32>
      %gt3A_1894 = arith.cmpf ogt, %select_n3A_1892, %select_n3A_1849 : vector<16xf32>
      %select_n3A_1895 = arith.select %gt3A_1894, %select_n3A_1892, %select_n3A_1849 : vector<16xi1>, vector<16xf32>
      %select_n3A_1896 = arith.select %gt3A_1894, %select_n3A_1893, %select_n3A_1850 : vector<16xi1>, vector<16xi32>
      %select_n3A_1897 = arith.select %gt3A_1894, %select_n3A_1849, %select_n3A_1892 : vector<16xi1>, vector<16xf32>
      %select_n3A_1898 = arith.select %gt3A_1894, %select_n3A_1850, %select_n3A_1893 : vector<16xi1>, vector<16xi32>
      %gt3A_1899 = arith.cmpf ogt, %select_n3A_1897, %select_n3A_1854 : vector<16xf32>
      %select_n3A_1900 = arith.select %gt3A_1899, %select_n3A_1897, %select_n3A_1854 : vector<16xi1>, vector<16xf32>
      %select_n3A_1901 = arith.select %gt3A_1899, %select_n3A_1898, %select_n3A_1855 : vector<16xi1>, vector<16xi32>
      %select_n3A_1902 = arith.select %gt3A_1899, %select_n3A_1854, %select_n3A_1897 : vector<16xi1>, vector<16xf32>
      %select_n3A_1903 = arith.select %gt3A_1899, %select_n3A_1855, %select_n3A_1898 : vector<16xi1>, vector<16xi32>
      %gt3A_1904 = arith.cmpf ogt, %select_n3A_1902, %select_n3A_1859 : vector<16xf32>
      %select_n3A_1905 = arith.select %gt3A_1904, %select_n3A_1902, %select_n3A_1859 : vector<16xi1>, vector<16xf32>
      %select_n3A_1906 = arith.select %gt3A_1904, %select_n3A_1903, %select_n3A_1860 : vector<16xi1>, vector<16xi32>
      %select_n3A_1907 = arith.select %gt3A_1904, %select_n3A_1859, %select_n3A_1902 : vector<16xi1>, vector<16xf32>
      %select_n3A_1908 = arith.select %gt3A_1904, %select_n3A_1860, %select_n3A_1903 : vector<16xi1>, vector<16xi32>
      %gt3A_1909 = arith.cmpf ogt, %select_n3A_1907, %select_n3A_1864 : vector<16xf32>
      %select_n3A_1910 = arith.select %gt3A_1909, %select_n3A_1907, %select_n3A_1864 : vector<16xi1>, vector<16xf32>
      %select_n3A_1911 = arith.select %gt3A_1909, %select_n3A_1908, %select_n3A_1865 : vector<16xi1>, vector<16xi32>
      %select_n3A_1912 = arith.select %gt3A_1909, %select_n3A_1864, %select_n3A_1907 : vector<16xi1>, vector<16xf32>
      %select_n3A_1913 = arith.select %gt3A_1909, %select_n3A_1865, %select_n3A_1908 : vector<16xi1>, vector<16xi32>
      %gt3A_1914 = arith.cmpf ogt, %select_n3A_1912, %select_n3A_1869 : vector<16xf32>
      %select_n3A_1915 = arith.select %gt3A_1914, %select_n3A_1912, %select_n3A_1869 : vector<16xi1>, vector<16xf32>
      %select_n3A_1916 = arith.select %gt3A_1914, %select_n3A_1913, %select_n3A_1870 : vector<16xi1>, vector<16xi32>
      %select_n3A_1917 = arith.select %gt3A_1914, %select_n3A_1869, %select_n3A_1912 : vector<16xi1>, vector<16xf32>
      %select_n3A_1918 = arith.select %gt3A_1914, %select_n3A_1870, %select_n3A_1913 : vector<16xi1>, vector<16xi32>
      %add3A_1919 = arith.constant 41 : i32
      %add3A_1920 = vector.broadcast %add3A_1919 : i32 to vector<16xi32>
      %add3A_1921 = arith.addi %mul3A_35, %add3A_1920 : vector<16xi32>
      %gather3A_1922 = tpu.vector_load_idx %arg5[%add3A_1921] : memref<32768xf32, #tpu.memory_space<vmem>>[vector<16xi32>], vector<16xf32>,
      %broadcast_in_dim3A_1923 = arith.constant 41 : i32
      %broadcast_in_dim3A_1924 = vector.broadcast %broadcast_in_dim3A_1923 : i32 to vector<16xi32>
      %gt3A_1925 = arith.cmpf ogt, %gather3A_1922, %select_n3A_1880 : vector<16xf32>
      %select_n3A_1926 = arith.select %gt3A_1925, %gather3A_1922, %select_n3A_1880 : vector<16xi1>, vector<16xf32>
      %select_n3A_1927 = arith.select %gt3A_1925, %broadcast_in_dim3A_1924, %select_n3A_1881 : vector<16xi1>, vector<16xi32>
      %select_n3A_1928 = arith.select %gt3A_1925, %select_n3A_1880, %gather3A_1922 : vector<16xi1>, vector<16xf32>
      %select_n3A_1929 = arith.select %gt3A_1925, %select_n3A_1881, %broadcast_in_dim3A_1924 : vector<16xi1>, vector<16xi32>
      %gt3A_1930 = arith.cmpf ogt, %select_n3A_1928, %select_n3A_1885 : vector<16xf32>
      %select_n3A_1931 = arith.select %gt3A_1930, %select_n3A_1928, %select_n3A_1885 : vector<16xi1>, vector<16xf32>
      %select_n3A_1932 = arith.select %gt3A_1930, %select_n3A_1929, %select_n3A_1886 : vector<16xi1>, vector<16xi32>
      %select_n3A_1933 = arith.select %gt3A_1930, %select_n3A_1885, %select_n3A_1928 : vector<16xi1>, vector<16xf32>
      %select_n3A_1934 = arith.select %gt3A_1930, %select_n3A_1886, %select_n3A_1929 : vector<16xi1>, vector<16xi32>
      %gt3A_1935 = arith.cmpf ogt, %select_n3A_1933, %select_n3A_1890 : vector<16xf32>
      %select_n3A_1936 = arith.select %gt3A_1935, %select_n3A_1933, %select_n3A_1890 : vector<16xi1>, vector<16xf32>
      %select_n3A_1937 = arith.select %gt3A_1935, %select_n3A_1934, %select_n3A_1891 : vector<16xi1>, vector<16xi32>
      %select_n3A_1938 = arith.select %gt3A_1935, %select_n3A_1890, %select_n3A_1933 : vector<16xi1>, vector<16xf32>
      %select_n3A_1939 = arith.select %gt3A_1935, %select_n3A_1891, %select_n3A_1934 : vector<16xi1>, vector<16xi32>
      %gt3A_1940 = arith.cmpf ogt, %select_n3A_1938, %select_n3A_1895 : vector<16xf32>
      %select_n3A_1941 = arith.select %gt3A_1940, %select_n3A_1938, %select_n3A_1895 : vector<16xi1>, vector<16xf32>
      %select_n3A_1942 = arith.select %gt3A_1940, %select_n3A_1939, %select_n3A_1896 : vector<16xi1>, vector<16xi32>
      %select_n3A_1943 = arith.select %gt3A_1940, %select_n3A_1895, %select_n3A_1938 : vector<16xi1>, vector<16xf32>
      %select_n3A_1944 = arith.select %gt3A_1940, %select_n3A_1896, %select_n3A_1939 : vector<16xi1>, vector<16xi32>
      %gt3A_1945 = arith.cmpf ogt, %select_n3A_1943, %select_n3A_1900 : vector<16xf32>
      %select_n3A_1946 = arith.select %gt3A_1945, %select_n3A_1943, %select_n3A_1900 : vector<16xi1>, vector<16xf32>
      %select_n3A_1947 = arith.select %gt3A_1945, %select_n3A_1944, %select_n3A_1901 : vector<16xi1>, vector<16xi32>
      %select_n3A_1948 = arith.select %gt3A_1945, %select_n3A_1900, %select_n3A_1943 : vector<16xi1>, vector<16xf32>
      %select_n3A_1949 = arith.select %gt3A_1945, %select_n3A_1901, %select_n3A_1944 : vector<16xi1>, vector<16xi32>
      %gt3A_1950 = arith.cmpf ogt, %select_n3A_1948, %select_n3A_1905 : vector<16xf32>
      %select_n3A_1951 = arith.select %gt3A_1950, %select_n3A_1948, %select_n3A_1905 : vector<16xi1>, vector<16xf32>
      %select_n3A_1952 = arith.select %gt3A_1950, %select_n3A_1949, %select_n3A_1906 : vector<16xi1>, vector<16xi32>
      %select_n3A_1953 = arith.select %gt3A_1950, %select_n3A_1905, %select_n3A_1948 : vector<16xi1>, vector<16xf32>
      %select_n3A_1954 = arith.select %gt3A_1950, %select_n3A_1906, %select_n3A_1949 : vector<16xi1>, vector<16xi32>
      %gt3A_1955 = arith.cmpf ogt, %select_n3A_1953, %select_n3A_1910 : vector<16xf32>
      %select_n3A_1956 = arith.select %gt3A_1955, %select_n3A_1953, %select_n3A_1910 : vector<16xi1>, vector<16xf32>
      %select_n3A_1957 = arith.select %gt3A_1955, %select_n3A_1954, %select_n3A_1911 : vector<16xi1>, vector<16xi32>
      %select_n3A_1958 = arith.select %gt3A_1955, %select_n3A_1910, %select_n3A_1953 : vector<16xi1>, vector<16xf32>
      %select_n3A_1959 = arith.select %gt3A_1955, %select_n3A_1911, %select_n3A_1954 : vector<16xi1>, vector<16xi32>
      %gt3A_1960 = arith.cmpf ogt, %select_n3A_1958, %select_n3A_1915 : vector<16xf32>
      %select_n3A_1961 = arith.select %gt3A_1960, %select_n3A_1958, %select_n3A_1915 : vector<16xi1>, vector<16xf32>
      %select_n3A_1962 = arith.select %gt3A_1960, %select_n3A_1959, %select_n3A_1916 : vector<16xi1>, vector<16xi32>
      %select_n3A_1963 = arith.select %gt3A_1960, %select_n3A_1915, %select_n3A_1958 : vector<16xi1>, vector<16xf32>
      %select_n3A_1964 = arith.select %gt3A_1960, %select_n3A_1916, %select_n3A_1959 : vector<16xi1>, vector<16xi32>
      %add3A_1965 = arith.constant 42 : i32
      %add3A_1966 = vector.broadcast %add3A_1965 : i32 to vector<16xi32>
      %add3A_1967 = arith.addi %mul3A_35, %add3A_1966 : vector<16xi32>
      %gather3A_1968 = tpu.vector_load_idx %arg5[%add3A_1967] : memref<32768xf32, #tpu.memory_space<vmem>>[vector<16xi32>], vector<16xf32>,
      %broadcast_in_dim3A_1969 = arith.constant 42 : i32
      %broadcast_in_dim3A_1970 = vector.broadcast %broadcast_in_dim3A_1969 : i32 to vector<16xi32>
      %gt3A_1971 = arith.cmpf ogt, %gather3A_1968, %select_n3A_1926 : vector<16xf32>
      %select_n3A_1972 = arith.select %gt3A_1971, %gather3A_1968, %select_n3A_1926 : vector<16xi1>, vector<16xf32>
      %select_n3A_1973 = arith.select %gt3A_1971, %broadcast_in_dim3A_1970, %select_n3A_1927 : vector<16xi1>, vector<16xi32>
      %select_n3A_1974 = arith.select %gt3A_1971, %select_n3A_1926, %gather3A_1968 : vector<16xi1>, vector<16xf32>
      %select_n3A_1975 = arith.select %gt3A_1971, %select_n3A_1927, %broadcast_in_dim3A_1970 : vector<16xi1>, vector<16xi32>
      %gt3A_1976 = arith.cmpf ogt, %select_n3A_1974, %select_n3A_1931 : vector<16xf32>
      %select_n3A_1977 = arith.select %gt3A_1976, %select_n3A_1974, %select_n3A_1931 : vector<16xi1>, vector<16xf32>
      %select_n3A_1978 = arith.select %gt3A_1976, %select_n3A_1975, %select_n3A_1932 : vector<16xi1>, vector<16xi32>
      %select_n3A_1979 = arith.select %gt3A_1976, %select_n3A_1931, %select_n3A_1974 : vector<16xi1>, vector<16xf32>
      %select_n3A_1980 = arith.select %gt3A_1976, %select_n3A_1932, %select_n3A_1975 : vector<16xi1>, vector<16xi32>
      %gt3A_1981 = arith.cmpf ogt, %select_n3A_1979, %select_n3A_1936 : vector<16xf32>
      %select_n3A_1982 = arith.select %gt3A_1981, %select_n3A_1979, %select_n3A_1936 : vector<16xi1>, vector<16xf32>
      %select_n3A_1983 = arith.select %gt3A_1981, %select_n3A_1980, %select_n3A_1937 : vector<16xi1>, vector<16xi32>
      %select_n3A_1984 = arith.select %gt3A_1981, %select_n3A_1936, %select_n3A_1979 : vector<16xi1>, vector<16xf32>
      %select_n3A_1985 = arith.select %gt3A_1981, %select_n3A_1937, %select_n3A_1980 : vector<16xi1>, vector<16xi32>
      %gt3A_1986 = arith.cmpf ogt, %select_n3A_1984, %select_n3A_1941 : vector<16xf32>
      %select_n3A_1987 = arith.select %gt3A_1986, %select_n3A_1984, %select_n3A_1941 : vector<16xi1>, vector<16xf32>
      %select_n3A_1988 = arith.select %gt3A_1986, %select_n3A_1985, %select_n3A_1942 : vector<16xi1>, vector<16xi32>
      %select_n3A_1989 = arith.select %gt3A_1986, %select_n3A_1941, %select_n3A_1984 : vector<16xi1>, vector<16xf32>
      %select_n3A_1990 = arith.select %gt3A_1986, %select_n3A_1942, %select_n3A_1985 : vector<16xi1>, vector<16xi32>
      %gt3A_1991 = arith.cmpf ogt, %select_n3A_1989, %select_n3A_1946 : vector<16xf32>
      %select_n3A_1992 = arith.select %gt3A_1991, %select_n3A_1989, %select_n3A_1946 : vector<16xi1>, vector<16xf32>
      %select_n3A_1993 = arith.select %gt3A_1991, %select_n3A_1990, %select_n3A_1947 : vector<16xi1>, vector<16xi32>
      %select_n3A_1994 = arith.select %gt3A_1991, %select_n3A_1946, %select_n3A_1989 : vector<16xi1>, vector<16xf32>
      %select_n3A_1995 = arith.select %gt3A_1991, %select_n3A_1947, %select_n3A_1990 : vector<16xi1>, vector<16xi32>
      %gt3A_1996 = arith.cmpf ogt, %select_n3A_1994, %select_n3A_1951 : vector<16xf32>
      %select_n3A_1997 = arith.select %gt3A_1996, %select_n3A_1994, %select_n3A_1951 : vector<16xi1>, vector<16xf32>
      %select_n3A_1998 = arith.select %gt3A_1996, %select_n3A_1995, %select_n3A_1952 : vector<16xi1>, vector<16xi32>
      %select_n3A_1999 = arith.select %gt3A_1996, %select_n3A_1951, %select_n3A_1994 : vector<16xi1>, vector<16xf32>
      %select_n3A_2000 = arith.select %gt3A_1996, %select_n3A_1952, %select_n3A_1995 : vector<16xi1>, vector<16xi32>
      %gt3A_2001 = arith.cmpf ogt, %select_n3A_1999, %select_n3A_1956 : vector<16xf32>
      %select_n3A_2002 = arith.select %gt3A_2001, %select_n3A_1999, %select_n3A_1956 : vector<16xi1>, vector<16xf32>
      %select_n3A_2003 = arith.select %gt3A_2001, %select_n3A_2000, %select_n3A_1957 : vector<16xi1>, vector<16xi32>
      %select_n3A_2004 = arith.select %gt3A_2001, %select_n3A_1956, %select_n3A_1999 : vector<16xi1>, vector<16xf32>
      %select_n3A_2005 = arith.select %gt3A_2001, %select_n3A_1957, %select_n3A_2000 : vector<16xi1>, vector<16xi32>
      %gt3A_2006 = arith.cmpf ogt, %select_n3A_2004, %select_n3A_1961 : vector<16xf32>
      %select_n3A_2007 = arith.select %gt3A_2006, %select_n3A_2004, %select_n3A_1961 : vector<16xi1>, vector<16xf32>
      %select_n3A_2008 = arith.select %gt3A_2006, %select_n3A_2005, %select_n3A_1962 : vector<16xi1>, vector<16xi32>
      %select_n3A_2009 = arith.select %gt3A_2006, %select_n3A_1961, %select_n3A_2004 : vector<16xi1>, vector<16xf32>
      %select_n3A_2010 = arith.select %gt3A_2006, %select_n3A_1962, %select_n3A_2005 : vector<16xi1>, vector<16xi32>
      %add3A_2011 = arith.constant 43 : i32
      %add3A_2012 = vector.broadcast %add3A_2011 : i32 to vector<16xi32>
      %add3A_2013 = arith.addi %mul3A_35, %add3A_2012 : vector<16xi32>
      %gather3A_2014 = tpu.vector_load_idx %arg5[%add3A_2013] : memref<32768xf32, #tpu.memory_space<vmem>>[vector<16xi32>], vector<16xf32>,
      %broadcast_in_dim3A_2015 = arith.constant 43 : i32
      %broadcast_in_dim3A_2016 = vector.broadcast %broadcast_in_dim3A_2015 : i32 to vector<16xi32>
      %gt3A_2017 = arith.cmpf ogt, %gather3A_2014, %select_n3A_1972 : vector<16xf32>
      %select_n3A_2018 = arith.select %gt3A_2017, %gather3A_2014, %select_n3A_1972 : vector<16xi1>, vector<16xf32>
      %select_n3A_2019 = arith.select %gt3A_2017, %broadcast_in_dim3A_2016, %select_n3A_1973 : vector<16xi1>, vector<16xi32>
      %select_n3A_2020 = arith.select %gt3A_2017, %select_n3A_1972, %gather3A_2014 : vector<16xi1>, vector<16xf32>
      %select_n3A_2021 = arith.select %gt3A_2017, %select_n3A_1973, %broadcast_in_dim3A_2016 : vector<16xi1>, vector<16xi32>
      %gt3A_2022 = arith.cmpf ogt, %select_n3A_2020, %select_n3A_1977 : vector<16xf32>
      %select_n3A_2023 = arith.select %gt3A_2022, %select_n3A_2020, %select_n3A_1977 : vector<16xi1>, vector<16xf32>
      %select_n3A_2024 = arith.select %gt3A_2022, %select_n3A_2021, %select_n3A_1978 : vector<16xi1>, vector<16xi32>
      %select_n3A_2025 = arith.select %gt3A_2022, %select_n3A_1977, %select_n3A_2020 : vector<16xi1>, vector<16xf32>
      %select_n3A_2026 = arith.select %gt3A_2022, %select_n3A_1978, %select_n3A_2021 : vector<16xi1>, vector<16xi32>
      %gt3A_2027 = arith.cmpf ogt, %select_n3A_2025, %select_n3A_1982 : vector<16xf32>
      %select_n3A_2028 = arith.select %gt3A_2027, %select_n3A_2025, %select_n3A_1982 : vector<16xi1>, vector<16xf32>
      %select_n3A_2029 = arith.select %gt3A_2027, %select_n3A_2026, %select_n3A_1983 : vector<16xi1>, vector<16xi32>
      %select_n3A_2030 = arith.select %gt3A_2027, %select_n3A_1982, %select_n3A_2025 : vector<16xi1>, vector<16xf32>
      %select_n3A_2031 = arith.select %gt3A_2027, %select_n3A_1983, %select_n3A_2026 : vector<16xi1>, vector<16xi32>
      %gt3A_2032 = arith.cmpf ogt, %select_n3A_2030, %select_n3A_1987 : vector<16xf32>
      %select_n3A_2033 = arith.select %gt3A_2032, %select_n3A_2030, %select_n3A_1987 : vector<16xi1>, vector<16xf32>
      %select_n3A_2034 = arith.select %gt3A_2032, %select_n3A_2031, %select_n3A_1988 : vector<16xi1>, vector<16xi32>
      %select_n3A_2035 = arith.select %gt3A_2032, %select_n3A_1987, %select_n3A_2030 : vector<16xi1>, vector<16xf32>
      %select_n3A_2036 = arith.select %gt3A_2032, %select_n3A_1988, %select_n3A_2031 : vector<16xi1>, vector<16xi32>
      %gt3A_2037 = arith.cmpf ogt, %select_n3A_2035, %select_n3A_1992 : vector<16xf32>
      %select_n3A_2038 = arith.select %gt3A_2037, %select_n3A_2035, %select_n3A_1992 : vector<16xi1>, vector<16xf32>
      %select_n3A_2039 = arith.select %gt3A_2037, %select_n3A_2036, %select_n3A_1993 : vector<16xi1>, vector<16xi32>
      %select_n3A_2040 = arith.select %gt3A_2037, %select_n3A_1992, %select_n3A_2035 : vector<16xi1>, vector<16xf32>
      %select_n3A_2041 = arith.select %gt3A_2037, %select_n3A_1993, %select_n3A_2036 : vector<16xi1>, vector<16xi32>
      %gt3A_2042 = arith.cmpf ogt, %select_n3A_2040, %select_n3A_1997 : vector<16xf32>
      %select_n3A_2043 = arith.select %gt3A_2042, %select_n3A_2040, %select_n3A_1997 : vector<16xi1>, vector<16xf32>
      %select_n3A_2044 = arith.select %gt3A_2042, %select_n3A_2041, %select_n3A_1998 : vector<16xi1>, vector<16xi32>
      %select_n3A_2045 = arith.select %gt3A_2042, %select_n3A_1997, %select_n3A_2040 : vector<16xi1>, vector<16xf32>
      %select_n3A_2046 = arith.select %gt3A_2042, %select_n3A_1998, %select_n3A_2041 : vector<16xi1>, vector<16xi32>
      %gt3A_2047 = arith.cmpf ogt, %select_n3A_2045, %select_n3A_2002 : vector<16xf32>
      %select_n3A_2048 = arith.select %gt3A_2047, %select_n3A_2045, %select_n3A_2002 : vector<16xi1>, vector<16xf32>
      %select_n3A_2049 = arith.select %gt3A_2047, %select_n3A_2046, %select_n3A_2003 : vector<16xi1>, vector<16xi32>
      %select_n3A_2050 = arith.select %gt3A_2047, %select_n3A_2002, %select_n3A_2045 : vector<16xi1>, vector<16xf32>
      %select_n3A_2051 = arith.select %gt3A_2047, %select_n3A_2003, %select_n3A_2046 : vector<16xi1>, vector<16xi32>
      %gt3A_2052 = arith.cmpf ogt, %select_n3A_2050, %select_n3A_2007 : vector<16xf32>
      %select_n3A_2053 = arith.select %gt3A_2052, %select_n3A_2050, %select_n3A_2007 : vector<16xi1>, vector<16xf32>
      %select_n3A_2054 = arith.select %gt3A_2052, %select_n3A_2051, %select_n3A_2008 : vector<16xi1>, vector<16xi32>
      %select_n3A_2055 = arith.select %gt3A_2052, %select_n3A_2007, %select_n3A_2050 : vector<16xi1>, vector<16xf32>
      %select_n3A_2056 = arith.select %gt3A_2052, %select_n3A_2008, %select_n3A_2051 : vector<16xi1>, vector<16xi32>
      %add3A_2057 = arith.constant 44 : i32
      %add3A_2058 = vector.broadcast %add3A_2057 : i32 to vector<16xi32>
      %add3A_2059 = arith.addi %mul3A_35, %add3A_2058 : vector<16xi32>
      %gather3A_2060 = tpu.vector_load_idx %arg5[%add3A_2059] : memref<32768xf32, #tpu.memory_space<vmem>>[vector<16xi32>], vector<16xf32>,
      %broadcast_in_dim3A_2061 = arith.constant 44 : i32
      %broadcast_in_dim3A_2062 = vector.broadcast %broadcast_in_dim3A_2061 : i32 to vector<16xi32>
      %gt3A_2063 = arith.cmpf ogt, %gather3A_2060, %select_n3A_2018 : vector<16xf32>
      %select_n3A_2064 = arith.select %gt3A_2063, %gather3A_2060, %select_n3A_2018 : vector<16xi1>, vector<16xf32>
      %select_n3A_2065 = arith.select %gt3A_2063, %broadcast_in_dim3A_2062, %select_n3A_2019 : vector<16xi1>, vector<16xi32>
      %select_n3A_2066 = arith.select %gt3A_2063, %select_n3A_2018, %gather3A_2060 : vector<16xi1>, vector<16xf32>
      %select_n3A_2067 = arith.select %gt3A_2063, %select_n3A_2019, %broadcast_in_dim3A_2062 : vector<16xi1>, vector<16xi32>
      %gt3A_2068 = arith.cmpf ogt, %select_n3A_2066, %select_n3A_2023 : vector<16xf32>
      %select_n3A_2069 = arith.select %gt3A_2068, %select_n3A_2066, %select_n3A_2023 : vector<16xi1>, vector<16xf32>
      %select_n3A_2070 = arith.select %gt3A_2068, %select_n3A_2067, %select_n3A_2024 : vector<16xi1>, vector<16xi32>
      %select_n3A_2071 = arith.select %gt3A_2068, %select_n3A_2023, %select_n3A_2066 : vector<16xi1>, vector<16xf32>
      %select_n3A_2072 = arith.select %gt3A_2068, %select_n3A_2024, %select_n3A_2067 : vector<16xi1>, vector<16xi32>
      %gt3A_2073 = arith.cmpf ogt, %select_n3A_2071, %select_n3A_2028 : vector<16xf32>
      %select_n3A_2074 = arith.select %gt3A_2073, %select_n3A_2071, %select_n3A_2028 : vector<16xi1>, vector<16xf32>
      %select_n3A_2075 = arith.select %gt3A_2073, %select_n3A_2072, %select_n3A_2029 : vector<16xi1>, vector<16xi32>
      %select_n3A_2076 = arith.select %gt3A_2073, %select_n3A_2028, %select_n3A_2071 : vector<16xi1>, vector<16xf32>
      %select_n3A_2077 = arith.select %gt3A_2073, %select_n3A_2029, %select_n3A_2072 : vector<16xi1>, vector<16xi32>
      %gt3A_2078 = arith.cmpf ogt, %select_n3A_2076, %select_n3A_2033 : vector<16xf32>
      %select_n3A_2079 = arith.select %gt3A_2078, %select_n3A_2076, %select_n3A_2033 : vector<16xi1>, vector<16xf32>
      %select_n3A_2080 = arith.select %gt3A_2078, %select_n3A_2077, %select_n3A_2034 : vector<16xi1>, vector<16xi32>
      %select_n3A_2081 = arith.select %gt3A_2078, %select_n3A_2033, %select_n3A_2076 : vector<16xi1>, vector<16xf32>
      %select_n3A_2082 = arith.select %gt3A_2078, %select_n3A_2034, %select_n3A_2077 : vector<16xi1>, vector<16xi32>
      %gt3A_2083 = arith.cmpf ogt, %select_n3A_2081, %select_n3A_2038 : vector<16xf32>
      %select_n3A_2084 = arith.select %gt3A_2083, %select_n3A_2081, %select_n3A_2038 : vector<16xi1>, vector<16xf32>
      %select_n3A_2085 = arith.select %gt3A_2083, %select_n3A_2082, %select_n3A_2039 : vector<16xi1>, vector<16xi32>
      %select_n3A_2086 = arith.select %gt3A_2083, %select_n3A_2038, %select_n3A_2081 : vector<16xi1>, vector<16xf32>
      %select_n3A_2087 = arith.select %gt3A_2083, %select_n3A_2039, %select_n3A_2082 : vector<16xi1>, vector<16xi32>
      %gt3A_2088 = arith.cmpf ogt, %select_n3A_2086, %select_n3A_2043 : vector<16xf32>
      %select_n3A_2089 = arith.select %gt3A_2088, %select_n3A_2086, %select_n3A_2043 : vector<16xi1>, vector<16xf32>
      %select_n3A_2090 = arith.select %gt3A_2088, %select_n3A_2087, %select_n3A_2044 : vector<16xi1>, vector<16xi32>
      %select_n3A_2091 = arith.select %gt3A_2088, %select_n3A_2043, %select_n3A_2086 : vector<16xi1>, vector<16xf32>
      %select_n3A_2092 = arith.select %gt3A_2088, %select_n3A_2044, %select_n3A_2087 : vector<16xi1>, vector<16xi32>
      %gt3A_2093 = arith.cmpf ogt, %select_n3A_2091, %select_n3A_2048 : vector<16xf32>
      %select_n3A_2094 = arith.select %gt3A_2093, %select_n3A_2091, %select_n3A_2048 : vector<16xi1>, vector<16xf32>
      %select_n3A_2095 = arith.select %gt3A_2093, %select_n3A_2092, %select_n3A_2049 : vector<16xi1>, vector<16xi32>
      %select_n3A_2096 = arith.select %gt3A_2093, %select_n3A_2048, %select_n3A_2091 : vector<16xi1>, vector<16xf32>
      %select_n3A_2097 = arith.select %gt3A_2093, %select_n3A_2049, %select_n3A_2092 : vector<16xi1>, vector<16xi32>
      %gt3A_2098 = arith.cmpf ogt, %select_n3A_2096, %select_n3A_2053 : vector<16xf32>
      %select_n3A_2099 = arith.select %gt3A_2098, %select_n3A_2096, %select_n3A_2053 : vector<16xi1>, vector<16xf32>
      %select_n3A_2100 = arith.select %gt3A_2098, %select_n3A_2097, %select_n3A_2054 : vector<16xi1>, vector<16xi32>
      %select_n3A_2101 = arith.select %gt3A_2098, %select_n3A_2053, %select_n3A_2096 : vector<16xi1>, vector<16xf32>
      %select_n3A_2102 = arith.select %gt3A_2098, %select_n3A_2054, %select_n3A_2097 : vector<16xi1>, vector<16xi32>
      %add3A_2103 = arith.constant 45 : i32
      %add3A_2104 = vector.broadcast %add3A_2103 : i32 to vector<16xi32>
      %add3A_2105 = arith.addi %mul3A_35, %add3A_2104 : vector<16xi32>
      %gather3A_2106 = tpu.vector_load_idx %arg5[%add3A_2105] : memref<32768xf32, #tpu.memory_space<vmem>>[vector<16xi32>], vector<16xf32>,
      %broadcast_in_dim3A_2107 = arith.constant 45 : i32
      %broadcast_in_dim3A_2108 = vector.broadcast %broadcast_in_dim3A_2107 : i32 to vector<16xi32>
      %gt3A_2109 = arith.cmpf ogt, %gather3A_2106, %select_n3A_2064 : vector<16xf32>
      %select_n3A_2110 = arith.select %gt3A_2109, %gather3A_2106, %select_n3A_2064 : vector<16xi1>, vector<16xf32>
      %select_n3A_2111 = arith.select %gt3A_2109, %broadcast_in_dim3A_2108, %select_n3A_2065 : vector<16xi1>, vector<16xi32>
      %select_n3A_2112 = arith.select %gt3A_2109, %select_n3A_2064, %gather3A_2106 : vector<16xi1>, vector<16xf32>
      %select_n3A_2113 = arith.select %gt3A_2109, %select_n3A_2065, %broadcast_in_dim3A_2108 : vector<16xi1>, vector<16xi32>
      %gt3A_2114 = arith.cmpf ogt, %select_n3A_2112, %select_n3A_2069 : vector<16xf32>
      %select_n3A_2115 = arith.select %gt3A_2114, %select_n3A_2112, %select_n3A_2069 : vector<16xi1>, vector<16xf32>
      %select_n3A_2116 = arith.select %gt3A_2114, %select_n3A_2113, %select_n3A_2070 : vector<16xi1>, vector<16xi32>
      %select_n3A_2117 = arith.select %gt3A_2114, %select_n3A_2069, %select_n3A_2112 : vector<16xi1>, vector<16xf32>
      %select_n3A_2118 = arith.select %gt3A_2114, %select_n3A_2070, %select_n3A_2113 : vector<16xi1>, vector<16xi32>
      %gt3A_2119 = arith.cmpf ogt, %select_n3A_2117, %select_n3A_2074 : vector<16xf32>
      %select_n3A_2120 = arith.select %gt3A_2119, %select_n3A_2117, %select_n3A_2074 : vector<16xi1>, vector<16xf32>
      %select_n3A_2121 = arith.select %gt3A_2119, %select_n3A_2118, %select_n3A_2075 : vector<16xi1>, vector<16xi32>
      %select_n3A_2122 = arith.select %gt3A_2119, %select_n3A_2074, %select_n3A_2117 : vector<16xi1>, vector<16xf32>
      %select_n3A_2123 = arith.select %gt3A_2119, %select_n3A_2075, %select_n3A_2118 : vector<16xi1>, vector<16xi32>
      %gt3A_2124 = arith.cmpf ogt, %select_n3A_2122, %select_n3A_2079 : vector<16xf32>
      %select_n3A_2125 = arith.select %gt3A_2124, %select_n3A_2122, %select_n3A_2079 : vector<16xi1>, vector<16xf32>
      %select_n3A_2126 = arith.select %gt3A_2124, %select_n3A_2123, %select_n3A_2080 : vector<16xi1>, vector<16xi32>
      %select_n3A_2127 = arith.select %gt3A_2124, %select_n3A_2079, %select_n3A_2122 : vector<16xi1>, vector<16xf32>
      %select_n3A_2128 = arith.select %gt3A_2124, %select_n3A_2080, %select_n3A_2123 : vector<16xi1>, vector<16xi32>
      %gt3A_2129 = arith.cmpf ogt, %select_n3A_2127, %select_n3A_2084 : vector<16xf32>
      %select_n3A_2130 = arith.select %gt3A_2129, %select_n3A_2127, %select_n3A_2084 : vector<16xi1>, vector<16xf32>
      %select_n3A_2131 = arith.select %gt3A_2129, %select_n3A_2128, %select_n3A_2085 : vector<16xi1>, vector<16xi32>
      %select_n3A_2132 = arith.select %gt3A_2129, %select_n3A_2084, %select_n3A_2127 : vector<16xi1>, vector<16xf32>
      %select_n3A_2133 = arith.select %gt3A_2129, %select_n3A_2085, %select_n3A_2128 : vector<16xi1>, vector<16xi32>
      %gt3A_2134 = arith.cmpf ogt, %select_n3A_2132, %select_n3A_2089 : vector<16xf32>
      %select_n3A_2135 = arith.select %gt3A_2134, %select_n3A_2132, %select_n3A_2089 : vector<16xi1>, vector<16xf32>
      %select_n3A_2136 = arith.select %gt3A_2134, %select_n3A_2133, %select_n3A_2090 : vector<16xi1>, vector<16xi32>
      %select_n3A_2137 = arith.select %gt3A_2134, %select_n3A_2089, %select_n3A_2132 : vector<16xi1>, vector<16xf32>
      %select_n3A_2138 = arith.select %gt3A_2134, %select_n3A_2090, %select_n3A_2133 : vector<16xi1>, vector<16xi32>
      %gt3A_2139 = arith.cmpf ogt, %select_n3A_2137, %select_n3A_2094 : vector<16xf32>
      %select_n3A_2140 = arith.select %gt3A_2139, %select_n3A_2137, %select_n3A_2094 : vector<16xi1>, vector<16xf32>
      %select_n3A_2141 = arith.select %gt3A_2139, %select_n3A_2138, %select_n3A_2095 : vector<16xi1>, vector<16xi32>
      %select_n3A_2142 = arith.select %gt3A_2139, %select_n3A_2094, %select_n3A_2137 : vector<16xi1>, vector<16xf32>
      %select_n3A_2143 = arith.select %gt3A_2139, %select_n3A_2095, %select_n3A_2138 : vector<16xi1>, vector<16xi32>
      %gt3A_2144 = arith.cmpf ogt, %select_n3A_2142, %select_n3A_2099 : vector<16xf32>
      %select_n3A_2145 = arith.select %gt3A_2144, %select_n3A_2142, %select_n3A_2099 : vector<16xi1>, vector<16xf32>
      %select_n3A_2146 = arith.select %gt3A_2144, %select_n3A_2143, %select_n3A_2100 : vector<16xi1>, vector<16xi32>
      %select_n3A_2147 = arith.select %gt3A_2144, %select_n3A_2099, %select_n3A_2142 : vector<16xi1>, vector<16xf32>
      %select_n3A_2148 = arith.select %gt3A_2144, %select_n3A_2100, %select_n3A_2143 : vector<16xi1>, vector<16xi32>
      %add3A_2149 = arith.constant 46 : i32
      %add3A_2150 = vector.broadcast %add3A_2149 : i32 to vector<16xi32>
      %add3A_2151 = arith.addi %mul3A_35, %add3A_2150 : vector<16xi32>
      %gather3A_2152 = tpu.vector_load_idx %arg5[%add3A_2151] : memref<32768xf32, #tpu.memory_space<vmem>>[vector<16xi32>], vector<16xf32>,
      %broadcast_in_dim3A_2153 = arith.constant 46 : i32
      %broadcast_in_dim3A_2154 = vector.broadcast %broadcast_in_dim3A_2153 : i32 to vector<16xi32>
      %gt3A_2155 = arith.cmpf ogt, %gather3A_2152, %select_n3A_2110 : vector<16xf32>
      %select_n3A_2156 = arith.select %gt3A_2155, %gather3A_2152, %select_n3A_2110 : vector<16xi1>, vector<16xf32>
      %select_n3A_2157 = arith.select %gt3A_2155, %broadcast_in_dim3A_2154, %select_n3A_2111 : vector<16xi1>, vector<16xi32>
      %select_n3A_2158 = arith.select %gt3A_2155, %select_n3A_2110, %gather3A_2152 : vector<16xi1>, vector<16xf32>
      %select_n3A_2159 = arith.select %gt3A_2155, %select_n3A_2111, %broadcast_in_dim3A_2154 : vector<16xi1>, vector<16xi32>
      %gt3A_2160 = arith.cmpf ogt, %select_n3A_2158, %select_n3A_2115 : vector<16xf32>
      %select_n3A_2161 = arith.select %gt3A_2160, %select_n3A_2158, %select_n3A_2115 : vector<16xi1>, vector<16xf32>
      %select_n3A_2162 = arith.select %gt3A_2160, %select_n3A_2159, %select_n3A_2116 : vector<16xi1>, vector<16xi32>
      %select_n3A_2163 = arith.select %gt3A_2160, %select_n3A_2115, %select_n3A_2158 : vector<16xi1>, vector<16xf32>
      %select_n3A_2164 = arith.select %gt3A_2160, %select_n3A_2116, %select_n3A_2159 : vector<16xi1>, vector<16xi32>
      %gt3A_2165 = arith.cmpf ogt, %select_n3A_2163, %select_n3A_2120 : vector<16xf32>
      %select_n3A_2166 = arith.select %gt3A_2165, %select_n3A_2163, %select_n3A_2120 : vector<16xi1>, vector<16xf32>
      %select_n3A_2167 = arith.select %gt3A_2165, %select_n3A_2164, %select_n3A_2121 : vector<16xi1>, vector<16xi32>
      %select_n3A_2168 = arith.select %gt3A_2165, %select_n3A_2120, %select_n3A_2163 : vector<16xi1>, vector<16xf32>
      %select_n3A_2169 = arith.select %gt3A_2165, %select_n3A_2121, %select_n3A_2164 : vector<16xi1>, vector<16xi32>
      %gt3A_2170 = arith.cmpf ogt, %select_n3A_2168, %select_n3A_2125 : vector<16xf32>
      %select_n3A_2171 = arith.select %gt3A_2170, %select_n3A_2168, %select_n3A_2125 : vector<16xi1>, vector<16xf32>
      %select_n3A_2172 = arith.select %gt3A_2170, %select_n3A_2169, %select_n3A_2126 : vector<16xi1>, vector<16xi32>
      %select_n3A_2173 = arith.select %gt3A_2170, %select_n3A_2125, %select_n3A_2168 : vector<16xi1>, vector<16xf32>
      %select_n3A_2174 = arith.select %gt3A_2170, %select_n3A_2126, %select_n3A_2169 : vector<16xi1>, vector<16xi32>
      %gt3A_2175 = arith.cmpf ogt, %select_n3A_2173, %select_n3A_2130 : vector<16xf32>
      %select_n3A_2176 = arith.select %gt3A_2175, %select_n3A_2173, %select_n3A_2130 : vector<16xi1>, vector<16xf32>
      %select_n3A_2177 = arith.select %gt3A_2175, %select_n3A_2174, %select_n3A_2131 : vector<16xi1>, vector<16xi32>
      %select_n3A_2178 = arith.select %gt3A_2175, %select_n3A_2130, %select_n3A_2173 : vector<16xi1>, vector<16xf32>
      %select_n3A_2179 = arith.select %gt3A_2175, %select_n3A_2131, %select_n3A_2174 : vector<16xi1>, vector<16xi32>
      %gt3A_2180 = arith.cmpf ogt, %select_n3A_2178, %select_n3A_2135 : vector<16xf32>
      %select_n3A_2181 = arith.select %gt3A_2180, %select_n3A_2178, %select_n3A_2135 : vector<16xi1>, vector<16xf32>
      %select_n3A_2182 = arith.select %gt3A_2180, %select_n3A_2179, %select_n3A_2136 : vector<16xi1>, vector<16xi32>
      %select_n3A_2183 = arith.select %gt3A_2180, %select_n3A_2135, %select_n3A_2178 : vector<16xi1>, vector<16xf32>
      %select_n3A_2184 = arith.select %gt3A_2180, %select_n3A_2136, %select_n3A_2179 : vector<16xi1>, vector<16xi32>
      %gt3A_2185 = arith.cmpf ogt, %select_n3A_2183, %select_n3A_2140 : vector<16xf32>
      %select_n3A_2186 = arith.select %gt3A_2185, %select_n3A_2183, %select_n3A_2140 : vector<16xi1>, vector<16xf32>
      %select_n3A_2187 = arith.select %gt3A_2185, %select_n3A_2184, %select_n3A_2141 : vector<16xi1>, vector<16xi32>
      %select_n3A_2188 = arith.select %gt3A_2185, %select_n3A_2140, %select_n3A_2183 : vector<16xi1>, vector<16xf32>
      %select_n3A_2189 = arith.select %gt3A_2185, %select_n3A_2141, %select_n3A_2184 : vector<16xi1>, vector<16xi32>
      %gt3A_2190 = arith.cmpf ogt, %select_n3A_2188, %select_n3A_2145 : vector<16xf32>
      %select_n3A_2191 = arith.select %gt3A_2190, %select_n3A_2188, %select_n3A_2145 : vector<16xi1>, vector<16xf32>
      %select_n3A_2192 = arith.select %gt3A_2190, %select_n3A_2189, %select_n3A_2146 : vector<16xi1>, vector<16xi32>
      %select_n3A_2193 = arith.select %gt3A_2190, %select_n3A_2145, %select_n3A_2188 : vector<16xi1>, vector<16xf32>
      %select_n3A_2194 = arith.select %gt3A_2190, %select_n3A_2146, %select_n3A_2189 : vector<16xi1>, vector<16xi32>
      %add3A_2195 = arith.constant 47 : i32
      %add3A_2196 = vector.broadcast %add3A_2195 : i32 to vector<16xi32>
      %add3A_2197 = arith.addi %mul3A_35, %add3A_2196 : vector<16xi32>
      %gather3A_2198 = tpu.vector_load_idx %arg5[%add3A_2197] : memref<32768xf32, #tpu.memory_space<vmem>>[vector<16xi32>], vector<16xf32>,
      %broadcast_in_dim3A_2199 = arith.constant 47 : i32
      %broadcast_in_dim3A_2200 = vector.broadcast %broadcast_in_dim3A_2199 : i32 to vector<16xi32>
      %gt3A_2201 = arith.cmpf ogt, %gather3A_2198, %select_n3A_2156 : vector<16xf32>
      %select_n3A_2202 = arith.select %gt3A_2201, %gather3A_2198, %select_n3A_2156 : vector<16xi1>, vector<16xf32>
      %select_n3A_2203 = arith.select %gt3A_2201, %broadcast_in_dim3A_2200, %select_n3A_2157 : vector<16xi1>, vector<16xi32>
      %select_n3A_2204 = arith.select %gt3A_2201, %select_n3A_2156, %gather3A_2198 : vector<16xi1>, vector<16xf32>
      %select_n3A_2205 = arith.select %gt3A_2201, %select_n3A_2157, %broadcast_in_dim3A_2200 : vector<16xi1>, vector<16xi32>
      %gt3A_2206 = arith.cmpf ogt, %select_n3A_2204, %select_n3A_2161 : vector<16xf32>
      %select_n3A_2207 = arith.select %gt3A_2206, %select_n3A_2204, %select_n3A_2161 : vector<16xi1>, vector<16xf32>
      %select_n3A_2208 = arith.select %gt3A_2206, %select_n3A_2205, %select_n3A_2162 : vector<16xi1>, vector<16xi32>
      %select_n3A_2209 = arith.select %gt3A_2206, %select_n3A_2161, %select_n3A_2204 : vector<16xi1>, vector<16xf32>
      %select_n3A_2210 = arith.select %gt3A_2206, %select_n3A_2162, %select_n3A_2205 : vector<16xi1>, vector<16xi32>
      %gt3A_2211 = arith.cmpf ogt, %select_n3A_2209, %select_n3A_2166 : vector<16xf32>
      %select_n3A_2212 = arith.select %gt3A_2211, %select_n3A_2209, %select_n3A_2166 : vector<16xi1>, vector<16xf32>
      %select_n3A_2213 = arith.select %gt3A_2211, %select_n3A_2210, %select_n3A_2167 : vector<16xi1>, vector<16xi32>
      %select_n3A_2214 = arith.select %gt3A_2211, %select_n3A_2166, %select_n3A_2209 : vector<16xi1>, vector<16xf32>
      %select_n3A_2215 = arith.select %gt3A_2211, %select_n3A_2167, %select_n3A_2210 : vector<16xi1>, vector<16xi32>
      %gt3A_2216 = arith.cmpf ogt, %select_n3A_2214, %select_n3A_2171 : vector<16xf32>
      %select_n3A_2217 = arith.select %gt3A_2216, %select_n3A_2214, %select_n3A_2171 : vector<16xi1>, vector<16xf32>
      %select_n3A_2218 = arith.select %gt3A_2216, %select_n3A_2215, %select_n3A_2172 : vector<16xi1>, vector<16xi32>
      %select_n3A_2219 = arith.select %gt3A_2216, %select_n3A_2171, %select_n3A_2214 : vector<16xi1>, vector<16xf32>
      %select_n3A_2220 = arith.select %gt3A_2216, %select_n3A_2172, %select_n3A_2215 : vector<16xi1>, vector<16xi32>
      %gt3A_2221 = arith.cmpf ogt, %select_n3A_2219, %select_n3A_2176 : vector<16xf32>
      %select_n3A_2222 = arith.select %gt3A_2221, %select_n3A_2219, %select_n3A_2176 : vector<16xi1>, vector<16xf32>
      %select_n3A_2223 = arith.select %gt3A_2221, %select_n3A_2220, %select_n3A_2177 : vector<16xi1>, vector<16xi32>
      %select_n3A_2224 = arith.select %gt3A_2221, %select_n3A_2176, %select_n3A_2219 : vector<16xi1>, vector<16xf32>
      %select_n3A_2225 = arith.select %gt3A_2221, %select_n3A_2177, %select_n3A_2220 : vector<16xi1>, vector<16xi32>
      %gt3A_2226 = arith.cmpf ogt, %select_n3A_2224, %select_n3A_2181 : vector<16xf32>
      %select_n3A_2227 = arith.select %gt3A_2226, %select_n3A_2224, %select_n3A_2181 : vector<16xi1>, vector<16xf32>
      %select_n3A_2228 = arith.select %gt3A_2226, %select_n3A_2225, %select_n3A_2182 : vector<16xi1>, vector<16xi32>
      %select_n3A_2229 = arith.select %gt3A_2226, %select_n3A_2181, %select_n3A_2224 : vector<16xi1>, vector<16xf32>
      %select_n3A_2230 = arith.select %gt3A_2226, %select_n3A_2182, %select_n3A_2225 : vector<16xi1>, vector<16xi32>
      %gt3A_2231 = arith.cmpf ogt, %select_n3A_2229, %select_n3A_2186 : vector<16xf32>
      %select_n3A_2232 = arith.select %gt3A_2231, %select_n3A_2229, %select_n3A_2186 : vector<16xi1>, vector<16xf32>
      %select_n3A_2233 = arith.select %gt3A_2231, %select_n3A_2230, %select_n3A_2187 : vector<16xi1>, vector<16xi32>
      %select_n3A_2234 = arith.select %gt3A_2231, %select_n3A_2186, %select_n3A_2229 : vector<16xi1>, vector<16xf32>
      %select_n3A_2235 = arith.select %gt3A_2231, %select_n3A_2187, %select_n3A_2230 : vector<16xi1>, vector<16xi32>
      %gt3A_2236 = arith.cmpf ogt, %select_n3A_2234, %select_n3A_2191 : vector<16xf32>
      %select_n3A_2237 = arith.select %gt3A_2236, %select_n3A_2234, %select_n3A_2191 : vector<16xi1>, vector<16xf32>
      %select_n3A_2238 = arith.select %gt3A_2236, %select_n3A_2235, %select_n3A_2192 : vector<16xi1>, vector<16xi32>
      %select_n3A_2239 = arith.select %gt3A_2236, %select_n3A_2191, %select_n3A_2234 : vector<16xi1>, vector<16xf32>
      %select_n3A_2240 = arith.select %gt3A_2236, %select_n3A_2192, %select_n3A_2235 : vector<16xi1>, vector<16xi32>
      %add3A_2241 = arith.constant 48 : i32
      %add3A_2242 = vector.broadcast %add3A_2241 : i32 to vector<16xi32>
      %add3A_2243 = arith.addi %mul3A_35, %add3A_2242 : vector<16xi32>
      %gather3A_2244 = tpu.vector_load_idx %arg5[%add3A_2243] : memref<32768xf32, #tpu.memory_space<vmem>>[vector<16xi32>], vector<16xf32>,
      %broadcast_in_dim3A_2245 = arith.constant 48 : i32
      %broadcast_in_dim3A_2246 = vector.broadcast %broadcast_in_dim3A_2245 : i32 to vector<16xi32>
      %gt3A_2247 = arith.cmpf ogt, %gather3A_2244, %select_n3A_2202 : vector<16xf32>
      %select_n3A_2248 = arith.select %gt3A_2247, %gather3A_2244, %select_n3A_2202 : vector<16xi1>, vector<16xf32>
      %select_n3A_2249 = arith.select %gt3A_2247, %broadcast_in_dim3A_2246, %select_n3A_2203 : vector<16xi1>, vector<16xi32>
      %select_n3A_2250 = arith.select %gt3A_2247, %select_n3A_2202, %gather3A_2244 : vector<16xi1>, vector<16xf32>
      %select_n3A_2251 = arith.select %gt3A_2247, %select_n3A_2203, %broadcast_in_dim3A_2246 : vector<16xi1>, vector<16xi32>
      %gt3A_2252 = arith.cmpf ogt, %select_n3A_2250, %select_n3A_2207 : vector<16xf32>
      %select_n3A_2253 = arith.select %gt3A_2252, %select_n3A_2250, %select_n3A_2207 : vector<16xi1>, vector<16xf32>
      %select_n3A_2254 = arith.select %gt3A_2252, %select_n3A_2251, %select_n3A_2208 : vector<16xi1>, vector<16xi32>
      %select_n3A_2255 = arith.select %gt3A_2252, %select_n3A_2207, %select_n3A_2250 : vector<16xi1>, vector<16xf32>
      %select_n3A_2256 = arith.select %gt3A_2252, %select_n3A_2208, %select_n3A_2251 : vector<16xi1>, vector<16xi32>
      %gt3A_2257 = arith.cmpf ogt, %select_n3A_2255, %select_n3A_2212 : vector<16xf32>
      %select_n3A_2258 = arith.select %gt3A_2257, %select_n3A_2255, %select_n3A_2212 : vector<16xi1>, vector<16xf32>
      %select_n3A_2259 = arith.select %gt3A_2257, %select_n3A_2256, %select_n3A_2213 : vector<16xi1>, vector<16xi32>
      %select_n3A_2260 = arith.select %gt3A_2257, %select_n3A_2212, %select_n3A_2255 : vector<16xi1>, vector<16xf32>
      %select_n3A_2261 = arith.select %gt3A_2257, %select_n3A_2213, %select_n3A_2256 : vector<16xi1>, vector<16xi32>
      %gt3A_2262 = arith.cmpf ogt, %select_n3A_2260, %select_n3A_2217 : vector<16xf32>
      %select_n3A_2263 = arith.select %gt3A_2262, %select_n3A_2260, %select_n3A_2217 : vector<16xi1>, vector<16xf32>
      %select_n3A_2264 = arith.select %gt3A_2262, %select_n3A_2261, %select_n3A_2218 : vector<16xi1>, vector<16xi32>
      %select_n3A_2265 = arith.select %gt3A_2262, %select_n3A_2217, %select_n3A_2260 : vector<16xi1>, vector<16xf32>
      %select_n3A_2266 = arith.select %gt3A_2262, %select_n3A_2218, %select_n3A_2261 : vector<16xi1>, vector<16xi32>
      %gt3A_2267 = arith.cmpf ogt, %select_n3A_2265, %select_n3A_2222 : vector<16xf32>
      %select_n3A_2268 = arith.select %gt3A_2267, %select_n3A_2265, %select_n3A_2222 : vector<16xi1>, vector<16xf32>
      %select_n3A_2269 = arith.select %gt3A_2267, %select_n3A_2266, %select_n3A_2223 : vector<16xi1>, vector<16xi32>
      %select_n3A_2270 = arith.select %gt3A_2267, %select_n3A_2222, %select_n3A_2265 : vector<16xi1>, vector<16xf32>
      %select_n3A_2271 = arith.select %gt3A_2267, %select_n3A_2223, %select_n3A_2266 : vector<16xi1>, vector<16xi32>
      %gt3A_2272 = arith.cmpf ogt, %select_n3A_2270, %select_n3A_2227 : vector<16xf32>
      %select_n3A_2273 = arith.select %gt3A_2272, %select_n3A_2270, %select_n3A_2227 : vector<16xi1>, vector<16xf32>
      %select_n3A_2274 = arith.select %gt3A_2272, %select_n3A_2271, %select_n3A_2228 : vector<16xi1>, vector<16xi32>
      %select_n3A_2275 = arith.select %gt3A_2272, %select_n3A_2227, %select_n3A_2270 : vector<16xi1>, vector<16xf32>
      %select_n3A_2276 = arith.select %gt3A_2272, %select_n3A_2228, %select_n3A_2271 : vector<16xi1>, vector<16xi32>
      %gt3A_2277 = arith.cmpf ogt, %select_n3A_2275, %select_n3A_2232 : vector<16xf32>
      %select_n3A_2278 = arith.select %gt3A_2277, %select_n3A_2275, %select_n3A_2232 : vector<16xi1>, vector<16xf32>
      %select_n3A_2279 = arith.select %gt3A_2277, %select_n3A_2276, %select_n3A_2233 : vector<16xi1>, vector<16xi32>
      %select_n3A_2280 = arith.select %gt3A_2277, %select_n3A_2232, %select_n3A_2275 : vector<16xi1>, vector<16xf32>
      %select_n3A_2281 = arith.select %gt3A_2277, %select_n3A_2233, %select_n3A_2276 : vector<16xi1>, vector<16xi32>
      %gt3A_2282 = arith.cmpf ogt, %select_n3A_2280, %select_n3A_2237 : vector<16xf32>
      %select_n3A_2283 = arith.select %gt3A_2282, %select_n3A_2280, %select_n3A_2237 : vector<16xi1>, vector<16xf32>
      %select_n3A_2284 = arith.select %gt3A_2282, %select_n3A_2281, %select_n3A_2238 : vector<16xi1>, vector<16xi32>
      %select_n3A_2285 = arith.select %gt3A_2282, %select_n3A_2237, %select_n3A_2280 : vector<16xi1>, vector<16xf32>
      %select_n3A_2286 = arith.select %gt3A_2282, %select_n3A_2238, %select_n3A_2281 : vector<16xi1>, vector<16xi32>
      %add3A_2287 = arith.constant 49 : i32
      %add3A_2288 = vector.broadcast %add3A_2287 : i32 to vector<16xi32>
      %add3A_2289 = arith.addi %mul3A_35, %add3A_2288 : vector<16xi32>
      %gather3A_2290 = tpu.vector_load_idx %arg5[%add3A_2289] : memref<32768xf32, #tpu.memory_space<vmem>>[vector<16xi32>], vector<16xf32>,
      %broadcast_in_dim3A_2291 = arith.constant 49 : i32
      %broadcast_in_dim3A_2292 = vector.broadcast %broadcast_in_dim3A_2291 : i32 to vector<16xi32>
      %gt3A_2293 = arith.cmpf ogt, %gather3A_2290, %select_n3A_2248 : vector<16xf32>
      %select_n3A_2294 = arith.select %gt3A_2293, %gather3A_2290, %select_n3A_2248 : vector<16xi1>, vector<16xf32>
      %select_n3A_2295 = arith.select %gt3A_2293, %broadcast_in_dim3A_2292, %select_n3A_2249 : vector<16xi1>, vector<16xi32>
      %select_n3A_2296 = arith.select %gt3A_2293, %select_n3A_2248, %gather3A_2290 : vector<16xi1>, vector<16xf32>
      %select_n3A_2297 = arith.select %gt3A_2293, %select_n3A_2249, %broadcast_in_dim3A_2292 : vector<16xi1>, vector<16xi32>
      %gt3A_2298 = arith.cmpf ogt, %select_n3A_2296, %select_n3A_2253 : vector<16xf32>
      %select_n3A_2299 = arith.select %gt3A_2298, %select_n3A_2296, %select_n3A_2253 : vector<16xi1>, vector<16xf32>
      %select_n3A_2300 = arith.select %gt3A_2298, %select_n3A_2297, %select_n3A_2254 : vector<16xi1>, vector<16xi32>
      %select_n3A_2301 = arith.select %gt3A_2298, %select_n3A_2253, %select_n3A_2296 : vector<16xi1>, vector<16xf32>
      %select_n3A_2302 = arith.select %gt3A_2298, %select_n3A_2254, %select_n3A_2297 : vector<16xi1>, vector<16xi32>
      %gt3A_2303 = arith.cmpf ogt, %select_n3A_2301, %select_n3A_2258 : vector<16xf32>
      %select_n3A_2304 = arith.select %gt3A_2303, %select_n3A_2301, %select_n3A_2258 : vector<16xi1>, vector<16xf32>
      %select_n3A_2305 = arith.select %gt3A_2303, %select_n3A_2302, %select_n3A_2259 : vector<16xi1>, vector<16xi32>
      %select_n3A_2306 = arith.select %gt3A_2303, %select_n3A_2258, %select_n3A_2301 : vector<16xi1>, vector<16xf32>
      %select_n3A_2307 = arith.select %gt3A_2303, %select_n3A_2259, %select_n3A_2302 : vector<16xi1>, vector<16xi32>
      %gt3A_2308 = arith.cmpf ogt, %select_n3A_2306, %select_n3A_2263 : vector<16xf32>
      %select_n3A_2309 = arith.select %gt3A_2308, %select_n3A_2306, %select_n3A_2263 : vector<16xi1>, vector<16xf32>
      %select_n3A_2310 = arith.select %gt3A_2308, %select_n3A_2307, %select_n3A_2264 : vector<16xi1>, vector<16xi32>
      %select_n3A_2311 = arith.select %gt3A_2308, %select_n3A_2263, %select_n3A_2306 : vector<16xi1>, vector<16xf32>
      %select_n3A_2312 = arith.select %gt3A_2308, %select_n3A_2264, %select_n3A_2307 : vector<16xi1>, vector<16xi32>
      %gt3A_2313 = arith.cmpf ogt, %select_n3A_2311, %select_n3A_2268 : vector<16xf32>
      %select_n3A_2314 = arith.select %gt3A_2313, %select_n3A_2311, %select_n3A_2268 : vector<16xi1>, vector<16xf32>
      %select_n3A_2315 = arith.select %gt3A_2313, %select_n3A_2312, %select_n3A_2269 : vector<16xi1>, vector<16xi32>
      %select_n3A_2316 = arith.select %gt3A_2313, %select_n3A_2268, %select_n3A_2311 : vector<16xi1>, vector<16xf32>
      %select_n3A_2317 = arith.select %gt3A_2313, %select_n3A_2269, %select_n3A_2312 : vector<16xi1>, vector<16xi32>
      %gt3A_2318 = arith.cmpf ogt, %select_n3A_2316, %select_n3A_2273 : vector<16xf32>
      %select_n3A_2319 = arith.select %gt3A_2318, %select_n3A_2316, %select_n3A_2273 : vector<16xi1>, vector<16xf32>
      %select_n3A_2320 = arith.select %gt3A_2318, %select_n3A_2317, %select_n3A_2274 : vector<16xi1>, vector<16xi32>
      %select_n3A_2321 = arith.select %gt3A_2318, %select_n3A_2273, %select_n3A_2316 : vector<16xi1>, vector<16xf32>
      %select_n3A_2322 = arith.select %gt3A_2318, %select_n3A_2274, %select_n3A_2317 : vector<16xi1>, vector<16xi32>
      %gt3A_2323 = arith.cmpf ogt, %select_n3A_2321, %select_n3A_2278 : vector<16xf32>
      %select_n3A_2324 = arith.select %gt3A_2323, %select_n3A_2321, %select_n3A_2278 : vector<16xi1>, vector<16xf32>
      %select_n3A_2325 = arith.select %gt3A_2323, %select_n3A_2322, %select_n3A_2279 : vector<16xi1>, vector<16xi32>
      %select_n3A_2326 = arith.select %gt3A_2323, %select_n3A_2278, %select_n3A_2321 : vector<16xi1>, vector<16xf32>
      %select_n3A_2327 = arith.select %gt3A_2323, %select_n3A_2279, %select_n3A_2322 : vector<16xi1>, vector<16xi32>
      %gt3A_2328 = arith.cmpf ogt, %select_n3A_2326, %select_n3A_2283 : vector<16xf32>
      %select_n3A_2329 = arith.select %gt3A_2328, %select_n3A_2326, %select_n3A_2283 : vector<16xi1>, vector<16xf32>
      %select_n3A_2330 = arith.select %gt3A_2328, %select_n3A_2327, %select_n3A_2284 : vector<16xi1>, vector<16xi32>
      %select_n3A_2331 = arith.select %gt3A_2328, %select_n3A_2283, %select_n3A_2326 : vector<16xi1>, vector<16xf32>
      %select_n3A_2332 = arith.select %gt3A_2328, %select_n3A_2284, %select_n3A_2327 : vector<16xi1>, vector<16xi32>
      %add3A_2333 = arith.constant 50 : i32
      %add3A_2334 = vector.broadcast %add3A_2333 : i32 to vector<16xi32>
      %add3A_2335 = arith.addi %mul3A_35, %add3A_2334 : vector<16xi32>
      %gather3A_2336 = tpu.vector_load_idx %arg5[%add3A_2335] : memref<32768xf32, #tpu.memory_space<vmem>>[vector<16xi32>], vector<16xf32>,
      %broadcast_in_dim3A_2337 = arith.constant 50 : i32
      %broadcast_in_dim3A_2338 = vector.broadcast %broadcast_in_dim3A_2337 : i32 to vector<16xi32>
      %gt3A_2339 = arith.cmpf ogt, %gather3A_2336, %select_n3A_2294 : vector<16xf32>
      %select_n3A_2340 = arith.select %gt3A_2339, %gather3A_2336, %select_n3A_2294 : vector<16xi1>, vector<16xf32>
      %select_n3A_2341 = arith.select %gt3A_2339, %broadcast_in_dim3A_2338, %select_n3A_2295 : vector<16xi1>, vector<16xi32>
      %select_n3A_2342 = arith.select %gt3A_2339, %select_n3A_2294, %gather3A_2336 : vector<16xi1>, vector<16xf32>
      %select_n3A_2343 = arith.select %gt3A_2339, %select_n3A_2295, %broadcast_in_dim3A_2338 : vector<16xi1>, vector<16xi32>
      %gt3A_2344 = arith.cmpf ogt, %select_n3A_2342, %select_n3A_2299 : vector<16xf32>
      %select_n3A_2345 = arith.select %gt3A_2344, %select_n3A_2342, %select_n3A_2299 : vector<16xi1>, vector<16xf32>
      %select_n3A_2346 = arith.select %gt3A_2344, %select_n3A_2343, %select_n3A_2300 : vector<16xi1>, vector<16xi32>
      %select_n3A_2347 = arith.select %gt3A_2344, %select_n3A_2299, %select_n3A_2342 : vector<16xi1>, vector<16xf32>
      %select_n3A_2348 = arith.select %gt3A_2344, %select_n3A_2300, %select_n3A_2343 : vector<16xi1>, vector<16xi32>
      %gt3A_2349 = arith.cmpf ogt, %select_n3A_2347, %select_n3A_2304 : vector<16xf32>
      %select_n3A_2350 = arith.select %gt3A_2349, %select_n3A_2347, %select_n3A_2304 : vector<16xi1>, vector<16xf32>
      %select_n3A_2351 = arith.select %gt3A_2349, %select_n3A_2348, %select_n3A_2305 : vector<16xi1>, vector<16xi32>
      %select_n3A_2352 = arith.select %gt3A_2349, %select_n3A_2304, %select_n3A_2347 : vector<16xi1>, vector<16xf32>
      %select_n3A_2353 = arith.select %gt3A_2349, %select_n3A_2305, %select_n3A_2348 : vector<16xi1>, vector<16xi32>
      %gt3A_2354 = arith.cmpf ogt, %select_n3A_2352, %select_n3A_2309 : vector<16xf32>
      %select_n3A_2355 = arith.select %gt3A_2354, %select_n3A_2352, %select_n3A_2309 : vector<16xi1>, vector<16xf32>
      %select_n3A_2356 = arith.select %gt3A_2354, %select_n3A_2353, %select_n3A_2310 : vector<16xi1>, vector<16xi32>
      %select_n3A_2357 = arith.select %gt3A_2354, %select_n3A_2309, %select_n3A_2352 : vector<16xi1>, vector<16xf32>
      %select_n3A_2358 = arith.select %gt3A_2354, %select_n3A_2310, %select_n3A_2353 : vector<16xi1>, vector<16xi32>
      %gt3A_2359 = arith.cmpf ogt, %select_n3A_2357, %select_n3A_2314 : vector<16xf32>
      %select_n3A_2360 = arith.select %gt3A_2359, %select_n3A_2357, %select_n3A_2314 : vector<16xi1>, vector<16xf32>
      %select_n3A_2361 = arith.select %gt3A_2359, %select_n3A_2358, %select_n3A_2315 : vector<16xi1>, vector<16xi32>
      %select_n3A_2362 = arith.select %gt3A_2359, %select_n3A_2314, %select_n3A_2357 : vector<16xi1>, vector<16xf32>
      %select_n3A_2363 = arith.select %gt3A_2359, %select_n3A_2315, %select_n3A_2358 : vector<16xi1>, vector<16xi32>
      %gt3A_2364 = arith.cmpf ogt, %select_n3A_2362, %select_n3A_2319 : vector<16xf32>
      %select_n3A_2365 = arith.select %gt3A_2364, %select_n3A_2362, %select_n3A_2319 : vector<16xi1>, vector<16xf32>
      %select_n3A_2366 = arith.select %gt3A_2364, %select_n3A_2363, %select_n3A_2320 : vector<16xi1>, vector<16xi32>
      %select_n3A_2367 = arith.select %gt3A_2364, %select_n3A_2319, %select_n3A_2362 : vector<16xi1>, vector<16xf32>
      %select_n3A_2368 = arith.select %gt3A_2364, %select_n3A_2320, %select_n3A_2363 : vector<16xi1>, vector<16xi32>
      %gt3A_2369 = arith.cmpf ogt, %select_n3A_2367, %select_n3A_2324 : vector<16xf32>
      %select_n3A_2370 = arith.select %gt3A_2369, %select_n3A_2367, %select_n3A_2324 : vector<16xi1>, vector<16xf32>
      %select_n3A_2371 = arith.select %gt3A_2369, %select_n3A_2368, %select_n3A_2325 : vector<16xi1>, vector<16xi32>
      %select_n3A_2372 = arith.select %gt3A_2369, %select_n3A_2324, %select_n3A_2367 : vector<16xi1>, vector<16xf32>
      %select_n3A_2373 = arith.select %gt3A_2369, %select_n3A_2325, %select_n3A_2368 : vector<16xi1>, vector<16xi32>
      %gt3A_2374 = arith.cmpf ogt, %select_n3A_2372, %select_n3A_2329 : vector<16xf32>
      %select_n3A_2375 = arith.select %gt3A_2374, %select_n3A_2372, %select_n3A_2329 : vector<16xi1>, vector<16xf32>
      %select_n3A_2376 = arith.select %gt3A_2374, %select_n3A_2373, %select_n3A_2330 : vector<16xi1>, vector<16xi32>
      %select_n3A_2377 = arith.select %gt3A_2374, %select_n3A_2329, %select_n3A_2372 : vector<16xi1>, vector<16xf32>
      %select_n3A_2378 = arith.select %gt3A_2374, %select_n3A_2330, %select_n3A_2373 : vector<16xi1>, vector<16xi32>
      %add3A_2379 = arith.constant 51 : i32
      %add3A_2380 = vector.broadcast %add3A_2379 : i32 to vector<16xi32>
      %add3A_2381 = arith.addi %mul3A_35, %add3A_2380 : vector<16xi32>
      %gather3A_2382 = tpu.vector_load_idx %arg5[%add3A_2381] : memref<32768xf32, #tpu.memory_space<vmem>>[vector<16xi32>], vector<16xf32>,
      %broadcast_in_dim3A_2383 = arith.constant 51 : i32
      %broadcast_in_dim3A_2384 = vector.broadcast %broadcast_in_dim3A_2383 : i32 to vector<16xi32>
      %gt3A_2385 = arith.cmpf ogt, %gather3A_2382, %select_n3A_2340 : vector<16xf32>
      %select_n3A_2386 = arith.select %gt3A_2385, %gather3A_2382, %select_n3A_2340 : vector<16xi1>, vector<16xf32>
      %select_n3A_2387 = arith.select %gt3A_2385, %broadcast_in_dim3A_2384, %select_n3A_2341 : vector<16xi1>, vector<16xi32>
      %select_n3A_2388 = arith.select %gt3A_2385, %select_n3A_2340, %gather3A_2382 : vector<16xi1>, vector<16xf32>
      %select_n3A_2389 = arith.select %gt3A_2385, %select_n3A_2341, %broadcast_in_dim3A_2384 : vector<16xi1>, vector<16xi32>
      %gt3A_2390 = arith.cmpf ogt, %select_n3A_2388, %select_n3A_2345 : vector<16xf32>
      %select_n3A_2391 = arith.select %gt3A_2390, %select_n3A_2388, %select_n3A_2345 : vector<16xi1>, vector<16xf32>
      %select_n3A_2392 = arith.select %gt3A_2390, %select_n3A_2389, %select_n3A_2346 : vector<16xi1>, vector<16xi32>
      %select_n3A_2393 = arith.select %gt3A_2390, %select_n3A_2345, %select_n3A_2388 : vector<16xi1>, vector<16xf32>
      %select_n3A_2394 = arith.select %gt3A_2390, %select_n3A_2346, %select_n3A_2389 : vector<16xi1>, vector<16xi32>
      %gt3A_2395 = arith.cmpf ogt, %select_n3A_2393, %select_n3A_2350 : vector<16xf32>
      %select_n3A_2396 = arith.select %gt3A_2395, %select_n3A_2393, %select_n3A_2350 : vector<16xi1>, vector<16xf32>
      %select_n3A_2397 = arith.select %gt3A_2395, %select_n3A_2394, %select_n3A_2351 : vector<16xi1>, vector<16xi32>
      %select_n3A_2398 = arith.select %gt3A_2395, %select_n3A_2350, %select_n3A_2393 : vector<16xi1>, vector<16xf32>
      %select_n3A_2399 = arith.select %gt3A_2395, %select_n3A_2351, %select_n3A_2394 : vector<16xi1>, vector<16xi32>
      %gt3A_2400 = arith.cmpf ogt, %select_n3A_2398, %select_n3A_2355 : vector<16xf32>
      %select_n3A_2401 = arith.select %gt3A_2400, %select_n3A_2398, %select_n3A_2355 : vector<16xi1>, vector<16xf32>
      %select_n3A_2402 = arith.select %gt3A_2400, %select_n3A_2399, %select_n3A_2356 : vector<16xi1>, vector<16xi32>
      %select_n3A_2403 = arith.select %gt3A_2400, %select_n3A_2355, %select_n3A_2398 : vector<16xi1>, vector<16xf32>
      %select_n3A_2404 = arith.select %gt3A_2400, %select_n3A_2356, %select_n3A_2399 : vector<16xi1>, vector<16xi32>
      %gt3A_2405 = arith.cmpf ogt, %select_n3A_2403, %select_n3A_2360 : vector<16xf32>
      %select_n3A_2406 = arith.select %gt3A_2405, %select_n3A_2403, %select_n3A_2360 : vector<16xi1>, vector<16xf32>
      %select_n3A_2407 = arith.select %gt3A_2405, %select_n3A_2404, %select_n3A_2361 : vector<16xi1>, vector<16xi32>
      %select_n3A_2408 = arith.select %gt3A_2405, %select_n3A_2360, %select_n3A_2403 : vector<16xi1>, vector<16xf32>
      %select_n3A_2409 = arith.select %gt3A_2405, %select_n3A_2361, %select_n3A_2404 : vector<16xi1>, vector<16xi32>
      %gt3A_2410 = arith.cmpf ogt, %select_n3A_2408, %select_n3A_2365 : vector<16xf32>
      %select_n3A_2411 = arith.select %gt3A_2410, %select_n3A_2408, %select_n3A_2365 : vector<16xi1>, vector<16xf32>
      %select_n3A_2412 = arith.select %gt3A_2410, %select_n3A_2409, %select_n3A_2366 : vector<16xi1>, vector<16xi32>
      %select_n3A_2413 = arith.select %gt3A_2410, %select_n3A_2365, %select_n3A_2408 : vector<16xi1>, vector<16xf32>
      %select_n3A_2414 = arith.select %gt3A_2410, %select_n3A_2366, %select_n3A_2409 : vector<16xi1>, vector<16xi32>
      %gt3A_2415 = arith.cmpf ogt, %select_n3A_2413, %select_n3A_2370 : vector<16xf32>
      %select_n3A_2416 = arith.select %gt3A_2415, %select_n3A_2413, %select_n3A_2370 : vector<16xi1>, vector<16xf32>
      %select_n3A_2417 = arith.select %gt3A_2415, %select_n3A_2414, %select_n3A_2371 : vector<16xi1>, vector<16xi32>
      %select_n3A_2418 = arith.select %gt3A_2415, %select_n3A_2370, %select_n3A_2413 : vector<16xi1>, vector<16xf32>
      %select_n3A_2419 = arith.select %gt3A_2415, %select_n3A_2371, %select_n3A_2414 : vector<16xi1>, vector<16xi32>
      %gt3A_2420 = arith.cmpf ogt, %select_n3A_2418, %select_n3A_2375 : vector<16xf32>
      %select_n3A_2421 = arith.select %gt3A_2420, %select_n3A_2418, %select_n3A_2375 : vector<16xi1>, vector<16xf32>
      %select_n3A_2422 = arith.select %gt3A_2420, %select_n3A_2419, %select_n3A_2376 : vector<16xi1>, vector<16xi32>
      %select_n3A_2423 = arith.select %gt3A_2420, %select_n3A_2375, %select_n3A_2418 : vector<16xi1>, vector<16xf32>
      %select_n3A_2424 = arith.select %gt3A_2420, %select_n3A_2376, %select_n3A_2419 : vector<16xi1>, vector<16xi32>
      %add3A_2425 = arith.constant 52 : i32
      %add3A_2426 = vector.broadcast %add3A_2425 : i32 to vector<16xi32>
      %add3A_2427 = arith.addi %mul3A_35, %add3A_2426 : vector<16xi32>
      %gather3A_2428 = tpu.vector_load_idx %arg5[%add3A_2427] : memref<32768xf32, #tpu.memory_space<vmem>>[vector<16xi32>], vector<16xf32>,
      %broadcast_in_dim3A_2429 = arith.constant 52 : i32
      %broadcast_in_dim3A_2430 = vector.broadcast %broadcast_in_dim3A_2429 : i32 to vector<16xi32>
      %gt3A_2431 = arith.cmpf ogt, %gather3A_2428, %select_n3A_2386 : vector<16xf32>
      %select_n3A_2432 = arith.select %gt3A_2431, %gather3A_2428, %select_n3A_2386 : vector<16xi1>, vector<16xf32>
      %select_n3A_2433 = arith.select %gt3A_2431, %broadcast_in_dim3A_2430, %select_n3A_2387 : vector<16xi1>, vector<16xi32>
      %select_n3A_2434 = arith.select %gt3A_2431, %select_n3A_2386, %gather3A_2428 : vector<16xi1>, vector<16xf32>
      %select_n3A_2435 = arith.select %gt3A_2431, %select_n3A_2387, %broadcast_in_dim3A_2430 : vector<16xi1>, vector<16xi32>
      %gt3A_2436 = arith.cmpf ogt, %select_n3A_2434, %select_n3A_2391 : vector<16xf32>
      %select_n3A_2437 = arith.select %gt3A_2436, %select_n3A_2434, %select_n3A_2391 : vector<16xi1>, vector<16xf32>
      %select_n3A_2438 = arith.select %gt3A_2436, %select_n3A_2435, %select_n3A_2392 : vector<16xi1>, vector<16xi32>
      %select_n3A_2439 = arith.select %gt3A_2436, %select_n3A_2391, %select_n3A_2434 : vector<16xi1>, vector<16xf32>
      %select_n3A_2440 = arith.select %gt3A_2436, %select_n3A_2392, %select_n3A_2435 : vector<16xi1>, vector<16xi32>
      %gt3A_2441 = arith.cmpf ogt, %select_n3A_2439, %select_n3A_2396 : vector<16xf32>
      %select_n3A_2442 = arith.select %gt3A_2441, %select_n3A_2439, %select_n3A_2396 : vector<16xi1>, vector<16xf32>
      %select_n3A_2443 = arith.select %gt3A_2441, %select_n3A_2440, %select_n3A_2397 : vector<16xi1>, vector<16xi32>
      %select_n3A_2444 = arith.select %gt3A_2441, %select_n3A_2396, %select_n3A_2439 : vector<16xi1>, vector<16xf32>
      %select_n3A_2445 = arith.select %gt3A_2441, %select_n3A_2397, %select_n3A_2440 : vector<16xi1>, vector<16xi32>
      %gt3A_2446 = arith.cmpf ogt, %select_n3A_2444, %select_n3A_2401 : vector<16xf32>
      %select_n3A_2447 = arith.select %gt3A_2446, %select_n3A_2444, %select_n3A_2401 : vector<16xi1>, vector<16xf32>
      %select_n3A_2448 = arith.select %gt3A_2446, %select_n3A_2445, %select_n3A_2402 : vector<16xi1>, vector<16xi32>
      %select_n3A_2449 = arith.select %gt3A_2446, %select_n3A_2401, %select_n3A_2444 : vector<16xi1>, vector<16xf32>
      %select_n3A_2450 = arith.select %gt3A_2446, %select_n3A_2402, %select_n3A_2445 : vector<16xi1>, vector<16xi32>
      %gt3A_2451 = arith.cmpf ogt, %select_n3A_2449, %select_n3A_2406 : vector<16xf32>
      %select_n3A_2452 = arith.select %gt3A_2451, %select_n3A_2449, %select_n3A_2406 : vector<16xi1>, vector<16xf32>
      %select_n3A_2453 = arith.select %gt3A_2451, %select_n3A_2450, %select_n3A_2407 : vector<16xi1>, vector<16xi32>
      %select_n3A_2454 = arith.select %gt3A_2451, %select_n3A_2406, %select_n3A_2449 : vector<16xi1>, vector<16xf32>
      %select_n3A_2455 = arith.select %gt3A_2451, %select_n3A_2407, %select_n3A_2450 : vector<16xi1>, vector<16xi32>
      %gt3A_2456 = arith.cmpf ogt, %select_n3A_2454, %select_n3A_2411 : vector<16xf32>
      %select_n3A_2457 = arith.select %gt3A_2456, %select_n3A_2454, %select_n3A_2411 : vector<16xi1>, vector<16xf32>
      %select_n3A_2458 = arith.select %gt3A_2456, %select_n3A_2455, %select_n3A_2412 : vector<16xi1>, vector<16xi32>
      %select_n3A_2459 = arith.select %gt3A_2456, %select_n3A_2411, %select_n3A_2454 : vector<16xi1>, vector<16xf32>
      %select_n3A_2460 = arith.select %gt3A_2456, %select_n3A_2412, %select_n3A_2455 : vector<16xi1>, vector<16xi32>
      %gt3A_2461 = arith.cmpf ogt, %select_n3A_2459, %select_n3A_2416 : vector<16xf32>
      %select_n3A_2462 = arith.select %gt3A_2461, %select_n3A_2459, %select_n3A_2416 : vector<16xi1>, vector<16xf32>
      %select_n3A_2463 = arith.select %gt3A_2461, %select_n3A_2460, %select_n3A_2417 : vector<16xi1>, vector<16xi32>
      %select_n3A_2464 = arith.select %gt3A_2461, %select_n3A_2416, %select_n3A_2459 : vector<16xi1>, vector<16xf32>
      %select_n3A_2465 = arith.select %gt3A_2461, %select_n3A_2417, %select_n3A_2460 : vector<16xi1>, vector<16xi32>
      %gt3A_2466 = arith.cmpf ogt, %select_n3A_2464, %select_n3A_2421 : vector<16xf32>
      %select_n3A_2467 = arith.select %gt3A_2466, %select_n3A_2464, %select_n3A_2421 : vector<16xi1>, vector<16xf32>
      %select_n3A_2468 = arith.select %gt3A_2466, %select_n3A_2465, %select_n3A_2422 : vector<16xi1>, vector<16xi32>
      %select_n3A_2469 = arith.select %gt3A_2466, %select_n3A_2421, %select_n3A_2464 : vector<16xi1>, vector<16xf32>
      %select_n3A_2470 = arith.select %gt3A_2466, %select_n3A_2422, %select_n3A_2465 : vector<16xi1>, vector<16xi32>
      %add3A_2471 = arith.constant 53 : i32
      %add3A_2472 = vector.broadcast %add3A_2471 : i32 to vector<16xi32>
      %add3A_2473 = arith.addi %mul3A_35, %add3A_2472 : vector<16xi32>
      %gather3A_2474 = tpu.vector_load_idx %arg5[%add3A_2473] : memref<32768xf32, #tpu.memory_space<vmem>>[vector<16xi32>], vector<16xf32>,
      %broadcast_in_dim3A_2475 = arith.constant 53 : i32
      %broadcast_in_dim3A_2476 = vector.broadcast %broadcast_in_dim3A_2475 : i32 to vector<16xi32>
      %gt3A_2477 = arith.cmpf ogt, %gather3A_2474, %select_n3A_2432 : vector<16xf32>
      %select_n3A_2478 = arith.select %gt3A_2477, %gather3A_2474, %select_n3A_2432 : vector<16xi1>, vector<16xf32>
      %select_n3A_2479 = arith.select %gt3A_2477, %broadcast_in_dim3A_2476, %select_n3A_2433 : vector<16xi1>, vector<16xi32>
      %select_n3A_2480 = arith.select %gt3A_2477, %select_n3A_2432, %gather3A_2474 : vector<16xi1>, vector<16xf32>
      %select_n3A_2481 = arith.select %gt3A_2477, %select_n3A_2433, %broadcast_in_dim3A_2476 : vector<16xi1>, vector<16xi32>
      %gt3A_2482 = arith.cmpf ogt, %select_n3A_2480, %select_n3A_2437 : vector<16xf32>
      %select_n3A_2483 = arith.select %gt3A_2482, %select_n3A_2480, %select_n3A_2437 : vector<16xi1>, vector<16xf32>
      %select_n3A_2484 = arith.select %gt3A_2482, %select_n3A_2481, %select_n3A_2438 : vector<16xi1>, vector<16xi32>
      %select_n3A_2485 = arith.select %gt3A_2482, %select_n3A_2437, %select_n3A_2480 : vector<16xi1>, vector<16xf32>
      %select_n3A_2486 = arith.select %gt3A_2482, %select_n3A_2438, %select_n3A_2481 : vector<16xi1>, vector<16xi32>
      %gt3A_2487 = arith.cmpf ogt, %select_n3A_2485, %select_n3A_2442 : vector<16xf32>
      %select_n3A_2488 = arith.select %gt3A_2487, %select_n3A_2485, %select_n3A_2442 : vector<16xi1>, vector<16xf32>
      %select_n3A_2489 = arith.select %gt3A_2487, %select_n3A_2486, %select_n3A_2443 : vector<16xi1>, vector<16xi32>
      %select_n3A_2490 = arith.select %gt3A_2487, %select_n3A_2442, %select_n3A_2485 : vector<16xi1>, vector<16xf32>
      %select_n3A_2491 = arith.select %gt3A_2487, %select_n3A_2443, %select_n3A_2486 : vector<16xi1>, vector<16xi32>
      %gt3A_2492 = arith.cmpf ogt, %select_n3A_2490, %select_n3A_2447 : vector<16xf32>
      %select_n3A_2493 = arith.select %gt3A_2492, %select_n3A_2490, %select_n3A_2447 : vector<16xi1>, vector<16xf32>
      %select_n3A_2494 = arith.select %gt3A_2492, %select_n3A_2491, %select_n3A_2448 : vector<16xi1>, vector<16xi32>
      %select_n3A_2495 = arith.select %gt3A_2492, %select_n3A_2447, %select_n3A_2490 : vector<16xi1>, vector<16xf32>
      %select_n3A_2496 = arith.select %gt3A_2492, %select_n3A_2448, %select_n3A_2491 : vector<16xi1>, vector<16xi32>
      %gt3A_2497 = arith.cmpf ogt, %select_n3A_2495, %select_n3A_2452 : vector<16xf32>
      %select_n3A_2498 = arith.select %gt3A_2497, %select_n3A_2495, %select_n3A_2452 : vector<16xi1>, vector<16xf32>
      %select_n3A_2499 = arith.select %gt3A_2497, %select_n3A_2496, %select_n3A_2453 : vector<16xi1>, vector<16xi32>
      %select_n3A_2500 = arith.select %gt3A_2497, %select_n3A_2452, %select_n3A_2495 : vector<16xi1>, vector<16xf32>
      %select_n3A_2501 = arith.select %gt3A_2497, %select_n3A_2453, %select_n3A_2496 : vector<16xi1>, vector<16xi32>
      %gt3A_2502 = arith.cmpf ogt, %select_n3A_2500, %select_n3A_2457 : vector<16xf32>
      %select_n3A_2503 = arith.select %gt3A_2502, %select_n3A_2500, %select_n3A_2457 : vector<16xi1>, vector<16xf32>
      %select_n3A_2504 = arith.select %gt3A_2502, %select_n3A_2501, %select_n3A_2458 : vector<16xi1>, vector<16xi32>
      %select_n3A_2505 = arith.select %gt3A_2502, %select_n3A_2457, %select_n3A_2500 : vector<16xi1>, vector<16xf32>
      %select_n3A_2506 = arith.select %gt3A_2502, %select_n3A_2458, %select_n3A_2501 : vector<16xi1>, vector<16xi32>
      %gt3A_2507 = arith.cmpf ogt, %select_n3A_2505, %select_n3A_2462 : vector<16xf32>
      %select_n3A_2508 = arith.select %gt3A_2507, %select_n3A_2505, %select_n3A_2462 : vector<16xi1>, vector<16xf32>
      %select_n3A_2509 = arith.select %gt3A_2507, %select_n3A_2506, %select_n3A_2463 : vector<16xi1>, vector<16xi32>
      %select_n3A_2510 = arith.select %gt3A_2507, %select_n3A_2462, %select_n3A_2505 : vector<16xi1>, vector<16xf32>
      %select_n3A_2511 = arith.select %gt3A_2507, %select_n3A_2463, %select_n3A_2506 : vector<16xi1>, vector<16xi32>
      %gt3A_2512 = arith.cmpf ogt, %select_n3A_2510, %select_n3A_2467 : vector<16xf32>
      %select_n3A_2513 = arith.select %gt3A_2512, %select_n3A_2510, %select_n3A_2467 : vector<16xi1>, vector<16xf32>
      %select_n3A_2514 = arith.select %gt3A_2512, %select_n3A_2511, %select_n3A_2468 : vector<16xi1>, vector<16xi32>
      %select_n3A_2515 = arith.select %gt3A_2512, %select_n3A_2467, %select_n3A_2510 : vector<16xi1>, vector<16xf32>
      %select_n3A_2516 = arith.select %gt3A_2512, %select_n3A_2468, %select_n3A_2511 : vector<16xi1>, vector<16xi32>
      %add3A_2517 = arith.constant 54 : i32
      %add3A_2518 = vector.broadcast %add3A_2517 : i32 to vector<16xi32>
      %add3A_2519 = arith.addi %mul3A_35, %add3A_2518 : vector<16xi32>
      %gather3A_2520 = tpu.vector_load_idx %arg5[%add3A_2519] : memref<32768xf32, #tpu.memory_space<vmem>>[vector<16xi32>], vector<16xf32>,
      %broadcast_in_dim3A_2521 = arith.constant 54 : i32
      %broadcast_in_dim3A_2522 = vector.broadcast %broadcast_in_dim3A_2521 : i32 to vector<16xi32>
      %gt3A_2523 = arith.cmpf ogt, %gather3A_2520, %select_n3A_2478 : vector<16xf32>
      %select_n3A_2524 = arith.select %gt3A_2523, %gather3A_2520, %select_n3A_2478 : vector<16xi1>, vector<16xf32>
      %select_n3A_2525 = arith.select %gt3A_2523, %broadcast_in_dim3A_2522, %select_n3A_2479 : vector<16xi1>, vector<16xi32>
      %select_n3A_2526 = arith.select %gt3A_2523, %select_n3A_2478, %gather3A_2520 : vector<16xi1>, vector<16xf32>
      %select_n3A_2527 = arith.select %gt3A_2523, %select_n3A_2479, %broadcast_in_dim3A_2522 : vector<16xi1>, vector<16xi32>
      %gt3A_2528 = arith.cmpf ogt, %select_n3A_2526, %select_n3A_2483 : vector<16xf32>
      %select_n3A_2529 = arith.select %gt3A_2528, %select_n3A_2526, %select_n3A_2483 : vector<16xi1>, vector<16xf32>
      %select_n3A_2530 = arith.select %gt3A_2528, %select_n3A_2527, %select_n3A_2484 : vector<16xi1>, vector<16xi32>
      %select_n3A_2531 = arith.select %gt3A_2528, %select_n3A_2483, %select_n3A_2526 : vector<16xi1>, vector<16xf32>
      %select_n3A_2532 = arith.select %gt3A_2528, %select_n3A_2484, %select_n3A_2527 : vector<16xi1>, vector<16xi32>
      %gt3A_2533 = arith.cmpf ogt, %select_n3A_2531, %select_n3A_2488 : vector<16xf32>
      %select_n3A_2534 = arith.select %gt3A_2533, %select_n3A_2531, %select_n3A_2488 : vector<16xi1>, vector<16xf32>
      %select_n3A_2535 = arith.select %gt3A_2533, %select_n3A_2532, %select_n3A_2489 : vector<16xi1>, vector<16xi32>
      %select_n3A_2536 = arith.select %gt3A_2533, %select_n3A_2488, %select_n3A_2531 : vector<16xi1>, vector<16xf32>
      %select_n3A_2537 = arith.select %gt3A_2533, %select_n3A_2489, %select_n3A_2532 : vector<16xi1>, vector<16xi32>
      %gt3A_2538 = arith.cmpf ogt, %select_n3A_2536, %select_n3A_2493 : vector<16xf32>
      %select_n3A_2539 = arith.select %gt3A_2538, %select_n3A_2536, %select_n3A_2493 : vector<16xi1>, vector<16xf32>
      %select_n3A_2540 = arith.select %gt3A_2538, %select_n3A_2537, %select_n3A_2494 : vector<16xi1>, vector<16xi32>
      %select_n3A_2541 = arith.select %gt3A_2538, %select_n3A_2493, %select_n3A_2536 : vector<16xi1>, vector<16xf32>
      %select_n3A_2542 = arith.select %gt3A_2538, %select_n3A_2494, %select_n3A_2537 : vector<16xi1>, vector<16xi32>
      %gt3A_2543 = arith.cmpf ogt, %select_n3A_2541, %select_n3A_2498 : vector<16xf32>
      %select_n3A_2544 = arith.select %gt3A_2543, %select_n3A_2541, %select_n3A_2498 : vector<16xi1>, vector<16xf32>
      %select_n3A_2545 = arith.select %gt3A_2543, %select_n3A_2542, %select_n3A_2499 : vector<16xi1>, vector<16xi32>
      %select_n3A_2546 = arith.select %gt3A_2543, %select_n3A_2498, %select_n3A_2541 : vector<16xi1>, vector<16xf32>
      %select_n3A_2547 = arith.select %gt3A_2543, %select_n3A_2499, %select_n3A_2542 : vector<16xi1>, vector<16xi32>
      %gt3A_2548 = arith.cmpf ogt, %select_n3A_2546, %select_n3A_2503 : vector<16xf32>
      %select_n3A_2549 = arith.select %gt3A_2548, %select_n3A_2546, %select_n3A_2503 : vector<16xi1>, vector<16xf32>
      %select_n3A_2550 = arith.select %gt3A_2548, %select_n3A_2547, %select_n3A_2504 : vector<16xi1>, vector<16xi32>
      %select_n3A_2551 = arith.select %gt3A_2548, %select_n3A_2503, %select_n3A_2546 : vector<16xi1>, vector<16xf32>
      %select_n3A_2552 = arith.select %gt3A_2548, %select_n3A_2504, %select_n3A_2547 : vector<16xi1>, vector<16xi32>
      %gt3A_2553 = arith.cmpf ogt, %select_n3A_2551, %select_n3A_2508 : vector<16xf32>
      %select_n3A_2554 = arith.select %gt3A_2553, %select_n3A_2551, %select_n3A_2508 : vector<16xi1>, vector<16xf32>
      %select_n3A_2555 = arith.select %gt3A_2553, %select_n3A_2552, %select_n3A_2509 : vector<16xi1>, vector<16xi32>
      %select_n3A_2556 = arith.select %gt3A_2553, %select_n3A_2508, %select_n3A_2551 : vector<16xi1>, vector<16xf32>
      %select_n3A_2557 = arith.select %gt3A_2553, %select_n3A_2509, %select_n3A_2552 : vector<16xi1>, vector<16xi32>
      %gt3A_2558 = arith.cmpf ogt, %select_n3A_2556, %select_n3A_2513 : vector<16xf32>
      %select_n3A_2559 = arith.select %gt3A_2558, %select_n3A_2556, %select_n3A_2513 : vector<16xi1>, vector<16xf32>
      %select_n3A_2560 = arith.select %gt3A_2558, %select_n3A_2557, %select_n3A_2514 : vector<16xi1>, vector<16xi32>
      %select_n3A_2561 = arith.select %gt3A_2558, %select_n3A_2513, %select_n3A_2556 : vector<16xi1>, vector<16xf32>
      %select_n3A_2562 = arith.select %gt3A_2558, %select_n3A_2514, %select_n3A_2557 : vector<16xi1>, vector<16xi32>
      %add3A_2563 = arith.constant 55 : i32
      %add3A_2564 = vector.broadcast %add3A_2563 : i32 to vector<16xi32>
      %add3A_2565 = arith.addi %mul3A_35, %add3A_2564 : vector<16xi32>
      %gather3A_2566 = tpu.vector_load_idx %arg5[%add3A_2565] : memref<32768xf32, #tpu.memory_space<vmem>>[vector<16xi32>], vector<16xf32>,
      %broadcast_in_dim3A_2567 = arith.constant 55 : i32
      %broadcast_in_dim3A_2568 = vector.broadcast %broadcast_in_dim3A_2567 : i32 to vector<16xi32>
      %gt3A_2569 = arith.cmpf ogt, %gather3A_2566, %select_n3A_2524 : vector<16xf32>
      %select_n3A_2570 = arith.select %gt3A_2569, %gather3A_2566, %select_n3A_2524 : vector<16xi1>, vector<16xf32>
      %select_n3A_2571 = arith.select %gt3A_2569, %broadcast_in_dim3A_2568, %select_n3A_2525 : vector<16xi1>, vector<16xi32>
      %select_n3A_2572 = arith.select %gt3A_2569, %select_n3A_2524, %gather3A_2566 : vector<16xi1>, vector<16xf32>
      %select_n3A_2573 = arith.select %gt3A_2569, %select_n3A_2525, %broadcast_in_dim3A_2568 : vector<16xi1>, vector<16xi32>
      %gt3A_2574 = arith.cmpf ogt, %select_n3A_2572, %select_n3A_2529 : vector<16xf32>
      %select_n3A_2575 = arith.select %gt3A_2574, %select_n3A_2572, %select_n3A_2529 : vector<16xi1>, vector<16xf32>
      %select_n3A_2576 = arith.select %gt3A_2574, %select_n3A_2573, %select_n3A_2530 : vector<16xi1>, vector<16xi32>
      %select_n3A_2577 = arith.select %gt3A_2574, %select_n3A_2529, %select_n3A_2572 : vector<16xi1>, vector<16xf32>
      %select_n3A_2578 = arith.select %gt3A_2574, %select_n3A_2530, %select_n3A_2573 : vector<16xi1>, vector<16xi32>
      %gt3A_2579 = arith.cmpf ogt, %select_n3A_2577, %select_n3A_2534 : vector<16xf32>
      %select_n3A_2580 = arith.select %gt3A_2579, %select_n3A_2577, %select_n3A_2534 : vector<16xi1>, vector<16xf32>
      %select_n3A_2581 = arith.select %gt3A_2579, %select_n3A_2578, %select_n3A_2535 : vector<16xi1>, vector<16xi32>
      %select_n3A_2582 = arith.select %gt3A_2579, %select_n3A_2534, %select_n3A_2577 : vector<16xi1>, vector<16xf32>
      %select_n3A_2583 = arith.select %gt3A_2579, %select_n3A_2535, %select_n3A_2578 : vector<16xi1>, vector<16xi32>
      %gt3A_2584 = arith.cmpf ogt, %select_n3A_2582, %select_n3A_2539 : vector<16xf32>
      %select_n3A_2585 = arith.select %gt3A_2584, %select_n3A_2582, %select_n3A_2539 : vector<16xi1>, vector<16xf32>
      %select_n3A_2586 = arith.select %gt3A_2584, %select_n3A_2583, %select_n3A_2540 : vector<16xi1>, vector<16xi32>
      %select_n3A_2587 = arith.select %gt3A_2584, %select_n3A_2539, %select_n3A_2582 : vector<16xi1>, vector<16xf32>
      %select_n3A_2588 = arith.select %gt3A_2584, %select_n3A_2540, %select_n3A_2583 : vector<16xi1>, vector<16xi32>
      %gt3A_2589 = arith.cmpf ogt, %select_n3A_2587, %select_n3A_2544 : vector<16xf32>
      %select_n3A_2590 = arith.select %gt3A_2589, %select_n3A_2587, %select_n3A_2544 : vector<16xi1>, vector<16xf32>
      %select_n3A_2591 = arith.select %gt3A_2589, %select_n3A_2588, %select_n3A_2545 : vector<16xi1>, vector<16xi32>
      %select_n3A_2592 = arith.select %gt3A_2589, %select_n3A_2544, %select_n3A_2587 : vector<16xi1>, vector<16xf32>
      %select_n3A_2593 = arith.select %gt3A_2589, %select_n3A_2545, %select_n3A_2588 : vector<16xi1>, vector<16xi32>
      %gt3A_2594 = arith.cmpf ogt, %select_n3A_2592, %select_n3A_2549 : vector<16xf32>
      %select_n3A_2595 = arith.select %gt3A_2594, %select_n3A_2592, %select_n3A_2549 : vector<16xi1>, vector<16xf32>
      %select_n3A_2596 = arith.select %gt3A_2594, %select_n3A_2593, %select_n3A_2550 : vector<16xi1>, vector<16xi32>
      %select_n3A_2597 = arith.select %gt3A_2594, %select_n3A_2549, %select_n3A_2592 : vector<16xi1>, vector<16xf32>
      %select_n3A_2598 = arith.select %gt3A_2594, %select_n3A_2550, %select_n3A_2593 : vector<16xi1>, vector<16xi32>
      %gt3A_2599 = arith.cmpf ogt, %select_n3A_2597, %select_n3A_2554 : vector<16xf32>
      %select_n3A_2600 = arith.select %gt3A_2599, %select_n3A_2597, %select_n3A_2554 : vector<16xi1>, vector<16xf32>
      %select_n3A_2601 = arith.select %gt3A_2599, %select_n3A_2598, %select_n3A_2555 : vector<16xi1>, vector<16xi32>
      %select_n3A_2602 = arith.select %gt3A_2599, %select_n3A_2554, %select_n3A_2597 : vector<16xi1>, vector<16xf32>
      %select_n3A_2603 = arith.select %gt3A_2599, %select_n3A_2555, %select_n3A_2598 : vector<16xi1>, vector<16xi32>
      %gt3A_2604 = arith.cmpf ogt, %select_n3A_2602, %select_n3A_2559 : vector<16xf32>
      %select_n3A_2605 = arith.select %gt3A_2604, %select_n3A_2602, %select_n3A_2559 : vector<16xi1>, vector<16xf32>
      %select_n3A_2606 = arith.select %gt3A_2604, %select_n3A_2603, %select_n3A_2560 : vector<16xi1>, vector<16xi32>
      %select_n3A_2607 = arith.select %gt3A_2604, %select_n3A_2559, %select_n3A_2602 : vector<16xi1>, vector<16xf32>
      %select_n3A_2608 = arith.select %gt3A_2604, %select_n3A_2560, %select_n3A_2603 : vector<16xi1>, vector<16xi32>
      %add3A_2609 = arith.constant 56 : i32
      %add3A_2610 = vector.broadcast %add3A_2609 : i32 to vector<16xi32>
      %add3A_2611 = arith.addi %mul3A_35, %add3A_2610 : vector<16xi32>
      %gather3A_2612 = tpu.vector_load_idx %arg5[%add3A_2611] : memref<32768xf32, #tpu.memory_space<vmem>>[vector<16xi32>], vector<16xf32>,
      %broadcast_in_dim3A_2613 = arith.constant 56 : i32
      %broadcast_in_dim3A_2614 = vector.broadcast %broadcast_in_dim3A_2613 : i32 to vector<16xi32>
      %gt3A_2615 = arith.cmpf ogt, %gather3A_2612, %select_n3A_2570 : vector<16xf32>
      %select_n3A_2616 = arith.select %gt3A_2615, %gather3A_2612, %select_n3A_2570 : vector<16xi1>, vector<16xf32>
      %select_n3A_2617 = arith.select %gt3A_2615, %broadcast_in_dim3A_2614, %select_n3A_2571 : vector<16xi1>, vector<16xi32>
      %select_n3A_2618 = arith.select %gt3A_2615, %select_n3A_2570, %gather3A_2612 : vector<16xi1>, vector<16xf32>
      %select_n3A_2619 = arith.select %gt3A_2615, %select_n3A_2571, %broadcast_in_dim3A_2614 : vector<16xi1>, vector<16xi32>
      %gt3A_2620 = arith.cmpf ogt, %select_n3A_2618, %select_n3A_2575 : vector<16xf32>
      %select_n3A_2621 = arith.select %gt3A_2620, %select_n3A_2618, %select_n3A_2575 : vector<16xi1>, vector<16xf32>
      %select_n3A_2622 = arith.select %gt3A_2620, %select_n3A_2619, %select_n3A_2576 : vector<16xi1>, vector<16xi32>
      %select_n3A_2623 = arith.select %gt3A_2620, %select_n3A_2575, %select_n3A_2618 : vector<16xi1>, vector<16xf32>
      %select_n3A_2624 = arith.select %gt3A_2620, %select_n3A_2576, %select_n3A_2619 : vector<16xi1>, vector<16xi32>
      %gt3A_2625 = arith.cmpf ogt, %select_n3A_2623, %select_n3A_2580 : vector<16xf32>
      %select_n3A_2626 = arith.select %gt3A_2625, %select_n3A_2623, %select_n3A_2580 : vector<16xi1>, vector<16xf32>
      %select_n3A_2627 = arith.select %gt3A_2625, %select_n3A_2624, %select_n3A_2581 : vector<16xi1>, vector<16xi32>
      %select_n3A_2628 = arith.select %gt3A_2625, %select_n3A_2580, %select_n3A_2623 : vector<16xi1>, vector<16xf32>
      %select_n3A_2629 = arith.select %gt3A_2625, %select_n3A_2581, %select_n3A_2624 : vector<16xi1>, vector<16xi32>
      %gt3A_2630 = arith.cmpf ogt, %select_n3A_2628, %select_n3A_2585 : vector<16xf32>
      %select_n3A_2631 = arith.select %gt3A_2630, %select_n3A_2628, %select_n3A_2585 : vector<16xi1>, vector<16xf32>
      %select_n3A_2632 = arith.select %gt3A_2630, %select_n3A_2629, %select_n3A_2586 : vector<16xi1>, vector<16xi32>
      %select_n3A_2633 = arith.select %gt3A_2630, %select_n3A_2585, %select_n3A_2628 : vector<16xi1>, vector<16xf32>
      %select_n3A_2634 = arith.select %gt3A_2630, %select_n3A_2586, %select_n3A_2629 : vector<16xi1>, vector<16xi32>
      %gt3A_2635 = arith.cmpf ogt, %select_n3A_2633, %select_n3A_2590 : vector<16xf32>
      %select_n3A_2636 = arith.select %gt3A_2635, %select_n3A_2633, %select_n3A_2590 : vector<16xi1>, vector<16xf32>
      %select_n3A_2637 = arith.select %gt3A_2635, %select_n3A_2634, %select_n3A_2591 : vector<16xi1>, vector<16xi32>
      %select_n3A_2638 = arith.select %gt3A_2635, %select_n3A_2590, %select_n3A_2633 : vector<16xi1>, vector<16xf32>
      %select_n3A_2639 = arith.select %gt3A_2635, %select_n3A_2591, %select_n3A_2634 : vector<16xi1>, vector<16xi32>
      %gt3A_2640 = arith.cmpf ogt, %select_n3A_2638, %select_n3A_2595 : vector<16xf32>
      %select_n3A_2641 = arith.select %gt3A_2640, %select_n3A_2638, %select_n3A_2595 : vector<16xi1>, vector<16xf32>
      %select_n3A_2642 = arith.select %gt3A_2640, %select_n3A_2639, %select_n3A_2596 : vector<16xi1>, vector<16xi32>
      %select_n3A_2643 = arith.select %gt3A_2640, %select_n3A_2595, %select_n3A_2638 : vector<16xi1>, vector<16xf32>
      %select_n3A_2644 = arith.select %gt3A_2640, %select_n3A_2596, %select_n3A_2639 : vector<16xi1>, vector<16xi32>
      %gt3A_2645 = arith.cmpf ogt, %select_n3A_2643, %select_n3A_2600 : vector<16xf32>
      %select_n3A_2646 = arith.select %gt3A_2645, %select_n3A_2643, %select_n3A_2600 : vector<16xi1>, vector<16xf32>
      %select_n3A_2647 = arith.select %gt3A_2645, %select_n3A_2644, %select_n3A_2601 : vector<16xi1>, vector<16xi32>
      %select_n3A_2648 = arith.select %gt3A_2645, %select_n3A_2600, %select_n3A_2643 : vector<16xi1>, vector<16xf32>
      %select_n3A_2649 = arith.select %gt3A_2645, %select_n3A_2601, %select_n3A_2644 : vector<16xi1>, vector<16xi32>
      %gt3A_2650 = arith.cmpf ogt, %select_n3A_2648, %select_n3A_2605 : vector<16xf32>
      %select_n3A_2651 = arith.select %gt3A_2650, %select_n3A_2648, %select_n3A_2605 : vector<16xi1>, vector<16xf32>
      %select_n3A_2652 = arith.select %gt3A_2650, %select_n3A_2649, %select_n3A_2606 : vector<16xi1>, vector<16xi32>
      %select_n3A_2653 = arith.select %gt3A_2650, %select_n3A_2605, %select_n3A_2648 : vector<16xi1>, vector<16xf32>
      %select_n3A_2654 = arith.select %gt3A_2650, %select_n3A_2606, %select_n3A_2649 : vector<16xi1>, vector<16xi32>
      %add3A_2655 = arith.constant 57 : i32
      %add3A_2656 = vector.broadcast %add3A_2655 : i32 to vector<16xi32>
      %add3A_2657 = arith.addi %mul3A_35, %add3A_2656 : vector<16xi32>
      %gather3A_2658 = tpu.vector_load_idx %arg5[%add3A_2657] : memref<32768xf32, #tpu.memory_space<vmem>>[vector<16xi32>], vector<16xf32>,
      %broadcast_in_dim3A_2659 = arith.constant 57 : i32
      %broadcast_in_dim3A_2660 = vector.broadcast %broadcast_in_dim3A_2659 : i32 to vector<16xi32>
      %gt3A_2661 = arith.cmpf ogt, %gather3A_2658, %select_n3A_2616 : vector<16xf32>
      %select_n3A_2662 = arith.select %gt3A_2661, %gather3A_2658, %select_n3A_2616 : vector<16xi1>, vector<16xf32>
      %select_n3A_2663 = arith.select %gt3A_2661, %broadcast_in_dim3A_2660, %select_n3A_2617 : vector<16xi1>, vector<16xi32>
      %select_n3A_2664 = arith.select %gt3A_2661, %select_n3A_2616, %gather3A_2658 : vector<16xi1>, vector<16xf32>
      %select_n3A_2665 = arith.select %gt3A_2661, %select_n3A_2617, %broadcast_in_dim3A_2660 : vector<16xi1>, vector<16xi32>
      %gt3A_2666 = arith.cmpf ogt, %select_n3A_2664, %select_n3A_2621 : vector<16xf32>
      %select_n3A_2667 = arith.select %gt3A_2666, %select_n3A_2664, %select_n3A_2621 : vector<16xi1>, vector<16xf32>
      %select_n3A_2668 = arith.select %gt3A_2666, %select_n3A_2665, %select_n3A_2622 : vector<16xi1>, vector<16xi32>
      %select_n3A_2669 = arith.select %gt3A_2666, %select_n3A_2621, %select_n3A_2664 : vector<16xi1>, vector<16xf32>
      %select_n3A_2670 = arith.select %gt3A_2666, %select_n3A_2622, %select_n3A_2665 : vector<16xi1>, vector<16xi32>
      %gt3A_2671 = arith.cmpf ogt, %select_n3A_2669, %select_n3A_2626 : vector<16xf32>
      %select_n3A_2672 = arith.select %gt3A_2671, %select_n3A_2669, %select_n3A_2626 : vector<16xi1>, vector<16xf32>
      %select_n3A_2673 = arith.select %gt3A_2671, %select_n3A_2670, %select_n3A_2627 : vector<16xi1>, vector<16xi32>
      %select_n3A_2674 = arith.select %gt3A_2671, %select_n3A_2626, %select_n3A_2669 : vector<16xi1>, vector<16xf32>
      %select_n3A_2675 = arith.select %gt3A_2671, %select_n3A_2627, %select_n3A_2670 : vector<16xi1>, vector<16xi32>
      %gt3A_2676 = arith.cmpf ogt, %select_n3A_2674, %select_n3A_2631 : vector<16xf32>
      %select_n3A_2677 = arith.select %gt3A_2676, %select_n3A_2674, %select_n3A_2631 : vector<16xi1>, vector<16xf32>
      %select_n3A_2678 = arith.select %gt3A_2676, %select_n3A_2675, %select_n3A_2632 : vector<16xi1>, vector<16xi32>
      %select_n3A_2679 = arith.select %gt3A_2676, %select_n3A_2631, %select_n3A_2674 : vector<16xi1>, vector<16xf32>
      %select_n3A_2680 = arith.select %gt3A_2676, %select_n3A_2632, %select_n3A_2675 : vector<16xi1>, vector<16xi32>
      %gt3A_2681 = arith.cmpf ogt, %select_n3A_2679, %select_n3A_2636 : vector<16xf32>
      %select_n3A_2682 = arith.select %gt3A_2681, %select_n3A_2679, %select_n3A_2636 : vector<16xi1>, vector<16xf32>
      %select_n3A_2683 = arith.select %gt3A_2681, %select_n3A_2680, %select_n3A_2637 : vector<16xi1>, vector<16xi32>
      %select_n3A_2684 = arith.select %gt3A_2681, %select_n3A_2636, %select_n3A_2679 : vector<16xi1>, vector<16xf32>
      %select_n3A_2685 = arith.select %gt3A_2681, %select_n3A_2637, %select_n3A_2680 : vector<16xi1>, vector<16xi32>
      %gt3A_2686 = arith.cmpf ogt, %select_n3A_2684, %select_n3A_2641 : vector<16xf32>
      %select_n3A_2687 = arith.select %gt3A_2686, %select_n3A_2684, %select_n3A_2641 : vector<16xi1>, vector<16xf32>
      %select_n3A_2688 = arith.select %gt3A_2686, %select_n3A_2685, %select_n3A_2642 : vector<16xi1>, vector<16xi32>
      %select_n3A_2689 = arith.select %gt3A_2686, %select_n3A_2641, %select_n3A_2684 : vector<16xi1>, vector<16xf32>
      %select_n3A_2690 = arith.select %gt3A_2686, %select_n3A_2642, %select_n3A_2685 : vector<16xi1>, vector<16xi32>
      %gt3A_2691 = arith.cmpf ogt, %select_n3A_2689, %select_n3A_2646 : vector<16xf32>
      %select_n3A_2692 = arith.select %gt3A_2691, %select_n3A_2689, %select_n3A_2646 : vector<16xi1>, vector<16xf32>
      %select_n3A_2693 = arith.select %gt3A_2691, %select_n3A_2690, %select_n3A_2647 : vector<16xi1>, vector<16xi32>
      %select_n3A_2694 = arith.select %gt3A_2691, %select_n3A_2646, %select_n3A_2689 : vector<16xi1>, vector<16xf32>
      %select_n3A_2695 = arith.select %gt3A_2691, %select_n3A_2647, %select_n3A_2690 : vector<16xi1>, vector<16xi32>
      %gt3A_2696 = arith.cmpf ogt, %select_n3A_2694, %select_n3A_2651 : vector<16xf32>
      %select_n3A_2697 = arith.select %gt3A_2696, %select_n3A_2694, %select_n3A_2651 : vector<16xi1>, vector<16xf32>
      %select_n3A_2698 = arith.select %gt3A_2696, %select_n3A_2695, %select_n3A_2652 : vector<16xi1>, vector<16xi32>
      %select_n3A_2699 = arith.select %gt3A_2696, %select_n3A_2651, %select_n3A_2694 : vector<16xi1>, vector<16xf32>
      %select_n3A_2700 = arith.select %gt3A_2696, %select_n3A_2652, %select_n3A_2695 : vector<16xi1>, vector<16xi32>
      %add3A_2701 = arith.constant 58 : i32
      %add3A_2702 = vector.broadcast %add3A_2701 : i32 to vector<16xi32>
      %add3A_2703 = arith.addi %mul3A_35, %add3A_2702 : vector<16xi32>
      %gather3A_2704 = tpu.vector_load_idx %arg5[%add3A_2703] : memref<32768xf32, #tpu.memory_space<vmem>>[vector<16xi32>], vector<16xf32>,
      %broadcast_in_dim3A_2705 = arith.constant 58 : i32
      %broadcast_in_dim3A_2706 = vector.broadcast %broadcast_in_dim3A_2705 : i32 to vector<16xi32>
      %gt3A_2707 = arith.cmpf ogt, %gather3A_2704, %select_n3A_2662 : vector<16xf32>
      %select_n3A_2708 = arith.select %gt3A_2707, %gather3A_2704, %select_n3A_2662 : vector<16xi1>, vector<16xf32>
      %select_n3A_2709 = arith.select %gt3A_2707, %broadcast_in_dim3A_2706, %select_n3A_2663 : vector<16xi1>, vector<16xi32>
      %select_n3A_2710 = arith.select %gt3A_2707, %select_n3A_2662, %gather3A_2704 : vector<16xi1>, vector<16xf32>
      %select_n3A_2711 = arith.select %gt3A_2707, %select_n3A_2663, %broadcast_in_dim3A_2706 : vector<16xi1>, vector<16xi32>
      %gt3A_2712 = arith.cmpf ogt, %select_n3A_2710, %select_n3A_2667 : vector<16xf32>
      %select_n3A_2713 = arith.select %gt3A_2712, %select_n3A_2710, %select_n3A_2667 : vector<16xi1>, vector<16xf32>
      %select_n3A_2714 = arith.select %gt3A_2712, %select_n3A_2711, %select_n3A_2668 : vector<16xi1>, vector<16xi32>
      %select_n3A_2715 = arith.select %gt3A_2712, %select_n3A_2667, %select_n3A_2710 : vector<16xi1>, vector<16xf32>
      %select_n3A_2716 = arith.select %gt3A_2712, %select_n3A_2668, %select_n3A_2711 : vector<16xi1>, vector<16xi32>
      %gt3A_2717 = arith.cmpf ogt, %select_n3A_2715, %select_n3A_2672 : vector<16xf32>
      %select_n3A_2718 = arith.select %gt3A_2717, %select_n3A_2715, %select_n3A_2672 : vector<16xi1>, vector<16xf32>
      %select_n3A_2719 = arith.select %gt3A_2717, %select_n3A_2716, %select_n3A_2673 : vector<16xi1>, vector<16xi32>
      %select_n3A_2720 = arith.select %gt3A_2717, %select_n3A_2672, %select_n3A_2715 : vector<16xi1>, vector<16xf32>
      %select_n3A_2721 = arith.select %gt3A_2717, %select_n3A_2673, %select_n3A_2716 : vector<16xi1>, vector<16xi32>
      %gt3A_2722 = arith.cmpf ogt, %select_n3A_2720, %select_n3A_2677 : vector<16xf32>
      %select_n3A_2723 = arith.select %gt3A_2722, %select_n3A_2720, %select_n3A_2677 : vector<16xi1>, vector<16xf32>
      %select_n3A_2724 = arith.select %gt3A_2722, %select_n3A_2721, %select_n3A_2678 : vector<16xi1>, vector<16xi32>
      %select_n3A_2725 = arith.select %gt3A_2722, %select_n3A_2677, %select_n3A_2720 : vector<16xi1>, vector<16xf32>
      %select_n3A_2726 = arith.select %gt3A_2722, %select_n3A_2678, %select_n3A_2721 : vector<16xi1>, vector<16xi32>
      %gt3A_2727 = arith.cmpf ogt, %select_n3A_2725, %select_n3A_2682 : vector<16xf32>
      %select_n3A_2728 = arith.select %gt3A_2727, %select_n3A_2725, %select_n3A_2682 : vector<16xi1>, vector<16xf32>
      %select_n3A_2729 = arith.select %gt3A_2727, %select_n3A_2726, %select_n3A_2683 : vector<16xi1>, vector<16xi32>
      %select_n3A_2730 = arith.select %gt3A_2727, %select_n3A_2682, %select_n3A_2725 : vector<16xi1>, vector<16xf32>
      %select_n3A_2731 = arith.select %gt3A_2727, %select_n3A_2683, %select_n3A_2726 : vector<16xi1>, vector<16xi32>
      %gt3A_2732 = arith.cmpf ogt, %select_n3A_2730, %select_n3A_2687 : vector<16xf32>
      %select_n3A_2733 = arith.select %gt3A_2732, %select_n3A_2730, %select_n3A_2687 : vector<16xi1>, vector<16xf32>
      %select_n3A_2734 = arith.select %gt3A_2732, %select_n3A_2731, %select_n3A_2688 : vector<16xi1>, vector<16xi32>
      %select_n3A_2735 = arith.select %gt3A_2732, %select_n3A_2687, %select_n3A_2730 : vector<16xi1>, vector<16xf32>
      %select_n3A_2736 = arith.select %gt3A_2732, %select_n3A_2688, %select_n3A_2731 : vector<16xi1>, vector<16xi32>
      %gt3A_2737 = arith.cmpf ogt, %select_n3A_2735, %select_n3A_2692 : vector<16xf32>
      %select_n3A_2738 = arith.select %gt3A_2737, %select_n3A_2735, %select_n3A_2692 : vector<16xi1>, vector<16xf32>
      %select_n3A_2739 = arith.select %gt3A_2737, %select_n3A_2736, %select_n3A_2693 : vector<16xi1>, vector<16xi32>
      %select_n3A_2740 = arith.select %gt3A_2737, %select_n3A_2692, %select_n3A_2735 : vector<16xi1>, vector<16xf32>
      %select_n3A_2741 = arith.select %gt3A_2737, %select_n3A_2693, %select_n3A_2736 : vector<16xi1>, vector<16xi32>
      %gt3A_2742 = arith.cmpf ogt, %select_n3A_2740, %select_n3A_2697 : vector<16xf32>
      %select_n3A_2743 = arith.select %gt3A_2742, %select_n3A_2740, %select_n3A_2697 : vector<16xi1>, vector<16xf32>
      %select_n3A_2744 = arith.select %gt3A_2742, %select_n3A_2741, %select_n3A_2698 : vector<16xi1>, vector<16xi32>
      %select_n3A_2745 = arith.select %gt3A_2742, %select_n3A_2697, %select_n3A_2740 : vector<16xi1>, vector<16xf32>
      %select_n3A_2746 = arith.select %gt3A_2742, %select_n3A_2698, %select_n3A_2741 : vector<16xi1>, vector<16xi32>
      %add3A_2747 = arith.constant 59 : i32
      %add3A_2748 = vector.broadcast %add3A_2747 : i32 to vector<16xi32>
      %add3A_2749 = arith.addi %mul3A_35, %add3A_2748 : vector<16xi32>
      %gather3A_2750 = tpu.vector_load_idx %arg5[%add3A_2749] : memref<32768xf32, #tpu.memory_space<vmem>>[vector<16xi32>], vector<16xf32>,
      %broadcast_in_dim3A_2751 = arith.constant 59 : i32
      %broadcast_in_dim3A_2752 = vector.broadcast %broadcast_in_dim3A_2751 : i32 to vector<16xi32>
      %gt3A_2753 = arith.cmpf ogt, %gather3A_2750, %select_n3A_2708 : vector<16xf32>
      %select_n3A_2754 = arith.select %gt3A_2753, %gather3A_2750, %select_n3A_2708 : vector<16xi1>, vector<16xf32>
      %select_n3A_2755 = arith.select %gt3A_2753, %broadcast_in_dim3A_2752, %select_n3A_2709 : vector<16xi1>, vector<16xi32>
      %select_n3A_2756 = arith.select %gt3A_2753, %select_n3A_2708, %gather3A_2750 : vector<16xi1>, vector<16xf32>
      %select_n3A_2757 = arith.select %gt3A_2753, %select_n3A_2709, %broadcast_in_dim3A_2752 : vector<16xi1>, vector<16xi32>
      %gt3A_2758 = arith.cmpf ogt, %select_n3A_2756, %select_n3A_2713 : vector<16xf32>
      %select_n3A_2759 = arith.select %gt3A_2758, %select_n3A_2756, %select_n3A_2713 : vector<16xi1>, vector<16xf32>
      %select_n3A_2760 = arith.select %gt3A_2758, %select_n3A_2757, %select_n3A_2714 : vector<16xi1>, vector<16xi32>
      %select_n3A_2761 = arith.select %gt3A_2758, %select_n3A_2713, %select_n3A_2756 : vector<16xi1>, vector<16xf32>
      %select_n3A_2762 = arith.select %gt3A_2758, %select_n3A_2714, %select_n3A_2757 : vector<16xi1>, vector<16xi32>
      %gt3A_2763 = arith.cmpf ogt, %select_n3A_2761, %select_n3A_2718 : vector<16xf32>
      %select_n3A_2764 = arith.select %gt3A_2763, %select_n3A_2761, %select_n3A_2718 : vector<16xi1>, vector<16xf32>
      %select_n3A_2765 = arith.select %gt3A_2763, %select_n3A_2762, %select_n3A_2719 : vector<16xi1>, vector<16xi32>
      %select_n3A_2766 = arith.select %gt3A_2763, %select_n3A_2718, %select_n3A_2761 : vector<16xi1>, vector<16xf32>
      %select_n3A_2767 = arith.select %gt3A_2763, %select_n3A_2719, %select_n3A_2762 : vector<16xi1>, vector<16xi32>
      %gt3A_2768 = arith.cmpf ogt, %select_n3A_2766, %select_n3A_2723 : vector<16xf32>
      %select_n3A_2769 = arith.select %gt3A_2768, %select_n3A_2766, %select_n3A_2723 : vector<16xi1>, vector<16xf32>
      %select_n3A_2770 = arith.select %gt3A_2768, %select_n3A_2767, %select_n3A_2724 : vector<16xi1>, vector<16xi32>
      %select_n3A_2771 = arith.select %gt3A_2768, %select_n3A_2723, %select_n3A_2766 : vector<16xi1>, vector<16xf32>
      %select_n3A_2772 = arith.select %gt3A_2768, %select_n3A_2724, %select_n3A_2767 : vector<16xi1>, vector<16xi32>
      %gt3A_2773 = arith.cmpf ogt, %select_n3A_2771, %select_n3A_2728 : vector<16xf32>
      %select_n3A_2774 = arith.select %gt3A_2773, %select_n3A_2771, %select_n3A_2728 : vector<16xi1>, vector<16xf32>
      %select_n3A_2775 = arith.select %gt3A_2773, %select_n3A_2772, %select_n3A_2729 : vector<16xi1>, vector<16xi32>
      %select_n3A_2776 = arith.select %gt3A_2773, %select_n3A_2728, %select_n3A_2771 : vector<16xi1>, vector<16xf32>
      %select_n3A_2777 = arith.select %gt3A_2773, %select_n3A_2729, %select_n3A_2772 : vector<16xi1>, vector<16xi32>
      %gt3A_2778 = arith.cmpf ogt, %select_n3A_2776, %select_n3A_2733 : vector<16xf32>
      %select_n3A_2779 = arith.select %gt3A_2778, %select_n3A_2776, %select_n3A_2733 : vector<16xi1>, vector<16xf32>
      %select_n3A_2780 = arith.select %gt3A_2778, %select_n3A_2777, %select_n3A_2734 : vector<16xi1>, vector<16xi32>
      %select_n3A_2781 = arith.select %gt3A_2778, %select_n3A_2733, %select_n3A_2776 : vector<16xi1>, vector<16xf32>
      %select_n3A_2782 = arith.select %gt3A_2778, %select_n3A_2734, %select_n3A_2777 : vector<16xi1>, vector<16xi32>
      %gt3A_2783 = arith.cmpf ogt, %select_n3A_2781, %select_n3A_2738 : vector<16xf32>
      %select_n3A_2784 = arith.select %gt3A_2783, %select_n3A_2781, %select_n3A_2738 : vector<16xi1>, vector<16xf32>
      %select_n3A_2785 = arith.select %gt3A_2783, %select_n3A_2782, %select_n3A_2739 : vector<16xi1>, vector<16xi32>
      %select_n3A_2786 = arith.select %gt3A_2783, %select_n3A_2738, %select_n3A_2781 : vector<16xi1>, vector<16xf32>
      %select_n3A_2787 = arith.select %gt3A_2783, %select_n3A_2739, %select_n3A_2782 : vector<16xi1>, vector<16xi32>
      %gt3A_2788 = arith.cmpf ogt, %select_n3A_2786, %select_n3A_2743 : vector<16xf32>
      %select_n3A_2789 = arith.select %gt3A_2788, %select_n3A_2786, %select_n3A_2743 : vector<16xi1>, vector<16xf32>
      %select_n3A_2790 = arith.select %gt3A_2788, %select_n3A_2787, %select_n3A_2744 : vector<16xi1>, vector<16xi32>
      %select_n3A_2791 = arith.select %gt3A_2788, %select_n3A_2743, %select_n3A_2786 : vector<16xi1>, vector<16xf32>
      %select_n3A_2792 = arith.select %gt3A_2788, %select_n3A_2744, %select_n3A_2787 : vector<16xi1>, vector<16xi32>
      %add3A_2793 = arith.constant 60 : i32
      %add3A_2794 = vector.broadcast %add3A_2793 : i32 to vector<16xi32>
      %add3A_2795 = arith.addi %mul3A_35, %add3A_2794 : vector<16xi32>
      %gather3A_2796 = tpu.vector_load_idx %arg5[%add3A_2795] : memref<32768xf32, #tpu.memory_space<vmem>>[vector<16xi32>], vector<16xf32>,
      %broadcast_in_dim3A_2797 = arith.constant 60 : i32
      %broadcast_in_dim3A_2798 = vector.broadcast %broadcast_in_dim3A_2797 : i32 to vector<16xi32>
      %gt3A_2799 = arith.cmpf ogt, %gather3A_2796, %select_n3A_2754 : vector<16xf32>
      %select_n3A_2800 = arith.select %gt3A_2799, %gather3A_2796, %select_n3A_2754 : vector<16xi1>, vector<16xf32>
      %select_n3A_2801 = arith.select %gt3A_2799, %broadcast_in_dim3A_2798, %select_n3A_2755 : vector<16xi1>, vector<16xi32>
      %select_n3A_2802 = arith.select %gt3A_2799, %select_n3A_2754, %gather3A_2796 : vector<16xi1>, vector<16xf32>
      %select_n3A_2803 = arith.select %gt3A_2799, %select_n3A_2755, %broadcast_in_dim3A_2798 : vector<16xi1>, vector<16xi32>
      %gt3A_2804 = arith.cmpf ogt, %select_n3A_2802, %select_n3A_2759 : vector<16xf32>
      %select_n3A_2805 = arith.select %gt3A_2804, %select_n3A_2802, %select_n3A_2759 : vector<16xi1>, vector<16xf32>
      %select_n3A_2806 = arith.select %gt3A_2804, %select_n3A_2803, %select_n3A_2760 : vector<16xi1>, vector<16xi32>
      %select_n3A_2807 = arith.select %gt3A_2804, %select_n3A_2759, %select_n3A_2802 : vector<16xi1>, vector<16xf32>
      %select_n3A_2808 = arith.select %gt3A_2804, %select_n3A_2760, %select_n3A_2803 : vector<16xi1>, vector<16xi32>
      %gt3A_2809 = arith.cmpf ogt, %select_n3A_2807, %select_n3A_2764 : vector<16xf32>
      %select_n3A_2810 = arith.select %gt3A_2809, %select_n3A_2807, %select_n3A_2764 : vector<16xi1>, vector<16xf32>
      %select_n3A_2811 = arith.select %gt3A_2809, %select_n3A_2808, %select_n3A_2765 : vector<16xi1>, vector<16xi32>
      %select_n3A_2812 = arith.select %gt3A_2809, %select_n3A_2764, %select_n3A_2807 : vector<16xi1>, vector<16xf32>
      %select_n3A_2813 = arith.select %gt3A_2809, %select_n3A_2765, %select_n3A_2808 : vector<16xi1>, vector<16xi32>
      %gt3A_2814 = arith.cmpf ogt, %select_n3A_2812, %select_n3A_2769 : vector<16xf32>
      %select_n3A_2815 = arith.select %gt3A_2814, %select_n3A_2812, %select_n3A_2769 : vector<16xi1>, vector<16xf32>
      %select_n3A_2816 = arith.select %gt3A_2814, %select_n3A_2813, %select_n3A_2770 : vector<16xi1>, vector<16xi32>
      %select_n3A_2817 = arith.select %gt3A_2814, %select_n3A_2769, %select_n3A_2812 : vector<16xi1>, vector<16xf32>
      %select_n3A_2818 = arith.select %gt3A_2814, %select_n3A_2770, %select_n3A_2813 : vector<16xi1>, vector<16xi32>
      %gt3A_2819 = arith.cmpf ogt, %select_n3A_2817, %select_n3A_2774 : vector<16xf32>
      %select_n3A_2820 = arith.select %gt3A_2819, %select_n3A_2817, %select_n3A_2774 : vector<16xi1>, vector<16xf32>
      %select_n3A_2821 = arith.select %gt3A_2819, %select_n3A_2818, %select_n3A_2775 : vector<16xi1>, vector<16xi32>
      %select_n3A_2822 = arith.select %gt3A_2819, %select_n3A_2774, %select_n3A_2817 : vector<16xi1>, vector<16xf32>
      %select_n3A_2823 = arith.select %gt3A_2819, %select_n3A_2775, %select_n3A_2818 : vector<16xi1>, vector<16xi32>
      %gt3A_2824 = arith.cmpf ogt, %select_n3A_2822, %select_n3A_2779 : vector<16xf32>
      %select_n3A_2825 = arith.select %gt3A_2824, %select_n3A_2822, %select_n3A_2779 : vector<16xi1>, vector<16xf32>
      %select_n3A_2826 = arith.select %gt3A_2824, %select_n3A_2823, %select_n3A_2780 : vector<16xi1>, vector<16xi32>
      %select_n3A_2827 = arith.select %gt3A_2824, %select_n3A_2779, %select_n3A_2822 : vector<16xi1>, vector<16xf32>
      %select_n3A_2828 = arith.select %gt3A_2824, %select_n3A_2780, %select_n3A_2823 : vector<16xi1>, vector<16xi32>
      %gt3A_2829 = arith.cmpf ogt, %select_n3A_2827, %select_n3A_2784 : vector<16xf32>
      %select_n3A_2830 = arith.select %gt3A_2829, %select_n3A_2827, %select_n3A_2784 : vector<16xi1>, vector<16xf32>
      %select_n3A_2831 = arith.select %gt3A_2829, %select_n3A_2828, %select_n3A_2785 : vector<16xi1>, vector<16xi32>
      %select_n3A_2832 = arith.select %gt3A_2829, %select_n3A_2784, %select_n3A_2827 : vector<16xi1>, vector<16xf32>
      %select_n3A_2833 = arith.select %gt3A_2829, %select_n3A_2785, %select_n3A_2828 : vector<16xi1>, vector<16xi32>
      %gt3A_2834 = arith.cmpf ogt, %select_n3A_2832, %select_n3A_2789 : vector<16xf32>
      %select_n3A_2835 = arith.select %gt3A_2834, %select_n3A_2832, %select_n3A_2789 : vector<16xi1>, vector<16xf32>
      %select_n3A_2836 = arith.select %gt3A_2834, %select_n3A_2833, %select_n3A_2790 : vector<16xi1>, vector<16xi32>
      %select_n3A_2837 = arith.select %gt3A_2834, %select_n3A_2789, %select_n3A_2832 : vector<16xi1>, vector<16xf32>
      %select_n3A_2838 = arith.select %gt3A_2834, %select_n3A_2790, %select_n3A_2833 : vector<16xi1>, vector<16xi32>
      %add3A_2839 = arith.constant 61 : i32
      %add3A_2840 = vector.broadcast %add3A_2839 : i32 to vector<16xi32>
      %add3A_2841 = arith.addi %mul3A_35, %add3A_2840 : vector<16xi32>
      %gather3A_2842 = tpu.vector_load_idx %arg5[%add3A_2841] : memref<32768xf32, #tpu.memory_space<vmem>>[vector<16xi32>], vector<16xf32>,
      %broadcast_in_dim3A_2843 = arith.constant 61 : i32
      %broadcast_in_dim3A_2844 = vector.broadcast %broadcast_in_dim3A_2843 : i32 to vector<16xi32>
      %gt3A_2845 = arith.cmpf ogt, %gather3A_2842, %select_n3A_2800 : vector<16xf32>
      %select_n3A_2846 = arith.select %gt3A_2845, %gather3A_2842, %select_n3A_2800 : vector<16xi1>, vector<16xf32>
      %select_n3A_2847 = arith.select %gt3A_2845, %broadcast_in_dim3A_2844, %select_n3A_2801 : vector<16xi1>, vector<16xi32>
      %select_n3A_2848 = arith.select %gt3A_2845, %select_n3A_2800, %gather3A_2842 : vector<16xi1>, vector<16xf32>
      %select_n3A_2849 = arith.select %gt3A_2845, %select_n3A_2801, %broadcast_in_dim3A_2844 : vector<16xi1>, vector<16xi32>
      %gt3A_2850 = arith.cmpf ogt, %select_n3A_2848, %select_n3A_2805 : vector<16xf32>
      %select_n3A_2851 = arith.select %gt3A_2850, %select_n3A_2848, %select_n3A_2805 : vector<16xi1>, vector<16xf32>
      %select_n3A_2852 = arith.select %gt3A_2850, %select_n3A_2849, %select_n3A_2806 : vector<16xi1>, vector<16xi32>
      %select_n3A_2853 = arith.select %gt3A_2850, %select_n3A_2805, %select_n3A_2848 : vector<16xi1>, vector<16xf32>
      %select_n3A_2854 = arith.select %gt3A_2850, %select_n3A_2806, %select_n3A_2849 : vector<16xi1>, vector<16xi32>
      %gt3A_2855 = arith.cmpf ogt, %select_n3A_2853, %select_n3A_2810 : vector<16xf32>
      %select_n3A_2856 = arith.select %gt3A_2855, %select_n3A_2853, %select_n3A_2810 : vector<16xi1>, vector<16xf32>
      %select_n3A_2857 = arith.select %gt3A_2855, %select_n3A_2854, %select_n3A_2811 : vector<16xi1>, vector<16xi32>
      %select_n3A_2858 = arith.select %gt3A_2855, %select_n3A_2810, %select_n3A_2853 : vector<16xi1>, vector<16xf32>
      %select_n3A_2859 = arith.select %gt3A_2855, %select_n3A_2811, %select_n3A_2854 : vector<16xi1>, vector<16xi32>
      %gt3A_2860 = arith.cmpf ogt, %select_n3A_2858, %select_n3A_2815 : vector<16xf32>
      %select_n3A_2861 = arith.select %gt3A_2860, %select_n3A_2858, %select_n3A_2815 : vector<16xi1>, vector<16xf32>
      %select_n3A_2862 = arith.select %gt3A_2860, %select_n3A_2859, %select_n3A_2816 : vector<16xi1>, vector<16xi32>
      %select_n3A_2863 = arith.select %gt3A_2860, %select_n3A_2815, %select_n3A_2858 : vector<16xi1>, vector<16xf32>
      %select_n3A_2864 = arith.select %gt3A_2860, %select_n3A_2816, %select_n3A_2859 : vector<16xi1>, vector<16xi32>
      %gt3A_2865 = arith.cmpf ogt, %select_n3A_2863, %select_n3A_2820 : vector<16xf32>
      %select_n3A_2866 = arith.select %gt3A_2865, %select_n3A_2863, %select_n3A_2820 : vector<16xi1>, vector<16xf32>
      %select_n3A_2867 = arith.select %gt3A_2865, %select_n3A_2864, %select_n3A_2821 : vector<16xi1>, vector<16xi32>
      %select_n3A_2868 = arith.select %gt3A_2865, %select_n3A_2820, %select_n3A_2863 : vector<16xi1>, vector<16xf32>
      %select_n3A_2869 = arith.select %gt3A_2865, %select_n3A_2821, %select_n3A_2864 : vector<16xi1>, vector<16xi32>
      %gt3A_2870 = arith.cmpf ogt, %select_n3A_2868, %select_n3A_2825 : vector<16xf32>
      %select_n3A_2871 = arith.select %gt3A_2870, %select_n3A_2868, %select_n3A_2825 : vector<16xi1>, vector<16xf32>
      %select_n3A_2872 = arith.select %gt3A_2870, %select_n3A_2869, %select_n3A_2826 : vector<16xi1>, vector<16xi32>
      %select_n3A_2873 = arith.select %gt3A_2870, %select_n3A_2825, %select_n3A_2868 : vector<16xi1>, vector<16xf32>
      %select_n3A_2874 = arith.select %gt3A_2870, %select_n3A_2826, %select_n3A_2869 : vector<16xi1>, vector<16xi32>
      %gt3A_2875 = arith.cmpf ogt, %select_n3A_2873, %select_n3A_2830 : vector<16xf32>
      %select_n3A_2876 = arith.select %gt3A_2875, %select_n3A_2873, %select_n3A_2830 : vector<16xi1>, vector<16xf32>
      %select_n3A_2877 = arith.select %gt3A_2875, %select_n3A_2874, %select_n3A_2831 : vector<16xi1>, vector<16xi32>
      %select_n3A_2878 = arith.select %gt3A_2875, %select_n3A_2830, %select_n3A_2873 : vector<16xi1>, vector<16xf32>
      %select_n3A_2879 = arith.select %gt3A_2875, %select_n3A_2831, %select_n3A_2874 : vector<16xi1>, vector<16xi32>
      %gt3A_2880 = arith.cmpf ogt, %select_n3A_2878, %select_n3A_2835 : vector<16xf32>
      %select_n3A_2881 = arith.select %gt3A_2880, %select_n3A_2878, %select_n3A_2835 : vector<16xi1>, vector<16xf32>
      %select_n3A_2882 = arith.select %gt3A_2880, %select_n3A_2879, %select_n3A_2836 : vector<16xi1>, vector<16xi32>
      %select_n3A_2883 = arith.select %gt3A_2880, %select_n3A_2835, %select_n3A_2878 : vector<16xi1>, vector<16xf32>
      %select_n3A_2884 = arith.select %gt3A_2880, %select_n3A_2836, %select_n3A_2879 : vector<16xi1>, vector<16xi32>
      %add3A_2885 = arith.constant 62 : i32
      %add3A_2886 = vector.broadcast %add3A_2885 : i32 to vector<16xi32>
      %add3A_2887 = arith.addi %mul3A_35, %add3A_2886 : vector<16xi32>
      %gather3A_2888 = tpu.vector_load_idx %arg5[%add3A_2887] : memref<32768xf32, #tpu.memory_space<vmem>>[vector<16xi32>], vector<16xf32>,
      %broadcast_in_dim3A_2889 = arith.constant 62 : i32
      %broadcast_in_dim3A_2890 = vector.broadcast %broadcast_in_dim3A_2889 : i32 to vector<16xi32>
      %gt3A_2891 = arith.cmpf ogt, %gather3A_2888, %select_n3A_2846 : vector<16xf32>
      %select_n3A_2892 = arith.select %gt3A_2891, %gather3A_2888, %select_n3A_2846 : vector<16xi1>, vector<16xf32>
      %select_n3A_2893 = arith.select %gt3A_2891, %broadcast_in_dim3A_2890, %select_n3A_2847 : vector<16xi1>, vector<16xi32>
      %select_n3A_2894 = arith.select %gt3A_2891, %select_n3A_2846, %gather3A_2888 : vector<16xi1>, vector<16xf32>
      %select_n3A_2895 = arith.select %gt3A_2891, %select_n3A_2847, %broadcast_in_dim3A_2890 : vector<16xi1>, vector<16xi32>
      %gt3A_2896 = arith.cmpf ogt, %select_n3A_2894, %select_n3A_2851 : vector<16xf32>
      %select_n3A_2897 = arith.select %gt3A_2896, %select_n3A_2894, %select_n3A_2851 : vector<16xi1>, vector<16xf32>
      %select_n3A_2898 = arith.select %gt3A_2896, %select_n3A_2895, %select_n3A_2852 : vector<16xi1>, vector<16xi32>
      %select_n3A_2899 = arith.select %gt3A_2896, %select_n3A_2851, %select_n3A_2894 : vector<16xi1>, vector<16xf32>
      %select_n3A_2900 = arith.select %gt3A_2896, %select_n3A_2852, %select_n3A_2895 : vector<16xi1>, vector<16xi32>
      %gt3A_2901 = arith.cmpf ogt, %select_n3A_2899, %select_n3A_2856 : vector<16xf32>
      %select_n3A_2902 = arith.select %gt3A_2901, %select_n3A_2899, %select_n3A_2856 : vector<16xi1>, vector<16xf32>
      %select_n3A_2903 = arith.select %gt3A_2901, %select_n3A_2900, %select_n3A_2857 : vector<16xi1>, vector<16xi32>
      %select_n3A_2904 = arith.select %gt3A_2901, %select_n3A_2856, %select_n3A_2899 : vector<16xi1>, vector<16xf32>
      %select_n3A_2905 = arith.select %gt3A_2901, %select_n3A_2857, %select_n3A_2900 : vector<16xi1>, vector<16xi32>
      %gt3A_2906 = arith.cmpf ogt, %select_n3A_2904, %select_n3A_2861 : vector<16xf32>
      %select_n3A_2907 = arith.select %gt3A_2906, %select_n3A_2904, %select_n3A_2861 : vector<16xi1>, vector<16xf32>
      %select_n3A_2908 = arith.select %gt3A_2906, %select_n3A_2905, %select_n3A_2862 : vector<16xi1>, vector<16xi32>
      %select_n3A_2909 = arith.select %gt3A_2906, %select_n3A_2861, %select_n3A_2904 : vector<16xi1>, vector<16xf32>
      %select_n3A_2910 = arith.select %gt3A_2906, %select_n3A_2862, %select_n3A_2905 : vector<16xi1>, vector<16xi32>
      %gt3A_2911 = arith.cmpf ogt, %select_n3A_2909, %select_n3A_2866 : vector<16xf32>
      %select_n3A_2912 = arith.select %gt3A_2911, %select_n3A_2909, %select_n3A_2866 : vector<16xi1>, vector<16xf32>
      %select_n3A_2913 = arith.select %gt3A_2911, %select_n3A_2910, %select_n3A_2867 : vector<16xi1>, vector<16xi32>
      %select_n3A_2914 = arith.select %gt3A_2911, %select_n3A_2866, %select_n3A_2909 : vector<16xi1>, vector<16xf32>
      %select_n3A_2915 = arith.select %gt3A_2911, %select_n3A_2867, %select_n3A_2910 : vector<16xi1>, vector<16xi32>
      %gt3A_2916 = arith.cmpf ogt, %select_n3A_2914, %select_n3A_2871 : vector<16xf32>
      %select_n3A_2917 = arith.select %gt3A_2916, %select_n3A_2914, %select_n3A_2871 : vector<16xi1>, vector<16xf32>
      %select_n3A_2918 = arith.select %gt3A_2916, %select_n3A_2915, %select_n3A_2872 : vector<16xi1>, vector<16xi32>
      %select_n3A_2919 = arith.select %gt3A_2916, %select_n3A_2871, %select_n3A_2914 : vector<16xi1>, vector<16xf32>
      %select_n3A_2920 = arith.select %gt3A_2916, %select_n3A_2872, %select_n3A_2915 : vector<16xi1>, vector<16xi32>
      %gt3A_2921 = arith.cmpf ogt, %select_n3A_2919, %select_n3A_2876 : vector<16xf32>
      %select_n3A_2922 = arith.select %gt3A_2921, %select_n3A_2919, %select_n3A_2876 : vector<16xi1>, vector<16xf32>
      %select_n3A_2923 = arith.select %gt3A_2921, %select_n3A_2920, %select_n3A_2877 : vector<16xi1>, vector<16xi32>
      %select_n3A_2924 = arith.select %gt3A_2921, %select_n3A_2876, %select_n3A_2919 : vector<16xi1>, vector<16xf32>
      %select_n3A_2925 = arith.select %gt3A_2921, %select_n3A_2877, %select_n3A_2920 : vector<16xi1>, vector<16xi32>
      %gt3A_2926 = arith.cmpf ogt, %select_n3A_2924, %select_n3A_2881 : vector<16xf32>
      %select_n3A_2927 = arith.select %gt3A_2926, %select_n3A_2924, %select_n3A_2881 : vector<16xi1>, vector<16xf32>
      %select_n3A_2928 = arith.select %gt3A_2926, %select_n3A_2925, %select_n3A_2882 : vector<16xi1>, vector<16xi32>
      %select_n3A_2929 = arith.select %gt3A_2926, %select_n3A_2881, %select_n3A_2924 : vector<16xi1>, vector<16xf32>
      %select_n3A_2930 = arith.select %gt3A_2926, %select_n3A_2882, %select_n3A_2925 : vector<16xi1>, vector<16xi32>
      %add3A_2931 = arith.constant 63 : i32
      %add3A_2932 = vector.broadcast %add3A_2931 : i32 to vector<16xi32>
      %add3A_2933 = arith.addi %mul3A_35, %add3A_2932 : vector<16xi32>
      %gather3A_2934 = tpu.vector_load_idx %arg5[%add3A_2933] : memref<32768xf32, #tpu.memory_space<vmem>>[vector<16xi32>], vector<16xf32>,
      %broadcast_in_dim3A_2935 = arith.constant 63 : i32
      %broadcast_in_dim3A_2936 = vector.broadcast %broadcast_in_dim3A_2935 : i32 to vector<16xi32>
      %gt3A_2937 = arith.cmpf ogt, %gather3A_2934, %select_n3A_2892 : vector<16xf32>
      %select_n3A_2938 = arith.select %gt3A_2937, %gather3A_2934, %select_n3A_2892 : vector<16xi1>, vector<16xf32>
      %select_n3A_2939 = arith.select %gt3A_2937, %broadcast_in_dim3A_2936, %select_n3A_2893 : vector<16xi1>, vector<16xi32>
      %select_n3A_2940 = arith.select %gt3A_2937, %select_n3A_2892, %gather3A_2934 : vector<16xi1>, vector<16xf32>
      %select_n3A_2941 = arith.select %gt3A_2937, %select_n3A_2893, %broadcast_in_dim3A_2936 : vector<16xi1>, vector<16xi32>
      %gt3A_2942 = arith.cmpf ogt, %select_n3A_2940, %select_n3A_2897 : vector<16xf32>
      %select_n3A_2943 = arith.select %gt3A_2942, %select_n3A_2940, %select_n3A_2897 : vector<16xi1>, vector<16xf32>
      %select_n3A_2944 = arith.select %gt3A_2942, %select_n3A_2941, %select_n3A_2898 : vector<16xi1>, vector<16xi32>
      %select_n3A_2945 = arith.select %gt3A_2942, %select_n3A_2897, %select_n3A_2940 : vector<16xi1>, vector<16xf32>
      %select_n3A_2946 = arith.select %gt3A_2942, %select_n3A_2898, %select_n3A_2941 : vector<16xi1>, vector<16xi32>
      %gt3A_2947 = arith.cmpf ogt, %select_n3A_2945, %select_n3A_2902 : vector<16xf32>
      %select_n3A_2948 = arith.select %gt3A_2947, %select_n3A_2945, %select_n3A_2902 : vector<16xi1>, vector<16xf32>
      %select_n3A_2949 = arith.select %gt3A_2947, %select_n3A_2946, %select_n3A_2903 : vector<16xi1>, vector<16xi32>
      %select_n3A_2950 = arith.select %gt3A_2947, %select_n3A_2902, %select_n3A_2945 : vector<16xi1>, vector<16xf32>
      %select_n3A_2951 = arith.select %gt3A_2947, %select_n3A_2903, %select_n3A_2946 : vector<16xi1>, vector<16xi32>
      %gt3A_2952 = arith.cmpf ogt, %select_n3A_2950, %select_n3A_2907 : vector<16xf32>
      %select_n3A_2953 = arith.select %gt3A_2952, %select_n3A_2950, %select_n3A_2907 : vector<16xi1>, vector<16xf32>
      %select_n3A_2954 = arith.select %gt3A_2952, %select_n3A_2951, %select_n3A_2908 : vector<16xi1>, vector<16xi32>
      %select_n3A_2955 = arith.select %gt3A_2952, %select_n3A_2907, %select_n3A_2950 : vector<16xi1>, vector<16xf32>
      %select_n3A_2956 = arith.select %gt3A_2952, %select_n3A_2908, %select_n3A_2951 : vector<16xi1>, vector<16xi32>
      %gt3A_2957 = arith.cmpf ogt, %select_n3A_2955, %select_n3A_2912 : vector<16xf32>
      %select_n3A_2958 = arith.select %gt3A_2957, %select_n3A_2955, %select_n3A_2912 : vector<16xi1>, vector<16xf32>
      %select_n3A_2959 = arith.select %gt3A_2957, %select_n3A_2956, %select_n3A_2913 : vector<16xi1>, vector<16xi32>
      %select_n3A_2960 = arith.select %gt3A_2957, %select_n3A_2912, %select_n3A_2955 : vector<16xi1>, vector<16xf32>
      %select_n3A_2961 = arith.select %gt3A_2957, %select_n3A_2913, %select_n3A_2956 : vector<16xi1>, vector<16xi32>
      %gt3A_2962 = arith.cmpf ogt, %select_n3A_2960, %select_n3A_2917 : vector<16xf32>
      %select_n3A_2963 = arith.select %gt3A_2962, %select_n3A_2960, %select_n3A_2917 : vector<16xi1>, vector<16xf32>
      %select_n3A_2964 = arith.select %gt3A_2962, %select_n3A_2961, %select_n3A_2918 : vector<16xi1>, vector<16xi32>
      %select_n3A_2965 = arith.select %gt3A_2962, %select_n3A_2917, %select_n3A_2960 : vector<16xi1>, vector<16xf32>
      %select_n3A_2966 = arith.select %gt3A_2962, %select_n3A_2918, %select_n3A_2961 : vector<16xi1>, vector<16xi32>
      %gt3A_2967 = arith.cmpf ogt, %select_n3A_2965, %select_n3A_2922 : vector<16xf32>
      %select_n3A_2968 = arith.select %gt3A_2967, %select_n3A_2965, %select_n3A_2922 : vector<16xi1>, vector<16xf32>
      %select_n3A_2969 = arith.select %gt3A_2967, %select_n3A_2966, %select_n3A_2923 : vector<16xi1>, vector<16xi32>
      %select_n3A_2970 = arith.select %gt3A_2967, %select_n3A_2922, %select_n3A_2965 : vector<16xi1>, vector<16xf32>
      %select_n3A_2971 = arith.select %gt3A_2967, %select_n3A_2923, %select_n3A_2966 : vector<16xi1>, vector<16xi32>
      %gt3A_2972 = arith.cmpf ogt, %select_n3A_2970, %select_n3A_2927 : vector<16xf32>
      %select_n3A_2973 = arith.select %gt3A_2972, %select_n3A_2970, %select_n3A_2927 : vector<16xi1>, vector<16xf32>
      %select_n3A_2974 = arith.select %gt3A_2972, %select_n3A_2971, %select_n3A_2928 : vector<16xi1>, vector<16xi32>
      %select_n3A_2975 = arith.select %gt3A_2972, %select_n3A_2927, %select_n3A_2970 : vector<16xi1>, vector<16xf32>
      %select_n3A_2976 = arith.select %gt3A_2972, %select_n3A_2928, %select_n3A_2971 : vector<16xi1>, vector<16xi32>
      %sub3A = arith.subf %select_n3A_2938, %select_n3A_2938 : vector<16xf32>
      %exp3A = math.exp %sub3A : vector<16xf32>
      %sub3A_2977 = arith.subf %select_n3A_2943, %select_n3A_2938 : vector<16xf32>
      %exp3A_2978 = math.exp %sub3A_2977 : vector<16xf32>
      %sub3A_2979 = arith.subf %select_n3A_2948, %select_n3A_2938 : vector<16xf32>
      %exp3A_2980 = math.exp %sub3A_2979 : vector<16xf32>
      %sub3A_2981 = arith.subf %select_n3A_2953, %select_n3A_2938 : vector<16xf32>
      %exp3A_2982 = math.exp %sub3A_2981 : vector<16xf32>
      %sub3A_2983 = arith.subf %select_n3A_2958, %select_n3A_2938 : vector<16xf32>
      %exp3A_2984 = math.exp %sub3A_2983 : vector<16xf32>
      %sub3A_2985 = arith.subf %select_n3A_2963, %select_n3A_2938 : vector<16xf32>
      %exp3A_2986 = math.exp %sub3A_2985 : vector<16xf32>
      %sub3A_2987 = arith.subf %select_n3A_2968, %select_n3A_2938 : vector<16xf32>
      %exp3A_2988 = math.exp %sub3A_2987 : vector<16xf32>
      %sub3A_2989 = arith.subf %select_n3A_2973, %select_n3A_2938 : vector<16xf32>
      %exp3A_2990 = math.exp %sub3A_2989 : vector<16xf32>
      %add3A_2991 = arith.addf %exp3A, %exp3A_2978 : vector<16xf32>
      %add3A_2992 = arith.addf %add3A_2991, %exp3A_2980 : vector<16xf32>
      %add3A_2993 = arith.addf %add3A_2992, %exp3A_2982 : vector<16xf32>
      %add3A_2994 = arith.addf %add3A_2993, %exp3A_2984 : vector<16xf32>
      %add3A_2995 = arith.addf %add3A_2994, %exp3A_2986 : vector<16xf32>
      %add3A_2996 = arith.addf %add3A_2995, %exp3A_2988 : vector<16xf32>
      %add3A_2997 = arith.addf %add3A_2996, %exp3A_2990 : vector<16xf32>
      %div3A = arith.constant 1.000000e+00 : f32
      %div3A_2998 = vector.broadcast %div3A : f32 to vector<16xf32>
      %div3A_2999 = arith.divf %div3A_2998, %add3A_2997 : vector<16xf32>
      %mul3A_3000 = arith.constant 8 : i32
      %mul3A_3001 = vector.broadcast %mul3A_3000 : i32 to vector<16xi32>
      %mul3A_3002 = arith.muli %add3A_28, %mul3A_3001 : vector<16xi32>
      %add3A_3003 = arith.addi %mul3A_35, %select_n3A_2939 : vector<16xi32>
      %mul3A_3004 = arith.mulf %exp3A, %div3A_2999 : vector<16xf32>
      tpu.vector_store_idx %arg6[%add3A_3003], %mul3A_3004 : memref<32768xf32, #tpu.memory_space<vmem>>[vector<16xi32>], vector<16xf32>,
      %add3A_3005 = arith.constant 0 : i32
      %add3A_3006 = vector.broadcast %add3A_3005 : i32 to vector<16xi32>
      %add3A_3007 = arith.addi %mul3A_3002, %add3A_3006 : vector<16xi32>
      tpu.vector_store_idx %arg7[%add3A_3007], %select_n3A_2939 : memref<4096xi32, #tpu.memory_space<vmem>>[vector<16xi32>], vector<16xi32>,
      %add3A_3008 = arith.addi %mul3A_35, %select_n3A_2944 : vector<16xi32>
      %mul3A_3009 = arith.mulf %exp3A_2978, %div3A_2999 : vector<16xf32>
      tpu.vector_store_idx %arg6[%add3A_3008], %mul3A_3009 : memref<32768xf32, #tpu.memory_space<vmem>>[vector<16xi32>], vector<16xf32>,
      %add3A_3010 = arith.constant 1 : i32
      %add3A_3011 = vector.broadcast %add3A_3010 : i32 to vector<16xi32>
      %add3A_3012 = arith.addi %mul3A_3002, %add3A_3011 : vector<16xi32>
      tpu.vector_store_idx %arg7[%add3A_3012], %select_n3A_2944 : memref<4096xi32, #tpu.memory_space<vmem>>[vector<16xi32>], vector<16xi32>,
      %add3A_3013 = arith.addi %mul3A_35, %select_n3A_2949 : vector<16xi32>
      %mul3A_3014 = arith.mulf %exp3A_2980, %div3A_2999 : vector<16xf32>
      tpu.vector_store_idx %arg6[%add3A_3013], %mul3A_3014 : memref<32768xf32, #tpu.memory_space<vmem>>[vector<16xi32>], vector<16xf32>,
      %add3A_3015 = arith.constant 2 : i32
      %add3A_3016 = vector.broadcast %add3A_3015 : i32 to vector<16xi32>
      %add3A_3017 = arith.addi %mul3A_3002, %add3A_3016 : vector<16xi32>
      tpu.vector_store_idx %arg7[%add3A_3017], %select_n3A_2949 : memref<4096xi32, #tpu.memory_space<vmem>>[vector<16xi32>], vector<16xi32>,
      %add3A_3018 = arith.addi %mul3A_35, %select_n3A_2954 : vector<16xi32>
      %mul3A_3019 = arith.mulf %exp3A_2982, %div3A_2999 : vector<16xf32>
      tpu.vector_store_idx %arg6[%add3A_3018], %mul3A_3019 : memref<32768xf32, #tpu.memory_space<vmem>>[vector<16xi32>], vector<16xf32>,
      %add3A_3020 = arith.constant 3 : i32
      %add3A_3021 = vector.broadcast %add3A_3020 : i32 to vector<16xi32>
      %add3A_3022 = arith.addi %mul3A_3002, %add3A_3021 : vector<16xi32>
      tpu.vector_store_idx %arg7[%add3A_3022], %select_n3A_2954 : memref<4096xi32, #tpu.memory_space<vmem>>[vector<16xi32>], vector<16xi32>,
      %add3A_3023 = arith.addi %mul3A_35, %select_n3A_2959 : vector<16xi32>
      %mul3A_3024 = arith.mulf %exp3A_2984, %div3A_2999 : vector<16xf32>
      tpu.vector_store_idx %arg6[%add3A_3023], %mul3A_3024 : memref<32768xf32, #tpu.memory_space<vmem>>[vector<16xi32>], vector<16xf32>,
      %add3A_3025 = arith.constant 4 : i32
      %add3A_3026 = vector.broadcast %add3A_3025 : i32 to vector<16xi32>
      %add3A_3027 = arith.addi %mul3A_3002, %add3A_3026 : vector<16xi32>
      tpu.vector_store_idx %arg7[%add3A_3027], %select_n3A_2959 : memref<4096xi32, #tpu.memory_space<vmem>>[vector<16xi32>], vector<16xi32>,
      %add3A_3028 = arith.addi %mul3A_35, %select_n3A_2964 : vector<16xi32>
      %mul3A_3029 = arith.mulf %exp3A_2986, %div3A_2999 : vector<16xf32>
      tpu.vector_store_idx %arg6[%add3A_3028], %mul3A_3029 : memref<32768xf32, #tpu.memory_space<vmem>>[vector<16xi32>], vector<16xf32>,
      %add3A_3030 = arith.constant 5 : i32
      %add3A_3031 = vector.broadcast %add3A_3030 : i32 to vector<16xi32>
      %add3A_3032 = arith.addi %mul3A_3002, %add3A_3031 : vector<16xi32>
      tpu.vector_store_idx %arg7[%add3A_3032], %select_n3A_2964 : memref<4096xi32, #tpu.memory_space<vmem>>[vector<16xi32>], vector<16xi32>,
      %add3A_3033 = arith.addi %mul3A_35, %select_n3A_2969 : vector<16xi32>
      %mul3A_3034 = arith.mulf %exp3A_2988, %div3A_2999 : vector<16xf32>
      tpu.vector_store_idx %arg6[%add3A_3033], %mul3A_3034 : memref<32768xf32, #tpu.memory_space<vmem>>[vector<16xi32>], vector<16xf32>,
      %add3A_3035 = arith.constant 6 : i32
      %add3A_3036 = vector.broadcast %add3A_3035 : i32 to vector<16xi32>
      %add3A_3037 = arith.addi %mul3A_3002, %add3A_3036 : vector<16xi32>
      tpu.vector_store_idx %arg7[%add3A_3037], %select_n3A_2969 : memref<4096xi32, #tpu.memory_space<vmem>>[vector<16xi32>], vector<16xi32>,
      %add3A_3038 = arith.addi %mul3A_35, %select_n3A_2974 : vector<16xi32>
      %mul3A_3039 = arith.mulf %exp3A_2990, %div3A_2999 : vector<16xf32>
      tpu.vector_store_idx %arg6[%add3A_3038], %mul3A_3039 : memref<32768xf32, #tpu.memory_space<vmem>>[vector<16xi32>], vector<16xf32>,
      %add3A_3040 = arith.constant 7 : i32
      %add3A_3041 = vector.broadcast %add3A_3040 : i32 to vector<16xi32>
      %add3A_3042 = arith.addi %mul3A_3002, %add3A_3041 : vector<16xi32>
      tpu.vector_store_idx %arg7[%add3A_3042], %select_n3A_2974 : memref<4096xi32, #tpu.memory_space<vmem>>[vector<16xi32>], vector<16xi32>,
      %scan3A_3043 = arith.constant 0 : i32
      scf.yield %scan3A_3043 : i32
    }
    %scan3A_18 = arith.constant 32 : i32
    %mul3A_19 = arith.constant 64 : i32
    %mul3A_20 = arith.muli %mul3A_2, %mul3A_19 : i32
    "tpu.region"() ({
      %run_scoped3A = tpu.sem_alloc : memref<!tpu.dma_semaphore, #tpu.memory_space<semaphore_mem>>
      %dma_start3A = tpu.memref_slice %arg3[%mul3A_20] : memref<1048576xf32, #tpu.memory_space<hbm>> -> memref<32768xf32, #tpu.memory_space<hbm>>
      %dma_start3A_23 = tpu.memref_slice %arg3[%mul3A_20] : memref<1048576xf32, #tpu.memory_space<hbm>> -> memref<32768xf32, #tpu.memory_space<hbm>>
      tpu.enqueue_dma source(%arg6 : memref<32768xf32, #tpu.memory_space<vmem>>) target(%dma_start3A_23 : memref<32768xf32, #tpu.memory_space<hbm>>) target_semaphore(%run_scoped3A : memref<!tpu.dma_semaphore, #tpu.memory_space<semaphore_mem>>)
      %dma_wait3A = tpu.memref_slice %arg3[%mul3A_20] : memref<1048576xf32, #tpu.memory_space<hbm>> -> memref<32768xf32, #tpu.memory_space<hbm>>
      %dma_wait3A_24 = tpu.memref_slice %arg3[%mul3A_20] : memref<1048576xf32, #tpu.memory_space<hbm>> -> memref<32768xf32, #tpu.memory_space<hbm>>
      tpu.wait_dma2 semaphore(%run_scoped3A : memref<!tpu.dma_semaphore, #tpu.memory_space<semaphore_mem>>) src(%arg6 : memref<32768xf32, #tpu.memory_space<vmem>>) dst(%dma_wait3A_24 : memref<32768xf32, #tpu.memory_space<hbm>>)
      tpu.yield
    }) : () -> ()
    %mul3A_21 = arith.constant 8 : i32
    %mul3A_22 = arith.muli %mul3A_2, %mul3A_21 : i32
    "tpu.region"() ({
      %run_scoped3A = tpu.sem_alloc : memref<!tpu.dma_semaphore, #tpu.memory_space<semaphore_mem>>
      %dma_start3A = tpu.memref_slice %arg4[%mul3A_22] : memref<131072xi32, #tpu.memory_space<hbm>> -> memref<4096xi32, #tpu.memory_space<hbm>>
      %dma_start3A_23 = tpu.memref_slice %arg4[%mul3A_22] : memref<131072xi32, #tpu.memory_space<hbm>> -> memref<4096xi32, #tpu.memory_space<hbm>>
      tpu.enqueue_dma source(%arg7 : memref<4096xi32, #tpu.memory_space<vmem>>) target(%dma_start3A_23 : memref<4096xi32, #tpu.memory_space<hbm>>) target_semaphore(%run_scoped3A : memref<!tpu.dma_semaphore, #tpu.memory_space<semaphore_mem>>)
      %dma_wait3A = tpu.memref_slice %arg4[%mul3A_22] : memref<131072xi32, #tpu.memory_space<hbm>> -> memref<4096xi32, #tpu.memory_space<hbm>>
      %dma_wait3A_24 = tpu.memref_slice %arg4[%mul3A_22] : memref<131072xi32, #tpu.memory_space<hbm>> -> memref<4096xi32, #tpu.memory_space<hbm>>
      tpu.wait_dma2 semaphore(%run_scoped3A : memref<!tpu.dma_semaphore, #tpu.memory_space<semaphore_mem>>) src(%arg7 : memref<4096xi32, #tpu.memory_space<vmem>>) dst(%dma_wait3A_24 : memref<4096xi32, #tpu.memory_space<hbm>>)
      tpu.yield
    }) : () -> ()
    return
  }
}

module attributes {stable_mosaic.version = 14 : i64} {
  func.func @_logits_kernel(%arg0: i32, %arg1: memref<2048x2048xf32, #tpu.memory_space<vmem>>, %arg2: memref<64x2048xf32, #tpu.memory_space<vmem>>, %arg3: memref<64x1xf32, #tpu.memory_space<vmem>>, %arg4: memref<2048x64xf32, #tpu.memory_space<vmem>>) attributes {dimension_semantics = [#tpu.dimension_semantics<arbitrary>], iteration_bounds = array<i64: 8>, scalar_prefetch = 0 : i64, scratch_operands = 0 : i64, tpu.core_type = #tpu.core_type<tc>, window_params = [{transform_indices = @transform_0, window_bounds = array<i64: 2048, 2048>}, {pipeline_mode = #tpu.pipeline_mode<synchronous>, transform_indices = @transform_1, window_bounds = array<i64: 64, 2048>}, {pipeline_mode = #tpu.pipeline_mode<synchronous>, transform_indices = @transform_2, window_bounds = array<i64: 64, 1>}, {transform_indices = @transform_3, window_bounds = array<i64: 2048, 64>}]} {
    %get3A = arith.constant 0 : index
    %get3A_0 = arith.constant 0 : index
    %get3A_1 = vector.load %arg2[%get3A, %get3A_0] : memref<64x2048xf32, #tpu.memory_space<vmem>>, vector<64x2048xf32>
    %get3A_2 = arith.constant 0 : index
    %get3A_3 = arith.constant 0 : index
    %get3A_4 = vector.load %arg1[%get3A_2, %get3A_3] : memref<2048x2048xf32, #tpu.memory_space<vmem>>, vector<2048x2048xf32>
    %dot_general3A = arith.constant dense<0.000000e+00> : vector<64x2048xf32>
    %dot_general3A_5 = tpu.matmul %get3A_1, %get3A_4, %dot_general3A {dimension_numbers = #tpu.dot_dimension_numbers<[1], [1], [0], [0], [0, 0, 1, 0], [], []>, transpose_lhs_hint = false} : vector<64x2048xf32>, vector<2048x2048xf32>, vector<64x2048xf32> -> vector<64x2048xf32>
    %get3A_6 = arith.constant 0 : index
    %get3A_7 = arith.constant 0 : index
    %get3A_8 = vector.load %arg3[%get3A_6, %get3A_7] : memref<64x1xf32, #tpu.memory_space<vmem>>, vector<64x1xf32>
    %add3A = vector.broadcast %get3A_8 : vector<64x1xf32> to vector<64x2048xf32>
    %add3A_9 = arith.addf %dot_general3A_5, %add3A : vector<64x2048xf32>
    %transpose3A = tpu.transpose %add3A_9, [1, 0] : vector<64x2048xf32> -> vector<2048x64xf32>
    %swap3A = arith.constant 0 : index
    %swap3A_10 = arith.constant 0 : index
    %swap3A_11 = vector.load %arg4[%swap3A, %swap3A_10] : memref<2048x64xf32, #tpu.memory_space<vmem>>, vector<2048x64xf32>
    tpu.vector_store %arg4[%swap3A, %swap3A_10], %transpose3A {strides = array<i32>} : memref<2048x64xf32, #tpu.memory_space<vmem>>, vector<2048x64xf32>,
    return
  }
  func.func @transform_0(%arg0: i32) -> (i32, i32) {
    %c0_i32 = arith.constant 0 : i32
    %c0_i32_0 = arith.constant 0 : i32
    return %arg0, %c0_i32 : i32, i32
  }
  func.func @transform_1(%arg0: i32) -> (i32, i32) {
    %c0_i32 = arith.constant 0 : i32
    %c0_i32_0 = arith.constant 0 : i32
    %c0_i32_1 = arith.constant 0 : i32
    return %c0_i32, %c0_i32_0 : i32, i32
  }
  func.func @transform_2(%arg0: i32) -> (i32, i32) {
    %c0_i32 = arith.constant 0 : i32
    %c0_i32_0 = arith.constant 0 : i32
    %c0_i32_1 = arith.constant 0 : i32
    return %c0_i32, %c0_i32_0 : i32, i32
  }
  func.func @transform_3(%arg0: i32) -> (i32, i32) {
    %c0_i32 = arith.constant 0 : i32
    %c0_i32_0 = arith.constant 0 : i32
    return %arg0, %c0_i32 : i32, i32
  }
}

</mosaic_0001>

<sc_bundles>
// kernel: kernel.4.cloned.1.call-start
scs
__scs_entry_jumppad:
0x0: {  	(pc) =	sbr.rel $0x88, $3  }
0x1: {  	(tag) =	ssettag $0x0;
	lr =	simm.s32 $0x1  }
0x2: {  	[smem:$0x3F9E] =	sst lr;
	_ =	strace $0xD0000000  }
0x3: {  	_ = 	snop  }
0x4: {  	_ = 	snop  }
0x5: {  	_ = 	snop  }
0x6: {  	_ = 	snop  }
0x7: {  	_ = 	snop  }
__scs_overlays_trampoline_lowered:
0x8: {  	[smem:$0x3FAD] =	sst s0  }
0x9: {  	[smem:$0x3FAE] =	sst s1  }
0xa: {  	[smem:$0x3FAF] =	sst s2  }
0xb: {  	[smem:$0x3FB0] =	sst s3  }
0xc: {  	[smem:$0x3FB1] =	sst s4  }
0xd: {  	[smem:$0x3FB2] =	sst s5  }
0xe: {  	[smem:$0x3FB3] =	sst s6  }
0xf: {  	[smem:$0x3FB4] =	sst s7  }
0x10: {  	[smem:$0x3FB5] =	sst s8  }
0x11: {  	[smem:$0x3FB6] =	sst s9;
	s0 =	simm.s32 @!p0 $0x0  }
0x12: {  	s1 =	sld [smem:$0x3F9C];
	s0 =	simm.s32 @p0 $0x1  }
0x13: {  	[smem:$0x3FB7] =	sst s0;
	s0 =	simm.s32 @!p1 $0x0  }
0x14: {  	s2 =	sld [smem:$0x3F9B];
	s0 =	simm.s32 @p1 $0x1  }
0x15: {  	[smem:$0x3FB8] =	sst s0;
	s0 =	simm.s32 @!p2 $0x0  }
0x16: {  	s3 =	sld [smem:$0x3FDB];
	s0 =	simm.s32 @p2 $0x1  }
0x17: {  	s4 =	simm.s32 $0x1BF5;
	[smem:$0x3FBA] =	sst s0  }
0x18: {  	s0 =	sld [smem:$0x3F9D];
	_ =	swait.ge [sflag:s4], $0x0  }
0x19: {  	s7 =	sld [smem:$0x3F9E]  }
0x1a: {  	s8 =	sadd.s32 $0xFFFFE003, lr  }
0x1b: {  	s9 =	sadd.s32 $0xFFFFFEF7, lr;
	s5 =	simm.s32 $0xFFFFFFFF;
	p2 =	slt.u32 s8, $0xFFFFF086  }
0x1c: {  	p1 =	slt.u32 s9, $0xF7A;
	s5 =	simm.s32 @!p2 $0x0  }
0x1d: {  	s5 =	simm.s32 @p1 $0x1;
	p0 =	seq.s32 s7, s2  }
0x1e: {  	s7 =	smul.u32 @!p0 $0xF7A, s2;
	p2 =	seq.s32 @!p0 s5, $0x0  }
0x1f: {  	s9 =	smul.u32 $0xF7A, s1;
	s8 =	simm.s32 @!p0 $0x1BF5;
	p2 =	por !p2, p0  }
0x20: {  	[sflag:s8] =	ssyncset.s32 @!p0 $0xFFFFF086;
	s6 =	sadd.s32 @!p0 s3, s7;
	s7 =	simm.s32 @!p0 $0x108  }
0x21: {  	s3 =	sadd.s32 s3, s9;
	s6 =	sadd.s32 @!p0 $0x88, s6;
	s7 =	simm.s32 @p2 $0x1082  }
0x22: {  	[simem:s7], [sflag:s8] =	dma.local @!p0 [hbm:s6], $0xF7A  }
0x23: {  	s9 =	sor.u32 $0xD0000000, s2;
	s6 =	simm.s32 $0x108;
	_ =	swait.ge @!p0 [sflag:s8], $0x0  }
0x24: {  	s3 =	sadd.s32 $0x88, s3;
	s6 =	simm.s32 @!p1 $0x1082;
	[sflag:s4] =	ssyncset.s32 $0xFFFFF086  }
0x25: {  	[simem:s6], [sflag:s4] =	dma.local [hbm:s3], $0xF7A  }
0x26: {  	[smem:$0x3F9E] =	sst s1;
	(tag) =	ssettag s2;
	_ =	strace s9  }
0x27: {  	s1 =	sld [smem:$0x3FAE]  }
0x28: {  	s2 =	sld [smem:$0x3FAF]  }
0x29: {  	s4 =	sld [smem:$0x3FB1]  }
0x2a: {  	p0 =	seq.s32 s5, $0x0;
	s5 =	sld [smem:$0x3FB2]  }
0x2b: {  	s6 =	sld [smem:$0x3FB3]  }
0x2c: {  	s7 =	sld [smem:$0x3FB4]  }
0x2d: {  	s3 =	simm.s32 $0x108;
	s8 =	sld [smem:$0x3FB5]  }
0x2e: {  	s3 =	simm.s32 @!p0 $0x1082;
	s9 =	sld [smem:$0x3FB6]  }
0x2f: {  	lr =	sadd.s32 s0, s3;
	s0 =	sld [smem:$0x3FAD]  }
0x30: {  	s3 =	sld [smem:$0x3FB0]  }
0x31: {  	[smem:$0x3FB9] =	sst s10  }
0x32: {  	s10 =	sld [smem:$0x3FB7];
	_ =	sdelay $0x3  }
0x33: {  	p0 =	seq.s32 s10, $0x1;
	s10 =	sld [smem:$0x3FB9];
	_ =	sdelay $0x3  }
0x34: {  	[smem:$0x3FB9] =	sst s10  }
0x35: {  	s10 =	sld [smem:$0x3FB8];
	_ =	sdelay $0x3  }
0x36: {  	p1 =	seq.s32 s10, $0x1;
	s10 =	sld [smem:$0x3FB9];
	_ =	sdelay $0x3  }
0x37: {  	[smem:$0x3FB9] =	sst s10  }
0x38: {  	s10 =	sld [smem:$0x3FBA]  }
0x39: {  	_ = 	snop;
	(pc) =	sbr.ind lr, $3  }
0x3a: {  	_ = 	snop  }
0x3b: {  	_ = 	snop  }
0x3c: {  	p2 =	seq.s32 s10, $0x1;
	s10 =	sld [smem:$0x3FB9]  }
0x3d: {  	_ =	shalt  }
0x3e: {  	_ =	shalt  }
0x3f: {  	_ =	shalt  }
0x40: {  	_ =	shalt  }
0x41: {  	_ =	shalt  }
0x42: {  	_ =	shalt  }
0x43: {  	_ =	shalt  }
0x44: {  	_ =	shalt  }
0x45: {  	_ =	shalt  }
0x46: {  	_ =	shalt  }
0x47: {  	_ =	shalt  }
0x48: {  	_ =	shalt  }
0x49: {  	_ =	shalt  }
0x4a: {  	_ =	shalt  }
0x4b: {  	_ =	shalt  }
0x4c: {  	_ =	shalt  }
0x4d: {  	_ =	shalt  }
0x4e: {  	_ =	shalt  }
0x4f: {  	_ =	shalt  }
0x50: {  	_ =	shalt  }
0x51: {  	_ =	shalt  }
0x52: {  	_ =	shalt  }
0x53: {  	_ =	shalt  }
0x54: {  	_ =	shalt  }
0x55: {  	_ =	shalt  }
0x56: {  	_ =	shalt  }
0x57: {  	_ =	shalt  }
0x58: {  	_ =	shalt  }
0x59: {  	_ =	shalt  }
0x5a: {  	_ =	shalt  }
0x5b: {  	_ =	shalt  }
0x5c: {  	_ =	shalt  }
0x5d: {  	_ =	shalt  }
0x5e: {  	_ =	shalt  }
0x5f: {  	_ =	shalt  }
0x60: {  	_ =	shalt  }
0x61: {  	_ =	shalt  }
0x62: {  	_ =	shalt  }
0x63: {  	_ =	shalt  }
0x64: {  	_ =	shalt  }
0x65: {  	_ =	shalt  }
0x66: {  	_ =	shalt  }
0x67: {  	_ =	shalt  }
0x68: {  	_ =	shalt  }
0x69: {  	_ =	shalt  }
0x6a: {  	_ =	shalt  }
0x6b: {  	_ =	shalt  }
0x6c: {  	_ =	shalt  }
0x6d: {  	_ =	shalt  }
0x6e: {  	_ =	shalt  }
0x6f: {  	_ =	shalt  }
0x70: {  	_ =	shalt  }
0x71: {  	_ =	shalt  }
0x72: {  	_ =	shalt  }
0x73: {  	_ =	shalt  }
0x74: {  	_ =	shalt  }
0x75: {  	_ =	shalt  }
0x76: {  	_ =	shalt  }
0x77: {  	_ =	shalt  }
0x78: {  	_ =	shalt  }
0x79: {  	_ =	shalt  }
0x7a: {  	_ =	shalt  }
0x7b: {  	_ =	shalt  }
0x7c: {  	_ =	shalt  }
0x7d: {  	_ =	shalt  }
0x7e: {  	_ =	shalt  }
0x7f: {  	_ =	shalt  }
0x80: {  	_ =	shalt  }
0x81: {  	_ =	shalt  }
0x82: {  	_ =	shalt  }
0x83: {  	_ =	shalt  }
0x84: {  	_ =	shalt  }
0x85: {  	_ =	shalt  }
0x86: {  	_ =	shalt  }
0x87: {  	_ =	shalt  }
.Lfunc_end0:
.L_simem_size_0:
called_computation_lowered:
.L_overlay_start_0:
0x88: {  	s2 =	sld [smem:$0x3FD9]  }
0x89: {  	s3 =	sld [smem:$0x3FFE];
	_ =	sdelay $0x1  }
0x8a: {  	s1 =	srdreg.scid  }
0x8b: {  	s0 =	sand.u32 $0x1, s1  }
0x8c: {  	s14 =	sshll.u32 s0, $0xA;
	s2 =	sadd.s32 s3, s2  }
0x8d: {  	s2 =	sadd.s32 s2, s14  }
0x8e: {  	[smem:$0x3FC5] =	sst s2  }
0x8f: {  	_ = 	snop  }
0x90: {  	s2 =	sld [smem:$0x3FD0];
	_ =	sdelay $0x2  }
0x91: {  	s15 =	simm.s32 $0xA;
	s4 =	simm.s32 $0x10  }
0x92: {  	[smem:s4], [sflag:s15] =	dma.local [hbm:s2], $0x1  }
0x93: {  	_ =	swait.eq [sflag:s15], $0x1  }
0x94: {  	[sflag:s15] =	ssyncset.done $0x0  }
0x95: {  	s16 =	sld [smem:$0x10];
	[sflag:s15] =	ssyncadd.s32 $0xFFFFFFFF  }
0x96: {  	s17 =	sld [smem:$0x11];
	(tm) =	ssettm $0x1  }
0x97: {  	s18 =	sld [smem:$0x3FFB];
	_ =	sdelay $0x3  }
0x98: {  	_ =	strace s18  }
0x99: {  	s4 =	sld [smem:$0x3FFC];
	_ =	sdelay $0x3  }
0x9a: {  	_ =	strace s4  }
0x9b: {  	s4 =	sld [smem:$0x3FFD];
	_ =	sdelay $0x3  }
0x9c: {  	_ =	strace s4  }
0x9d: {  	_ =	strace $0x8FFFFFFF  }
0x9e: {  	s19 =	sld [smem:$0x3FDB];
	_ =	sdelay $0x1  }
0x9f: {  	s5 =	simm.s32 $_scs_section_size  }
0xa0: {  	s6 =	simm.s32 $_size__tile_overlayer_lowered;
	s7 =	simm.s32 $_tile_overlayer_lowered  }
0xa1: {  	s22 =	simm.s32 $0x1BFF;
	s21 =	sshll.u32 s7, $0x1;
	s4 =	sadd.s32 s5, s19  }
0xa2: {  	s8 =	simm.s32 $0x0;
	s20 =	sshll.u32 s6, $0x1;
	s6 =	sadd.s32 s21, s4  }
0xa3: {  	[timem:s8], [sflag:s22] =	dma.local [hbm:s6], s20  }
0xa4: {  	_ =	swait.ge [sflag:s22], s20  }
0xa5: {  	s5 =	ssub.s32 $0x0, s20;
	[sflag:s22] =	ssyncset.done $0x0  }
0xa6: {  	[sflag:s22] =	ssyncadd.s32 s5;
	_ =	sdelay $0x1  }
0xa7: {  	s23 =	simm.s32 $0x1B8B  }
0xa8: {  	_ =	swait.ge [sflag:s23], $0x1  }
0xa9: {  	[sflag:s23] =	ssyncset.done $0x0  }
0xaa: {  	s25 =	simm.s32 $0x1B8E;
	s24 =	sld [smem:$0x3FFE];
	[sflag:s23] =	ssyncadd.s32 $0xFFFFFFFF  }
0xab: {  	s26 =	simm.s32 $execute0_lowered;
	[smem:$0x3FD2] =	sst s25  }
0xac: {  	s6 =	sshll.u32 s26, $0x1;
	_ =	strace $0x80000046;
	[dreg:$0x1] =	wrdreg $0xFFFFFFFF  }
0xad: {  	s28 =	simm.s32 $_size_execute0_lowered;
	s4 =	sadd.s32 s4, s6;
	[dreg:$0x0] =	wrdreg $0x0  }
0xae: {  	s6 =	sshll.u32 s28, $0x1;
	[dreg:$0x2] =	wrdreg s4  }
0xaf: {  	[dreg:$0x3] =	wrdreg s6  }
0xb0: {  	[dreg:$0x4] =	wrdreg $0xC0  }
0xb1: {  	_ =	task [dreg:s8], $0x5FFFF  }
0xb2: {  	[dreg:$0x1] =	wrdreg $0xFFFFFFFF  }
0xb3: {  	[dreg:$0x0] =	wrdreg $0x60  }
0xb4: {  	[dreg:$0x2] =	wrdreg s16  }
0xb5: {  	[dreg:$0x3] =	wrdreg s24  }
0xb6: {  	[dreg:$0x4] =	wrdreg s17  }
0xb7: {  	[dreg:$0x5] =	wrdreg $0x9  }
0xb8: {  	_ =	task.clear_ibuf [dreg:s8], $0x6FFFF;
	_ =	strace $0x90000046  }
0xb9: {  	s29 =	simm.s32 $0x9;
	_ =	strace $0x80000048  }
0xba: {  	_ =	swait.ge [sflag:s29], $0x1  }
0xbb: {  	[sflag:s29] =	ssyncadd.s32 $0xFFFFFFFF  }
0xbc: {  	_ =	strace $0x90000048  }
0xbd: {  	_ =	sfence  }
0xbe: {  	s30 =	sld [smem:$0x0];
	_ =	sdelay $0x2  }
0xbf: {  	s31 =	sshll.u32 s1, $0xD;
	s1 =	sshrl.u32 s1, $0x2  }
0xc0: {  	s3 =	sand.u32 $0x4000, s31;
	s1 =	sadd.s32 s1, s30  }
0xc1: {  	s0 =	sor.u32 s3, s0;
	s1 =	sshll.u32 s1, $0x11  }
0xc2: {  	s0 =	sor.u32 s1, s0  }
0xc3: {  	s0 =	sadd.s32 $0x8F2B, s0  }
0xc4: {  	[sflag:s0] =	ssyncadd.remote.s32 $0x1  }
0xc5: {  	_ =	sfence.sel $0xFFFF  }
0xc6: {  	[dreg:$0x0] =	wrdreg $0xFFFFFFFF;
	(pc) =	sbr.abs _section_cstart, $3  }
0xc7: {  	[dreg:$0x1] =	wrdreg $0xFFFFFFFF  }
0xc8: {  	_ =	task.clear_ibuf [dreg:s8], $0x2FFFF;
	_ =	strace $0x9FFFFFFF  }
0xc9: {  	(tm) =	ssettm $0x7FFFFFFF  }
tec
execute0_lowered:
.L_overlay_start_1:
0x0: {  	(tag) =	ssettag $0x1  }
0x1: {  	s3 =	rddreg [dreg:$0x0]  }
0x2: {  	s4 =	rddreg [dreg:$0x1];
	s0 =	srdreg.scid  }
0x3: {  	s5 =	rddreg [dreg:$0x2];
	s1 =	stileid.u32  }
0x4: {  	s2 =	simm.s32 $0x0;
	s10 =	simm.s32 $0x0;
	s6 =	sand.u32 $0x1, s0  }
0x5: {  	s0 =	rddreg [dreg:$0x3];
	s7 =	sshll.u32 s6, $0x4;
	s6 =	ssub.s32 $0x2, s6  }
0x6: {  	[smem:$0x7FF] =	sst s2;
	s7 =	sor.u32 s1, s7;
	s9 =	sshrl.u32 s6, $0x1  }
0x7: {  	_ =	strace $0x80000047;
	s8 =	sshll.u32 s7, $0xC;
	s6 =	ssub.s32 s6, s9  }
0x8: {  	s7 =	sshll.u32 s7, $0x9;
	s9 =	simm.s32 $0x10000;
	s4 =	sadd.s32 s8, s4  }
0x9: {  	s3 =	sadd.s32 s3, s8;
	s5 =	sadd.s32 s5, s7;
	s6 =	smax.u32 s6, $0x1  }
0xa: {  	v0 =	vimm.f32 $0.0e+00;
	v1 =	vlaneseq.u32;
	v2 =	vimm.s32 $0x0;
	s7 =	simm.s32 $0x1;
	s8 =	simm.s32 $0x8000;
	s4 =	sadd.s32 $0xC00, s4  }
.LBB2_1:
0xb: {  	[tilespmem:s2], [sflag:$0x1] =	stream.linear.gather [hbm4b:s3+s2], $0x8000, $0x38;
	[tilespmem:$0x11000] =	vst v63  }
0xc: {  	_ =	swait.ge [sflag:s7], $0x8000  }
0xd: {  	[sflag:s7] =	ssyncset.done $0x0  }
0xe: {  	s11 =	simm.s32 $0x0;
	[sflag:s7] =	ssyncadd.s32 $0xFFFF8000  }
.LBB2_2:
0xf: {  	p0 =	sne.s32 s11, $0x1FFC0  }
.Ltmp0:
0x10: {  	_ = 	snop;
	(pc) =	sbr.rel @p0 .LBB2_2-.Ltmp0, $3  }
0x11: {  	_ =	sdelay $0x1  }
0x12: {  	s12 =	sshra.s32 s11, $0x2  }
0x13: {  	s11 =	sadd.s32 $0x40, s11;
	[tilespmem:s12+$0x8000] =	vst v0  }
0x14: {  	s11 =	simm.s32 $0x0  }
.LBB2_4:
0x15: {  	v4 =	vor.u32 s11, v1  }
0x16: {  	v3 =	vshll.u32 v4, $0x6;
	_ =	sdelay $0x1  }
0x17: {  	v5 =	vor.u32 $0x1, v3;
	_ =	sdelay $0x2  }
0x18: {  	v7 =	vor.u32 $0x2, v3;
	v6 =	vld.idx.msk [tilespmem:v3+s2+$0x0], $0xffff;
	_ =	sdelay $0x1  }
0x19: {  	v5 =	vld.idx.msk [tilespmem:v5+s2+$0x0], $0xffff  }
0x1a: {  	v8 =	vor.u32 $0x3, v3;
	_ =	sdelay $0x1  }
0x1b: {  	v4 =	vshll.u32 v4, $0x3;
	v7 =	vld.idx.msk [tilespmem:v7+s2+$0x0], $0xffff;
	vm0 =	vgt.f32 v6, $-Inf  }
0x1c: {  	v12 =	vor.u32 $0x4, v3;
	v40 =	vor.u32 $0x5, v3;
	v6 =	vnsel vm0, $0xFF800000, v6  }
0x1d: {  	v47 =	vor.u32 $0x6, v3;
	v20 =	vor.u32 $0x7, v3;
	vm0 =	vgt.f32 v5, v6  }
0x1e: {  	v22 =	vor.u32 $0x8, v3;
	v8 =	vld.idx.msk [tilespmem:v8+s2+$0x0], $0xffff;
	v9 =	vsel vm0, v6, v5;
	vm1 =	vmneg vm0  }
0x1f: {  	v5 =	vsel vm0, v5, v6;
	vm2 =	vlt.f32 v9, $-Inf;
	vm3 =	vgt.f32 v9, $-Inf  }
0x20: {  	v33 =	vsel vm0, $0x1, v2;
	vm5 =	vgt.f32 v7, v5;
	vm4 =	vmor vm3, vm2  }
0x21: {  	v12 =	vld.idx.msk [tilespmem:v12+s2+$0x0], $0xffff;
	v11 =	vsel vm5, v5, v7;
	v5 =	vsel vm5, v7, v5;
	v34 =	vsel vm5, $0x2, v33  }
0x22: {  	v6 =	vnsel vm5, $0x2, v33;
	v9 =	vnsel vm4, $0xFF800000, v9;
	vm0 =	vmand vm4, vm1  }
0x23: {  	vm10 =	vgt.f32 v8, v5;
	v10 =	vsel vm0, $0x1, v2;
	vm6 =	vgt.f32 v11, v9  }
0x24: {  	v36 =	vsel vm10, v5, v8;
	v5 =	vsel vm10, v8, v5;
	v37 =	vsel vm10, $0x3, v34  }
0x25: {  	v7 =	vnsel vm10, $0x3, v34;
	v13 =	vsel vm6, v11, v9;
	v9 =	vsel vm6, v9, v11  }
0x26: {  	v35 =	vsel vm6, v6, v10;
	v6 =	vsel vm6, v10, v6;
	vm15 =	vgt.f32 v12, v5  }
0x27: {  	vm7 =	vlt.f32 v9, $-Inf;
	vm8 =	vgt.f32 v9, $-Inf;
	vm11 =	vgt.f32 v36, v13  }
0x28: {  	v16 =	vsel vm15, v5, v12;
	v5 =	vsel vm15, v12, v5;
	v43 =	vsel vm15, $0x4, v37  }
0x29: {  	v8 =	vnsel vm15, $0x4, v37;
	vm9 =	vmor vm8, vm7;
	v14 =	vsel vm11, v36, v13  }
0x2a: {  	v10 =	vsel vm11, v13, v36;
	v38 =	vsel vm11, v7, v35;
	v7 =	vsel vm11, v35, v7  }
0x2b: {  	v9 =	vnsel vm9, $0xFF800000, v9;
	v6 =	vnsel vm9, $0x0, v6;
	vm4 =	vgt.f32 v16, v14  }
0x2c: {  	vm12 =	vgt.f32 v10, v9;
	v42 =	vsel vm4, v14, v16;
	v14 =	vsel vm4, v16, v14  }
0x2d: {  	v44 =	vsel vm4, v8, v38;
	v39 =	vsel vm12, v10, v9;
	v9 =	vsel vm12, v9, v10  }
0x2e: {  	v8 =	vsel vm4, v38, v8;
	v10 =	vld.idx.msk [tilespmem:v40+s2+$0x0], $0xffff;
	vm13 =	vlt.f32 v9, $-Inf;
	vm14 =	vgt.f32 v9, $-Inf  }
0x2f: {  	v15 =	vsel vm12, v7, v6;
	vm5 =	vgt.f32 v42, v39;
	vm1 =	vmor vm14, vm13  }
0x30: {  	v6 =	vsel vm12, v6, v7;
	v17 =	vsel vm5, v39, v42;
	v41 =	vnsel vm1, $0xFF800000, v9  }
0x31: {  	v45 =	vsel vm5, v8, v15;
	v8 =	vsel vm5, v15, v8;
	vm6 =	vgt.f32 v17, v41  }
0x32: {  	v6 =	vnsel vm1, $0x0, v6;
	v9 =	vsel vm5, v42, v39;
	v46 =	vsel vm6, v41, v17  }
0x33: {  	v7 =	vsel vm6, v17, v41;
	v15 =	vsel vm6, v8, v6;
	vm9 =	vgt.f32 v10, v5  }
0x34: {  	v6 =	vsel vm6, v6, v8;
	vm7 =	vlt.f32 v46, $-Inf;
	vm8 =	vgt.f32 v46, $-Inf  }
0x35: {  	v17 =	vld.idx.msk [tilespmem:v47+s2+$0x0], $0xffff;
	v48 =	vsel vm9, v5, v10;
	v5 =	vsel vm9, v10, v5;
	v49 =	vsel vm9, $0x5, v43  }
0x36: {  	v12 =	vnsel vm9, $0x5, v43;
	vm10 =	vmor vm8, vm7;
	vm11 =	vgt.f32 v48, v14  }
0x37: {  	v13 =	vnsel vm10, $0xFF800000, v46;
	v6 =	vnsel vm10, $0x0, v6;
	v18 =	vsel vm11, v14, v48  }
0x38: {  	v8 =	vsel vm11, v48, v14;
	v50 =	vsel vm11, v12, v44;
	vm12 =	vgt.f32 v18, v9  }
0x39: {  	v60 =	vld.idx.msk [tilespmem:v20+s2+$0x0], $0xffff;
	v12 =	vsel vm11, v44, v12;
	v51 =	vsel vm12, v9, v18;
	v9 =	vsel vm12, v18, v9  }
0x3a: {  	v52 =	vsel vm12, v12, v45;
	v11 =	vsel vm12, v45, v12;
	vm7 =	vgt.f32 v17, v5  }
0x3b: {  	vm13 =	vgt.f32 v51, v7;
	v56 =	vsel vm7, v5, v17;
	v5 =	vsel vm7, v17, v5  }
0x3c: {  	v58 =	vsel vm7, $0x6, v49;
	v10 =	vnsel vm7, $0x6, v49;
	v53 =	vsel vm13, v51, v7  }
0x3d: {  	v7 =	vsel vm13, v7, v51;
	v54 =	vsel vm13, v11, v15;
	v11 =	vsel vm13, v15, v11  }
0x3e: {  	vm8 =	vgt.f32 v56, v8;
	vm13 =	vgt.f32 v60, v5;
	vm14 =	vgt.f32 v7, v13  }
0x3f: {  	v57 =	vsel vm8, v8, v56;
	v8 =	vsel vm8, v56, v8;
	v59 =	vsel vm8, v10, v50  }
0x40: {  	v10 =	vsel vm8, v50, v10;
	v26 =	vsel vm13, v5, v60;
	v5 =	vsel vm13, v60, v5  }
0x41: {  	v29 =	vsel vm13, $0x7, v58;
	v17 =	vnsel vm13, $0x7, v58;
	v55 =	vsel vm14, v7, v13  }
0x42: {  	v19 =	vsel vm14, v11, v6;
	v7 =	vsel vm14, v13, v7;
	v6 =	vsel vm14, v6, v11  }
0x43: {  	vm9 =	vgt.f32 v57, v9;
	vm15 =	vlt.f32 v7, $-Inf;
	vm6 =	vgt.f32 v7, $-Inf  }
0x44: {  	v21 =	vsel vm9, v9, v57;
	v9 =	vsel vm9, v57, v9;
	v14 =	vsel vm9, v10, v52  }
0x45: {  	v10 =	vsel vm9, v52, v10;
	vm1 =	vmor vm6, vm15;
	vm10 =	vgt.f32 v21, v53  }
0x46: {  	vm6 =	vgt.f32 v26, v8;
	v7 =	vnsel vm1, $0xFF800000, v7;
	v6 =	vnsel vm1, $0x0, v6  }
0x47: {  	v61 =	vsel vm10, v53, v21;
	v12 =	vsel vm10, v21, v53;
	v62 =	vsel vm10, v10, v54  }
0x48: {  	v10 =	vsel vm10, v54, v10;
	v28 =	vsel vm6, v8, v26;
	v8 =	vsel vm6, v26, v8  }
0x49: {  	v30 =	vsel vm6, v17, v59;
	v13 =	vsel vm6, v59, v17;
	vm11 =	vgt.f32 v61, v55  }
0x4a: {  	v53 =	vor.u32 $0xA, v3;
	vm7 =	vgt.f32 v28, v9;
	v63 =	vsel vm11, v61, v55  }
0x4b: {  	v22 =	vld.idx.msk [tilespmem:v22+s2+$0x0], $0xffff;
	v15 =	vsel vm11, v55, v61;
	v24 =	vsel vm11, v10, v19;
	v10 =	vsel vm11, v19, v10  }
0x4c: {  	v23 =	vsel vm7, v9, v28;
	v9 =	vsel vm7, v28, v9;
	v32 =	vsel vm7, v13, v14  }
0x4d: {  	v13 =	vsel vm7, v14, v13;
	vm12 =	vgt.f32 v15, v7;
	vm8 =	vgt.f32 v23, v12  }
0x4e: {  	v25 =	vsel vm12, v15, v7;
	v7 =	vsel vm12, v7, v15;
	v27 =	vsel vm12, v10, v6  }
0x4f: {  	v6 =	vsel vm12, v6, v10;
	v31 =	vsel vm8, v12, v23;
	v12 =	vsel vm8, v23, v12  }
0x50: {  	v34 =	vsel vm8, v13, v62;
	v13 =	vsel vm8, v62, v13;
	vm12 =	vgt.f32 v22, v5  }
0x51: {  	vm14 =	vlt.f32 v7, $-Inf;
	vm15 =	vgt.f32 v7, $-Inf;
	vm9 =	vgt.f32 v31, v63  }
0x52: {  	v38 =	vsel vm12, v5, v22;
	v5 =	vsel vm12, v22, v5;
	v40 =	vsel vm12, $0x8, v29  }
0x53: {  	v11 =	vnsel vm12, $0x8, v29;
	vm2 =	vmor vm15, vm14;
	v33 =	vsel vm9, v63, v31  }
0x54: {  	v16 =	vsel vm9, v31, v63;
	v35 =	vsel vm9, v13, v24;
	v13 =	vsel vm9, v24, v13  }
0x55: {  	vm4 =	vgt.f32 v38, v8;
	v24 =	vor.u32 $0x9, v3;
	v7 =	vnsel vm2, $0xFF800000, v7  }
0x56: {  	v6 =	vnsel vm2, $0x0, v6;
	vm10 =	vgt.f32 v33, v25;
	v39 =	vsel vm4, v8, v38  }
0x57: {  	v8 =	vsel vm4, v38, v8;
	v41 =	vsel vm4, v11, v30;
	v11 =	vsel vm4, v30, v11  }
0x58: {  	v36 =	vsel vm10, v25, v33;
	v14 =	vsel vm10, v33, v25;
	v18 =	vsel vm10, v13, v27  }
0x59: {  	v13 =	vsel vm10, v27, v13;
	vm5 =	vgt.f32 v39, v9;
	v33 =	vor.u32 $0xB, v3  }
0x5a: {  	vm11 =	vgt.f32 v36, v7;
	v25 =	vsel vm5, v9, v39;
	v9 =	vsel vm5, v39, v9  }
0x5b: {  	v15 =	vsel vm5, v11, v32;
	v10 =	vsel vm5, v32, v11;
	v37 =	vsel vm11, v36, v7  }
0x5c: {  	v21 =	vsel vm11, v13, v6;
	v7 =	vsel vm11, v7, v36;
	v6 =	vsel vm11, v6, v13  }
0x5d: {  	vm6 =	vgt.f32 v25, v12;
	vm13 =	vlt.f32 v7, $-Inf;
	vm14 =	vgt.f32 v7, $-Inf  }
0x5e: {  	v42 =	vsel vm6, v12, v25;
	v12 =	vsel vm6, v25, v12;
	v44 =	vsel vm6, v10, v34  }
0x5f: {  	v43 =	vld.idx.msk [tilespmem:v24+s2+$0x0], $0xffff;
	v10 =	vsel vm6, v34, v10;
	vm15 =	vmor vm14, vm13;
	vm7 =	vgt.f32 v42, v16  }
0x60: {  	v7 =	vnsel vm15, $0xFF800000, v7;
	v6 =	vnsel vm15, $0x0, v6;
	v45 =	vsel vm7, v16, v42  }
0x61: {  	v13 =	vsel vm7, v42, v16;
	v46 =	vsel vm7, v10, v35;
	vm8 =	vgt.f32 v45, v14  }
0x62: {  	v59 =	vld.idx.msk [tilespmem:v53+s2+$0x0], $0xffff;
	v10 =	vsel vm7, v35, v10;
	v47 =	vsel vm8, v14, v45;
	v14 =	vsel vm8, v45, v14  }
0x63: {  	v48 =	vsel vm8, v10, v18;
	v10 =	vsel vm8, v18, v10;
	vm9 =	vgt.f32 v47, v37  }
0x64: {  	vm10 =	vgt.f32 v43, v5;
	v49 =	vsel vm9, v47, v37;
	v50 =	vsel vm9, v10, v21  }
0x65: {  	v17 =	vsel vm9, v37, v47;
	v51 =	vsel vm10, v5, v43;
	v10 =	vsel vm9, v21, v10  }
0x66: {  	v5 =	vsel vm10, v43, v5;
	v54 =	vsel vm10, $0x9, v40;
	v55 =	vnsel vm10, $0x9, v40  }
0x67: {  	vm11 =	vgt.f32 v17, v7;
	vm12 =	vgt.f32 v51, v8;
	vm6 =	vgt.f32 v59, v5  }
0x68: {  	v7 =	vsel vm11, v17, v7;
	v52 =	vsel vm12, v8, v51;
	v6 =	vsel vm11, v10, v6  }
0x69: {  	v8 =	vsel vm12, v51, v8;
	v57 =	vsel vm12, v55, v41;
	v11 =	vsel vm12, v41, v55  }
0x6a: {  	v31 =	vsel vm6, v5, v59;
	v5 =	vsel vm6, v59, v5;
	v34 =	vsel vm6, $0xA, v54  }
0x6b: {  	v10 =	vnsel vm6, $0xA, v54;
	vm13 =	vgt.f32 v52, v9;
	vm8 =	vgt.f32 v31, v8  }
0x6c: {  	v56 =	vsel vm13, v9, v52;
	v9 =	vsel vm13, v52, v9;
	v20 =	vsel vm13, v11, v15  }
0x6d: {  	v38 =	vld.idx.msk [tilespmem:v33+s2+$0x0], $0xffff;
	v11 =	vsel vm13, v15, v11;
	v32 =	vsel vm8, v8, v31;
	v8 =	vsel vm8, v31, v8  }
0x6e: {  	v36 =	vsel vm8, v10, v57;
	v10 =	vsel vm8, v57, v10;
	vm14 =	vgt.f32 v56, v12  }
0x6f: {  	vm9 =	vgt.f32 v32, v9;
	v58 =	vsel vm14, v12, v56;
	v12 =	vsel vm14, v56, v12  }
0x70: {  	v60 =	vsel vm14, v11, v44;
	v11 =	vsel vm14, v44, v11;
	v35 =	vsel vm9, v9, v32  }
0x71: {  	v9 =	vsel vm9, v32, v9;
	v19 =	vsel vm9, v10, v20;
	v10 =	vsel vm9, v20, v10  }
0x72: {  	vm14 =	vgt.f32 v38, v5;
	vm15 =	vgt.f32 v58, v13;
	vm10 =	vgt.f32 v35, v12  }
0x73: {  	v61 =	vsel vm15, v13, v58;
	v13 =	vsel vm15, v58, v13;
	v62 =	vsel vm15, v11, v46  }
0x74: {  	v11 =	vsel vm15, v46, v11;
	v37 =	vsel vm10, v12, v35;
	v12 =	vsel vm10, v35, v12  }
0x75: {  	v39 =	vsel vm10, v10, v60;
	v10 =	vsel vm10, v60, v10;
	v46 =	vsel vm14, v5, v38  }
0x76: {  	v5 =	vsel vm14, v38, v5;
	vm4 =	vgt.f32 v61, v14;
	vm11 =	vgt.f32 v37, v13  }
0x77: {  	v63 =	vsel vm4, v14, v61;
	v14 =	vsel vm4, v61, v14;
	v28 =	vsel vm4, v11, v48  }
0x78: {  	v11 =	vsel vm4, v48, v11;
	v40 =	vsel vm11, v13, v37;
	v13 =	vsel vm11, v37, v13  }
0x79: {  	v41 =	vsel vm11, v10, v62;
	v10 =	vsel vm11, v62, v10;
	vm4 =	vgt.f32 v46, v8  }
0x7a: {  	v48 =	vor.u32 $0xC, v3;
	v62 =	vor.u32 $0xD, v3;
	vm5 =	vgt.f32 v63, v49  }
0x7b: {  	vm12 =	vgt.f32 v40, v14;
	v47 =	vsel vm4, v8, v46;
	v8 =	vsel vm4, v46, v8  }
0x7c: {  	v29 =	vsel vm5, v63, v49;
	v30 =	vsel vm5, v11, v50;
	v16 =	vsel vm5, v49, v63  }
0x7d: {  	v11 =	vsel vm5, v50, v11;
	v42 =	vsel vm12, v14, v40;
	v14 =	vsel vm12, v40, v14  }
0x7e: {  	v43 =	vsel vm12, v10, v28;
	v10 =	vsel vm12, v28, v10;
	vm5 =	vgt.f32 v47, v9  }
0x7f: {  	v49 =	vsel vm14, $0xB, v34;
	vm7 =	vgt.f32 v16, v7;
	vm13 =	vgt.f32 v42, v29  }
0x80: {  	v50 =	vsel vm5, v9, v47;
	v9 =	vsel vm5, v47, v9;
	v7 =	vsel vm7, v16, v7  }
0x81: {  	v6 =	vsel vm7, v11, v6;
	v44 =	vsel vm13, v42, v29;
	v45 =	vsel vm13, v10, v30  }
0x82: {  	v17 =	vsel vm13, v29, v42;
	v10 =	vsel vm13, v30, v10;
	v11 =	vnsel vm14, $0xB, v34  }
0x83: {  	vm6 =	vgt.f32 v50, v12;
	vm15 =	vgt.f32 v17, v7;
	v51 =	vsel vm4, v11, v36  }
0x84: {  	v11 =	vsel vm4, v36, v11;
	v52 =	vsel vm6, v12, v50;
	v12 =	vsel vm6, v50, v12  }
0x85: {  	v7 =	vsel vm15, v17, v7;
	v18 =	vsel vm5, v11, v19;
	v11 =	vsel vm5, v19, v11  }
0x86: {  	v53 =	vld.idx.msk [tilespmem:v48+s2+$0x0], $0xffff;
	v6 =	vsel vm15, v10, v6;
	vm7 =	vgt.f32 v52, v13;
	v54 =	vsel vm6, v11, v39  }
0x87: {  	v55 =	vsel vm7, v13, v52;
	v11 =	vsel vm6, v39, v11;
	v13 =	vsel vm7, v52, v13  }
0x88: {  	vm8 =	vgt.f32 v55, v14;
	v15 =	vsel vm7, v11, v41;
	v11 =	vsel vm7, v41, v11  }
0x89: {  	v41 =	vor.u32 $0xE, v3;
	v56 =	vsel vm8, v14, v55;
	v14 =	vsel vm8, v55, v14  }
0x8a: {  	v31 =	vld.idx.msk [tilespmem:v62+s2+$0x0], $0xffff;
	v57 =	vsel vm8, v11, v43;
	v11 =	vsel vm8, v43, v11;
	vm9 =	vgt.f32 v56, v44  }
0x8b: {  	vm10 =	vgt.f32 v53, v5;
	v58 =	vsel vm9, v56, v44;
	v59 =	vsel vm9, v11, v45  }
0x8c: {  	v16 =	vsel vm9, v44, v56;
	v60 =	vsel vm10, v5, v53;
	v11 =	vsel vm9, v45, v11  }
0x8d: {  	v5 =	vsel vm10, v53, v5;
	v63 =	vsel vm10, $0xC, v49;
	v10 =	vnsel vm10, $0xC, v49  }
0x8e: {  	v56 =	vor.u32 $0xF, v3;
	vm11 =	vgt.f32 v16, v7;
	vm12 =	vgt.f32 v60, v8  }
0x8f: {  	vm6 =	vgt.f32 v31, v5;
	v7 =	vsel vm11, v16, v7;
	v61 =	vsel vm12, v8, v60  }
0x90: {  	v6 =	vsel vm11, v11, v6;
	v8 =	vsel vm12, v60, v8;
	v29 =	vsel vm12, v10, v51  }
0x91: {  	v10 =	vsel vm12, v51, v10;
	v39 =	vsel vm6, v5, v31;
	v5 =	vsel vm6, v31, v5  }
0x92: {  	v42 =	vsel vm6, $0xD, v63;
	v11 =	vnsel vm6, $0xD, v63;
	vm13 =	vgt.f32 v61, v9  }
0x93: {  	vm8 =	vgt.f32 v39, v8;
	v28 =	vsel vm13, v9, v61;
	v9 =	vsel vm13, v61, v9  }
0x94: {  	v23 =	vsel vm13, v10, v18;
	v10 =	vsel vm13, v18, v10;
	v40 =	vsel vm8, v8, v39  }
0x95: {  	v46 =	vld.idx.msk [tilespmem:v41+s2+$0x0], $0xffff;
	v8 =	vsel vm8, v39, v8;
	v44 =	vsel vm8, v11, v29;
	vm14 =	vgt.f32 v28, v12  }
0x96: {  	v11 =	vsel vm8, v29, v11;
	vm9 =	vgt.f32 v40, v9;
	v30 =	vsel vm14, v12, v28  }
0x97: {  	v12 =	vsel vm14, v28, v12;
	v32 =	vsel vm14, v10, v54;
	v10 =	vsel vm14, v54, v10  }
0x98: {  	v43 =	vsel vm9, v9, v40;
	v9 =	vsel vm9, v40, v9;
	v22 =	vsel vm9, v11, v23  }
0x99: {  	v11 =	vsel vm9, v23, v11;
	vm15 =	vgt.f32 v30, v13;
	vm10 =	vgt.f32 v43, v12  }
0x9a: {  	vm14 =	vgt.f32 v46, v5;
	v33 =	vsel vm15, v13, v30;
	v13 =	vsel vm15, v30, v13  }
0x9b: {  	v34 =	vsel vm15, v10, v15;
	v10 =	vsel vm15, v15, v10;
	v45 =	vsel vm10, v12, v43  }
0x9c: {  	v61 =	vld.idx.msk [tilespmem:v56+s2+$0x0], $0xffff;
	v12 =	vsel vm10, v43, v12;
	v47 =	vsel vm10, v11, v32;
	v11 =	vsel vm10, v32, v11  }
0x9d: {  	v54 =	vsel vm14, v5, v46;
	v5 =	vsel vm14, v46, v5;
	vm4 =	vgt.f32 v33, v14  }
0x9e: {  	vm11 =	vgt.f32 v45, v13;
	v35 =	vsel vm4, v14, v33;
	v14 =	vsel vm4, v33, v14  }
0x9f: {  	v36 =	vsel vm4, v10, v57;
	v10 =	vsel vm4, v57, v10;
	v48 =	vsel vm11, v13, v45  }
0xa0: {  	v13 =	vsel vm11, v45, v13;
	v49 =	vsel vm11, v11, v34;
	v11 =	vsel vm11, v34, v11  }
0xa1: {  	vm4 =	vgt.f32 v54, v8;
	v57 =	vsel vm14, $0xE, v42;
	vm10 =	vgt.f32 v61, v5  }
0xa2: {  	vm5 =	vgt.f32 v35, v58;
	vm12 =	vgt.f32 v48, v14;
	v55 =	vsel vm4, v8, v54  }
0xa3: {  	v8 =	vsel vm4, v54, v8;
	v33 =	vsel vm10, v5, v61;
	v5 =	vsel vm10, v61, v5  }
0xa4: {  	v37 =	vsel vm5, v35, v58;
	v38 =	vsel vm5, v10, v59;
	v15 =	vsel vm5, v58, v35  }
0xa5: {  	v10 =	vsel vm5, v59, v10;
	v50 =	vsel vm12, v14, v48;
	v14 =	vsel vm12, v48, v14  }
0xa6: {  	v51 =	vsel vm12, v11, v36;
	v11 =	vsel vm12, v36, v11;
	vm5 =	vgt.f32 v55, v9  }
0xa7: {  	vm12 =	vgt.f32 v33, v8;
	v35 =	vor.u32 $0x10, v3;
	v36 =	vsel vm10, $0xF, v57  }
0xa8: {  	vm7 =	vgt.f32 v15, v7;
	vm13 =	vgt.f32 v50, v37;
	v58 =	vsel vm5, v9, v55  }
0xa9: {  	v9 =	vsel vm5, v55, v9;
	v34 =	vsel vm12, v8, v33;
	v8 =	vsel vm12, v33, v8  }
0xaa: {  	v7 =	vsel vm7, v15, v7;
	v6 =	vsel vm7, v10, v6;
	v52 =	vsel vm13, v50, v37  }
0xab: {  	v53 =	vsel vm13, v11, v38;
	v16 =	vsel vm13, v37, v50;
	v11 =	vsel vm13, v38, v11  }
0xac: {  	v10 =	vnsel vm14, $0xE, v42;
	vm6 =	vgt.f32 v58, v12;
	vm13 =	vgt.f32 v34, v9  }
0xad: {  	v50 =	vor.u32 $0x11, v3;
	vm15 =	vgt.f32 v16, v7;
	v59 =	vsel vm4, v10, v44  }
0xae: {  	v10 =	vsel vm4, v44, v10;
	v60 =	vsel vm6, v12, v58;
	v12 =	vsel vm6, v58, v12  }
0xaf: {  	v37 =	vsel vm13, v9, v34;
	v9 =	vsel vm13, v34, v9;
	v7 =	vsel vm15, v16, v7  }
0xb0: {  	v6 =	vsel vm15, v11, v6;
	v21 =	vsel vm5, v10, v22;
	v10 =	vsel vm5, v22, v10  }
0xb1: {  	vm7 =	vgt.f32 v60, v13;
	v11 =	vnsel vm10, $0xF, v57;
	vm14 =	vgt.f32 v37, v12  }
0xb2: {  	v62 =	vsel vm6, v10, v47;
	v63 =	vsel vm7, v13, v60;
	v10 =	vsel vm6, v47, v10  }
0xb3: {  	v13 =	vsel vm7, v60, v13;
	v38 =	vsel vm12, v11, v59;
	v11 =	vsel vm12, v59, v11  }
0xb4: {  	v39 =	vsel vm14, v12, v37;
	v12 =	vsel vm14, v37, v12;
	vm8 =	vgt.f32 v63, v14  }
0xb5: {  	v28 =	vsel vm7, v10, v49;
	v10 =	vsel vm7, v49, v10;
	v17 =	vsel vm13, v11, v21  }
0xb6: {  	v11 =	vsel vm13, v21, v11;
	vm15 =	vgt.f32 v39, v13;
	v29 =	vsel vm8, v14, v63  }
0xb7: {  	v14 =	vsel vm8, v63, v14;
	v30 =	vsel vm8, v10, v51;
	v10 =	vsel vm8, v51, v10  }
0xb8: {  	v41 =	vsel vm14, v11, v62;
	v42 =	vsel vm15, v13, v39;
	v11 =	vsel vm14, v62, v11  }
0xb9: {  	v40 =	vld.idx.msk [tilespmem:v35+s2+$0x0], $0xffff;
	v13 =	vsel vm15, v39, v13;
	vm9 =	vgt.f32 v29, v52;
	vm4 =	vgt.f32 v42, v14  }
0xba: {  	v43 =	vsel vm15, v11, v28;
	v11 =	vsel vm15, v28, v11;
	v31 =	vsel vm9, v29, v52  }
0xbb: {  	v32 =	vsel vm9, v10, v53;
	v15 =	vsel vm9, v52, v29;
	v10 =	vsel vm9, v53, v10  }
0xbc: {  	v44 =	vsel vm4, v14, v42;
	v14 =	vsel vm4, v42, v14;
	v45 =	vsel vm4, v11, v30  }
0xbd: {  	v11 =	vsel vm4, v30, v11;
	v29 =	vor.u32 $0x12, v3;
	vm11 =	vgt.f32 v15, v7  }
0xbe: {  	v55 =	vld.idx.msk [tilespmem:v50+s2+$0x0], $0xffff;
	vm5 =	vgt.f32 v44, v31;
	vm6 =	vgt.f32 v40, v5;
	v7 =	vsel vm11, v15, v7  }
0xbf: {  	v6 =	vsel vm11, v10, v6;
	v46 =	vsel vm5, v44, v31;
	v47 =	vsel vm5, v11, v32  }
0xc0: {  	v16 =	vsel vm5, v31, v44;
	v48 =	vsel vm6, v5, v40;
	v11 =	vsel vm5, v32, v11  }
0xc1: {  	v5 =	vsel vm6, v40, v5;
	v51 =	vsel vm6, $0x10, v36;
	v10 =	vnsel vm6, $0x10, v36  }
0xc2: {  	v44 =	vor.u32 $0x13, v3;
	vm7 =	vgt.f32 v16, v7;
	vm8 =	vgt.f32 v48, v8  }
0xc3: {  	vm14 =	vgt.f32 v55, v5;
	v7 =	vsel vm7, v16, v7;
	v49 =	vsel vm8, v8, v48  }
0xc4: {  	v6 =	vsel vm7, v11, v6;
	v8 =	vsel vm8, v48, v8;
	v53 =	vsel vm8, v10, v38  }
0xc5: {  	v10 =	vsel vm8, v38, v10;
	v63 =	vsel vm14, v5, v55;
	v5 =	vsel vm14, v55, v5  }
0xc6: {  	v30 =	vsel vm14, $0x11, v51;
	v11 =	vnsel vm14, $0x11, v51;
	vm9 =	vgt.f32 v49, v9  }
0xc7: {  	vm4 =	vgt.f32 v63, v8;
	v52 =	vsel vm9, v9, v49;
	v9 =	vsel vm9, v49, v9  }
0xc8: {  	v20 =	vsel vm9, v10, v17;
	v10 =	vsel vm9, v17, v10;
	v28 =	vsel vm4, v8, v63  }
0xc9: {  	v8 =	vsel vm4, v63, v8;
	v32 =	vsel vm4, v11, v53;
	vm10 =	vgt.f32 v52, v12  }
0xca: {  	v11 =	vsel vm4, v53, v11;
	vm5 =	vgt.f32 v28, v9;
	v54 =	vsel vm10, v12, v52  }
0xcb: {  	v34 =	vld.idx.msk [tilespmem:v29+s2+$0x0], $0xffff;
	v12 =	vsel vm10, v52, v12;
	v56 =	vsel vm10, v10, v41;
	v10 =	vsel vm10, v41, v10  }
0xcc: {  	v31 =	vsel vm5, v9, v28;
	v9 =	vsel vm5, v28, v9;
	v19 =	vsel vm5, v11, v20  }
0xcd: {  	v11 =	vsel vm5, v20, v11;
	vm11 =	vgt.f32 v54, v13;
	vm6 =	vgt.f32 v31, v12  }
0xce: {  	v57 =	vsel vm11, v13, v54;
	v13 =	vsel vm11, v54, v13;
	v58 =	vsel vm11, v10, v43  }
0xcf: {  	v10 =	vsel vm11, v43, v10;
	v33 =	vsel vm6, v12, v31;
	v12 =	vsel vm6, v31, v12  }
0xd0: {  	v49 =	vld.idx.msk [tilespmem:v44+s2+$0x0], $0xffff;
	v35 =	vsel vm6, v11, v56;
	v11 =	vsel vm6, v56, v11;
	vm10 =	vgt.f32 v34, v5  }
0xd1: {  	vm12 =	vgt.f32 v57, v14;
	vm7 =	vgt.f32 v33, v13;
	v42 =	vsel vm10, v5, v34  }
0xd2: {  	v5 =	vsel vm10, v34, v5;
	v59 =	vsel vm12, v14, v57;
	v14 =	vsel vm12, v57, v14  }
0xd3: {  	v60 =	vsel vm12, v10, v45;
	v10 =	vsel vm12, v45, v10;
	v36 =	vsel vm7, v13, v33  }
0xd4: {  	v13 =	vsel vm7, v33, v13;
	v37 =	vsel vm7, v11, v58;
	v11 =	vsel vm7, v58, v11  }
0xd5: {  	vm12 =	vgt.f32 v42, v8;
	v45 =	vsel vm10, $0x12, v30;
	vm6 =	vgt.f32 v49, v5  }
0xd6: {  	vm13 =	vgt.f32 v59, v46;
	vm8 =	vgt.f32 v36, v14;
	v43 =	vsel vm12, v8, v42  }
0xd7: {  	v8 =	vsel vm12, v42, v8;
	v57 =	vsel vm6, v5, v49;
	v5 =	vsel vm6, v49, v5  }
0xd8: {  	v61 =	vsel vm13, v59, v46;
	v62 =	vsel vm13, v10, v47;
	v15 =	vsel vm13, v46, v59  }
0xd9: {  	v10 =	vsel vm13, v47, v10;
	v38 =	vsel vm8, v14, v36;
	v14 =	vsel vm8, v36, v14  }
0xda: {  	v39 =	vsel vm8, v11, v60;
	v11 =	vsel vm8, v60, v11;
	vm13 =	vgt.f32 v43, v9  }
0xdb: {  	vm8 =	vgt.f32 v57, v8;
	v59 =	vor.u32 $0x14, v3;
	v60 =	vsel vm6, $0x13, v45  }
0xdc: {  	vm15 =	vgt.f32 v15, v7;
	vm9 =	vgt.f32 v38, v61;
	v46 =	vsel vm13, v9, v43  }
0xdd: {  	v9 =	vsel vm13, v43, v9;
	v58 =	vsel vm8, v8, v57;
	v8 =	vsel vm8, v57, v8  }
0xde: {  	v7 =	vsel vm15, v15, v7;
	v6 =	vsel vm15, v10, v6;
	v40 =	vsel vm9, v38, v61  }
0xdf: {  	v41 =	vsel vm9, v11, v62;
	v16 =	vsel vm9, v61, v38;
	v11 =	vsel vm9, v62, v11  }
0xe0: {  	v10 =	vnsel vm10, $0x12, v30;
	vm14 =	vgt.f32 v46, v12;
	vm9 =	vgt.f32 v58, v9  }
0xe1: {  	v38 =	vor.u32 $0x15, v3;
	vm11 =	vgt.f32 v16, v7;
	v47 =	vsel vm12, v10, v32  }
0xe2: {  	v10 =	vsel vm12, v32, v10;
	v48 =	vsel vm14, v12, v46;
	v12 =	vsel vm14, v46, v12  }
0xe3: {  	v61 =	vsel vm9, v9, v58;
	v9 =	vsel vm9, v58, v9;
	v7 =	vsel vm11, v16, v7  }
0xe4: {  	v6 =	vsel vm11, v11, v6;
	v18 =	vsel vm13, v10, v19;
	v10 =	vsel vm13, v19, v10  }
0xe5: {  	vm15 =	vgt.f32 v48, v13;
	v11 =	vnsel vm6, $0x13, v45;
	vm10 =	vgt.f32 v61, v12  }
0xe6: {  	v50 =	vsel vm14, v10, v35;
	v51 =	vsel vm15, v13, v48;
	v10 =	vsel vm14, v35, v10  }
0xe7: {  	v13 =	vsel vm15, v48, v13;
	v62 =	vsel vm8, v11, v47;
	v11 =	vsel vm8, v47, v11  }
0xe8: {  	v63 =	vsel vm10, v12, v61;
	v12 =	vsel vm10, v61, v12;
	vm4 =	vgt.f32 v51, v14  }
0xe9: {  	v52 =	vsel vm15, v10, v37;
	v10 =	vsel vm15, v37, v10;
	v23 =	vsel vm9, v11, v18  }
0xea: {  	v11 =	vsel vm9, v18, v11;
	vm11 =	vgt.f32 v63, v13;
	v53 =	vsel vm4, v14, v51  }
0xeb: {  	v14 =	vsel vm4, v51, v14;
	v54 =	vsel vm4, v10, v39;
	v10 =	vsel vm4, v39, v10  }
0xec: {  	v29 =	vsel vm10, v11, v50;
	v30 =	vsel vm11, v13, v63;
	v11 =	vsel vm10, v50, v11  }
0xed: {  	v28 =	vld.idx.msk [tilespmem:v59+s2+$0x0], $0xffff;
	v13 =	vsel vm11, v63, v13;
	vm5 =	vgt.f32 v53, v40;
	vm12 =	vgt.f32 v30, v14  }
0xee: {  	v31 =	vsel vm11, v11, v52;
	v11 =	vsel vm11, v52, v11;
	v55 =	vsel vm5, v53, v40  }
0xef: {  	v56 =	vsel vm5, v10, v41;
	v15 =	vsel vm5, v40, v53;
	v10 =	vsel vm5, v41, v10  }
0xf0: {  	v32 =	vsel vm12, v14, v30;
	v14 =	vsel vm12, v30, v14;
	v33 =	vsel vm12, v11, v54  }
0xf1: {  	v11 =	vsel vm12, v54, v11;
	v53 =	vor.u32 $0x16, v3;
	vm7 =	vgt.f32 v15, v7  }
0xf2: {  	v43 =	vld.idx.msk [tilespmem:v38+s2+$0x0], $0xffff;
	vm13 =	vgt.f32 v32, v55;
	vm14 =	vgt.f32 v28, v5;
	v7 =	vsel vm7, v15, v7  }
0xf3: {  	v6 =	vsel vm7, v10, v6;
	v34 =	vsel vm13, v32, v55;
	v35 =	vsel vm13, v11, v56  }
0xf4: {  	v16 =	vsel vm13, v55, v32;
	v36 =	vsel vm14, v5, v28;
	v11 =	vsel vm13, v56, v11  }
0xf5: {  	v5 =	vsel vm14, v28, v5;
	v39 =	vsel vm14, $0x14, v60;
	v10 =	vnsel vm14, $0x14, v60  }
0xf6: {  	v32 =	vor.u32 $0x17, v3;
	vm15 =	vgt.f32 v16, v7;
	vm4 =	vgt.f32 v36, v8  }
0xf7: {  	vm10 =	vgt.f32 v43, v5;
	v7 =	vsel vm15, v16, v7;
	v37 =	vsel vm4, v8, v36  }
0xf8: {  	v6 =	vsel vm15, v11, v6;
	v8 =	vsel vm4, v36, v8;
	v41 =	vsel vm4, v10, v62  }
0xf9: {  	v10 =	vsel vm4, v62, v10;
	v51 =	vsel vm10, v5, v43;
	v5 =	vsel vm10, v43, v5  }
0xfa: {  	v54 =	vsel vm10, $0x15, v39;
	v11 =	vnsel vm10, $0x15, v39;
	vm5 =	vgt.f32 v37, v9  }
0xfb: {  	vm12 =	vgt.f32 v51, v8;
	v40 =	vsel vm5, v9, v37;
	v9 =	vsel vm5, v37, v9  }
0xfc: {  	v22 =	vsel vm5, v10, v23;
	v10 =	vsel vm5, v23, v10;
	v52 =	vsel vm12, v8, v51  }
0xfd: {  	v8 =	vsel vm12, v51, v8;
	v56 =	vsel vm12, v11, v41;
	vm6 =	vgt.f32 v40, v12  }
0xfe: {  	v11 =	vsel vm12, v41, v11;
	vm13 =	vgt.f32 v52, v9;
	v42 =	vsel vm6, v12, v40  }
0xff: {  	v58 =	vld.idx.msk [tilespmem:v53+s2+$0x0], $0xffff;
	v12 =	vsel vm6, v40, v12;
	v44 =	vsel vm6, v10, v29;
	v10 =	vsel vm6, v29, v10  }
0x100: {  	v55 =	vsel vm13, v9, v52;
	v9 =	vsel vm13, v52, v9;
	v21 =	vsel vm13, v11, v22  }
0x101: {  	v11 =	vsel vm13, v22, v11;
	vm7 =	vgt.f32 v42, v13;
	vm14 =	vgt.f32 v55, v12  }
0x102: {  	v45 =	vsel vm7, v13, v42;
	v13 =	vsel vm7, v42, v13;
	v46 =	vsel vm7, v10, v31  }
0x103: {  	v10 =	vsel vm7, v31, v10;
	v57 =	vsel vm14, v12, v55;
	v12 =	vsel vm14, v55, v12  }
0x104: {  	v37 =	vld.idx.msk [tilespmem:v32+s2+$0x0], $0xffff;
	v59 =	vsel vm14, v11, v44;
	v11 =	vsel vm14, v44, v11;
	vm6 =	vgt.f32 v58, v5  }
0x105: {  	vm8 =	vgt.f32 v45, v14;
	vm15 =	vgt.f32 v57, v13;
	v30 =	vsel vm6, v5, v58  }
0x106: {  	v5 =	vsel vm6, v58, v5;
	v47 =	vsel vm8, v14, v45;
	v14 =	vsel vm8, v45, v14  }
0x107: {  	v48 =	vsel vm8, v10, v33;
	v10 =	vsel vm8, v33, v10;
	v60 =	vsel vm15, v13, v57  }
0x108: {  	v13 =	vsel vm15, v57, v13;
	v61 =	vsel vm15, v11, v46;
	v11 =	vsel vm15, v46, v11  }
0x109: {  	vm8 =	vgt.f32 v30, v8;
	v33 =	vsel vm6, $0x16, v54;
	vm14 =	vgt.f32 v37, v5  }
0x10a: {  	vm9 =	vgt.f32 v47, v34;
	vm4 =	vgt.f32 v60, v14;
	v31 =	vsel vm8, v8, v30  }
0x10b: {  	v8 =	vsel vm8, v30, v8;
	v45 =	vsel vm14, v5, v37;
	v5 =	vsel vm14, v37, v5  }
0x10c: {  	v49 =	vsel vm9, v47, v34;
	v50 =	vsel vm9, v10, v35;
	v15 =	vsel vm9, v34, v47  }
0x10d: {  	v10 =	vsel vm9, v35, v10;
	v62 =	vsel vm4, v14, v60;
	v14 =	vsel vm4, v60, v14  }
0x10e: {  	v63 =	vsel vm4, v11, v48;
	v11 =	vsel vm4, v48, v11;
	vm9 =	vgt.f32 v31, v9  }
0x10f: {  	vm4 =	vgt.f32 v45, v8;
	v47 =	vor.u32 $0x18, v3;
	v48 =	vsel vm14, $0x17, v33  }
0x110: {  	vm11 =	vgt.f32 v15, v7;
	vm5 =	vgt.f32 v62, v49;
	v34 =	vsel vm9, v9, v31  }
0x111: {  	v9 =	vsel vm9, v31, v9;
	v46 =	vsel vm4, v8, v45;
	v8 =	vsel vm4, v45, v8  }
0x112: {  	v7 =	vsel vm11, v15, v7;
	v6 =	vsel vm11, v10, v6;
	v28 =	vsel vm5, v62, v49  }
0x113: {  	v29 =	vsel vm5, v11, v50;
	v16 =	vsel vm5, v49, v62;
	v11 =	vsel vm5, v50, v11  }
0x114: {  	v10 =	vnsel vm6, $0x16, v54;
	vm10 =	vgt.f32 v34, v12;
	vm5 =	vgt.f32 v46, v9  }
0x115: {  	v62 =	vor.u32 $0x19, v3;
	vm7 =	vgt.f32 v16, v7;
	v35 =	vsel vm8, v10, v56  }
0x116: {  	v10 =	vsel vm8, v56, v10;
	v36 =	vsel vm10, v12, v34;
	v12 =	vsel vm10, v34, v12  }
0x117: {  	v49 =	vsel vm5, v9, v46;
	v9 =	vsel vm5, v46, v9;
	v7 =	vsel vm7, v16, v7  }
0x118: {  	v6 =	vsel vm7, v11, v6;
	v17 =	vsel vm9, v10, v21;
	v10 =	vsel vm9, v21, v10  }
0x119: {  	vm11 =	vgt.f32 v36, v13;
	v11 =	vnsel vm14, $0x17, v33;
	vm6 =	vgt.f32 v49, v12  }
0x11a: {  	v38 =	vsel vm10, v10, v59;
	v39 =	vsel vm11, v13, v36;
	v10 =	vsel vm10, v59, v10  }
0x11b: {  	v13 =	vsel vm11, v36, v13;
	v50 =	vsel vm4, v11, v35;
	v11 =	vsel vm4, v35, v11  }
0x11c: {  	v51 =	vsel vm6, v12, v49;
	v12 =	vsel vm6, v49, v12;
	vm12 =	vgt.f32 v39, v14  }
0x11d: {  	v40 =	vsel vm11, v10, v61;
	v10 =	vsel vm11, v61, v10;
	v20 =	vsel vm5, v11, v17  }
0x11e: {  	v11 =	vsel vm5, v17, v11;
	vm7 =	vgt.f32 v51, v13;
	v41 =	vsel vm12, v14, v39  }
0x11f: {  	v14 =	vsel vm12, v39, v14;
	v42 =	vsel vm12, v10, v63;
	v10 =	vsel vm12, v63, v10  }
0x120: {  	v53 =	vsel vm6, v11, v38;
	v54 =	vsel vm7, v13, v51;
	v11 =	vsel vm6, v38, v11  }
0x121: {  	v52 =	vld.idx.msk [tilespmem:v47+s2+$0x0], $0xffff;
	v13 =	vsel vm7, v51, v13;
	vm13 =	vgt.f32 v41, v28;
	vm8 =	vgt.f32 v54, v14  }
0x122: {  	v55 =	vsel vm7, v11, v40;
	v11 =	vsel vm7, v40, v11;
	v43 =	vsel vm13, v41, v28  }
0x123: {  	v44 =	vsel vm13, v10, v29;
	v15 =	vsel vm13, v28, v41;
	v10 =	vsel vm13, v29, v10  }
0x124: {  	v56 =	vsel vm8, v14, v54;
	v14 =	vsel vm8, v54, v14;
	v57 =	vsel vm8, v11, v42  }
0x125: {  	v11 =	vsel vm8, v42, v11;
	v41 =	vor.u32 $0x1A, v3;
	vm15 =	vgt.f32 v15, v7  }
0x126: {  	v31 =	vld.idx.msk [tilespmem:v62+s2+$0x0], $0xffff;
	vm9 =	vgt.f32 v56, v43;
	vm10 =	vgt.f32 v52, v5;
	v7 =	vsel vm15, v15, v7  }
0x127: {  	v6 =	vsel vm15, v10, v6;
	v58 =	vsel vm9, v56, v43;
	v59 =	vsel vm9, v11, v44  }
0x128: {  	v16 =	vsel vm9, v43, v56;
	v60 =	vsel vm10, v5, v52;
	v11 =	vsel vm9, v44, v11  }
0x129: {  	v5 =	vsel vm10, v52, v5;
	v63 =	vsel vm10, $0x18, v48;
	v10 =	vnsel vm10, $0x18, v48  }
0x12a: {  	v56 =	vor.u32 $0x1B, v3;
	vm11 =	vgt.f32 v16, v7;
	vm12 =	vgt.f32 v60, v8  }
0x12b: {  	vm6 =	vgt.f32 v31, v5;
	v7 =	vsel vm11, v16, v7;
	v61 =	vsel vm12, v8, v60  }
0x12c: {  	v6 =	vsel vm11, v11, v6;
	v8 =	vsel vm12, v60, v8;
	v29 =	vsel vm12, v10, v50  }
0x12d: {  	v10 =	vsel vm12, v50, v10;
	v39 =	vsel vm6, v5, v31;
	v5 =	vsel vm6, v31, v5  }
0x12e: {  	v42 =	vsel vm6, $0x19, v63;
	v11 =	vnsel vm6, $0x19, v63;
	vm13 =	vgt.f32 v61, v9  }
0x12f: {  	vm8 =	vgt.f32 v39, v8;
	v28 =	vsel vm13, v9, v61;
	v9 =	vsel vm13, v61, v9  }
0x130: {  	v19 =	vsel vm13, v10, v20;
	v10 =	vsel vm13, v20, v10;
	v40 =	vsel vm8, v8, v39  }
0x131: {  	v8 =	vsel vm8, v39, v8;
	v44 =	vsel vm8, v11, v29;
	vm14 =	vgt.f32 v28, v12  }
0x132: {  	v11 =	vsel vm8, v29, v11;
	vm9 =	vgt.f32 v40, v9;
	v30 =	vsel vm14, v12, v28  }
0x133: {  	v46 =	vld.idx.msk [tilespmem:v41+s2+$0x0], $0xffff;
	v12 =	vsel vm14, v28, v12;
	v32 =	vsel vm14, v10, v53;
	v10 =	vsel vm14, v53, v10  }
0x134: {  	v43 =	vsel vm9, v9, v40;
	v9 =	vsel vm9, v40, v9;
	v18 =	vsel vm9, v11, v19  }
0x135: {  	v11 =	vsel vm9, v19, v11;
	vm15 =	vgt.f32 v30, v13;
	vm10 =	vgt.f32 v43, v12  }
0x136: {  	v33 =	vsel vm15, v13, v30;
	v13 =	vsel vm15, v30, v13;
	v34 =	vsel vm15, v10, v55  }
0x137: {  	v10 =	vsel vm15, v55, v10;
	v45 =	vsel vm10, v12, v43;
	v12 =	vsel vm10, v43, v12  }
0x138: {  	v61 =	vld.idx.msk [tilespmem:v56+s2+$0x0], $0xffff;
	v47 =	vsel vm10, v11, v32;
	v11 =	vsel vm10, v32, v11;
	vm14 =	vgt.f32 v46, v5  }
0x139: {  	vm4 =	vgt.f32 v33, v14;
	vm11 =	vgt.f32 v45, v13;
	v54 =	vsel vm14, v5, v46  }
0x13a: {  	v5 =	vsel vm14, v46, v5;
	v35 =	vsel vm4, v14, v33;
	v14 =	vsel vm4, v33, v14  }
0x13b: {  	v36 =	vsel vm4, v10, v57;
	v10 =	vsel vm4, v57, v10;
	v48 =	vsel vm11, v13, v45  }
0x13c: {  	v13 =	vsel vm11, v45, v13;
	v49 =	vsel vm11, v11, v34;
	v11 =	vsel vm11, v34, v11  }
0x13d: {  	vm4 =	vgt.f32 v54, v8;
	v57 =	vsel vm14, $0x1A, v42;
	vm10 =	vgt.f32 v61, v5  }
0x13e: {  	vm5 =	vgt.f32 v35, v58;
	vm12 =	vgt.f32 v48, v14;
	v55 =	vsel vm4, v8, v54  }
0x13f: {  	v8 =	vsel vm4, v54, v8;
	v33 =	vsel vm10, v5, v61;
	v5 =	vsel vm10, v61, v5  }
0x140: {  	v37 =	vsel vm5, v35, v58;
	v38 =	vsel vm5, v10, v59;
	v15 =	vsel vm5, v58, v35  }
0x141: {  	v10 =	vsel vm5, v59, v10;
	v50 =	vsel vm12, v14, v48;
	v14 =	vsel vm12, v48, v14  }
0x142: {  	v51 =	vsel vm12, v11, v36;
	v11 =	vsel vm12, v36, v11;
	vm5 =	vgt.f32 v55, v9  }
0x143: {  	vm12 =	vgt.f32 v33, v8;
	v35 =	vor.u32 $0x1C, v3;
	v36 =	vsel vm10, $0x1B, v57  }
0x144: {  	vm7 =	vgt.f32 v15, v7;
	vm13 =	vgt.f32 v50, v37;
	v58 =	vsel vm5, v9, v55  }
0x145: {  	v9 =	vsel vm5, v55, v9;
	v34 =	vsel vm12, v8, v33;
	v8 =	vsel vm12, v33, v8  }
0x146: {  	v7 =	vsel vm7, v15, v7;
	v6 =	vsel vm7, v10, v6;
	v52 =	vsel vm13, v50, v37  }
0x147: {  	v53 =	vsel vm13, v11, v38;
	v16 =	vsel vm13, v37, v50;
	v11 =	vsel vm13, v38, v11  }
0x148: {  	v10 =	vnsel vm14, $0x1A, v42;
	vm6 =	vgt.f32 v58, v12;
	vm13 =	vgt.f32 v34, v9  }
0x149: {  	v50 =	vor.u32 $0x1D, v3;
	vm15 =	vgt.f32 v16, v7;
	v59 =	vsel vm4, v10, v44  }
0x14a: {  	v10 =	vsel vm4, v44, v10;
	v60 =	vsel vm6, v12, v58;
	v12 =	vsel vm6, v58, v12  }
0x14b: {  	v37 =	vsel vm13, v9, v34;
	v9 =	vsel vm13, v34, v9;
	v7 =	vsel vm15, v16, v7  }
0x14c: {  	v6 =	vsel vm15, v11, v6;
	v23 =	vsel vm5, v10, v18;
	v10 =	vsel vm5, v18, v10  }
0x14d: {  	vm7 =	vgt.f32 v60, v13;
	v11 =	vnsel vm10, $0x1B, v57;
	vm14 =	vgt.f32 v37, v12  }
0x14e: {  	v62 =	vsel vm6, v10, v47;
	v63 =	vsel vm7, v13, v60;
	v10 =	vsel vm6, v47, v10  }
0x14f: {  	v13 =	vsel vm7, v60, v13;
	v38 =	vsel vm12, v11, v59;
	v11 =	vsel vm12, v59, v11  }
0x150: {  	v39 =	vsel vm14, v12, v37;
	v12 =	vsel vm14, v37, v12;
	vm8 =	vgt.f32 v63, v14  }
0x151: {  	v28 =	vsel vm7, v10, v49;
	v10 =	vsel vm7, v49, v10;
	v22 =	vsel vm13, v11, v23  }
0x152: {  	v11 =	vsel vm13, v23, v11;
	vm15 =	vgt.f32 v39, v13;
	v29 =	vsel vm8, v14, v63  }
0x153: {  	v14 =	vsel vm8, v63, v14;
	v30 =	vsel vm8, v10, v51;
	v10 =	vsel vm8, v51, v10  }
0x154: {  	v41 =	vsel vm14, v11, v62;
	v42 =	vsel vm15, v13, v39;
	v11 =	vsel vm14, v62, v11  }
0x155: {  	v40 =	vld.idx.msk [tilespmem:v35+s2+$0x0], $0xffff;
	v13 =	vsel vm15, v39, v13;
	vm9 =	vgt.f32 v29, v52;
	vm4 =	vgt.f32 v42, v14  }
0x156: {  	v43 =	vsel vm15, v11, v28;
	v11 =	vsel vm15, v28, v11;
	v31 =	vsel vm9, v29, v52  }
0x157: {  	v32 =	vsel vm9, v10, v53;
	v15 =	vsel vm9, v52, v29;
	v10 =	vsel vm9, v53, v10  }
0x158: {  	v44 =	vsel vm4, v14, v42;
	v14 =	vsel vm4, v42, v14;
	v45 =	vsel vm4, v11, v30  }
0x159: {  	v11 =	vsel vm4, v30, v11;
	v29 =	vor.u32 $0x1E, v3;
	vm11 =	vgt.f32 v15, v7  }
0x15a: {  	v55 =	vld.idx.msk [tilespmem:v50+s2+$0x0], $0xffff;
	vm5 =	vgt.f32 v44, v31;
	vm6 =	vgt.f32 v40, v5;
	v7 =	vsel vm11, v15, v7  }
0x15b: {  	v6 =	vsel vm11, v10, v6;
	v46 =	vsel vm5, v44, v31;
	v47 =	vsel vm5, v11, v32  }
0x15c: {  	v16 =	vsel vm5, v31, v44;
	v48 =	vsel vm6, v5, v40;
	v11 =	vsel vm5, v32, v11  }
0x15d: {  	v5 =	vsel vm6, v40, v5;
	v51 =	vsel vm6, $0x1C, v36;
	v10 =	vnsel vm6, $0x1C, v36  }
0x15e: {  	v44 =	vor.u32 $0x1F, v3;
	vm7 =	vgt.f32 v16, v7;
	vm8 =	vgt.f32 v48, v8  }
0x15f: {  	vm14 =	vgt.f32 v55, v5;
	v7 =	vsel vm7, v16, v7;
	v49 =	vsel vm8, v8, v48  }
0x160: {  	v6 =	vsel vm7, v11, v6;
	v8 =	vsel vm8, v48, v8;
	v53 =	vsel vm8, v10, v38  }
0x161: {  	v10 =	vsel vm8, v38, v10;
	v63 =	vsel vm14, v5, v55;
	v5 =	vsel vm14, v55, v5  }
0x162: {  	v30 =	vsel vm14, $0x1D, v51;
	v11 =	vnsel vm14, $0x1D, v51;
	vm9 =	vgt.f32 v49, v9  }
0x163: {  	vm4 =	vgt.f32 v63, v8;
	v52 =	vsel vm9, v9, v49;
	v9 =	vsel vm9, v49, v9  }
0x164: {  	v21 =	vsel vm9, v10, v22;
	v10 =	vsel vm9, v22, v10;
	v28 =	vsel vm4, v8, v63  }
0x165: {  	v8 =	vsel vm4, v63, v8;
	v32 =	vsel vm4, v11, v53;
	vm10 =	vgt.f32 v52, v12  }
0x166: {  	v11 =	vsel vm4, v53, v11;
	vm5 =	vgt.f32 v28, v9;
	v54 =	vsel vm10, v12, v52  }
0x167: {  	v34 =	vld.idx.msk [tilespmem:v29+s2+$0x0], $0xffff;
	v12 =	vsel vm10, v52, v12;
	v56 =	vsel vm10, v10, v41;
	v10 =	vsel vm10, v41, v10  }
0x168: {  	v31 =	vsel vm5, v9, v28;
	v9 =	vsel vm5, v28, v9;
	v17 =	vsel vm5, v11, v21  }
0x169: {  	v11 =	vsel vm5, v21, v11;
	vm11 =	vgt.f32 v54, v13;
	vm6 =	vgt.f32 v31, v12  }
0x16a: {  	v57 =	vsel vm11, v13, v54;
	v13 =	vsel vm11, v54, v13;
	v58 =	vsel vm11, v10, v43  }
0x16b: {  	v10 =	vsel vm11, v43, v10;
	v33 =	vsel vm6, v12, v31;
	v12 =	vsel vm6, v31, v12  }
0x16c: {  	v49 =	vld.idx.msk [tilespmem:v44+s2+$0x0], $0xffff;
	v35 =	vsel vm6, v11, v56;
	v11 =	vsel vm6, v56, v11;
	vm10 =	vgt.f32 v34, v5  }
0x16d: {  	vm12 =	vgt.f32 v57, v14;
	vm7 =	vgt.f32 v33, v13;
	v42 =	vsel vm10, v5, v34  }
0x16e: {  	v5 =	vsel vm10, v34, v5;
	v59 =	vsel vm12, v14, v57;
	v14 =	vsel vm12, v57, v14  }
0x16f: {  	v60 =	vsel vm12, v10, v45;
	v10 =	vsel vm12, v45, v10;
	v36 =	vsel vm7, v13, v33  }
0x170: {  	v13 =	vsel vm7, v33, v13;
	v37 =	vsel vm7, v11, v58;
	v11 =	vsel vm7, v58, v11  }
0x171: {  	vm12 =	vgt.f32 v42, v8;
	v45 =	vsel vm10, $0x1E, v30;
	vm6 =	vgt.f32 v49, v5  }
0x172: {  	vm13 =	vgt.f32 v59, v46;
	vm8 =	vgt.f32 v36, v14;
	v43 =	vsel vm12, v8, v42  }
0x173: {  	v8 =	vsel vm12, v42, v8;
	v57 =	vsel vm6, v5, v49;
	v5 =	vsel vm6, v49, v5  }
0x174: {  	v61 =	vsel vm13, v59, v46;
	v62 =	vsel vm13, v10, v47;
	v15 =	vsel vm13, v46, v59  }
0x175: {  	v10 =	vsel vm13, v47, v10;
	v38 =	vsel vm8, v14, v36;
	v14 =	vsel vm8, v36, v14  }
0x176: {  	v39 =	vsel vm8, v11, v60;
	v11 =	vsel vm8, v60, v11;
	vm13 =	vgt.f32 v43, v9  }
0x177: {  	vm8 =	vgt.f32 v57, v8;
	v59 =	vor.u32 $0x20, v3;
	v60 =	vsel vm6, $0x1F, v45  }
0x178: {  	vm15 =	vgt.f32 v15, v7;
	vm9 =	vgt.f32 v38, v61;
	v46 =	vsel vm13, v9, v43  }
0x179: {  	v9 =	vsel vm13, v43, v9;
	v58 =	vsel vm8, v8, v57;
	v8 =	vsel vm8, v57, v8  }
0x17a: {  	v7 =	vsel vm15, v15, v7;
	v6 =	vsel vm15, v10, v6;
	v40 =	vsel vm9, v38, v61  }
0x17b: {  	v41 =	vsel vm9, v11, v62;
	v16 =	vsel vm9, v61, v38;
	v11 =	vsel vm9, v62, v11  }
0x17c: {  	v10 =	vnsel vm10, $0x1E, v30;
	vm14 =	vgt.f32 v46, v12;
	vm9 =	vgt.f32 v58, v9  }
0x17d: {  	v38 =	vor.u32 $0x21, v3;
	vm11 =	vgt.f32 v16, v7;
	v47 =	vsel vm12, v10, v32  }
0x17e: {  	v10 =	vsel vm12, v32, v10;
	v48 =	vsel vm14, v12, v46;
	v12 =	vsel vm14, v46, v12  }
0x17f: {  	v61 =	vsel vm9, v9, v58;
	v9 =	vsel vm9, v58, v9;
	v7 =	vsel vm11, v16, v7  }
0x180: {  	v6 =	vsel vm11, v11, v6;
	v20 =	vsel vm13, v10, v17;
	v10 =	vsel vm13, v17, v10  }
0x181: {  	vm15 =	vgt.f32 v48, v13;
	v11 =	vnsel vm6, $0x1F, v45;
	vm10 =	vgt.f32 v61, v12  }
0x182: {  	v50 =	vsel vm14, v10, v35;
	v51 =	vsel vm15, v13, v48;
	v10 =	vsel vm14, v35, v10  }
0x183: {  	v13 =	vsel vm15, v48, v13;
	v62 =	vsel vm8, v11, v47;
	v11 =	vsel vm8, v47, v11  }
0x184: {  	v63 =	vsel vm10, v12, v61;
	v12 =	vsel vm10, v61, v12;
	vm4 =	vgt.f32 v51, v14  }
0x185: {  	v52 =	vsel vm15, v10, v37;
	v10 =	vsel vm15, v37, v10;
	v19 =	vsel vm9, v11, v20  }
0x186: {  	v11 =	vsel vm9, v20, v11;
	vm11 =	vgt.f32 v63, v13;
	v53 =	vsel vm4, v14, v51  }
0x187: {  	v14 =	vsel vm4, v51, v14;
	v54 =	vsel vm4, v10, v39;
	v10 =	vsel vm4, v39, v10  }
0x188: {  	v29 =	vsel vm10, v11, v50;
	v30 =	vsel vm11, v13, v63;
	v11 =	vsel vm10, v50, v11  }
0x189: {  	v28 =	vld.idx.msk [tilespmem:v59+s2+$0x0], $0xffff;
	v13 =	vsel vm11, v63, v13;
	vm5 =	vgt.f32 v53, v40;
	vm12 =	vgt.f32 v30, v14  }
0x18a: {  	v31 =	vsel vm11, v11, v52;
	v11 =	vsel vm11, v52, v11;
	v55 =	vsel vm5, v53, v40  }
0x18b: {  	v56 =	vsel vm5, v10, v41;
	v15 =	vsel vm5, v40, v53;
	v10 =	vsel vm5, v41, v10  }
0x18c: {  	v32 =	vsel vm12, v14, v30;
	v14 =	vsel vm12, v30, v14;
	v33 =	vsel vm12, v11, v54  }
0x18d: {  	v11 =	vsel vm12, v54, v11;
	v53 =	vor.u32 $0x22, v3;
	vm7 =	vgt.f32 v15, v7  }
0x18e: {  	v43 =	vld.idx.msk [tilespmem:v38+s2+$0x0], $0xffff;
	vm13 =	vgt.f32 v32, v55;
	vm14 =	vgt.f32 v28, v5;
	v7 =	vsel vm7, v15, v7  }
0x18f: {  	v6 =	vsel vm7, v10, v6;
	v34 =	vsel vm13, v32, v55;
	v35 =	vsel vm13, v11, v56  }
0x190: {  	v16 =	vsel vm13, v55, v32;
	v36 =	vsel vm14, v5, v28;
	v11 =	vsel vm13, v56, v11  }
0x191: {  	v5 =	vsel vm14, v28, v5;
	v39 =	vsel vm14, $0x20, v60;
	v10 =	vnsel vm14, $0x20, v60  }
0x192: {  	v32 =	vor.u32 $0x23, v3;
	vm15 =	vgt.f32 v16, v7;
	vm4 =	vgt.f32 v36, v8  }
0x193: {  	vm10 =	vgt.f32 v43, v5;
	v7 =	vsel vm15, v16, v7;
	v37 =	vsel vm4, v8, v36  }
0x194: {  	v6 =	vsel vm15, v11, v6;
	v8 =	vsel vm4, v36, v8;
	v41 =	vsel vm4, v10, v62  }
0x195: {  	v10 =	vsel vm4, v62, v10;
	v51 =	vsel vm10, v5, v43;
	v5 =	vsel vm10, v43, v5  }
0x196: {  	v54 =	vsel vm10, $0x21, v39;
	v11 =	vnsel vm10, $0x21, v39;
	vm5 =	vgt.f32 v37, v9  }
0x197: {  	vm12 =	vgt.f32 v51, v8;
	v40 =	vsel vm5, v9, v37;
	v9 =	vsel vm5, v37, v9  }
0x198: {  	v18 =	vsel vm5, v10, v19;
	v10 =	vsel vm5, v19, v10;
	v52 =	vsel vm12, v8, v51  }
0x199: {  	v8 =	vsel vm12, v51, v8;
	v56 =	vsel vm12, v11, v41;
	vm6 =	vgt.f32 v40, v12  }
0x19a: {  	v11 =	vsel vm12, v41, v11;
	vm13 =	vgt.f32 v52, v9;
	v42 =	vsel vm6, v12, v40  }
0x19b: {  	v58 =	vld.idx.msk [tilespmem:v53+s2+$0x0], $0xffff;
	v12 =	vsel vm6, v40, v12;
	v44 =	vsel vm6, v10, v29;
	v10 =	vsel vm6, v29, v10  }
0x19c: {  	v55 =	vsel vm13, v9, v52;
	v9 =	vsel vm13, v52, v9;
	v23 =	vsel vm13, v11, v18  }
0x19d: {  	v11 =	vsel vm13, v18, v11;
	vm7 =	vgt.f32 v42, v13;
	vm14 =	vgt.f32 v55, v12  }
0x19e: {  	v45 =	vsel vm7, v13, v42;
	v13 =	vsel vm7, v42, v13;
	v46 =	vsel vm7, v10, v31  }
0x19f: {  	v10 =	vsel vm7, v31, v10;
	v57 =	vsel vm14, v12, v55;
	v12 =	vsel vm14, v55, v12  }
0x1a0: {  	v37 =	vld.idx.msk [tilespmem:v32+s2+$0x0], $0xffff;
	v59 =	vsel vm14, v11, v44;
	v11 =	vsel vm14, v44, v11;
	vm6 =	vgt.f32 v58, v5  }
0x1a1: {  	vm8 =	vgt.f32 v45, v14;
	vm15 =	vgt.f32 v57, v13;
	v30 =	vsel vm6, v5, v58  }
0x1a2: {  	v5 =	vsel vm6, v58, v5;
	v47 =	vsel vm8, v14, v45;
	v14 =	vsel vm8, v45, v14  }
0x1a3: {  	v48 =	vsel vm8, v10, v33;
	v10 =	vsel vm8, v33, v10;
	v60 =	vsel vm15, v13, v57  }
0x1a4: {  	v13 =	vsel vm15, v57, v13;
	v61 =	vsel vm15, v11, v46;
	v11 =	vsel vm15, v46, v11  }
0x1a5: {  	vm8 =	vgt.f32 v30, v8;
	v33 =	vsel vm6, $0x22, v54;
	vm14 =	vgt.f32 v37, v5  }
0x1a6: {  	vm9 =	vgt.f32 v47, v34;
	vm4 =	vgt.f32 v60, v14;
	v31 =	vsel vm8, v8, v30  }
0x1a7: {  	v8 =	vsel vm8, v30, v8;
	v45 =	vsel vm14, v5, v37;
	v5 =	vsel vm14, v37, v5  }
0x1a8: {  	v49 =	vsel vm9, v47, v34;
	v50 =	vsel vm9, v10, v35;
	v15 =	vsel vm9, v34, v47  }
0x1a9: {  	v10 =	vsel vm9, v35, v10;
	v62 =	vsel vm4, v14, v60;
	v14 =	vsel vm4, v60, v14  }
0x1aa: {  	v63 =	vsel vm4, v11, v48;
	v11 =	vsel vm4, v48, v11;
	vm9 =	vgt.f32 v31, v9  }
0x1ab: {  	vm4 =	vgt.f32 v45, v8;
	v47 =	vor.u32 $0x24, v3;
	v48 =	vsel vm14, $0x23, v33  }
0x1ac: {  	vm11 =	vgt.f32 v15, v7;
	vm5 =	vgt.f32 v62, v49;
	v34 =	vsel vm9, v9, v31  }
0x1ad: {  	v9 =	vsel vm9, v31, v9;
	v46 =	vsel vm4, v8, v45;
	v8 =	vsel vm4, v45, v8  }
0x1ae: {  	v7 =	vsel vm11, v15, v7;
	v6 =	vsel vm11, v10, v6;
	v28 =	vsel vm5, v62, v49  }
0x1af: {  	v29 =	vsel vm5, v11, v50;
	v16 =	vsel vm5, v49, v62;
	v11 =	vsel vm5, v50, v11  }
0x1b0: {  	v10 =	vnsel vm6, $0x22, v54;
	vm10 =	vgt.f32 v34, v12;
	vm5 =	vgt.f32 v46, v9  }
0x1b1: {  	v62 =	vor.u32 $0x25, v3;
	vm7 =	vgt.f32 v16, v7;
	v35 =	vsel vm8, v10, v56  }
0x1b2: {  	v10 =	vsel vm8, v56, v10;
	v36 =	vsel vm10, v12, v34;
	v12 =	vsel vm10, v34, v12  }
0x1b3: {  	v49 =	vsel vm5, v9, v46;
	v9 =	vsel vm5, v46, v9;
	v7 =	vsel vm7, v16, v7  }
0x1b4: {  	v6 =	vsel vm7, v11, v6;
	v22 =	vsel vm9, v10, v23;
	v10 =	vsel vm9, v23, v10  }
0x1b5: {  	vm11 =	vgt.f32 v36, v13;
	v11 =	vnsel vm14, $0x23, v33;
	vm6 =	vgt.f32 v49, v12  }
0x1b6: {  	v38 =	vsel vm10, v10, v59;
	v39 =	vsel vm11, v13, v36;
	v10 =	vsel vm10, v59, v10  }
0x1b7: {  	v13 =	vsel vm11, v36, v13;
	v50 =	vsel vm4, v11, v35;
	v11 =	vsel vm4, v35, v11  }
0x1b8: {  	v51 =	vsel vm6, v12, v49;
	v12 =	vsel vm6, v49, v12;
	vm12 =	vgt.f32 v39, v14  }
0x1b9: {  	v40 =	vsel vm11, v10, v61;
	v10 =	vsel vm11, v61, v10;
	v21 =	vsel vm5, v11, v22  }
0x1ba: {  	v11 =	vsel vm5, v22, v11;
	vm7 =	vgt.f32 v51, v13;
	v41 =	vsel vm12, v14, v39  }
0x1bb: {  	v14 =	vsel vm12, v39, v14;
	v42 =	vsel vm12, v10, v63;
	v10 =	vsel vm12, v63, v10  }
0x1bc: {  	v53 =	vsel vm6, v11, v38;
	v54 =	vsel vm7, v13, v51;
	v11 =	vsel vm6, v38, v11  }
0x1bd: {  	v52 =	vld.idx.msk [tilespmem:v47+s2+$0x0], $0xffff;
	v13 =	vsel vm7, v51, v13;
	vm13 =	vgt.f32 v41, v28;
	vm8 =	vgt.f32 v54, v14  }
0x1be: {  	v55 =	vsel vm7, v11, v40;
	v11 =	vsel vm7, v40, v11;
	v43 =	vsel vm13, v41, v28  }
0x1bf: {  	v44 =	vsel vm13, v10, v29;
	v15 =	vsel vm13, v28, v41;
	v10 =	vsel vm13, v29, v10  }
0x1c0: {  	v56 =	vsel vm8, v14, v54;
	v14 =	vsel vm8, v54, v14;
	v57 =	vsel vm8, v11, v42  }
0x1c1: {  	v11 =	vsel vm8, v42, v11;
	v41 =	vor.u32 $0x26, v3;
	vm15 =	vgt.f32 v15, v7  }
0x1c2: {  	v31 =	vld.idx.msk [tilespmem:v62+s2+$0x0], $0xffff;
	vm9 =	vgt.f32 v56, v43;
	vm10 =	vgt.f32 v52, v5;
	v7 =	vsel vm15, v15, v7  }
0x1c3: {  	v6 =	vsel vm15, v10, v6;
	v58 =	vsel vm9, v56, v43;
	v59 =	vsel vm9, v11, v44  }
0x1c4: {  	v16 =	vsel vm9, v43, v56;
	v60 =	vsel vm10, v5, v52;
	v11 =	vsel vm9, v44, v11  }
0x1c5: {  	v5 =	vsel vm10, v52, v5;
	v63 =	vsel vm10, $0x24, v48;
	v10 =	vnsel vm10, $0x24, v48  }
0x1c6: {  	v56 =	vor.u32 $0x27, v3;
	vm11 =	vgt.f32 v16, v7;
	vm12 =	vgt.f32 v60, v8  }
0x1c7: {  	vm6 =	vgt.f32 v31, v5;
	v7 =	vsel vm11, v16, v7;
	v61 =	vsel vm12, v8, v60  }
0x1c8: {  	v6 =	vsel vm11, v11, v6;
	v8 =	vsel vm12, v60, v8;
	v29 =	vsel vm12, v10, v50  }
0x1c9: {  	v10 =	vsel vm12, v50, v10;
	v39 =	vsel vm6, v5, v31;
	v5 =	vsel vm6, v31, v5  }
0x1ca: {  	v42 =	vsel vm6, $0x25, v63;
	v11 =	vnsel vm6, $0x25, v63;
	vm13 =	vgt.f32 v61, v9  }
0x1cb: {  	vm8 =	vgt.f32 v39, v8;
	v28 =	vsel vm13, v9, v61;
	v9 =	vsel vm13, v61, v9  }
0x1cc: {  	v17 =	vsel vm13, v10, v21;
	v10 =	vsel vm13, v21, v10;
	v40 =	vsel vm8, v8, v39  }
0x1cd: {  	v8 =	vsel vm8, v39, v8;
	v44 =	vsel vm8, v11, v29;
	vm14 =	vgt.f32 v28, v12  }
0x1ce: {  	v11 =	vsel vm8, v29, v11;
	vm9 =	vgt.f32 v40, v9;
	v30 =	vsel vm14, v12, v28  }
0x1cf: {  	v46 =	vld.idx.msk [tilespmem:v41+s2+$0x0], $0xffff;
	v12 =	vsel vm14, v28, v12;
	v32 =	vsel vm14, v10, v53;
	v10 =	vsel vm14, v53, v10  }
0x1d0: {  	v43 =	vsel vm9, v9, v40;
	v9 =	vsel vm9, v40, v9;
	v20 =	vsel vm9, v11, v17  }
0x1d1: {  	v11 =	vsel vm9, v17, v11;
	vm15 =	vgt.f32 v30, v13;
	vm10 =	vgt.f32 v43, v12  }
0x1d2: {  	v33 =	vsel vm15, v13, v30;
	v13 =	vsel vm15, v30, v13;
	v34 =	vsel vm15, v10, v55  }
0x1d3: {  	v10 =	vsel vm15, v55, v10;
	v45 =	vsel vm10, v12, v43;
	v12 =	vsel vm10, v43, v12  }
0x1d4: {  	v61 =	vld.idx.msk [tilespmem:v56+s2+$0x0], $0xffff;
	v47 =	vsel vm10, v11, v32;
	v11 =	vsel vm10, v32, v11;
	vm14 =	vgt.f32 v46, v5  }
0x1d5: {  	vm4 =	vgt.f32 v33, v14;
	vm11 =	vgt.f32 v45, v13;
	v54 =	vsel vm14, v5, v46  }
0x1d6: {  	v5 =	vsel vm14, v46, v5;
	v35 =	vsel vm4, v14, v33;
	v14 =	vsel vm4, v33, v14  }
0x1d7: {  	v36 =	vsel vm4, v10, v57;
	v10 =	vsel vm4, v57, v10;
	v48 =	vsel vm11, v13, v45  }
0x1d8: {  	v13 =	vsel vm11, v45, v13;
	v49 =	vsel vm11, v11, v34;
	v11 =	vsel vm11, v34, v11  }
0x1d9: {  	vm4 =	vgt.f32 v54, v8;
	v57 =	vsel vm14, $0x26, v42;
	vm10 =	vgt.f32 v61, v5  }
0x1da: {  	vm5 =	vgt.f32 v35, v58;
	vm12 =	vgt.f32 v48, v14;
	v55 =	vsel vm4, v8, v54  }
0x1db: {  	v8 =	vsel vm4, v54, v8;
	v33 =	vsel vm10, v5, v61;
	v5 =	vsel vm10, v61, v5  }
0x1dc: {  	v37 =	vsel vm5, v35, v58;
	v38 =	vsel vm5, v10, v59;
	v15 =	vsel vm5, v58, v35  }
0x1dd: {  	v10 =	vsel vm5, v59, v10;
	v50 =	vsel vm12, v14, v48;
	v14 =	vsel vm12, v48, v14  }
0x1de: {  	v51 =	vsel vm12, v11, v36;
	v11 =	vsel vm12, v36, v11;
	vm5 =	vgt.f32 v55, v9  }
0x1df: {  	vm12 =	vgt.f32 v33, v8;
	v35 =	vor.u32 $0x28, v3;
	v36 =	vsel vm10, $0x27, v57  }
0x1e0: {  	vm7 =	vgt.f32 v15, v7;
	vm13 =	vgt.f32 v50, v37;
	v58 =	vsel vm5, v9, v55  }
0x1e1: {  	v9 =	vsel vm5, v55, v9;
	v34 =	vsel vm12, v8, v33;
	v8 =	vsel vm12, v33, v8  }
0x1e2: {  	v7 =	vsel vm7, v15, v7;
	v6 =	vsel vm7, v10, v6;
	v52 =	vsel vm13, v50, v37  }
0x1e3: {  	v53 =	vsel vm13, v11, v38;
	v16 =	vsel vm13, v37, v50;
	v11 =	vsel vm13, v38, v11  }
0x1e4: {  	v10 =	vnsel vm14, $0x26, v42;
	vm6 =	vgt.f32 v58, v12;
	vm13 =	vgt.f32 v34, v9  }
0x1e5: {  	v50 =	vor.u32 $0x29, v3;
	vm15 =	vgt.f32 v16, v7;
	v59 =	vsel vm4, v10, v44  }
0x1e6: {  	v10 =	vsel vm4, v44, v10;
	v60 =	vsel vm6, v12, v58;
	v12 =	vsel vm6, v58, v12  }
0x1e7: {  	v37 =	vsel vm13, v9, v34;
	v9 =	vsel vm13, v34, v9;
	v7 =	vsel vm15, v16, v7  }
0x1e8: {  	v6 =	vsel vm15, v11, v6;
	v19 =	vsel vm5, v10, v20;
	v10 =	vsel vm5, v20, v10  }
0x1e9: {  	vm7 =	vgt.f32 v60, v13;
	v11 =	vnsel vm10, $0x27, v57;
	vm14 =	vgt.f32 v37, v12  }
0x1ea: {  	v62 =	vsel vm6, v10, v47;
	v63 =	vsel vm7, v13, v60;
	v10 =	vsel vm6, v47, v10  }
0x1eb: {  	v13 =	vsel vm7, v60, v13;
	v38 =	vsel vm12, v11, v59;
	v11 =	vsel vm12, v59, v11  }
0x1ec: {  	v39 =	vsel vm14, v12, v37;
	v12 =	vsel vm14, v37, v12;
	vm8 =	vgt.f32 v63, v14  }
0x1ed: {  	v28 =	vsel vm7, v10, v49;
	v10 =	vsel vm7, v49, v10;
	v18 =	vsel vm13, v11, v19  }
0x1ee: {  	v11 =	vsel vm13, v19, v11;
	vm15 =	vgt.f32 v39, v13;
	v29 =	vsel vm8, v14, v63  }
0x1ef: {  	v14 =	vsel vm8, v63, v14;
	v30 =	vsel vm8, v10, v51;
	v10 =	vsel vm8, v51, v10  }
0x1f0: {  	v41 =	vsel vm14, v11, v62;
	v42 =	vsel vm15, v13, v39;
	v11 =	vsel vm14, v62, v11  }
0x1f1: {  	v40 =	vld.idx.msk [tilespmem:v35+s2+$0x0], $0xffff;
	v13 =	vsel vm15, v39, v13;
	vm9 =	vgt.f32 v29, v52;
	vm4 =	vgt.f32 v42, v14  }
0x1f2: {  	v43 =	vsel vm15, v11, v28;
	v11 =	vsel vm15, v28, v11;
	v31 =	vsel vm9, v29, v52  }
0x1f3: {  	v32 =	vsel vm9, v10, v53;
	v15 =	vsel vm9, v52, v29;
	v10 =	vsel vm9, v53, v10  }
0x1f4: {  	v44 =	vsel vm4, v14, v42;
	v14 =	vsel vm4, v42, v14;
	v45 =	vsel vm4, v11, v30  }
0x1f5: {  	v11 =	vsel vm4, v30, v11;
	v29 =	vor.u32 $0x2A, v3;
	vm11 =	vgt.f32 v15, v7  }
0x1f6: {  	v55 =	vld.idx.msk [tilespmem:v50+s2+$0x0], $0xffff;
	vm5 =	vgt.f32 v44, v31;
	vm6 =	vgt.f32 v40, v5;
	v7 =	vsel vm11, v15, v7  }
0x1f7: {  	v6 =	vsel vm11, v10, v6;
	v46 =	vsel vm5, v44, v31;
	v47 =	vsel vm5, v11, v32  }
0x1f8: {  	v16 =	vsel vm5, v31, v44;
	v48 =	vsel vm6, v5, v40;
	v11 =	vsel vm5, v32, v11  }
0x1f9: {  	v5 =	vsel vm6, v40, v5;
	v51 =	vsel vm6, $0x28, v36;
	v10 =	vnsel vm6, $0x28, v36  }
0x1fa: {  	v44 =	vor.u32 $0x2B, v3;
	vm7 =	vgt.f32 v16, v7;
	vm8 =	vgt.f32 v48, v8  }
0x1fb: {  	vm14 =	vgt.f32 v55, v5;
	v7 =	vsel vm7, v16, v7;
	v49 =	vsel vm8, v8, v48  }
0x1fc: {  	v6 =	vsel vm7, v11, v6;
	v8 =	vsel vm8, v48, v8;
	v53 =	vsel vm8, v10, v38  }
0x1fd: {  	v10 =	vsel vm8, v38, v10;
	v63 =	vsel vm14, v5, v55;
	v5 =	vsel vm14, v55, v5  }
0x1fe: {  	v30 =	vsel vm14, $0x29, v51;
	v11 =	vnsel vm14, $0x29, v51;
	vm9 =	vgt.f32 v49, v9  }
0x1ff: {  	vm4 =	vgt.f32 v63, v8;
	v52 =	vsel vm9, v9, v49;
	v9 =	vsel vm9, v49, v9  }
0x200: {  	v23 =	vsel vm9, v10, v18;
	v10 =	vsel vm9, v18, v10;
	v28 =	vsel vm4, v8, v63  }
0x201: {  	v8 =	vsel vm4, v63, v8;
	v32 =	vsel vm4, v11, v53;
	vm10 =	vgt.f32 v52, v12  }
0x202: {  	v11 =	vsel vm4, v53, v11;
	vm5 =	vgt.f32 v28, v9;
	v54 =	vsel vm10, v12, v52  }
0x203: {  	v34 =	vld.idx.msk [tilespmem:v29+s2+$0x0], $0xffff;
	v12 =	vsel vm10, v52, v12;
	v56 =	vsel vm10, v10, v41;
	v10 =	vsel vm10, v41, v10  }
0x204: {  	v31 =	vsel vm5, v9, v28;
	v9 =	vsel vm5, v28, v9;
	v22 =	vsel vm5, v11, v23  }
0x205: {  	v11 =	vsel vm5, v23, v11;
	vm11 =	vgt.f32 v54, v13;
	vm6 =	vgt.f32 v31, v12  }
0x206: {  	v57 =	vsel vm11, v13, v54;
	v13 =	vsel vm11, v54, v13;
	v58 =	vsel vm11, v10, v43  }
0x207: {  	v10 =	vsel vm11, v43, v10;
	v33 =	vsel vm6, v12, v31;
	v12 =	vsel vm6, v31, v12  }
0x208: {  	v49 =	vld.idx.msk [tilespmem:v44+s2+$0x0], $0xffff;
	v35 =	vsel vm6, v11, v56;
	v11 =	vsel vm6, v56, v11;
	vm10 =	vgt.f32 v34, v5  }
0x209: {  	vm12 =	vgt.f32 v57, v14;
	vm7 =	vgt.f32 v33, v13;
	v42 =	vsel vm10, v5, v34  }
0x20a: {  	v5 =	vsel vm10, v34, v5;
	v59 =	vsel vm12, v14, v57;
	v14 =	vsel vm12, v57, v14  }
0x20b: {  	v60 =	vsel vm12, v10, v45;
	v10 =	vsel vm12, v45, v10;
	v36 =	vsel vm7, v13, v33  }
0x20c: {  	v13 =	vsel vm7, v33, v13;
	v37 =	vsel vm7, v11, v58;
	v11 =	vsel vm7, v58, v11  }
0x20d: {  	vm12 =	vgt.f32 v42, v8;
	v45 =	vsel vm10, $0x2A, v30;
	vm6 =	vgt.f32 v49, v5  }
0x20e: {  	vm13 =	vgt.f32 v59, v46;
	vm8 =	vgt.f32 v36, v14;
	v43 =	vsel vm12, v8, v42  }
0x20f: {  	v8 =	vsel vm12, v42, v8;
	v57 =	vsel vm6, v5, v49;
	v5 =	vsel vm6, v49, v5  }
0x210: {  	v61 =	vsel vm13, v59, v46;
	v62 =	vsel vm13, v10, v47;
	v15 =	vsel vm13, v46, v59  }
0x211: {  	v10 =	vsel vm13, v47, v10;
	v38 =	vsel vm8, v14, v36;
	v14 =	vsel vm8, v36, v14  }
0x212: {  	v39 =	vsel vm8, v11, v60;
	v11 =	vsel vm8, v60, v11;
	vm13 =	vgt.f32 v43, v9  }
0x213: {  	vm8 =	vgt.f32 v57, v8;
	v59 =	vor.u32 $0x2C, v3;
	v60 =	vsel vm6, $0x2B, v45  }
0x214: {  	vm15 =	vgt.f32 v15, v7;
	vm9 =	vgt.f32 v38, v61;
	v46 =	vsel vm13, v9, v43  }
0x215: {  	v9 =	vsel vm13, v43, v9;
	v58 =	vsel vm8, v8, v57;
	v8 =	vsel vm8, v57, v8  }
0x216: {  	v7 =	vsel vm15, v15, v7;
	v6 =	vsel vm15, v10, v6;
	v40 =	vsel vm9, v38, v61  }
0x217: {  	v41 =	vsel vm9, v11, v62;
	v16 =	vsel vm9, v61, v38;
	v11 =	vsel vm9, v62, v11  }
0x218: {  	v10 =	vnsel vm10, $0x2A, v30;
	vm14 =	vgt.f32 v46, v12;
	vm9 =	vgt.f32 v58, v9  }
0x219: {  	v38 =	vor.u32 $0x2D, v3;
	vm11 =	vgt.f32 v16, v7;
	v47 =	vsel vm12, v10, v32  }
0x21a: {  	v10 =	vsel vm12, v32, v10;
	v48 =	vsel vm14, v12, v46;
	v12 =	vsel vm14, v46, v12  }
0x21b: {  	v61 =	vsel vm9, v9, v58;
	v9 =	vsel vm9, v58, v9;
	v7 =	vsel vm11, v16, v7  }
0x21c: {  	v6 =	vsel vm11, v11, v6;
	v21 =	vsel vm13, v10, v22;
	v10 =	vsel vm13, v22, v10  }
0x21d: {  	vm15 =	vgt.f32 v48, v13;
	v11 =	vnsel vm6, $0x2B, v45;
	vm10 =	vgt.f32 v61, v12  }
0x21e: {  	v50 =	vsel vm14, v10, v35;
	v51 =	vsel vm15, v13, v48;
	v10 =	vsel vm14, v35, v10  }
0x21f: {  	v13 =	vsel vm15, v48, v13;
	v62 =	vsel vm8, v11, v47;
	v11 =	vsel vm8, v47, v11  }
0x220: {  	v63 =	vsel vm10, v12, v61;
	v12 =	vsel vm10, v61, v12;
	vm4 =	vgt.f32 v51, v14  }
0x221: {  	v52 =	vsel vm15, v10, v37;
	v10 =	vsel vm15, v37, v10;
	v17 =	vsel vm9, v11, v21  }
0x222: {  	v11 =	vsel vm9, v21, v11;
	vm11 =	vgt.f32 v63, v13;
	v53 =	vsel vm4, v14, v51  }
0x223: {  	v14 =	vsel vm4, v51, v14;
	v54 =	vsel vm4, v10, v39;
	v10 =	vsel vm4, v39, v10  }
0x224: {  	v29 =	vsel vm10, v11, v50;
	v30 =	vsel vm11, v13, v63;
	v11 =	vsel vm10, v50, v11  }
0x225: {  	v28 =	vld.idx.msk [tilespmem:v59+s2+$0x0], $0xffff;
	v13 =	vsel vm11, v63, v13;
	vm5 =	vgt.f32 v53, v40;
	vm12 =	vgt.f32 v30, v14  }
0x226: {  	v31 =	vsel vm11, v11, v52;
	v11 =	vsel vm11, v52, v11;
	v55 =	vsel vm5, v53, v40  }
0x227: {  	v56 =	vsel vm5, v10, v41;
	v15 =	vsel vm5, v40, v53;
	v10 =	vsel vm5, v41, v10  }
0x228: {  	v32 =	vsel vm12, v14, v30;
	v14 =	vsel vm12, v30, v14;
	v33 =	vsel vm12, v11, v54  }
0x229: {  	v11 =	vsel vm12, v54, v11;
	v53 =	vor.u32 $0x2E, v3;
	vm7 =	vgt.f32 v15, v7  }
0x22a: {  	v43 =	vld.idx.msk [tilespmem:v38+s2+$0x0], $0xffff;
	vm13 =	vgt.f32 v32, v55;
	vm14 =	vgt.f32 v28, v5;
	v7 =	vsel vm7, v15, v7  }
0x22b: {  	v6 =	vsel vm7, v10, v6;
	v34 =	vsel vm13, v32, v55;
	v35 =	vsel vm13, v11, v56  }
0x22c: {  	v16 =	vsel vm13, v55, v32;
	v36 =	vsel vm14, v5, v28;
	v11 =	vsel vm13, v56, v11  }
0x22d: {  	v5 =	vsel vm14, v28, v5;
	v39 =	vsel vm14, $0x2C, v60;
	v10 =	vnsel vm14, $0x2C, v60  }
0x22e: {  	v32 =	vor.u32 $0x2F, v3;
	vm15 =	vgt.f32 v16, v7;
	vm4 =	vgt.f32 v36, v8  }
0x22f: {  	vm10 =	vgt.f32 v43, v5;
	v7 =	vsel vm15, v16, v7;
	v37 =	vsel vm4, v8, v36  }
0x230: {  	v6 =	vsel vm15, v11, v6;
	v8 =	vsel vm4, v36, v8;
	v41 =	vsel vm4, v10, v62  }
0x231: {  	v10 =	vsel vm4, v62, v10;
	v51 =	vsel vm10, v5, v43;
	v5 =	vsel vm10, v43, v5  }
0x232: {  	v54 =	vsel vm10, $0x2D, v39;
	v11 =	vnsel vm10, $0x2D, v39;
	vm5 =	vgt.f32 v37, v9  }
0x233: {  	vm12 =	vgt.f32 v51, v8;
	v40 =	vsel vm5, v9, v37;
	v9 =	vsel vm5, v37, v9  }
0x234: {  	v20 =	vsel vm5, v10, v17;
	v10 =	vsel vm5, v17, v10;
	v52 =	vsel vm12, v8, v51  }
0x235: {  	v8 =	vsel vm12, v51, v8;
	v56 =	vsel vm12, v11, v41;
	vm6 =	vgt.f32 v40, v12  }
0x236: {  	v11 =	vsel vm12, v41, v11;
	vm13 =	vgt.f32 v52, v9;
	v42 =	vsel vm6, v12, v40  }
0x237: {  	v58 =	vld.idx.msk [tilespmem:v53+s2+$0x0], $0xffff;
	v12 =	vsel vm6, v40, v12;
	v44 =	vsel vm6, v10, v29;
	v10 =	vsel vm6, v29, v10  }
0x238: {  	v55 =	vsel vm13, v9, v52;
	v9 =	vsel vm13, v52, v9;
	v19 =	vsel vm13, v11, v20  }
0x239: {  	v11 =	vsel vm13, v20, v11;
	vm7 =	vgt.f32 v42, v13;
	vm14 =	vgt.f32 v55, v12  }
0x23a: {  	v45 =	vsel vm7, v13, v42;
	v13 =	vsel vm7, v42, v13;
	v46 =	vsel vm7, v10, v31  }
0x23b: {  	v10 =	vsel vm7, v31, v10;
	v57 =	vsel vm14, v12, v55;
	v12 =	vsel vm14, v55, v12  }
0x23c: {  	v37 =	vld.idx.msk [tilespmem:v32+s2+$0x0], $0xffff;
	v59 =	vsel vm14, v11, v44;
	v11 =	vsel vm14, v44, v11;
	vm6 =	vgt.f32 v58, v5  }
0x23d: {  	vm8 =	vgt.f32 v45, v14;
	vm15 =	vgt.f32 v57, v13;
	v30 =	vsel vm6, v5, v58  }
0x23e: {  	v5 =	vsel vm6, v58, v5;
	v47 =	vsel vm8, v14, v45;
	v14 =	vsel vm8, v45, v14  }
0x23f: {  	v48 =	vsel vm8, v10, v33;
	v10 =	vsel vm8, v33, v10;
	v60 =	vsel vm15, v13, v57  }
0x240: {  	v13 =	vsel vm15, v57, v13;
	v61 =	vsel vm15, v11, v46;
	v11 =	vsel vm15, v46, v11  }
0x241: {  	vm8 =	vgt.f32 v30, v8;
	v33 =	vsel vm6, $0x2E, v54;
	vm14 =	vgt.f32 v37, v5  }
0x242: {  	vm9 =	vgt.f32 v47, v34;
	vm4 =	vgt.f32 v60, v14;
	v31 =	vsel vm8, v8, v30  }
0x243: {  	v8 =	vsel vm8, v30, v8;
	v45 =	vsel vm14, v5, v37;
	v5 =	vsel vm14, v37, v5  }
0x244: {  	v49 =	vsel vm9, v47, v34;
	v50 =	vsel vm9, v10, v35;
	v15 =	vsel vm9, v34, v47  }
0x245: {  	v10 =	vsel vm9, v35, v10;
	v62 =	vsel vm4, v14, v60;
	v14 =	vsel vm4, v60, v14  }
0x246: {  	v63 =	vsel vm4, v11, v48;
	v11 =	vsel vm4, v48, v11;
	vm9 =	vgt.f32 v31, v9  }
0x247: {  	vm4 =	vgt.f32 v45, v8;
	v47 =	vor.u32 $0x30, v3;
	v48 =	vsel vm14, $0x2F, v33  }
0x248: {  	vm11 =	vgt.f32 v15, v7;
	vm5 =	vgt.f32 v62, v49;
	v34 =	vsel vm9, v9, v31  }
0x249: {  	v9 =	vsel vm9, v31, v9;
	v46 =	vsel vm4, v8, v45;
	v8 =	vsel vm4, v45, v8  }
0x24a: {  	v7 =	vsel vm11, v15, v7;
	v6 =	vsel vm11, v10, v6;
	v28 =	vsel vm5, v62, v49  }
0x24b: {  	v29 =	vsel vm5, v11, v50;
	v16 =	vsel vm5, v49, v62;
	v11 =	vsel vm5, v50, v11  }
0x24c: {  	v10 =	vnsel vm6, $0x2E, v54;
	vm10 =	vgt.f32 v34, v12;
	vm5 =	vgt.f32 v46, v9  }
0x24d: {  	v62 =	vor.u32 $0x31, v3;
	vm7 =	vgt.f32 v16, v7;
	v35 =	vsel vm8, v10, v56  }
0x24e: {  	v10 =	vsel vm8, v56, v10;
	v36 =	vsel vm10, v12, v34;
	v12 =	vsel vm10, v34, v12  }
0x24f: {  	v49 =	vsel vm5, v9, v46;
	v9 =	vsel vm5, v46, v9;
	v7 =	vsel vm7, v16, v7  }
0x250: {  	v6 =	vsel vm7, v11, v6;
	v18 =	vsel vm9, v10, v19;
	v10 =	vsel vm9, v19, v10  }
0x251: {  	vm11 =	vgt.f32 v36, v13;
	v11 =	vnsel vm14, $0x2F, v33;
	vm6 =	vgt.f32 v49, v12  }
0x252: {  	v38 =	vsel vm10, v10, v59;
	v39 =	vsel vm11, v13, v36;
	v10 =	vsel vm10, v59, v10  }
0x253: {  	v13 =	vsel vm11, v36, v13;
	v50 =	vsel vm4, v11, v35;
	v11 =	vsel vm4, v35, v11  }
0x254: {  	v51 =	vsel vm6, v12, v49;
	v12 =	vsel vm6, v49, v12;
	vm12 =	vgt.f32 v39, v14  }
0x255: {  	v40 =	vsel vm11, v10, v61;
	v10 =	vsel vm11, v61, v10;
	v23 =	vsel vm5, v11, v18  }
0x256: {  	v11 =	vsel vm5, v18, v11;
	vm7 =	vgt.f32 v51, v13;
	v41 =	vsel vm12, v14, v39  }
0x257: {  	v14 =	vsel vm12, v39, v14;
	v42 =	vsel vm12, v10, v63;
	v10 =	vsel vm12, v63, v10  }
0x258: {  	v53 =	vsel vm6, v11, v38;
	v54 =	vsel vm7, v13, v51;
	v11 =	vsel vm6, v38, v11  }
0x259: {  	v52 =	vld.idx.msk [tilespmem:v47+s2+$0x0], $0xffff;
	v13 =	vsel vm7, v51, v13;
	vm13 =	vgt.f32 v41, v28;
	vm8 =	vgt.f32 v54, v14  }
0x25a: {  	v55 =	vsel vm7, v11, v40;
	v11 =	vsel vm7, v40, v11;
	v40 =	vor.u32 $0x32, v3  }
0x25b: {  	v43 =	vsel vm13, v41, v28;
	v44 =	vsel vm13, v10, v29;
	v15 =	vsel vm13, v28, v41  }
0x25c: {  	v10 =	vsel vm13, v29, v10;
	v56 =	vsel vm8, v14, v54;
	v14 =	vsel vm8, v54, v14  }
0x25d: {  	v30 =	vld.idx.msk [tilespmem:v62+s2+$0x0], $0xffff;
	v57 =	vsel vm8, v11, v42;
	v11 =	vsel vm8, v42, v11;
	vm15 =	vgt.f32 v15, v7  }
0x25e: {  	vm9 =	vgt.f32 v56, v43;
	vm10 =	vgt.f32 v52, v5;
	v7 =	vsel vm15, v15, v7  }
0x25f: {  	v6 =	vsel vm15, v10, v6;
	v58 =	vsel vm9, v56, v43;
	v59 =	vsel vm9, v11, v44  }
0x260: {  	v16 =	vsel vm9, v43, v56;
	v60 =	vsel vm10, v5, v52;
	v11 =	vsel vm9, v44, v11  }
0x261: {  	v5 =	vsel vm10, v52, v5;
	v63 =	vsel vm10, $0x30, v48;
	v10 =	vnsel vm10, $0x30, v48  }
0x262: {  	vm11 =	vgt.f32 v16, v7;
	vm12 =	vgt.f32 v60, v8;
	vm6 =	vgt.f32 v30, v5  }
0x263: {  	v7 =	vsel vm11, v16, v7;
	v61 =	vsel vm12, v8, v60;
	v6 =	vsel vm11, v11, v6  }
0x264: {  	v8 =	vsel vm12, v60, v8;
	v28 =	vsel vm12, v10, v50;
	v10 =	vsel vm12, v50, v10  }
0x265: {  	v38 =	vsel vm6, v5, v30;
	v5 =	vsel vm6, v30, v5;
	v41 =	vsel vm6, $0x31, v63  }
0x266: {  	v11 =	vnsel vm6, $0x31, v63;
	vm13 =	vgt.f32 v61, v9;
	vm8 =	vgt.f32 v38, v8  }
0x267: {  	v27 =	vsel vm13, v9, v61;
	v9 =	vsel vm13, v61, v9;
	v22 =	vsel vm13, v10, v23  }
0x268: {  	v10 =	vsel vm13, v23, v10;
	v39 =	vsel vm8, v8, v38;
	v8 =	vsel vm8, v38, v8  }
0x269: {  	v45 =	vld.idx.msk [tilespmem:v40+s2+$0x0], $0xffff;
	v43 =	vsel vm8, v11, v28;
	v11 =	vsel vm8, v28, v11;
	vm14 =	vgt.f32 v27, v12  }
0x26a: {  	vm9 =	vgt.f32 v39, v9;
	v29 =	vsel vm14, v12, v27;
	v12 =	vsel vm14, v27, v12  }
0x26b: {  	v31 =	vsel vm14, v10, v53;
	v10 =	vsel vm14, v53, v10;
	v42 =	vsel vm9, v9, v39  }
0x26c: {  	v9 =	vsel vm9, v39, v9;
	v21 =	vsel vm9, v11, v22;
	v11 =	vsel vm9, v22, v11  }
0x26d: {  	v27 =	vimm.s32 $0x0;
	vm15 =	vgt.f32 v29, v13;
	vm10 =	vgt.f32 v42, v12  }
0x26e: {  	vm14 =	vgt.f32 v45, v5;
	v32 =	vsel vm15, v13, v29;
	v13 =	vsel vm15, v29, v13  }
0x26f: {  	v33 =	vsel vm15, v10, v55;
	v10 =	vsel vm15, v55, v10;
	v44 =	vsel vm10, v12, v42  }
0x270: {  	v12 =	vsel vm10, v42, v12;
	v46 =	vsel vm10, v11, v31;
	v11 =	vsel vm10, v31, v11  }
0x271: {  	v53 =	vsel vm14, v5, v45;
	v55 =	vor.u32 $0x33, v3;
	v5 =	vsel vm14, v45, v5  }
0x272: {  	v56 =	vsel vm14, $0x32, v41;
	vm4 =	vgt.f32 v32, v14;
	vm11 =	vgt.f32 v44, v13  }
0x273: {  	v34 =	vsel vm4, v14, v32;
	v14 =	vsel vm4, v32, v14;
	v35 =	vsel vm4, v10, v57  }
0x274: {  	v10 =	vsel vm4, v57, v10;
	v47 =	vsel vm11, v13, v44;
	v13 =	vsel vm11, v44, v13  }
0x275: {  	v48 =	vsel vm11, v11, v33;
	v11 =	vsel vm11, v33, v11;
	vm4 =	vgt.f32 v53, v8  }
0x276: {  	vm5 =	vgt.f32 v34, v58;
	vm12 =	vgt.f32 v47, v14;
	v54 =	vsel vm4, v8, v53  }
0x277: {  	v8 =	vsel vm4, v53, v8;
	v36 =	vsel vm5, v34, v58;
	v37 =	vsel vm5, v10, v59  }
0x278: {  	v15 =	vsel vm5, v58, v34;
	v10 =	vsel vm5, v59, v10;
	v49 =	vsel vm12, v14, v47  }
0x279: {  	v14 =	vsel vm12, v47, v14;
	v50 =	vsel vm12, v11, v35;
	v11 =	vsel vm12, v35, v11  }
0x27a: {  	vm5 =	vgt.f32 v54, v9;
	v34 =	vor.u32 $0x34, v3;
	vm7 =	vgt.f32 v15, v7  }
0x27b: {  	vm13 =	vgt.f32 v49, v36;
	v57 =	vsel vm5, v9, v54;
	v9 =	vsel vm5, v54, v9  }
0x27c: {  	v7 =	vsel vm7, v15, v7;
	v6 =	vsel vm7, v10, v6;
	v51 =	vsel vm13, v49, v36  }
0x27d: {  	v52 =	vsel vm13, v11, v37;
	v16 =	vsel vm13, v36, v49;
	v11 =	vsel vm13, v37, v11  }
0x27e: {  	v10 =	vnsel vm14, $0x32, v41;
	vm6 =	vgt.f32 v57, v12;
	v49 =	vor.u32 $0x35, v3  }
0x27f: {  	v60 =	vld.idx.msk [tilespmem:v55+s2+$0x0], $0xffff;
	vm15 =	vgt.f32 v16, v7;
	v58 =	vsel vm4, v10, v43;
	v10 =	vsel vm4, v43, v10  }
0x280: {  	v59 =	vsel vm6, v12, v57;
	v12 =	vsel vm6, v57, v12;
	v7 =	vsel vm15, v16, v7  }
0x281: {  	v17 =	vsel vm5, v10, v21;
	v10 =	vsel vm5, v21, v10;
	vm7 =	vgt.f32 v59, v13  }
0x282: {  	v6 =	vsel vm15, v11, v6;
	v61 =	vsel vm6, v10, v46;
	v62 =	vsel vm7, v13, v59  }
0x283: {  	v10 =	vsel vm6, v46, v10;
	v13 =	vsel vm7, v59, v13;
	vm8 =	vgt.f32 v62, v14  }
0x284: {  	v63 =	vsel vm7, v10, v48;
	v10 =	vsel vm7, v48, v10;
	vm10 =	vgt.f32 v60, v5  }
0x285: {  	v28 =	vsel vm8, v14, v62;
	v14 =	vsel vm8, v62, v14;
	v29 =	vsel vm8, v10, v50  }
0x286: {  	v10 =	vsel vm8, v50, v10;
	v32 =	vsel vm10, v5, v60;
	v5 =	vsel vm10, v60, v5  }
0x287: {  	v39 =	vld.idx.msk [tilespmem:v34+s2+$0x0], $0xffff;
	v35 =	vsel vm10, $0x33, v56;
	v11 =	vnsel vm10, $0x33, v56;
	vm9 =	vgt.f32 v28, v51  }
0x288: {  	vm12 =	vgt.f32 v32, v8;
	v30 =	vsel vm9, v28, v51;
	v31 =	vsel vm9, v10, v52  }
0x289: {  	v15 =	vsel vm9, v51, v28;
	v10 =	vsel vm9, v52, v10;
	v33 =	vsel vm12, v8, v32  }
0x28a: {  	v8 =	vsel vm12, v32, v8;
	v37 =	vsel vm12, v11, v58;
	v11 =	vsel vm12, v58, v11  }
0x28b: {  	v28 =	vor.u32 $0x36, v3;
	vm11 =	vgt.f32 v15, v7;
	vm13 =	vgt.f32 v33, v9  }
0x28c: {  	vm6 =	vgt.f32 v39, v5;
	v7 =	vsel vm11, v15, v7;
	v6 =	vsel vm11, v10, v6  }
0x28d: {  	v36 =	vsel vm13, v9, v33;
	v9 =	vsel vm13, v33, v9;
	v20 =	vsel vm13, v11, v17  }
0x28e: {  	v54 =	vld.idx.msk [tilespmem:v49+s2+$0x0], $0xffff;
	v11 =	vsel vm13, v17, v11;
	v47 =	vsel vm6, v5, v39;
	v5 =	vsel vm6, v39, v5  }
0x28f: {  	v50 =	vsel vm6, $0x34, v35;
	v10 =	vnsel vm6, $0x34, v35;
	vm14 =	vgt.f32 v36, v12  }
0x290: {  	vm8 =	vgt.f32 v47, v8;
	v38 =	vsel vm14, v12, v36;
	v12 =	vsel vm14, v36, v12  }
0x291: {  	v40 =	vsel vm14, v11, v61;
	v11 =	vsel vm14, v61, v11;
	v48 =	vsel vm8, v8, v47  }
0x292: {  	v8 =	vsel vm8, v47, v8;
	v52 =	vsel vm8, v10, v37;
	v10 =	vsel vm8, v37, v10  }
0x293: {  	vm14 =	vgt.f32 v54, v5;
	vm15 =	vgt.f32 v38, v13;
	vm9 =	vgt.f32 v48, v9  }
0x294: {  	v62 =	vsel vm14, v5, v54;
	v5 =	vsel vm14, v54, v5;
	v41 =	vsel vm15, v13, v38  }
0x295: {  	v13 =	vsel vm15, v38, v13;
	v42 =	vsel vm15, v11, v63;
	v11 =	vsel vm15, v63, v11  }
0x296: {  	v51 =	vsel vm9, v9, v48;
	v9 =	vsel vm9, v48, v9;
	v19 =	vsel vm9, v10, v20  }
0x297: {  	v10 =	vsel vm9, v20, v10;
	vm4 =	vgt.f32 v41, v14;
	vm10 =	vgt.f32 v51, v12  }
0x298: {  	v43 =	vsel vm4, v14, v41;
	v14 =	vsel vm4, v41, v14;
	v44 =	vsel vm4, v11, v29  }
0x299: {  	v11 =	vsel vm4, v29, v11;
	v53 =	vsel vm10, v12, v51;
	v12 =	vsel vm10, v51, v12  }
0x29a: {  	v33 =	vld.idx.msk [tilespmem:v28+s2+$0x0], $0xffff;
	v55 =	vsel vm10, v10, v40;
	v10 =	vsel vm10, v40, v10;
	vm4 =	vgt.f32 v62, v8  }
0x29b: {  	v29 =	vsel vm14, $0x35, v50;
	vm5 =	vgt.f32 v43, v30;
	vm11 =	vgt.f32 v53, v13  }
0x29c: {  	v63 =	vsel vm4, v8, v62;
	v8 =	vsel vm4, v62, v8;
	v45 =	vsel vm5, v43, v30  }
0x29d: {  	v46 =	vsel vm5, v11, v31;
	v16 =	vsel vm5, v30, v43;
	v11 =	vsel vm5, v31, v11  }
0x29e: {  	v56 =	vsel vm11, v13, v53;
	v13 =	vsel vm11, v53, v13;
	v57 =	vsel vm11, v10, v42  }
0x29f: {  	v10 =	vsel vm11, v42, v10;
	vm5 =	vgt.f32 v63, v9;
	vm10 =	vgt.f32 v33, v5  }
0x2a0: {  	v43 =	vor.u32 $0x37, v3;
	vm7 =	vgt.f32 v16, v7;
	vm12 =	vgt.f32 v56, v14  }
0x2a1: {  	v30 =	vsel vm5, v9, v63;
	v9 =	vsel vm5, v63, v9;
	v41 =	vsel vm10, v5, v33  }
0x2a2: {  	v5 =	vsel vm10, v33, v5;
	v7 =	vsel vm7, v16, v7;
	v6 =	vsel vm7, v11, v6  }
0x2a3: {  	v58 =	vsel vm12, v14, v56;
	v14 =	vsel vm12, v56, v14;
	v59 =	vsel vm12, v10, v44  }
0x2a4: {  	v10 =	vsel vm12, v44, v10;
	v11 =	vnsel vm14, $0x35, v50;
	vm6 =	vgt.f32 v30, v12  }
0x2a5: {  	vm12 =	vgt.f32 v41, v8;
	v44 =	vsel vm10, $0x36, v29;
	vm13 =	vgt.f32 v58, v45  }
0x2a6: {  	v31 =	vsel vm4, v11, v52;
	v11 =	vsel vm4, v52, v11;
	v32 =	vsel vm6, v12, v30  }
0x2a7: {  	v12 =	vsel vm6, v30, v12;
	v42 =	vsel vm12, v8, v41;
	v8 =	vsel vm12, v41, v8  }
0x2a8: {  	v60 =	vsel vm13, v58, v45;
	v61 =	vsel vm13, v10, v46;
	v15 =	vsel vm13, v45, v58  }
0x2a9: {  	v10 =	vsel vm13, v46, v10;
	v18 =	vsel vm5, v11, v19;
	v11 =	vsel vm5, v19, v11  }
0x2aa: {  	vm7 =	vgt.f32 v32, v13;
	vm13 =	vgt.f32 v42, v9;
	v58 =	vor.u32 $0x38, v3  }
0x2ab: {  	vm15 =	vgt.f32 v15, v7;
	v34 =	vsel vm6, v11, v55;
	v35 =	vsel vm7, v13, v32  }
0x2ac: {  	v11 =	vsel vm6, v55, v11;
	v13 =	vsel vm7, v32, v13;
	v45 =	vsel vm13, v9, v42  }
0x2ad: {  	v9 =	vsel vm13, v42, v9;
	v7 =	vsel vm15, v15, v7;
	v6 =	vsel vm15, v10, v6  }
0x2ae: {  	vm8 =	vgt.f32 v35, v14;
	v36 =	vsel vm7, v11, v57;
	v11 =	vsel vm7, v57, v11  }
0x2af: {  	v10 =	vnsel vm10, $0x36, v29;
	vm14 =	vgt.f32 v45, v12;
	v37 =	vsel vm8, v14, v35  }
0x2b0: {  	v14 =	vsel vm8, v35, v14;
	v38 =	vsel vm8, v11, v59;
	v11 =	vsel vm8, v59, v11  }
0x2b1: {  	v46 =	vsel vm12, v10, v31;
	v10 =	vsel vm12, v31, v10;
	v47 =	vsel vm14, v12, v45  }
0x2b2: {  	v12 =	vsel vm14, v45, v12;
	vm9 =	vgt.f32 v37, v60;
	v23 =	vsel vm13, v10, v18  }
0x2b3: {  	v48 =	vld.idx.msk [tilespmem:v43+s2+$0x0], $0xffff;
	v10 =	vsel vm13, v18, v10;
	vm15 =	vgt.f32 v47, v13;
	v39 =	vsel vm9, v37, v60  }
0x2b4: {  	v40 =	vsel vm9, v11, v61;
	v16 =	vsel vm9, v60, v37;
	v11 =	vsel vm9, v61, v11  }
0x2b5: {  	v49 =	vsel vm14, v10, v34;
	v50 =	vsel vm15, v13, v47;
	v10 =	vsel vm14, v34, v10  }
0x2b6: {  	v13 =	vsel vm15, v47, v13;
	v37 =	vor.u32 $0x39, v3;
	vm11 =	vgt.f32 v16, v7  }
0x2b7: {  	vm4 =	vgt.f32 v50, v14;
	v51 =	vsel vm15, v10, v36;
	v10 =	vsel vm15, v36, v10  }
0x2b8: {  	vm6 =	vgt.f32 v48, v5;
	v7 =	vsel vm11, v16, v7;
	v6 =	vsel vm11, v11, v6  }
0x2b9: {  	v52 =	vsel vm4, v14, v50;
	v14 =	vsel vm4, v50, v14;
	v53 =	vsel vm4, v10, v38  }
0x2ba: {  	v10 =	vsel vm4, v38, v10;
	v56 =	vsel vm6, v5, v48;
	v5 =	vsel vm6, v48, v5  }
0x2bb: {  	v63 =	vld.idx.msk [tilespmem:v58+s2+$0x0], $0xffff;
	v59 =	vsel vm6, $0x37, v44;
	v11 =	vnsel vm6, $0x37, v44;
	vm5 =	vgt.f32 v52, v39  }
0x2bc: {  	vm8 =	vgt.f32 v56, v8;
	v54 =	vsel vm5, v52, v39;
	v55 =	vsel vm5, v10, v40  }
0x2bd: {  	v15 =	vsel vm5, v39, v52;
	v10 =	vsel vm5, v40, v10;
	v57 =	vsel vm8, v8, v56  }
0x2be: {  	v8 =	vsel vm8, v56, v8;
	v61 =	vsel vm8, v11, v46;
	v11 =	vsel vm8, v46, v11  }
0x2bf: {  	v52 =	vor.u32 $0x3A, v3;
	vm7 =	vgt.f32 v15, v7;
	vm9 =	vgt.f32 v57, v9  }
0x2c0: {  	vm14 =	vgt.f32 v63, v5;
	v7 =	vsel vm7, v15, v7;
	v6 =	vsel vm7, v10, v6  }
0x2c1: {  	v60 =	vsel vm9, v9, v57;
	v9 =	vsel vm9, v57, v9;
	v22 =	vsel vm9, v11, v23  }
0x2c2: {  	v11 =	vsel vm9, v23, v11;
	v35 =	vsel vm14, v5, v63;
	v5 =	vsel vm14, v63, v5  }
0x2c3: {  	v38 =	vsel vm14, $0x38, v59;
	v10 =	vnsel vm14, $0x38, v59;
	vm10 =	vgt.f32 v60, v12  }
0x2c4: {  	vm4 =	vgt.f32 v35, v8;
	v62 =	vsel vm10, v12, v60;
	v12 =	vsel vm10, v60, v12  }
0x2c5: {  	v42 =	vld.idx.msk [tilespmem:v37+s2+$0x0], $0xffff;
	v28 =	vsel vm10, v11, v49;
	v11 =	vsel vm10, v49, v11;
	v36 =	vsel vm4, v8, v35  }
0x2c6: {  	v8 =	vsel vm4, v35, v8;
	v40 =	vsel vm4, v10, v61;
	vm11 =	vgt.f32 v62, v13  }
0x2c7: {  	v10 =	vsel vm4, v61, v10;
	vm5 =	vgt.f32 v36, v9;
	v29 =	vsel vm11, v13, v62  }
0x2c8: {  	v13 =	vsel vm11, v62, v13;
	v30 =	vsel vm11, v11, v51;
	v11 =	vsel vm11, v51, v11  }
0x2c9: {  	v39 =	vsel vm5, v9, v36;
	v9 =	vsel vm5, v36, v9;
	v21 =	vsel vm5, v10, v22  }
0x2ca: {  	v10 =	vsel vm5, v22, v10;
	vm10 =	vgt.f32 v42, v5;
	v36 =	vor.u32 $0x3C, v3  }
0x2cb: {  	vm12 =	vgt.f32 v29, v14;
	vm6 =	vgt.f32 v39, v12;
	v50 =	vsel vm10, v5, v42  }
0x2cc: {  	v5 =	vsel vm10, v42, v5;
	v31 =	vsel vm12, v14, v29;
	v14 =	vsel vm12, v29, v14  }
0x2cd: {  	v32 =	vsel vm12, v11, v53;
	v11 =	vsel vm12, v53, v11;
	v41 =	vsel vm6, v12, v39  }
0x2ce: {  	v12 =	vsel vm6, v39, v12;
	v43 =	vsel vm6, v10, v28;
	v10 =	vsel vm6, v28, v10  }
0x2cf: {  	vm12 =	vgt.f32 v50, v8;
	v53 =	vsel vm10, $0x39, v38;
	v29 =	vor.u32 $0x3B, v3  }
0x2d0: {  	vm13 =	vgt.f32 v31, v54;
	vm7 =	vgt.f32 v41, v13;
	v51 =	vsel vm12, v8, v50  }
0x2d1: {  	v8 =	vsel vm12, v50, v8;
	v50 =	vimm.s32 $0x0;
	v33 =	vsel vm13, v31, v54  }
0x2d2: {  	v34 =	vsel vm13, v11, v55;
	v16 =	vsel vm13, v54, v31;
	v11 =	vsel vm13, v55, v11  }
0x2d3: {  	v44 =	vsel vm7, v13, v41;
	v13 =	vsel vm7, v41, v13;
	v45 =	vsel vm7, v10, v30  }
0x2d4: {  	v10 =	vsel vm7, v30, v10;
	vm13 =	vgt.f32 v51, v9;
	v41 =	vimm.s32 $0x0  }
0x2d5: {  	vm15 =	vgt.f32 v16, v7;
	vm8 =	vgt.f32 v44, v14;
	v54 =	vsel vm13, v9, v51  }
0x2d6: {  	v9 =	vsel vm13, v51, v9;
	v51 =	vimm.s32 $0x0;
	v7 =	vsel vm15, v16, v7  }
0x2d7: {  	v6 =	vsel vm15, v11, v6;
	v46 =	vsel vm8, v14, v44;
	v14 =	vsel vm8, v44, v14  }
0x2d8: {  	v47 =	vsel vm8, v10, v32;
	v10 =	vsel vm8, v32, v10;
	v11 =	vnsel vm10, $0x39, v38  }
0x2d9: {  	vm14 =	vgt.f32 v54, v12;
	vm9 =	vgt.f32 v46, v33;
	v55 =	vsel vm12, v11, v40  }
0x2da: {  	v11 =	vsel vm12, v40, v11;
	v56 =	vsel vm14, v12, v54;
	v12 =	vsel vm14, v54, v12  }
0x2db: {  	v25 =	vld.idx.msk [tilespmem:v29+s2+$0x0], $0xffff;
	v54 =	vimm.s32 $0x0;
	v29 =	vimm.s32 $0x0;
	v48 =	vsel vm9, v46, v33  }
0x2dc: {  	v49 =	vsel vm9, v10, v34;
	v15 =	vsel vm9, v33, v46;
	v10 =	vsel vm9, v34, v10  }
0x2dd: {  	v17 =	vsel vm13, v11, v21;
	v11 =	vsel vm13, v21, v11;
	vm15 =	vgt.f32 v56, v13  }
0x2de: {  	v46 =	vimm.s32 $0x0;
	vm11 =	vgt.f32 v15, v7;
	v21 =	vsel vm14, v11, v43  }
0x2df: {  	v57 =	vsel vm15, v13, v56;
	v11 =	vsel vm14, v43, v11;
	v43 =	vimm.s32 $0x0  }
0x2e0: {  	v7 =	vsel vm11, v15, v7;
	v6 =	vsel vm11, v10, v6;
	v10 =	vsel vm15, v56, v13  }
0x2e1: {  	v15 =	vld.idx.msk [tilespmem:v52+s2+$0x0], $0xffff;
	vm4 =	vgt.f32 v57, v14;
	v58 =	vsel vm15, v11, v45;
	v11 =	vsel vm15, v45, v11  }
0x2e2: {  	v45 =	vor.u32 $0x3D, v3;
	v59 =	vsel vm4, v14, v57;
	v14 =	vsel vm4, v57, v14  }
0x2e3: {  	v60 =	vsel vm4, v47, v11;
	v11 =	vsel vm4, v11, v47;
	vm5 =	vgt.f32 v59, v48  }
0x2e4: {  	v61 =	vsel vm5, v59, v48;
	v62 =	vsel vm5, v60, v49;
	v16 =	vsel vm5, v48, v59  }
0x2e5: {  	v63 =	vsel vm5, v49, v60;
	v59 =	vor.u32 $0x3E, v3;
	vm7 =	vgt.f32 v16, v7  }
0x2e6: {  	vm6 =	vgt.f32 v15, v5;
	v16 =	vsel vm7, v16, v7;
	v19 =	vsel vm7, v63, v6  }
0x2e7: {  	v63 =	vimm.s32 $0x0;
	v28 =	vsel vm6, v5, v15;
	v15 =	vsel vm6, v15, v5  }
0x2e8: {  	v5 =	vsel vm6, $0x3A, v53;
	v22 =	vnsel vm6, $0x3A, v53;
	vm8 =	vgt.f32 v28, v8  }
0x2e9: {  	vm13 =	vgt.f32 v25, v15;
	v30 =	vsel vm8, v8, v28;
	v23 =	vsel vm8, v28, v8  }
0x2ea: {  	v20 =	vld.idx.msk [tilespmem:v36+s2+$0x0], $0xffff;
	v7 =	vsel vm8, v22, v55;
	v31 =	vsel vm8, v55, v22;
	v39 =	vsel vm13, v15, v25  }
0x2eb: {  	v27 =	vsel vm13, $0xFFFFFFFF, v27;
	v15 =	vsel vm13, v25, v15;
	v55 =	vimm.s32 $0x0  }
0x2ec: {  	v28 =	vimm.s32 $0x0;
	vm9 =	vgt.f32 v30, v9;
	vm15 =	vgt.f32 v39, v23  }
0x2ed: {  	v32 =	vsel vm9, v9, v30;
	v33 =	vsel vm9, v30, v9;
	v6 =	vsel vm9, v31, v17  }
0x2ee: {  	v34 =	vsel vm9, v17, v31;
	v42 =	vsel vm15, v23, v39;
	v47 =	vsel vm15, v39, v23  }
0x2ef: {  	vm9 =	vgt.f32 v20, v15;
	vm10 =	vgt.f32 v32, v12;
	vm7 =	vgt.f32 v42, v33  }
0x2f0: {  	v49 =	vsel vm9, v15, v20;
	v23 =	vsel vm9, $0xFFFFFFFF, v50;
	v15 =	vsel vm9, v20, v15  }
0x2f1: {  	v50 =	vimm.s32 $0x0;
	v35 =	vsel vm10, v32, v12;
	v12 =	vsel vm10, v12, v32  }
0x2f2: {  	v8 =	vsel vm10, v34, v21;
	v21 =	vsel vm10, v21, v34;
	v24 =	vsel vm7, $0xFFFFFFFF, v43  }
0x2f3: {  	v44 =	vsel vm7, v33, v42;
	v18 =	vsel vm7, v42, v33;
	v33 =	vimm.s32 $0x0  }
0x2f4: {  	v34 =	vimm.s32 $0x0;
	v43 =	vimm.s32 $0x0;
	vm11 =	vgt.f32 v12, v10  }
0x2f5: {  	vm8 =	vgt.f32 v44, v35;
	v26 =	vsel vm11, v12, v10;
	v10 =	vsel vm11, v10, v12  }
0x2f6: {  	v9 =	vsel vm11, v21, v58;
	v37 =	vsel vm11, v58, v21;
	v48 =	vsel vm8, v35, v44  }
0x2f7: {  	vm11 =	vgt.f32 v49, v47;
	v58 =	vimm.s32 $0x0;
	vm12 =	vgt.f32 v10, v14  }
0x2f8: {  	vm10 =	vgt.f32 v48, v26;
	v53 =	vsel vm11, v47, v49;
	v25 =	vsel vm11, $0xFFFFFFFF, v54  }
0x2f9: {  	v30 =	vsel vm11, v49, v47;
	v38 =	vsel vm12, v10, v14;
	v14 =	vsel vm12, v14, v10  }
0x2fa: {  	v10 =	vsel vm12, v37, v11;
	v12 =	vsel vm12, v11, v37;
	v11 =	vsel vm15, $0xFFFFFFFF, v41  }
0x2fb: {  	v17 =	vsel vm10, $0xFFFFFFFF, v51;
	v52 =	vsel vm10, v26, v48;
	v21 =	vsel vm10, v48, v26  }
0x2fc: {  	[tilespmem:$0x1FE80] =	vst v24;
	v24 =	vld.idx.msk [tilespmem:v45+s2+$0x0], $0xffff;
	vm13 =	vgt.f32 v53, v18;
	v41 =	vimm.s32 $0x0;
	v48 =	vimm.s32 $0x0  }
0x2fd: {  	vm14 =	vgt.f32 v14, v61;
	vm12 =	vgt.f32 v52, v38;
	v57 =	vsel vm13, v18, v53  }
0x2fe: {  	v26 =	vsel vm13, $0xFFFFFFFF, v58;
	v18 =	vsel vm13, v53, v18;
	v53 =	vimm.s32 $0x0  }
0x2ff: {  	[tilespmem:$0x1FE70] =	vst v11;
	v40 =	vsel vm14, v14, v61;
	v11 =	vsel vm14, v12, v62;
	v14 =	vsel vm14, v61, v14  }
0x300: {  	[tilespmem:$0x1FEF0] =	vst v25;
	v12 =	vsel vm14, v62, v12;
	v25 =	vsel vm12, $0xFFFFFFFF, v55;
	v56 =	vsel vm12, v52, v38  }
0x301: {  	v13 =	vsel vm12, v38, v52;
	v61 =	vimm.s32 $0x0;
	vm0 =	vgt.f32 v24, v15  }
0x302: {  	v38 =	vimm.s32 $0x0;
	vm6 =	vgt.f32 v14, v16;
	vm4 =	vgt.f32 v13, v40  }
0x303: {  	v32 =	vsel vm0, v15, v24;
	v15 =	vsel vm0, v24, v15;
	v14 =	vsel vm6, v14, v16  }
0x304: {  	v12 =	vsel vm6, v12, v19;
	v19 =	vsel vm8, $0xFFFFFFFF, v46;
	v16 =	vsel vm8, v44, v35  }
0x305: {  	v28 =	vsel vm4, $0xFFFFFFFF, v28;
	v60 =	vsel vm4, v13, v40;
	v13 =	vsel vm4, v40, v13  }
0x306: {  	vm9 =	vgt.f32 v32, v30;
	v44 =	vor.u32 $0x3F, v3;
	v46 =	vimm.s32 $0x0  }
0x307: {  	vm14 =	vgt.f32 v57, v16;
	vm5 =	vgt.f32 v13, v14;
	v37 =	vsel vm9, v30, v32  }
0x308: {  	[tilespmem:$0x1FE60] =	vst v27;
	v27 =	vsel vm5, $0xFFFFFFFF, v61;
	v62 =	vsel vm14, v16, v57;
	v13 =	vsel vm5, v13, v14  }
0x309: {  	v35 =	vld.idx.msk [tilespmem:v59+s2+$0x0], $0xffff;
	v16 =	vsel vm14, v57, v16;
	vm10 =	vgt.f32 v37, v18;
	[tilespmem:$0x1FEE0] =	vst v27;
	v27 =	vsel vm14, $0xFFFFFFFF, v63  }
0x30a: {  	vm15 =	vgt.f32 v62, v21;
	v40 =	vsel vm10, v18, v37;
	v18 =	vsel vm10, v37, v18  }
0x30b: {  	[tilespmem:$0x1FF10] =	vst v27;
	v14 =	vsel vm15, $0xFFFFFFFF, v29;
	v31 =	vsel vm15, v21, v62;
	v27 =	vsel vm0, $0xFFFFFFFF, v33  }
0x30c: {  	[tilespmem:$0x1FED0] =	vst v23;
	v20 =	vsel vm15, v62, v21;
	vm11 =	vgt.f32 v40, v16;
	v29 =	vimm.s32 $0x0  }
0x30d: {  	[tilespmem:$0x1FF40] =	vst v27;
	vm8 =	vgt.f32 v31, v56;
	v27 =	vsel vm9, $0xFFFFFFFF, v38;
	v42 =	vsel vm11, v16, v40  }
0x30e: {  	[tilespmem:$0x1FF20] =	vst v14;
	vm1 =	vgt.f32 v35, v15;
	v14 =	vsel vm9, v32, v30;
	v16 =	vsel vm11, v40, v16  }
0x30f: {  	[tilespmem:$0x1FE90] =	vst v19;
	v32 =	vimm.s32 $0x0;
	v38 =	vimm.s32 $0x0;
	v23 =	vsel vm8, $0xFFFFFFFF, v34  }
0x310: {  	v36 =	vsel vm8, v56, v31;
	[tilespmem:$0x1FF60] =	vst v27;
	v19 =	vsel vm8, v31, v56;
	v27 =	vsel vm10, $0xFFFFFFFF, v41  }
0x311: {  	[tilespmem:$0x1FEC0] =	vst v28;
	v45 =	vsel vm1, v15, v35;
	v28 =	vsel vm1, $0xFFFFFFFF, v46;
	vm3 =	vgt.f32 v42, v20  }
0x312: {  	v56 =	vimm.s32 $0x0;
	v15 =	vsel vm1, v35, v15;
	vm14 =	vgt.f32 v36, v60;
	[tilespmem:$0x1FF70] =	vst v27  }
0x313: {  	v27 =	vsel vm11, $0xFFFFFFFF, v43;
	[tilespmem:$0x1FFA0] =	vst v28;
	v47 =	vsel vm3, v20, v42;
	v28 =	vsel vm3, $0xFFFFFFFF, v48  }
0x314: {  	vm2 =	vgt.f32 v45, v14;
	v20 =	vsel vm3, v42, v20;
	v39 =	vsel vm14, v36, v60  }
0x315: {  	[tilespmem:$0x1FEA0] =	vst v17;
	v17 =	vsel vm14, v60, v36;
	v49 =	vsel vm2, v14, v45;
	v29 =	vsel vm2, $0xFFFFFFFF, v29  }
0x316: {  	[tilespmem:$0x1FF80] =	vst v27;
	vm12 =	vgt.f32 v47, v19;
	v14 =	vsel vm2, v45, v14;
	vm6 =	vgt.f32 v17, v13  }
0x317: {  	v27 =	vld.idx.msk [tilespmem:v44+s2+$0x0], $0xffff;
	v51 =	vsel vm12, v19, v47;
	vm7 =	vgt.f32 v49, v18;
	v19 =	vsel vm12, v47, v19  }
0x318: {  	[tilespmem:$0x1FFB0] =	vst v29;
	v29 =	vsel vm6, $0xFFFFFFFF, v50;
	v13 =	vsel vm6, v17, v13;
	v52 =	vsel vm7, v18, v49  }
0x319: {  	vm9 =	vgt.f32 v51, v39;
	v18 =	vsel vm7, v49, v18;
	[tilespmem:$0x1FF50] =	vst v29;
	v29 =	vsel vm7, $0xFFFFFFFF, v53  }
0x31a: {  	v54 =	vsel vm9, v39, v51;
	vm15 =	vgt.f32 v52, v16;
	v17 =	vsel vm9, v51, v39  }
0x31b: {  	v55 =	vsel vm15, v16, v52;
	vm13 =	vgt.f32 v54, v13;
	v16 =	vsel vm15, v52, v16  }
0x31c: {  	v39 =	vld [tilespmem:$0x1FE60];
	[tilespmem:$0x1FFD0] =	vst v29;
	v29 =	vsel vm13, $0xFFFFFFFF, v56;
	vm10 =	vgt.f32 v55, v20;
	vm6 =	vgt.f32 v27, v15  }
0x31d: {  	[tilespmem:$0x1FF30] =	vst v23;
	v13 =	vsel vm13, v54, v13;
	v57 =	vsel vm10, v20, v55;
	v23 =	vsel vm6, v15, v27  }
0x31e: {  	v20 =	vsel vm10, v55, v20;
	v15 =	vsel vm6, v27, v15;
	vm4 =	vgt.f32 v57, v19  }
0x31f: {  	vm3 =	vgt.f32 v23, v14;
	v62 =	vsub.f32 v15, v15;
	v58 =	vsel vm4, v19, v57  }
0x320: {  	v19 =	vsel vm4, v57, v19;
	v60 =	vsel vm3, v14, v23;
	v14 =	vsel vm3, v23, v14  }
0x321: {  	vm1 =	vnez.u8 v39;
	vm5 =	vgt.f32 v58, v17;
	vm8 =	vgt.f32 v60, v18  }
0x322: {  	v14 =	vsub.f32 v14, v15;
	v23 =	vmul.f32 $1.442695020e+00, v62;
	v59 =	vsel vm5, v58, v17  }
0x323: {  	v17 =	vsel vm5, v17, v58;
	v61 =	vsel vm8, v18, v60;
	v18 =	vsel vm8, v60, v18  }
0x324: {  	vm7 =	vgt.f32 v61, v16;
	v18 =	vsub.f32 v18, v15;
	v14 =	vmul.f32 $1.442695020e+00, v14  }
0x325: {  	(erf) = vpow2.f32 v23;
	vm0 =	vgt.f32 v17, v13;
	v63 =	vsel vm7, v16, v61  }
0x326: {  	[tilespmem:$0x1FF90] =	vst v28;
	v16 =	vsel vm7, v61, v16;
	v13 =	vsel vm0, v17, v13;
	vm11 =	vgt.f32 v63, v20  }
0x327: {  	[tilespmem:$0x1FFC0] =	vst v29;
	v18 =	vmul.f32 $1.442695020e+00, v18;
	v29 =	vsub.f32 v16, v15;
	v28 =	vsel vm11, v20, v63  }
0x328: {  	(erf) = vpow2.f32 v14;
	v30 =	vsel vm11, v63, v20;
	vm13 =	vgt.f32 v28, v19  }
0x329: {  	(erf) = vpow2.f32 v18;
	v14 =	vmul.f32 $1.442695020e+00, v29;
	v16 =	vsub.f32 v30, v15  }
0x32a: {  	v40 =	vld [tilespmem:$0x1FE70];
	v18 =	vsel vm0, $0xFFFFFFFF, v32;
	v31 =	vsel vm13, v28, v19;
	v33 =	vsel vm13, v19, v28  }
0x32b: {  	v47 =	vld [tilespmem:$0x1FED0];
	v34 =	vsub.f32 v31, v15;
	v35 =	vmul.f32 $1.442695020e+00, v16;
	vm2 =	vgt.f32 v33, v59  }
0x32c: {  	v41 =	vld [tilespmem:$0x1FE80];
	(erf) = vpow2.f32 v14;
	v36 =	vsel vm2, v33, v59;
	v17 =	vsel vm2, v59, v33  }
0x32d: {  	[tilespmem:$0x1FFE0] =	vst v18;
	v18 =	vmul.f32 $1.442695020e+00, v34;
	(erf) = vpow2.f32 v35;
	vm0 =	vgt.f32 v17, v13  }
0x32e: {  	v43 =	vld [tilespmem:$0x1FE90];
	v37 =	vsub.f32 v36, v15;
	v16 =	vsel vm0, $0xFFFFFFFF, v38;
	v13 =	vsel vm0, v17, v13  }
0x32f: {  	vm0 =	vnez.u8 v40;
	[tilespmem:$0x1FFF0] =	vst v16;
	v16 =	vnsel vm1, $0x3B, v5;
	(erf) = vpow2.f32 v18  }
0x330: {  	[tilespmem:$0x1FEB0] =	vst v25;
	v44 =	vld [tilespmem:$0x1FEA0];
	v13 =	vsub.f32 v13, v15;
	v5 =	vsel vm1, $0x3B, v5;
	vm1 =	vnez.u8 v47  }
0x331: {  	[tilespmem:$0x1FF00] =	vst v26;
	v45 =	vld [tilespmem:$0x1FEB0];
	v15 =	vsel vm0, v7, v16;
	v7 =	vsel vm0, v16, v7;
	vm0 =	vnez.u8 v41  }
0x332: {  	v50 =	vld [tilespmem:$0x1FF00];
	v17 =	vpop (erf);
	v14 =	vmul.f32 $1.442695020e+00, v37;
	v20 =	vnsel vm1, $0x3C, v5;
	v16 =	vsel vm0, v6, v15  }
0x333: {  	v46 =	vld [tilespmem:$0x1FEC0];
	v18 =	vpop (erf);
	v13 =	vmul.f32 $1.442695020e+00, v13;
	v6 =	vsel vm0, v15, v6;
	vm0 =	vnez.u8 v43  }
0x334: {  	v48 =	vld [tilespmem:$0x1FEE0];
	(erf) = vpow2.f32 v14;
	v42 =	vadd.f32 v18, v17;
	v15 =	vsel vm0, v16, v8  }
0x335: {  	v49 =	vld [tilespmem:$0x1FEF0];
	v8 =	vsel vm0, v8, v16;
	vm0 =	vnez.u8 v44;
	(erf) = vpow2.f32 v13  }
0x336: {  	v13 =	vsel vm0, v9, v8;
	v8 =	vsel vm0, v8, v9;
	vm0 =	vnez.u8 v45  }
0x337: {  	v51 =	vld [tilespmem:$0x1FF10];
	v5 =	vsel vm1, $0x3C, v5;
	vm1 =	vnez.u8 v50;
	v16 =	vpop (erf);
	v9 =	vsel vm0, v13, v10  }
0x338: {  	v52 =	vld [tilespmem:$0x1FF20];
	v10 =	vsel vm0, v10, v13;
	vm0 =	vnez.u8 v46;
	v14 =	vadd.f32 v16, v42  }
0x339: {  	v30 =	vld [tilespmem:$0x1FFD0];
	v19 =	vsel vm0, v11, v10;
	v10 =	vsel vm0, v10, v11;
	vm0 =	vnez.u8 v48;
	v13 =	vpop (erf)  }
0x33a: {  	v53 =	vld [tilespmem:$0x1FF30];
	v11 =	vsel vm0, v19, v12;
	vm0 =	vnez.u8 v49;
	v14 =	vadd.f32 v13, v14  }
0x33b: {  	v55 =	vld [tilespmem:$0x1FF40];
	v41 =	vor.u32 $0x1, v4;
	v12 =	vpop (erf);
	v19 =	vsel vm0, v7, v20;
	v7 =	vsel vm0, v20, v7  }
0x33c: {  	v56 =	vld [tilespmem:$0x1FF50];
	vm0 =	vnez.u8 v51;
	v21 =	vsel vm1, v6, v19;
	v14 =	vadd.f32 v12, v14  }
0x33d: {  	v58 =	vld [tilespmem:$0x1FF70];
	v20 =	vsel vm0, v15, v21;
	v15 =	vsel vm0, v21, v15;
	vm0 =	vnez.u8 v52  }
0x33e: {  	v57 =	vld [tilespmem:$0x1FF60];
	v6 =	vsel vm1, v19, v6;
	vm1 =	vnez.u8 v30;
	v19 =	vpop (erf);
	v21 =	vsel vm0, v8, v20  }
0x33f: {  	v59 =	vld [tilespmem:$0x1FF80];
	v8 =	vsel vm0, v20, v8;
	vm0 =	vnez.u8 v53;
	v14 =	vadd.f32 v19, v14  }
0x340: {  	v20 =	vsel vm0, v21, v9;
	v9 =	vsel vm0, v9, v21;
	vm0 =	vnez.u8 v55  }
0x341: {  	v62 =	vld [tilespmem:$0x1FFA0];
	v54 =	vsel vm14, v10, v9;
	v23 =	vnsel vm0, $0x3D, v5;
	v9 =	vsel vm14, v9, v10  }
0x342: {  	vm14 =	vnez.u8 v56;
	v5 =	vsel vm0, $0x3D, v5;
	vm0 =	vnez.u8 v58;
	v21 =	vpop (erf)  }
0x343: {  	v60 =	vld [tilespmem:$0x1FF90];
	v10 =	vsel vm14, v54, v11;
	vm14 =	vnez.u8 v57;
	v14 =	vadd.f32 v21, v14  }
0x344: {  	v29 =	vld [tilespmem:$0x1FFC0];
	v11 =	vsel vm14, v7, v23;
	v22 =	vpop (erf);
	v7 =	vsel vm14, v23, v7;
	vm14 =	vnez.u8 v59  }
0x345: {  	v28 =	vld [tilespmem:$0x1FFB0];
	v24 =	vsel vm0, v6, v11;
	v6 =	vsel vm0, v11, v6;
	v14 =	vadd.f32 v22, v14  }
0x346: {  	vm0 =	vnez.u8 v62;
	v11 =	vsel vm14, v15, v24;
	v15 =	vsel vm14, v24, v15  }
0x347: {  	v23 =	vnsel vm0, $0x3E, v5;
	v5 =	vsel vm0, $0x3E, v5;
	(erf) = vrcp.f32 v14  }
0x348: {  	vm14 =	vnez.u8 v60;
	v34 =	vsel vm6, $0x3F, v5;
	v5 =	vnsel vm6, $0x3F, v5  }
0x349: {  	v14 =	vsel vm14, v8, v11;
	v8 =	vsel vm14, v11, v8;
	vm14 =	vnez.u8 v29  }
0x34a: {  	v61 =	vsel vm12, v20, v14;
	v14 =	vsel vm12, v14, v20;
	vm12 =	vnez.u8 v28  }
0x34b: {  	v35 =	vadd.s32 v3, v34;
	v63 =	vsel vm9, v9, v61;
	v24 =	vsel vm12, v7, v23  }
0x34c: {  	v9 =	vsel vm9, v61, v9;
	v7 =	vsel vm12, v23, v7;
	v10 =	vsel vm14, v63, v10  }
0x34d: {  	v11 =	vsel vm1, v6, v24;
	v6 =	vsel vm1, v24, v6;
	v37 =	vsel vm3, v5, v7  }
0x34e: {  	v5 =	vsel vm3, v7, v5;
	v31 =	vsel vm15, v15, v11;
	v11 =	vsel vm15, v11, v15  }
0x34f: {  	v39 =	vadd.s32 v3, v37;
	v40 =	vsel vm8, v5, v6;
	v5 =	vsel vm8, v6, v5  }
0x350: {  	v32 =	vsel vm10, v8, v31;
	v8 =	vsel vm10, v31, v8;
	v43 =	vadd.s32 v3, v40;
	v38 =	vpop (erf)  }
0x351: {  	v44 =	vsel vm7, v5, v11;
	v5 =	vsel vm7, v11, v5;
	v17 =	vmul.f32 v38, v17  }
0x352: {  	v42 =	vld [tilespmem:$0x1FFE0];
	v33 =	vsel vm4, v32, v14;
	v14 =	vsel vm4, v14, v32;
	v47 =	vadd.s32 v3, v44  }
0x353: {  	v46 =	vor.u32 $0x2, v4;
	v48 =	vsel vm11, v5, v8;
	v45 =	vmul.f32 v38, v18;
	[tilespmem:v35+s8+$0x0] =	vst.idx.msk $0xffff, v17  }
0x354: {  	v5 =	vsel vm11, v8, v5;
	v36 =	vsel vm5, v14, v9;
	[tilespmem:v4+s9+$0x0] =	vst.idx.msk $0xffff, v34  }
0x355: {  	v50 =	vor.u32 $0x3, v4;
	v59 =	vld [tilespmem:$0x1FFF0];
	v9 =	vsel vm5, v9, v14;
	v49 =	vmul.f32 v38, v16;
	[tilespmem:v39+s8+$0x0] =	vst.idx.msk $0xffff, v45  }
0x356: {  	v53 =	vor.u32 $0x4, v4;
	v51 =	vadd.s32 v3, v48;
	v52 =	vsel vm13, v5, v33;
	[tilespmem:v41+s9+$0x0] =	vst.idx.msk $0xffff, v37  }
0x357: {  	vm14 =	vnez.u8 v42;
	v5 =	vsel vm13, v33, v5;
	v13 =	vmul.f32 v38, v13;
	[tilespmem:v43+s8+$0x0] =	vst.idx.msk $0xffff, v49  }
0x358: {  	v9 =	vsel vm14, v9, v10;
	v54 =	vadd.s32 v3, v52;
	[tilespmem:v46+s9+$0x0] =	vst.idx.msk $0xffff, v40  }
0x359: {  	v57 =	vor.u32 $0x5, v4;
	v55 =	vsel vm2, v5, v36;
	v56 =	vmul.f32 v38, v12;
	[tilespmem:v47+s8+$0x0] =	vst.idx.msk $0xffff, v13  }
0x35a: {  	vm15 =	vnez.u8 v59;
	v5 =	vsel vm2, v36, v5;
	v58 =	vadd.s32 v3, v55;
	[tilespmem:v50+s9+$0x0] =	vst.idx.msk $0xffff, v44  }
0x35b: {  	v61 =	vor.u32 $0x6, v4;
	v5 =	vsel vm15, v5, v9;
	v60 =	vmul.f32 v38, v19;
	[tilespmem:v51+s8+$0x0] =	vst.idx.msk $0xffff, v56  }
0x35c: {  	v3 =	vadd.s32 v3, v5;
	[tilespmem:v53+s9+$0x0] =	vst.idx.msk $0xffff, v48  }
0x35d: {  	p0 =	sne.s32 s11, $0x1F0;
	v62 =	vmul.f32 v38, v21;
	v4 =	vor.u32 $0x7, v4;
	[tilespmem:v54+s8+$0x0] =	vst.idx.msk $0xffff, v60  }
.Ltmp1:
0x35e: {  	[tilespmem:v57+s9+$0x0] =	vst.idx.msk $0xffff, v52;
	(pc) =	sbr.rel @p0 .LBB2_4-.Ltmp1, $4  }
0x35f: {  	v63 =	vmul.f32 v38, v22;
	[tilespmem:v58+s8+$0x0] =	vst.idx.msk $0xffff, v62  }
0x360: {  	[tilespmem:v61+s9+$0x0] =	vst.idx.msk $0xffff, v55  }
0x361: {  	[tilespmem:v3+s8+$0x0] =	vst.idx.msk $0xffff, v63  }
0x362: {  	s11 =	sadd.s32 $0x10, s11;
	[tilespmem:v4+s9+$0x0] =	vst.idx.msk $0xffff, v5  }
0x363: {  	[hbm4b:s4+s2] =	stream.linear.scatter [tilespmem:s8], [sflag:$0x1], $0x8000, $0x38;
	[tilespmem:$0x11000] =	vst v63  }
0x364: {  	s10 =	sadd.s32 $0x1, s10;
	_ =	swait.ge [sflag:s7], $0x8000  }
0x365: {  	p0 =	sne.s32 s10, s6;
	[sflag:s7] =	ssyncset.done $0x0  }
.Ltmp2:
0x366: {  	[sflag:s7] =	ssyncadd.s32 $0xFFFF8000;
	(pc) =	sbr.rel @p0 .LBB2_1-.Ltmp2, $4  }
0x367: {  	[hbm4b:s5+s2] =	stream.linear.scatter [tilespmem:s9], [sflag:$0x1], $0x1000, $0x38;
	[tilespmem:$0x11000] =	vst v63  }
0x368: {  	_ =	swait.ge [sflag:s7], $0x1000  }
0x369: {  	[sflag:s7] =	ssyncset.done $0x0  }
0x36a: {  	[sflag:s7] =	ssyncadd.s32 $0xFFFFF000  }
0x36b: {  	_ =	sfence.sel $0x180000  }
0x36c: {  	[bflag:$0x0] =	sbarrier.arrive $0xFFFF  }
0x36d: {  	p0 =	sne.s32 s1, $0x0;
	_ =	strace $0x90000047  }
0x36e: {  	s0 =	sadd.s32 @!p0 $0x100000, s0;
	[bflag:$0x2] =	sbarrier.arrive $0xFFFF  }
0x36f: {  	[sflag:s0] =	ssyncadd.tile.s32 @!p0 $0x1;
	_ =	shalt  }
.Lfunc_end2:
_tile_overlayer_lowered:
.L_overlay_start_2:
0x370: {  	(tag) =	ssettag $0x2  }
0x371: {  	s0 =	rddreg [dreg:$0x0];
	s2 =	stileid.u32  }
0x372: {  	s1 =	rddreg [dreg:$0x1];
	p0 =	sne.s32 s2, $0x0  }
0x373: {  	s3 =	rddreg [dreg:$0x2];
	[bflag:$0x3] =	sbarrier.arrive $0xFFFF;
	s2 =	simm.s32 @!p0 $0x1C01  }
0x374: {  	[timem:s3], [sflag:s2] =	dma.local @!p0 [hbm:s0], s1  }
0x375: {  	s0 =	simm.s32 @!p0 $0x1  }
0x376: {  	_ =	swait.ge @!p0 [sflag:s0], s1  }
0x377: {  	s1 =	ssub.s32 @!p0 $0x0, s1;
	[sflag:s0] =	ssyncset.done @!p0 $0x0  }
0x378: {  	[sflag:s0] =	ssyncadd.s32 @!p0 s1  }
0x379: {  	[bflag:$0x3] =	sbarrier.arrive $0xFFFF  }
0x37a: {  	_ =	shalt  }

</sc_bundles>
